<compile_context>
chip_gen: v7x
topology: tpu7x:2x2x1
jax: 0.10.2.dev20260603
libtpu: 0.0.44.dev20260713+nightly
codegen_flags: <defaults>
</compile_context>

<pallas_src>
import functools

import jax
import jax.numpy as jnp
from jax import lax
from jax.experimental import pallas as pl
from jax.experimental.pallas import tpu as pltpu
from jax.experimental.pallas import tpu_sc as plsc

_K = 2000
_TH = 0.001
_NIMG = 12
_H = 512
_W = 512
_NPIX = _H * _W

_GRP = 8
_CHUNK = _NPIX // _GRP
_NVEC = _CHUNK // 16
_NB1 = 2048
_NB2 = 2048
_NB3 = 512


def _f32_val(xi):
    v = jnp.full((8, 128), xi, jnp.int32)
    return jnp.max(lax.bitcast_convert_type(v, jnp.float32))


def _nmin4(x):
    a = pltpu.roll(x, 1, 0)
    b = pltpu.roll(x, _H - 1, 0)
    c = pltpu.roll(x, 1, 1)
    d = pltpu.roll(x, _W - 1, 1)
    return jnp.minimum(jnp.minimum(a, b), jnp.minimum(c, d))



def _prep_body(p_ref, yt_ref, xb0_ref, xb1_ref, stats_ref, cnt_ref):
    i = pl.program_id(0)
    ch = i % 3 + 1
    p = p_ref[0, 0]
    mn = jnp.min(p)
    x0 = p - mn
    xb0_ref[0] = lax.bitcast_convert_type(x0, jnp.int32)
    x1 = jnp.maximum(p - _nmin4(p), 0.0)
    xb1_ref[0] = lax.bitcast_convert_type(x1, jnp.int32)
    stats_ref[0, i] = jnp.max(p) - mn
    stats_ref[1, i] = jnp.max(x1)
    stats_ref[2, i] = mn

    yt = yt_ref[0]
    e = (yt == ch).astype(jnp.int32)
    n1 = jnp.sum(e)
    c0 = jnp.where(n1 >= _NPIX, 0, jnp.minimum(n1, _K))
    nbmin = _nmin4(e)
    eb = e * (1 - nbmin)
    c1 = jnp.minimum(jnp.sum(eb), _K)
    cnt_ref[0, i] = c0
    cnt_ref[1, i] = c1


def _prep(y_pred_softmax, y_true):
    return pl.pallas_call(
        _prep_body,
        grid=(_NIMG,),
        in_specs=[
            pl.BlockSpec((1, 1, _H, _W), lambda i: (i // 3, i % 3 + 1, 0, 0)),
            pl.BlockSpec((1, _H, _W), lambda i: (i // 3, 0, 0)),
        ],
        out_specs=[
            pl.BlockSpec((1, _H, _W), lambda i: (i, 0, 0)),
            pl.BlockSpec((1, _H, _W), lambda i: (i, 0, 0)),
            pl.BlockSpec(memory_space=pltpu.SMEM),
            pl.BlockSpec(memory_space=pltpu.SMEM),
        ],
        out_shape=[
            jax.ShapeDtypeStruct((_NIMG, _H, _W), jnp.int32),
            jax.ShapeDtypeStruct((_NIMG, _H, _W), jnp.int32),
            jax.ShapeDtypeStruct((3, _NIMG), jnp.float32),
            jax.ShapeDtypeStruct((2, _NIMG), jnp.int32),
        ],
    )(y_pred_softmax, y_true)



def _uloop(n, step, body):
    def b(j, carry):
        for u in range(step):
            carry = body(j * step + u, carry)
        return carry

    return lax.fori_loop(0, n // step, b, 0)


def _zero(h, nb):
    z = jnp.zeros((16,), jnp.int32)

    def zb(j, _):
        h[pl.ds(j * 16, 16)] = z
        return 0

    _uloop(nb // 16, 4, zb)



def _swizzle(b, rlog):
    return ((b & ((1 << rlog) - 1)) << 4) | (b >> rlog)


def _scan1(chunk, h):
    ones = jnp.ones((16,), jnp.int32)

    def b1(j, _):
        x = chunk[pl.ds(j * 16, 16)]
        plsc.addupdate_scatter(h, [_swizzle(x >> 20, 7)], ones)
        return 0

    _uloop(_NVEC, 8, b1)


def _scan_dual(chunk, h, keysh, key_k, key_c, bsh, bmask, rlog, coff):
    ones = jnp.ones((16,), jnp.int32)

    def b_dual(j, _):
        x = chunk[pl.ds(j * 16, 16)]
        key = x >> keysh
        addr = _swizzle((x >> bsh) & bmask, rlog)
        plsc.addupdate_scatter(h, [addr], ones, mask=key == key_k)
        plsc.addupdate_scatter(h, [addr + coff], ones, mask=key == key_c)
        return 0

    def b_single(j, _):
        x = chunk[pl.ds(j * 16, 16)]
        addr = _swizzle((x >> bsh) & bmask, rlog)
        plsc.addupdate_scatter(h, [addr], ones, mask=(x >> keysh) == key_k)
        return 0

    eq = key_k == key_c

    @pl.when(eq)
    def _():
        _uloop(_NVEC, 8, b_single)

    @pl.when(jnp.logical_not(eq))
    def _():
        _uloop(_NVEC, 8, b_dual)


def _hsum(v):
    acc = v[0]
    for l in range(1, 16):
        acc = acc + v[l]
    return acc


def _combine(h, stage, scomb, part, tmp, comb, g, t, nb):
    sl = nb // _GRP
    pltpu.sync_copy(h.at[pl.ds(0, nb)], stage.at[g, t, pl.ds(0, nb)])
    plsc.subcore_barrier()
    pltpu.sync_copy(stage.at[g, :, pl.ds(t * sl, sl)], part.at[:, pl.ds(0, sl)])

    def cb(jv, _):
        acc = part[0, pl.ds(jv * 16, 16)]
        for rr in range(1, _GRP):
            acc = acc + part[rr, pl.ds(jv * 16, 16)]
        tmp[pl.ds(jv * 16, 16)] = acc
        return 0

    _uloop(sl // 16, 2, cb)
    pltpu.sync_copy(tmp.at[pl.ds(0, sl)], scomb.at[g, pl.ds(t * sl, sl)])
    plsc.subcore_barrier()
    pltpu.sync_copy(scomb.at[g, pl.ds(0, nb)], comb.at[pl.ds(0, nb)])


def _totals(comb, nb, off):
    rows = nb // 16
    z = jnp.zeros((16,), jnp.int32)
    iota = lax.iota(jnp.int32, 16)

    def tb(j, acc):
        return acc + comb[pl.ds(off + j * 16, 16)]

    def tb4(j, acc):
        for u in range(4):
            acc = acc + comb[pl.ds(off + (j * 4 + u) * 16, 16)]
        return acc

    tvec = lax.fori_loop(0, rows // 4, tb4, z)
    total = _hsum(tvec)
    base = z
    acc = jnp.int32(0)
    for l in range(16):
        base = jnp.where(iota == l, acc, base)
        acc = acc + tvec[l]
    return total, base


def _rank_pass(comb, nb, off, total, base, r):
    rows = nb // 16
    z = jnp.zeros((16,), jnp.int32)
    thr = total - r

    def sb(j, carry):
        pref, cnt, ele = carry
        v = comb[pl.ds(off + j * 16, 16)]
        m = base + pref <= thr
        cnt = cnt + jnp.where(m, 1, 0)
        ele = ele + jnp.where(m, v, 0)
        return pref + v, cnt, ele

    def sb2(j, carry):
        for u in range(2):
            carry = sb(j * 2 + u, carry)
        return carry

    _, cntv, elev = lax.fori_loop(0, rows // 2, sb2, (z, z, z))
    b = _hsum(cntv) - 1
    A = total - _hsum(elev)
    return b, A


def _sc_body(xb0, xb1, rk, th, chunk, rowv, hist, comb, part, tmp, stage,
             scomb):
    c = lax.axis_index("c")
    s = lax.axis_index("s")
    g = s // _GRP
    t = s % _GRP

    def round_body(rnd, _):
        img = rnd * 2 + g
        a = c * _NIMG + img

        @pl.when(c == 0)
        def _():
            pltpu.sync_copy(xb0.at[img, pl.ds(t * _CHUNK, _CHUNK)], chunk)

        @pl.when(c == 1)
        def _():
            pltpu.sync_copy(xb1.at[img, pl.ds(t * _CHUNK, _CHUNK)], chunk)

        pltpu.sync_copy(rk.at[a], rowv)
        r_c = rowv[...][0]

        _zero(hist, _NB1)
        _scan1(chunk, hist)
        _combine(hist, stage, scomb, part, tmp, comb, g, t, _NB1)
        tot1, base1 = _totals(comb, _NB1, 0)
        bk, ak = _rank_pass(comb, _NB1, 0, tot1, base1, jnp.int32(_K))
        bc, ac = _rank_pass(comb, _NB1, 0, tot1, base1, r_c)

        _zero(hist, 2 * _NB2)
        _scan_dual(chunk, hist, 20, bk, bc, 9, _NB2 - 1, 7, _NB2)
        _combine(hist, stage, scomb, part, tmp, comb, g, t, 2 * _NB2)
        off2 = jnp.where(bk == bc, 0, _NB2)
        tk2, bsk2 = _totals(comb, _NB2, 0)
        b2k, a2k = _rank_pass(comb, _NB2, 0, tk2, bsk2, _K - ak)
        tc2, bsc2 = _totals(comb, _NB2, off2)
        b2c, a2c = _rank_pass(comb, _NB2, off2, tc2, bsc2, r_c - ac)

        key3k = (bk << 11) | b2k
        key3c = (bc << 11) | b2c
        _zero(hist, 2 * _NB3)
        _scan_dual(chunk, hist, 9, key3k, key3c, 0, _NB3 - 1, 5, _NB3)
        _combine(hist, stage, scomb, part, tmp, comb, g, t, 2 * _NB3)
        off3 = jnp.where(key3k == key3c, 0, _NB3)
        tk3, bsk3 = _totals(comb, _NB3, 0)
        b3k, _u = _rank_pass(comb, _NB3, 0, tk3, bsk3, _K - ak - a2k)
        tc3, bsc3 = _totals(comb, _NB3, off3)
        b3c, _u2 = _rank_pass(comb, _NB3, off3, tc3, bsc3, r_c - ac - a2c)

        lo_k = (bk << 20) | (b2k << 9) | b3k
        lo_c = (bc << 20) | (b2c << 9) | b3c

        @pl.when(t == 0)
        def _():
            iota = lax.iota(jnp.int32, 16)
            rowv[...] = jnp.where(iota == 0, lo_k,
                                  jnp.where(iota == 1, lo_c, 0))
            pltpu.sync_copy(rowv, th.at[a])

        return 0

    lax.fori_loop(0, _NIMG // 2, round_body, 0)


_sc_select = functools.partial(
    pl.kernel,
    out_type=jax.ShapeDtypeStruct((2 * _NIMG, 16), jnp.int32),
    mesh=plsc.VectorSubcoreMesh(core_axis_name="c", subcore_axis_name="s"),
    scratch_types=[
        pltpu.VMEM((_CHUNK,), jnp.int32),
        pltpu.VMEM((16,), jnp.int32),
        pltpu.VMEM((2 * _NB2,), jnp.int32),
        pltpu.VMEM((2 * _NB2,), jnp.int32),
        pltpu.VMEM((_GRP, 2 * _NB2 // _GRP), jnp.int32),
        pltpu.VMEM((2 * _NB2 // _GRP,), jnp.int32),
        pltpu.VMEM_SHARED((2, _GRP, 2 * _NB2), jnp.int32),
        pltpu.VMEM_SHARED((2, 2 * _NB2), jnp.int32),
    ],
    compiler_params=pltpu.CompilerParams(needs_layout_passes=False),
)(_sc_body)



def _final_body(p_ref, stats_ref, cnt_ref, th_ref, out_ref, acc_ref):
    i = pl.program_id(0)
    p = p_ref[0, 0]

    @pl.when(i == 0)
    def _init():
        acc_ref[0] = 0.0
        acc_ref[1] = 0.0

    for v in (0, 1):
        if v == 0:
            x = p - stats_ref[2, i]
        else:
            x = jnp.maximum(p - _nmin4(p), 0.0)
        gmax = stats_ref[v, 0]
        for j in range(1, _NIMG):
            gmax = jnp.maximum(gmax, stats_ref[v, j])
        g = jnp.maximum(gmax, 1e-8)
        tau = _TH * g
        c = cnt_ref[v, i]
        tk = _f32_val(th_ref[v * _NIMG + i, 0])
        tc = _f32_val(th_ref[v * _NIMG + i, 1])

        m2 = jnp.maximum(tk, tau)
        m1 = jnp.maximum(tc, tau)
        mask2 = x > m2
        mask1 = x > m1
        a2 = jnp.sum(jnp.where(mask2, x * x, 0.0))
        c2 = jnp.sum(mask2.astype(jnp.int32)).astype(jnp.float32)
        a1 = jnp.sum(jnp.where(mask1, x, 0.0))
        c1n = jnp.sum(mask1.astype(jnp.int32)).astype(jnp.float32)
        cf = c.astype(jnp.float32)
        s2 = (a2 + jnp.where(tk > tau, (_K - c2) * tk * tk, 0.0)) / (g * g)
        t_sum = jnp.where(
            c > 0,
            (a1 + jnp.where(tc > tau, (cf - c1n) * tc, 0.0)) / g,
            0.0)
        acc_ref[v] = acc_ref[v] + s2 - 2.0 * t_sum + cf

    @pl.when(i == _NIMG - 1)
    def _final():
        l0 = acc_ref[0] / (_NIMG * _K)
        l1 = acc_ref[1] / (_NIMG * _K)
        den = jnp.maximum(l0 + l1, 1e-8)
        out_ref[...] = jnp.full((1, 1), 2.0 * l0 * l1 / den, jnp.float32)


def _final(y_pred_softmax, stats, cnt, th):
    return pl.pallas_call(
        _final_body,
        grid=(_NIMG,),
        in_specs=[
            pl.BlockSpec((1, 1, _H, _W), lambda i: (i // 3, i % 3 + 1, 0, 0)),
            pl.BlockSpec(memory_space=pltpu.SMEM),
            pl.BlockSpec(memory_space=pltpu.SMEM),
            pl.BlockSpec(memory_space=pltpu.SMEM),
        ],
        out_specs=pl.BlockSpec((1, 1), lambda i: (0, 0)),
        out_shape=jax.ShapeDtypeStruct((1, 1), jnp.float32),
        scratch_shapes=[pltpu.SMEM((2,), jnp.float32)],
    )(y_pred_softmax, stats, cnt, th)


def kernel(y_pred_softmax, y_true):
    xb0, xb1, stats, cnt = _prep(y_pred_softmax, y_true)
    ranks = jnp.clip(cnt, 1, _K).reshape(2 * _NIMG).astype(jnp.int32)
    rank_pad = jnp.zeros((2 * _NIMG, 16), jnp.int32).at[:, 0].set(ranks)
    th = _sc_select(xb0.reshape(_NIMG, _NPIX), xb1.reshape(_NIMG, _NPIX),
                    rank_pad)
    return _final(y_pred_softmax, stats, cnt, th)[0, 0]

# --- scband reference (transcript-rebuilt; emitter-appended) ---
"""Pipeline reference for scband-topological-complexity-loss-4183298147150 (READ-ONLY COPY).

The authoritative reference and input builder live on the scoring server;
editing this copy changes nothing except your own understanding.
"""

import jax, jax.numpy as jnp
import numpy as np

K_TOP = 2000
THRESHOLD = 0.001

def _proxy_lifetimes(p):
    # p: [N, H, W]. Proxy for CubicalComplex(-p) persistence lifetimes.
    # dim-0 (connected components): value above per-image minimum (birth=local max of p,
    # death approximated by global min filtration level).
    # dim-1 (loops): saddle-gap proxy = value minus min over 4-neighborhood.
    N = p.shape[0]
    flat = p.reshape(N, -1)
    mins = jnp.min(flat, axis=1, keepdims=True)
    lt0 = jax.lax.top_k(flat - mins, K_TOP)[0]
    nmin = jnp.minimum(
        jnp.minimum(jnp.roll(p, 1, axis=1), jnp.roll(p, -1, axis=1)),
        jnp.minimum(jnp.roll(p, 1, axis=2), jnp.roll(p, -1, axis=2)),
    )
    lt1 = jax.lax.top_k(jnp.maximum(p - nmin, 0.0).reshape(N, -1), K_TOP)[0]
    return lt0, lt1

def _normalize(lt):
    gmax = jnp.clip(jnp.max(lt), 1e-8, None)
    return lt / gmax

def _pad(lt):
    # lt is already sorted descending (top_k); threshold filter preserves descending order
    return jnp.where(lt > THRESHOLD, lt, 0.0)

def _forward(y_pred_softmax, y_true):
    B, C, H, W = y_pred_softmax.shape
    # class_context == 'general', n_channels > 1: drop background channel
    p_relevant = y_pred_softmax[:, 1:]
    oh = jax.nn.one_hot(y_true, C, dtype=jnp.float32)
    oh = jnp.transpose(oh, (0, 3, 1, 2))
    g_relevant = oh[:, 1:]
    p_flat = p_relevant.reshape(-1, H, W)
    # target path computed under torch.no_grad in the original
    g_flat = jax.lax.stop_gradient(g_relevant.reshape(-1, H, W))
    lp0, lp1 = _proxy_lifetimes(p_flat)
    lg0, lg1 = _proxy_lifetimes(g_flat)
    lp0 = _normalize(lp0); lg0 = _normalize(lg0)
    lp1 = _normalize(lp1); lg1 = _normalize(lg1)
    vp0 = _pad(lp0); vg0 = _pad(lg0)
    vp1 = _pad(lp1); vg1 = _pad(lg1)
    # metric == 'wasserstein' branch -> mse on padded lifetimes
    loss_cc = jnp.mean((vp0 - vg0) ** 2)
    loss_holes = jnp.mean((vp1 - vg1) ** 2)
    # auto_balance -> harmonic balance
    denom = jnp.clip(loss_cc + loss_holes, 1e-8, None)
    total_loss = 2.0 * loss_cc * loss_holes / denom
    return total_loss

def setup_inputs(seed: int = 0):
    key = jax.random.key(seed)
    k1, k2 = jax.random.split(key)
    logits = jax.random.normal(k1, (4, 4, 512, 512), dtype=jnp.float32)
    y_pred_softmax = jax.nn.softmax(logits, axis=1)
    y_true = jax.random.randint(k2, (4, 512, 512), 0, 4, dtype=jnp.int32)
    return {"y_pred_softmax": y_pred_softmax, "y_true": y_true}

def reference(y_pred_softmax, y_true):
    return _forward(y_pred_softmax, y_true)

if __name__ == "__main__":
    import jax
    _d = setup_inputs()
    print(jax.jit(kernel)(*tuple(_d.values())))

</pallas_src>

<mosaic_0001>
#map = affine_map<(d0, d1) -> (0, 0)>
module attributes {stable_mosaic.version = 14 : i64} {
  func.func @_sc_body(%arg0: i32, %arg1: i32, %arg2: memref<12x262144xi32, #tpu.memory_space<hbm>>, %arg3: memref<12x262144xi32, #tpu.memory_space<hbm>>, %arg4: memref<24x16xi32, #tpu.memory_space<hbm>>, %arg5: memref<24x16xi32, #tpu.memory_space<hbm>>, %arg6: memref<32768xi32, #tpu.memory_space<vmem>>, %arg7: memref<16xi32, #tpu.memory_space<vmem>>, %arg8: memref<4096xi32, #tpu.memory_space<vmem>>, %arg9: memref<4096xi32, #tpu.memory_space<vmem>>, %arg10: memref<8x512xi32, #tpu.memory_space<vmem>>, %arg11: memref<512xi32, #tpu.memory_space<vmem>>, %arg12: memref<2x8x4096xi32, #tpu.memory_space<vmem_shared>>, %arg13: memref<2x4096xi32, #tpu.memory_space<vmem_shared>>) attributes {dimension_semantics = [#tpu.dimension_semantics<core_parallel>, #tpu.dimension_semantics<subcore_parallel>], iteration_bounds = array<i64: 2, 16>, scalar_prefetch = 0 : i64, scratch_operands = 8 : i64, tpu.core_type = #tpu.core_type<sc_vector_subcore>, window_params = [{transform_indices = #map}, {transform_indices = #map}, {transform_indices = #map}, {transform_indices = #map}]} {
    %jit3A = arith.constant 8 : i32
    %div3A = arith.divsi %arg1, %jit3A : i32
    %sign3A = arith.constant 0 : i32
    %sign3A_0 = arith.cmpi sgt, %arg1, %sign3A : i32
    %sign3A_1 = arith.extui %sign3A_0 : i1 to i32
    %sign3A_2 = arith.constant 0 : i32
    %sign3A_3 = arith.cmpi slt, %arg1, %sign3A_2 : i32
    %sign3A_4 = arith.extui %sign3A_3 : i1 to i32
    %sign3A_5 = arith.subi %sign3A_1, %sign3A_4 : i32
    %sign3A_6 = arith.constant 0 : i32
    %sign3A_7 = arith.cmpi sgt, %jit3A, %sign3A_6 : i32
    %sign3A_8 = arith.extui %sign3A_7 : i1 to i32
    %sign3A_9 = arith.constant 0 : i32
    %sign3A_10 = arith.cmpi slt, %jit3A, %sign3A_9 : i32
    %sign3A_11 = arith.extui %sign3A_10 : i1 to i32
    %sign3A_12 = arith.subi %sign3A_8, %sign3A_11 : i32
    %ne3A = arith.cmpi ne, %sign3A_5, %sign3A_12 : i32
    %rem3A = arith.remsi %arg1, %jit3A : i32
    %ne3A_13 = arith.constant 0 : i32
    %ne3A_14 = arith.cmpi ne, %rem3A, %ne3A_13 : i32
    %and3A = arith.andi %ne3A, %ne3A_14 : i1
    %sub3A = arith.constant 1 : i32
    %sub3A_15 = arith.subi %div3A, %sub3A : i32
    %select_n3A = arith.select %and3A, %sub3A_15, %div3A : i32
    %jit3A_16 = arith.constant 8 : i32
    %eq3A = arith.constant 0 : i32
    %eq3A_17 = arith.cmpi eq, %jit3A_16, %eq3A : i32
    %jit3A_18 = arith.constant 1 : i32
    %select_n3A_19 = arith.select %eq3A_17, %jit3A_18, %jit3A_16 : i32
    %rem3A_20 = arith.remsi %arg1, %select_n3A_19 : i32
    %ne3A_21 = arith.constant 0 : i32
    %ne3A_22 = arith.cmpi ne, %rem3A_20, %ne3A_21 : i32
    %lt3A = arith.constant 0 : i32
    %lt3A_23 = arith.cmpi slt, %rem3A_20, %lt3A : i32
    %lt3A_24 = arith.constant 0 : i32
    %lt3A_25 = arith.cmpi slt, %select_n3A_19, %lt3A_24 : i32
    %ne3A_26 = arith.xori %lt3A_23, %lt3A_25 : i1
    %and3A_27 = arith.andi %ne3A_26, %ne3A_22 : i1
    %add3A = arith.addi %rem3A_20, %select_n3A_19 : i32
    %select_n3A_28 = arith.select %and3A_27, %add3A, %rem3A_20 : i32
    %scan3A = arith.constant 0 : i32
    %scan3A_29 = arith.constant 0 : i32
    %scan3A_30 = arith.constant 6 : i32
    %scan3A_31 = arith.addi %scan3A_29, %scan3A_30 : i32
    %scan3A_32 = arith.constant 1 : i32
    %scan3A_33 = scf.for %scan3A_35 = %scan3A_29 to %scan3A_31 step %scan3A_32 iter_args(%scan3A_36 = %scan3A) -> (i32)  : i32 {
      %mul3A = arith.constant 2 : i32
      %mul3A_37 = arith.muli %scan3A_35, %mul3A : i32
      %add3A_38 = arith.addi %mul3A_37, %select_n3A : i32
      %mul3A_39 = arith.constant 12 : i32
      %mul3A_40 = arith.muli %arg0, %mul3A_39 : i32
      %add3A_41 = arith.addi %mul3A_40, %add3A_38 : i32
      %eq3A_42 = arith.constant 0 : i32
      %eq3A_43 = arith.cmpi eq, %arg0, %eq3A_42 : i32
      %convert_element_type3A = arith.extui %eq3A_43 : i1 to i32
      %cond3A = arith.constant 0 : i32
      %cond3A_44 = arith.cmpi ne, %convert_element_type3A, %cond3A : i32
      scf.if %cond3A_44 {
        %mul3A_1749 = arith.constant 32768 : i32
        %mul3A_1750 = arith.muli %select_n3A_28, %mul3A_1749 : i32
        "tpu.region"() ({
          %run_scoped3A = tpu.sem_alloc : memref<!tpu.dma_semaphore, #tpu.memory_space<semaphore_mem>>
          %dma_start3A = tpu.memref_slice %arg2[%add3A_38, %mul3A_1750] : memref<12x262144xi32, #tpu.memory_space<hbm>> -> memref<1x32768xi32, #tpu.memory_space<hbm>>
          %dma_start3A_1751 = tpu.memref_squeeze %dma_start3A : memref<1x32768xi32, #tpu.memory_space<hbm>> -> memref<32768xi32, #tpu.memory_space<hbm>>
          %dma_start3A_1752 = tpu.memref_slice %arg2[%add3A_38, %mul3A_1750] : memref<12x262144xi32, #tpu.memory_space<hbm>> -> memref<1x32768xi32, #tpu.memory_space<hbm>>
          %dma_start3A_1753 = tpu.memref_squeeze %dma_start3A_1752 : memref<1x32768xi32, #tpu.memory_space<hbm>> -> memref<32768xi32, #tpu.memory_space<hbm>>
          tpu.enqueue_dma source(%dma_start3A_1753 : memref<32768xi32, #tpu.memory_space<hbm>>) target(%arg6 : memref<32768xi32, #tpu.memory_space<vmem>>) target_semaphore(%run_scoped3A : memref<!tpu.dma_semaphore, #tpu.memory_space<semaphore_mem>>)
          %dma_wait3A = tpu.memref_slice %arg2[%add3A_38, %mul3A_1750] : memref<12x262144xi32, #tpu.memory_space<hbm>> -> memref<1x32768xi32, #tpu.memory_space<hbm>>
          %dma_wait3A_1754 = tpu.memref_squeeze %dma_wait3A : memref<1x32768xi32, #tpu.memory_space<hbm>> -> memref<32768xi32, #tpu.memory_space<hbm>>
          %dma_wait3A_1755 = tpu.memref_slice %arg2[%add3A_38, %mul3A_1750] : memref<12x262144xi32, #tpu.memory_space<hbm>> -> memref<1x32768xi32, #tpu.memory_space<hbm>>
          %dma_wait3A_1756 = tpu.memref_squeeze %dma_wait3A_1755 : memref<1x32768xi32, #tpu.memory_space<hbm>> -> memref<32768xi32, #tpu.memory_space<hbm>>
          tpu.wait_dma2 semaphore(%run_scoped3A : memref<!tpu.dma_semaphore, #tpu.memory_space<semaphore_mem>>) src(%dma_wait3A_1756 : memref<32768xi32, #tpu.memory_space<hbm>>) dst(%arg6 : memref<32768xi32, #tpu.memory_space<vmem>>)
          tpu.yield
        }) : () -> ()
      } else {
      }
      %eq3A_45 = arith.constant 1 : i32
      %eq3A_46 = arith.cmpi eq, %arg0, %eq3A_45 : i32
      %convert_element_type3A_47 = arith.extui %eq3A_46 : i1 to i32
      %cond3A_48 = arith.constant 0 : i32
      %cond3A_49 = arith.cmpi ne, %convert_element_type3A_47, %cond3A_48 : i32
      scf.if %cond3A_49 {
        %mul3A_1749 = arith.constant 32768 : i32
        %mul3A_1750 = arith.muli %select_n3A_28, %mul3A_1749 : i32
        "tpu.region"() ({
          %run_scoped3A = tpu.sem_alloc : memref<!tpu.dma_semaphore, #tpu.memory_space<semaphore_mem>>
          %dma_start3A = tpu.memref_slice %arg3[%add3A_38, %mul3A_1750] : memref<12x262144xi32, #tpu.memory_space<hbm>> -> memref<1x32768xi32, #tpu.memory_space<hbm>>
          %dma_start3A_1751 = tpu.memref_squeeze %dma_start3A : memref<1x32768xi32, #tpu.memory_space<hbm>> -> memref<32768xi32, #tpu.memory_space<hbm>>
          %dma_start3A_1752 = tpu.memref_slice %arg3[%add3A_38, %mul3A_1750] : memref<12x262144xi32, #tpu.memory_space<hbm>> -> memref<1x32768xi32, #tpu.memory_space<hbm>>
          %dma_start3A_1753 = tpu.memref_squeeze %dma_start3A_1752 : memref<1x32768xi32, #tpu.memory_space<hbm>> -> memref<32768xi32, #tpu.memory_space<hbm>>
          tpu.enqueue_dma source(%dma_start3A_1753 : memref<32768xi32, #tpu.memory_space<hbm>>) target(%arg6 : memref<32768xi32, #tpu.memory_space<vmem>>) target_semaphore(%run_scoped3A : memref<!tpu.dma_semaphore, #tpu.memory_space<semaphore_mem>>)
          %dma_wait3A = tpu.memref_slice %arg3[%add3A_38, %mul3A_1750] : memref<12x262144xi32, #tpu.memory_space<hbm>> -> memref<1x32768xi32, #tpu.memory_space<hbm>>
          %dma_wait3A_1754 = tpu.memref_squeeze %dma_wait3A : memref<1x32768xi32, #tpu.memory_space<hbm>> -> memref<32768xi32, #tpu.memory_space<hbm>>
          %dma_wait3A_1755 = tpu.memref_slice %arg3[%add3A_38, %mul3A_1750] : memref<12x262144xi32, #tpu.memory_space<hbm>> -> memref<1x32768xi32, #tpu.memory_space<hbm>>
          %dma_wait3A_1756 = tpu.memref_squeeze %dma_wait3A_1755 : memref<1x32768xi32, #tpu.memory_space<hbm>> -> memref<32768xi32, #tpu.memory_space<hbm>>
          tpu.wait_dma2 semaphore(%run_scoped3A : memref<!tpu.dma_semaphore, #tpu.memory_space<semaphore_mem>>) src(%dma_wait3A_1756 : memref<32768xi32, #tpu.memory_space<hbm>>) dst(%arg6 : memref<32768xi32, #tpu.memory_space<vmem>>)
          tpu.yield
        }) : () -> ()
      } else {
      }
      "tpu.region"() ({
        %run_scoped3A = tpu.sem_alloc : memref<!tpu.dma_semaphore, #tpu.memory_space<semaphore_mem>>
        %dma_start3A = arith.constant 0 : i32
        %dma_start3A_1749 = tpu.memref_slice %arg4[%add3A_41, %dma_start3A] : memref<24x16xi32, #tpu.memory_space<hbm>> -> memref<1x16xi32, #tpu.memory_space<hbm>>
        %dma_start3A_1750 = tpu.memref_squeeze %dma_start3A_1749 : memref<1x16xi32, #tpu.memory_space<hbm>> -> memref<16xi32, #tpu.memory_space<hbm>>
        %dma_start3A_1751 = arith.constant 0 : i32
        %dma_start3A_1752 = tpu.memref_slice %arg4[%add3A_41, %dma_start3A_1751] : memref<24x16xi32, #tpu.memory_space<hbm>> -> memref<1x16xi32, #tpu.memory_space<hbm>>
        %dma_start3A_1753 = tpu.memref_squeeze %dma_start3A_1752 : memref<1x16xi32, #tpu.memory_space<hbm>> -> memref<16xi32, #tpu.memory_space<hbm>>
        tpu.enqueue_dma source(%dma_start3A_1753 : memref<16xi32, #tpu.memory_space<hbm>>) target(%arg7 : memref<16xi32, #tpu.memory_space<vmem>>) target_semaphore(%run_scoped3A : memref<!tpu.dma_semaphore, #tpu.memory_space<semaphore_mem>>)
        %dma_wait3A = arith.constant 0 : i32
        %dma_wait3A_1754 = tpu.memref_slice %arg4[%add3A_41, %dma_wait3A] : memref<24x16xi32, #tpu.memory_space<hbm>> -> memref<1x16xi32, #tpu.memory_space<hbm>>
        %dma_wait3A_1755 = tpu.memref_squeeze %dma_wait3A_1754 : memref<1x16xi32, #tpu.memory_space<hbm>> -> memref<16xi32, #tpu.memory_space<hbm>>
        %dma_wait3A_1756 = arith.constant 0 : i32
        %dma_wait3A_1757 = tpu.memref_slice %arg4[%add3A_41, %dma_wait3A_1756] : memref<24x16xi32, #tpu.memory_space<hbm>> -> memref<1x16xi32, #tpu.memory_space<hbm>>
        %dma_wait3A_1758 = tpu.memref_squeeze %dma_wait3A_1757 : memref<1x16xi32, #tpu.memory_space<hbm>> -> memref<16xi32, #tpu.memory_space<hbm>>
        tpu.wait_dma2 semaphore(%run_scoped3A : memref<!tpu.dma_semaphore, #tpu.memory_space<semaphore_mem>>) src(%dma_wait3A_1758 : memref<16xi32, #tpu.memory_space<hbm>>) dst(%arg7 : memref<16xi32, #tpu.memory_space<vmem>>)
        tpu.yield
      }) : () -> ()
      %get3A = arith.constant 0 : index
      %get3A_50 = tpu.vector_load %arg7[%get3A] {strides = array<i32>} : memref<16xi32, #tpu.memory_space<vmem>>, vector<16xi32>,
      %slice3A = vector.extract_strided_slice %get3A_50 {offsets = [0], sizes = [1], strides = [1]} : vector<16xi32> to vector<1xi32>
      %squeeze3A = vector.extract %slice3A[0] : i32 from vector<1xi32>
      %broadcast_in_dim3A = arith.constant 0 : i32
      %broadcast_in_dim3A_51 = vector.broadcast %broadcast_in_dim3A : i32 to vector<16xi32>
      %scan3A_52 = arith.constant 0 : i32
      %scan3A_53 = arith.constant 0 : i32
      %scan3A_54 = arith.constant 32 : i32
      %scan3A_55 = arith.addi %scan3A_53, %scan3A_54 : i32
      %scan3A_56 = arith.constant 1 : i32
      %scan3A_57 = scf.for %scan3A_1749 = %scan3A_53 to %scan3A_55 step %scan3A_56 iter_args(%scan3A_1750 = %scan3A_52) -> (i32)  : i32 {
        %mul3A_1751 = arith.constant 4 : i32
        %mul3A_1752 = arith.muli %scan3A_1749, %mul3A_1751 : i32
        %add3A_1753 = arith.constant 0 : i32
        %add3A_1754 = arith.addi %mul3A_1752, %add3A_1753 : i32
        %mul3A_1755 = arith.constant 16 : i32
        %mul3A_1756 = arith.muli %add3A_1754, %mul3A_1755 : i32
        %swap3A = arith.index_cast %mul3A_1756 : i32 to index
        %swap3A_1757 = tpu.vector_load %arg8[%swap3A] {strides = array<i32>} : memref<4096xi32, #tpu.memory_space<vmem>>, vector<16xi32>,
        tpu.vector_store %arg8[%swap3A], %broadcast_in_dim3A_51 {strides = array<i32>} : memref<4096xi32, #tpu.memory_space<vmem>>, vector<16xi32>,
        %mul3A_1758 = arith.constant 4 : i32
        %mul3A_1759 = arith.muli %scan3A_1749, %mul3A_1758 : i32
        %add3A_1760 = arith.constant 1 : i32
        %add3A_1761 = arith.addi %mul3A_1759, %add3A_1760 : i32
        %mul3A_1762 = arith.constant 16 : i32
        %mul3A_1763 = arith.muli %add3A_1761, %mul3A_1762 : i32
        %swap3A_1764 = arith.index_cast %mul3A_1763 : i32 to index
        %swap3A_1765 = tpu.vector_load %arg8[%swap3A_1764] {strides = array<i32>} : memref<4096xi32, #tpu.memory_space<vmem>>, vector<16xi32>,
        tpu.vector_store %arg8[%swap3A_1764], %broadcast_in_dim3A_51 {strides = array<i32>} : memref<4096xi32, #tpu.memory_space<vmem>>, vector<16xi32>,
        %mul3A_1766 = arith.constant 4 : i32
        %mul3A_1767 = arith.muli %scan3A_1749, %mul3A_1766 : i32
        %add3A_1768 = arith.constant 2 : i32
        %add3A_1769 = arith.addi %mul3A_1767, %add3A_1768 : i32
        %mul3A_1770 = arith.constant 16 : i32
        %mul3A_1771 = arith.muli %add3A_1769, %mul3A_1770 : i32
        %swap3A_1772 = arith.index_cast %mul3A_1771 : i32 to index
        %swap3A_1773 = tpu.vector_load %arg8[%swap3A_1772] {strides = array<i32>} : memref<4096xi32, #tpu.memory_space<vmem>>, vector<16xi32>,
        tpu.vector_store %arg8[%swap3A_1772], %broadcast_in_dim3A_51 {strides = array<i32>} : memref<4096xi32, #tpu.memory_space<vmem>>, vector<16xi32>,
        %mul3A_1774 = arith.constant 4 : i32
        %mul3A_1775 = arith.muli %scan3A_1749, %mul3A_1774 : i32
        %add3A_1776 = arith.constant 3 : i32
        %add3A_1777 = arith.addi %mul3A_1775, %add3A_1776 : i32
        %mul3A_1778 = arith.constant 16 : i32
        %mul3A_1779 = arith.muli %add3A_1777, %mul3A_1778 : i32
        %swap3A_1780 = arith.index_cast %mul3A_1779 : i32 to index
        %swap3A_1781 = tpu.vector_load %arg8[%swap3A_1780] {strides = array<i32>} : memref<4096xi32, #tpu.memory_space<vmem>>, vector<16xi32>,
        tpu.vector_store %arg8[%swap3A_1780], %broadcast_in_dim3A_51 {strides = array<i32>} : memref<4096xi32, #tpu.memory_space<vmem>>, vector<16xi32>,
        %scan3A_1782 = arith.constant 0 : i32
        scf.yield %scan3A_1782 : i32
      }
      %scan3A_58 = arith.constant 32 : i32
      %broadcast_in_dim3A_59 = arith.constant 1 : i32
      %broadcast_in_dim3A_60 = vector.broadcast %broadcast_in_dim3A_59 : i32 to vector<16xi32>
      %scan3A_61 = arith.constant 0 : i32
      %scan3A_62 = arith.constant 0 : i32
      %scan3A_63 = arith.constant 256 : i32
      %scan3A_64 = arith.addi %scan3A_62, %scan3A_63 : i32
      %scan3A_65 = arith.constant 1 : i32
      %scan3A_66 = scf.for %scan3A_1749 = %scan3A_62 to %scan3A_64 step %scan3A_65 iter_args(%scan3A_1750 = %scan3A_61) -> (i32)  : i32 {
        %mul3A_1751 = arith.constant 8 : i32
        %mul3A_1752 = arith.muli %scan3A_1749, %mul3A_1751 : i32
        %add3A_1753 = arith.constant 0 : i32
        %add3A_1754 = arith.addi %mul3A_1752, %add3A_1753 : i32
        %mul3A_1755 = arith.constant 16 : i32
        %mul3A_1756 = arith.muli %add3A_1754, %mul3A_1755 : i32
        %get3A_1757 = arith.index_cast %mul3A_1756 : i32 to index
        %get3A_1758 = tpu.vector_load %arg6[%get3A_1757] {strides = array<i32>} : memref<32768xi32, #tpu.memory_space<vmem>>, vector<16xi32>,
        %shift_right_arithmetic3A = arith.constant 20 : i32
        %shift_right_arithmetic3A_1759 = vector.broadcast %shift_right_arithmetic3A : i32 to vector<16xi32>
        %shift_right_arithmetic3A_1760 = arith.shrsi %get3A_1758, %shift_right_arithmetic3A_1759 : vector<16xi32>
        %and3A_1761 = arith.constant 127 : i32
        %and3A_1762 = vector.broadcast %and3A_1761 : i32 to vector<16xi32>
        %and3A_1763 = arith.andi %shift_right_arithmetic3A_1760, %and3A_1762 : vector<16xi32>
        %shift_left3A_1764 = arith.constant 4 : i32
        %shift_left3A_1765 = vector.broadcast %shift_left3A_1764 : i32 to vector<16xi32>
        %shift_left3A_1766 = arith.shli %and3A_1763, %shift_left3A_1765 : vector<16xi32>
        %shift_right_arithmetic3A_1767 = arith.constant 7 : i32
        %shift_right_arithmetic3A_1768 = vector.broadcast %shift_right_arithmetic3A_1767 : i32 to vector<16xi32>
        %shift_right_arithmetic3A_1769 = arith.shrsi %shift_right_arithmetic3A_1760, %shift_right_arithmetic3A_1768 : vector<16xi32>
        %or3A_1770 = arith.ori %shift_left3A_1766, %shift_right_arithmetic3A_1769 : vector<16xi32>
        tpu.vector_store_idx %arg8[%or3A_1770], %broadcast_in_dim3A_60 {add = true} : memref<4096xi32, #tpu.memory_space<vmem>>[vector<16xi32>], vector<16xi32>,
        %mul3A_1771 = arith.constant 8 : i32
        %mul3A_1772 = arith.muli %scan3A_1749, %mul3A_1771 : i32
        %add3A_1773 = arith.constant 1 : i32
        %add3A_1774 = arith.addi %mul3A_1772, %add3A_1773 : i32
        %mul3A_1775 = arith.constant 16 : i32
        %mul3A_1776 = arith.muli %add3A_1774, %mul3A_1775 : i32
        %get3A_1777 = arith.index_cast %mul3A_1776 : i32 to index
        %get3A_1778 = tpu.vector_load %arg6[%get3A_1777] {strides = array<i32>} : memref<32768xi32, #tpu.memory_space<vmem>>, vector<16xi32>,
        %shift_right_arithmetic3A_1779 = arith.constant 20 : i32
        %shift_right_arithmetic3A_1780 = vector.broadcast %shift_right_arithmetic3A_1779 : i32 to vector<16xi32>
        %shift_right_arithmetic3A_1781 = arith.shrsi %get3A_1778, %shift_right_arithmetic3A_1780 : vector<16xi32>
        %and3A_1782 = arith.constant 127 : i32
        %and3A_1783 = vector.broadcast %and3A_1782 : i32 to vector<16xi32>
        %and3A_1784 = arith.andi %shift_right_arithmetic3A_1781, %and3A_1783 : vector<16xi32>
        %shift_left3A_1785 = arith.constant 4 : i32
        %shift_left3A_1786 = vector.broadcast %shift_left3A_1785 : i32 to vector<16xi32>
        %shift_left3A_1787 = arith.shli %and3A_1784, %shift_left3A_1786 : vector<16xi32>
        %shift_right_arithmetic3A_1788 = arith.constant 7 : i32
        %shift_right_arithmetic3A_1789 = vector.broadcast %shift_right_arithmetic3A_1788 : i32 to vector<16xi32>
        %shift_right_arithmetic3A_1790 = arith.shrsi %shift_right_arithmetic3A_1781, %shift_right_arithmetic3A_1789 : vector<16xi32>
        %or3A_1791 = arith.ori %shift_left3A_1787, %shift_right_arithmetic3A_1790 : vector<16xi32>
        tpu.vector_store_idx %arg8[%or3A_1791], %broadcast_in_dim3A_60 {add = true} : memref<4096xi32, #tpu.memory_space<vmem>>[vector<16xi32>], vector<16xi32>,
        %mul3A_1792 = arith.constant 8 : i32
        %mul3A_1793 = arith.muli %scan3A_1749, %mul3A_1792 : i32
        %add3A_1794 = arith.constant 2 : i32
        %add3A_1795 = arith.addi %mul3A_1793, %add3A_1794 : i32
        %mul3A_1796 = arith.constant 16 : i32
        %mul3A_1797 = arith.muli %add3A_1795, %mul3A_1796 : i32
        %get3A_1798 = arith.index_cast %mul3A_1797 : i32 to index
        %get3A_1799 = tpu.vector_load %arg6[%get3A_1798] {strides = array<i32>} : memref<32768xi32, #tpu.memory_space<vmem>>, vector<16xi32>,
        %shift_right_arithmetic3A_1800 = arith.constant 20 : i32
        %shift_right_arithmetic3A_1801 = vector.broadcast %shift_right_arithmetic3A_1800 : i32 to vector<16xi32>
        %shift_right_arithmetic3A_1802 = arith.shrsi %get3A_1799, %shift_right_arithmetic3A_1801 : vector<16xi32>
        %and3A_1803 = arith.constant 127 : i32
        %and3A_1804 = vector.broadcast %and3A_1803 : i32 to vector<16xi32>
        %and3A_1805 = arith.andi %shift_right_arithmetic3A_1802, %and3A_1804 : vector<16xi32>
        %shift_left3A_1806 = arith.constant 4 : i32
        %shift_left3A_1807 = vector.broadcast %shift_left3A_1806 : i32 to vector<16xi32>
        %shift_left3A_1808 = arith.shli %and3A_1805, %shift_left3A_1807 : vector<16xi32>
        %shift_right_arithmetic3A_1809 = arith.constant 7 : i32
        %shift_right_arithmetic3A_1810 = vector.broadcast %shift_right_arithmetic3A_1809 : i32 to vector<16xi32>
        %shift_right_arithmetic3A_1811 = arith.shrsi %shift_right_arithmetic3A_1802, %shift_right_arithmetic3A_1810 : vector<16xi32>
        %or3A_1812 = arith.ori %shift_left3A_1808, %shift_right_arithmetic3A_1811 : vector<16xi32>
        tpu.vector_store_idx %arg8[%or3A_1812], %broadcast_in_dim3A_60 {add = true} : memref<4096xi32, #tpu.memory_space<vmem>>[vector<16xi32>], vector<16xi32>,
        %mul3A_1813 = arith.constant 8 : i32
        %mul3A_1814 = arith.muli %scan3A_1749, %mul3A_1813 : i32
        %add3A_1815 = arith.constant 3 : i32
        %add3A_1816 = arith.addi %mul3A_1814, %add3A_1815 : i32
        %mul3A_1817 = arith.constant 16 : i32
        %mul3A_1818 = arith.muli %add3A_1816, %mul3A_1817 : i32
        %get3A_1819 = arith.index_cast %mul3A_1818 : i32 to index
        %get3A_1820 = tpu.vector_load %arg6[%get3A_1819] {strides = array<i32>} : memref<32768xi32, #tpu.memory_space<vmem>>, vector<16xi32>,
        %shift_right_arithmetic3A_1821 = arith.constant 20 : i32
        %shift_right_arithmetic3A_1822 = vector.broadcast %shift_right_arithmetic3A_1821 : i32 to vector<16xi32>
        %shift_right_arithmetic3A_1823 = arith.shrsi %get3A_1820, %shift_right_arithmetic3A_1822 : vector<16xi32>
        %and3A_1824 = arith.constant 127 : i32
        %and3A_1825 = vector.broadcast %and3A_1824 : i32 to vector<16xi32>
        %and3A_1826 = arith.andi %shift_right_arithmetic3A_1823, %and3A_1825 : vector<16xi32>
        %shift_left3A_1827 = arith.constant 4 : i32
        %shift_left3A_1828 = vector.broadcast %shift_left3A_1827 : i32 to vector<16xi32>
        %shift_left3A_1829 = arith.shli %and3A_1826, %shift_left3A_1828 : vector<16xi32>
        %shift_right_arithmetic3A_1830 = arith.constant 7 : i32
        %shift_right_arithmetic3A_1831 = vector.broadcast %shift_right_arithmetic3A_1830 : i32 to vector<16xi32>
        %shift_right_arithmetic3A_1832 = arith.shrsi %shift_right_arithmetic3A_1823, %shift_right_arithmetic3A_1831 : vector<16xi32>
        %or3A_1833 = arith.ori %shift_left3A_1829, %shift_right_arithmetic3A_1832 : vector<16xi32>
        tpu.vector_store_idx %arg8[%or3A_1833], %broadcast_in_dim3A_60 {add = true} : memref<4096xi32, #tpu.memory_space<vmem>>[vector<16xi32>], vector<16xi32>,
        %mul3A_1834 = arith.constant 8 : i32
        %mul3A_1835 = arith.muli %scan3A_1749, %mul3A_1834 : i32
        %add3A_1836 = arith.constant 4 : i32
        %add3A_1837 = arith.addi %mul3A_1835, %add3A_1836 : i32
        %mul3A_1838 = arith.constant 16 : i32
        %mul3A_1839 = arith.muli %add3A_1837, %mul3A_1838 : i32
        %get3A_1840 = arith.index_cast %mul3A_1839 : i32 to index
        %get3A_1841 = tpu.vector_load %arg6[%get3A_1840] {strides = array<i32>} : memref<32768xi32, #tpu.memory_space<vmem>>, vector<16xi32>,
        %shift_right_arithmetic3A_1842 = arith.constant 20 : i32
        %shift_right_arithmetic3A_1843 = vector.broadcast %shift_right_arithmetic3A_1842 : i32 to vector<16xi32>
        %shift_right_arithmetic3A_1844 = arith.shrsi %get3A_1841, %shift_right_arithmetic3A_1843 : vector<16xi32>
        %and3A_1845 = arith.constant 127 : i32
        %and3A_1846 = vector.broadcast %and3A_1845 : i32 to vector<16xi32>
        %and3A_1847 = arith.andi %shift_right_arithmetic3A_1844, %and3A_1846 : vector<16xi32>
        %shift_left3A_1848 = arith.constant 4 : i32
        %shift_left3A_1849 = vector.broadcast %shift_left3A_1848 : i32 to vector<16xi32>
        %shift_left3A_1850 = arith.shli %and3A_1847, %shift_left3A_1849 : vector<16xi32>
        %shift_right_arithmetic3A_1851 = arith.constant 7 : i32
        %shift_right_arithmetic3A_1852 = vector.broadcast %shift_right_arithmetic3A_1851 : i32 to vector<16xi32>
        %shift_right_arithmetic3A_1853 = arith.shrsi %shift_right_arithmetic3A_1844, %shift_right_arithmetic3A_1852 : vector<16xi32>
        %or3A_1854 = arith.ori %shift_left3A_1850, %shift_right_arithmetic3A_1853 : vector<16xi32>
        tpu.vector_store_idx %arg8[%or3A_1854], %broadcast_in_dim3A_60 {add = true} : memref<4096xi32, #tpu.memory_space<vmem>>[vector<16xi32>], vector<16xi32>,
        %mul3A_1855 = arith.constant 8 : i32
        %mul3A_1856 = arith.muli %scan3A_1749, %mul3A_1855 : i32
        %add3A_1857 = arith.constant 5 : i32
        %add3A_1858 = arith.addi %mul3A_1856, %add3A_1857 : i32
        %mul3A_1859 = arith.constant 16 : i32
        %mul3A_1860 = arith.muli %add3A_1858, %mul3A_1859 : i32
        %get3A_1861 = arith.index_cast %mul3A_1860 : i32 to index
        %get3A_1862 = tpu.vector_load %arg6[%get3A_1861] {strides = array<i32>} : memref<32768xi32, #tpu.memory_space<vmem>>, vector<16xi32>,
        %shift_right_arithmetic3A_1863 = arith.constant 20 : i32
        %shift_right_arithmetic3A_1864 = vector.broadcast %shift_right_arithmetic3A_1863 : i32 to vector<16xi32>
        %shift_right_arithmetic3A_1865 = arith.shrsi %get3A_1862, %shift_right_arithmetic3A_1864 : vector<16xi32>
        %and3A_1866 = arith.constant 127 : i32
        %and3A_1867 = vector.broadcast %and3A_1866 : i32 to vector<16xi32>
        %and3A_1868 = arith.andi %shift_right_arithmetic3A_1865, %and3A_1867 : vector<16xi32>
        %shift_left3A_1869 = arith.constant 4 : i32
        %shift_left3A_1870 = vector.broadcast %shift_left3A_1869 : i32 to vector<16xi32>
        %shift_left3A_1871 = arith.shli %and3A_1868, %shift_left3A_1870 : vector<16xi32>
        %shift_right_arithmetic3A_1872 = arith.constant 7 : i32
        %shift_right_arithmetic3A_1873 = vector.broadcast %shift_right_arithmetic3A_1872 : i32 to vector<16xi32>
        %shift_right_arithmetic3A_1874 = arith.shrsi %shift_right_arithmetic3A_1865, %shift_right_arithmetic3A_1873 : vector<16xi32>
        %or3A_1875 = arith.ori %shift_left3A_1871, %shift_right_arithmetic3A_1874 : vector<16xi32>
        tpu.vector_store_idx %arg8[%or3A_1875], %broadcast_in_dim3A_60 {add = true} : memref<4096xi32, #tpu.memory_space<vmem>>[vector<16xi32>], vector<16xi32>,
        %mul3A_1876 = arith.constant 8 : i32
        %mul3A_1877 = arith.muli %scan3A_1749, %mul3A_1876 : i32
        %add3A_1878 = arith.constant 6 : i32
        %add3A_1879 = arith.addi %mul3A_1877, %add3A_1878 : i32
        %mul3A_1880 = arith.constant 16 : i32
        %mul3A_1881 = arith.muli %add3A_1879, %mul3A_1880 : i32
        %get3A_1882 = arith.index_cast %mul3A_1881 : i32 to index
        %get3A_1883 = tpu.vector_load %arg6[%get3A_1882] {strides = array<i32>} : memref<32768xi32, #tpu.memory_space<vmem>>, vector<16xi32>,
        %shift_right_arithmetic3A_1884 = arith.constant 20 : i32
        %shift_right_arithmetic3A_1885 = vector.broadcast %shift_right_arithmetic3A_1884 : i32 to vector<16xi32>
        %shift_right_arithmetic3A_1886 = arith.shrsi %get3A_1883, %shift_right_arithmetic3A_1885 : vector<16xi32>
        %and3A_1887 = arith.constant 127 : i32
        %and3A_1888 = vector.broadcast %and3A_1887 : i32 to vector<16xi32>
        %and3A_1889 = arith.andi %shift_right_arithmetic3A_1886, %and3A_1888 : vector<16xi32>
        %shift_left3A_1890 = arith.constant 4 : i32
        %shift_left3A_1891 = vector.broadcast %shift_left3A_1890 : i32 to vector<16xi32>
        %shift_left3A_1892 = arith.shli %and3A_1889, %shift_left3A_1891 : vector<16xi32>
        %shift_right_arithmetic3A_1893 = arith.constant 7 : i32
        %shift_right_arithmetic3A_1894 = vector.broadcast %shift_right_arithmetic3A_1893 : i32 to vector<16xi32>
        %shift_right_arithmetic3A_1895 = arith.shrsi %shift_right_arithmetic3A_1886, %shift_right_arithmetic3A_1894 : vector<16xi32>
        %or3A_1896 = arith.ori %shift_left3A_1892, %shift_right_arithmetic3A_1895 : vector<16xi32>
        tpu.vector_store_idx %arg8[%or3A_1896], %broadcast_in_dim3A_60 {add = true} : memref<4096xi32, #tpu.memory_space<vmem>>[vector<16xi32>], vector<16xi32>,
        %mul3A_1897 = arith.constant 8 : i32
        %mul3A_1898 = arith.muli %scan3A_1749, %mul3A_1897 : i32
        %add3A_1899 = arith.constant 7 : i32
        %add3A_1900 = arith.addi %mul3A_1898, %add3A_1899 : i32
        %mul3A_1901 = arith.constant 16 : i32
        %mul3A_1902 = arith.muli %add3A_1900, %mul3A_1901 : i32
        %get3A_1903 = arith.index_cast %mul3A_1902 : i32 to index
        %get3A_1904 = tpu.vector_load %arg6[%get3A_1903] {strides = array<i32>} : memref<32768xi32, #tpu.memory_space<vmem>>, vector<16xi32>,
        %shift_right_arithmetic3A_1905 = arith.constant 20 : i32
        %shift_right_arithmetic3A_1906 = vector.broadcast %shift_right_arithmetic3A_1905 : i32 to vector<16xi32>
        %shift_right_arithmetic3A_1907 = arith.shrsi %get3A_1904, %shift_right_arithmetic3A_1906 : vector<16xi32>
        %and3A_1908 = arith.constant 127 : i32
        %and3A_1909 = vector.broadcast %and3A_1908 : i32 to vector<16xi32>
        %and3A_1910 = arith.andi %shift_right_arithmetic3A_1907, %and3A_1909 : vector<16xi32>
        %shift_left3A_1911 = arith.constant 4 : i32
        %shift_left3A_1912 = vector.broadcast %shift_left3A_1911 : i32 to vector<16xi32>
        %shift_left3A_1913 = arith.shli %and3A_1910, %shift_left3A_1912 : vector<16xi32>
        %shift_right_arithmetic3A_1914 = arith.constant 7 : i32
        %shift_right_arithmetic3A_1915 = vector.broadcast %shift_right_arithmetic3A_1914 : i32 to vector<16xi32>
        %shift_right_arithmetic3A_1916 = arith.shrsi %shift_right_arithmetic3A_1907, %shift_right_arithmetic3A_1915 : vector<16xi32>
        %or3A_1917 = arith.ori %shift_left3A_1913, %shift_right_arithmetic3A_1916 : vector<16xi32>
        tpu.vector_store_idx %arg8[%or3A_1917], %broadcast_in_dim3A_60 {add = true} : memref<4096xi32, #tpu.memory_space<vmem>>[vector<16xi32>], vector<16xi32>,
        %scan3A_1918 = arith.constant 0 : i32
        scf.yield %scan3A_1918 : i32
      }
      %scan3A_67 = arith.constant 256 : i32
      "tpu.region"() ({
        %run_scoped3A = tpu.sem_alloc : memref<!tpu.dma_semaphore, #tpu.memory_space<semaphore_mem>>
        %dma_start3A = arith.constant 0 : i32
        %dma_start3A_1749 = tpu.memref_slice %arg8[%dma_start3A] : memref<4096xi32, #tpu.memory_space<vmem>> -> memref<2048xi32, #tpu.memory_space<vmem>>
        %dma_start3A_1750 = arith.constant 0 : i32
        %dma_start3A_1751 = tpu.memref_slice %arg12[%select_n3A, %select_n3A_28, %dma_start3A_1750] : memref<2x8x4096xi32, #tpu.memory_space<vmem_shared>> -> memref<1x1x2048xi32, #tpu.memory_space<vmem_shared>>
        %dma_start3A_1752 = tpu.memref_squeeze %dma_start3A_1751 : memref<1x1x2048xi32, #tpu.memory_space<vmem_shared>> -> memref<2048xi32, #tpu.memory_space<vmem_shared>>
        %dma_start3A_1753 = arith.constant 0 : i32
        %dma_start3A_1754 = tpu.memref_slice %arg12[%select_n3A, %select_n3A_28, %dma_start3A_1753] : memref<2x8x4096xi32, #tpu.memory_space<vmem_shared>> -> memref<1x1x2048xi32, #tpu.memory_space<vmem_shared>>
        %dma_start3A_1755 = tpu.memref_squeeze %dma_start3A_1754 : memref<1x1x2048xi32, #tpu.memory_space<vmem_shared>> -> memref<2048xi32, #tpu.memory_space<vmem_shared>>
        %dma_start3A_1756 = arith.constant 0 : i32
        %dma_start3A_1757 = tpu.memref_slice %arg8[%dma_start3A_1756] : memref<4096xi32, #tpu.memory_space<vmem>> -> memref<2048xi32, #tpu.memory_space<vmem>>
        tpu.enqueue_dma source(%dma_start3A_1757 : memref<2048xi32, #tpu.memory_space<vmem>>) target(%dma_start3A_1755 : memref<2048xi32, #tpu.memory_space<vmem_shared>>) target_semaphore(%run_scoped3A : memref<!tpu.dma_semaphore, #tpu.memory_space<semaphore_mem>>)
        %dma_wait3A = arith.constant 0 : i32
        %dma_wait3A_1758 = tpu.memref_slice %arg8[%dma_wait3A] : memref<4096xi32, #tpu.memory_space<vmem>> -> memref<2048xi32, #tpu.memory_space<vmem>>
        %dma_wait3A_1759 = arith.constant 0 : i32
        %dma_wait3A_1760 = tpu.memref_slice %arg12[%select_n3A, %select_n3A_28, %dma_wait3A_1759] : memref<2x8x4096xi32, #tpu.memory_space<vmem_shared>> -> memref<1x1x2048xi32, #tpu.memory_space<vmem_shared>>
        %dma_wait3A_1761 = tpu.memref_squeeze %dma_wait3A_1760 : memref<1x1x2048xi32, #tpu.memory_space<vmem_shared>> -> memref<2048xi32, #tpu.memory_space<vmem_shared>>
        %dma_wait3A_1762 = arith.constant 0 : i32
        %dma_wait3A_1763 = tpu.memref_slice %arg12[%select_n3A, %select_n3A_28, %dma_wait3A_1762] : memref<2x8x4096xi32, #tpu.memory_space<vmem_shared>> -> memref<1x1x2048xi32, #tpu.memory_space<vmem_shared>>
        %dma_wait3A_1764 = tpu.memref_squeeze %dma_wait3A_1763 : memref<1x1x2048xi32, #tpu.memory_space<vmem_shared>> -> memref<2048xi32, #tpu.memory_space<vmem_shared>>
        %dma_wait3A_1765 = arith.constant 0 : i32
        %dma_wait3A_1766 = tpu.memref_slice %arg8[%dma_wait3A_1765] : memref<4096xi32, #tpu.memory_space<vmem>> -> memref<2048xi32, #tpu.memory_space<vmem>>
        tpu.wait_dma2 semaphore(%run_scoped3A : memref<!tpu.dma_semaphore, #tpu.memory_space<semaphore_mem>>) src(%dma_wait3A_1766 : memref<2048xi32, #tpu.memory_space<vmem>>) dst(%dma_wait3A_1764 : memref<2048xi32, #tpu.memory_space<vmem_shared>>)
        tpu.yield
      }) : () -> ()
      %barrier3A = arith.constant 0 : index
      tpu.barrier barrier_id(%barrier3A)
      %mul3A_68 = arith.constant 256 : i32
      %mul3A_69 = arith.muli %select_n3A_28, %mul3A_68 : i32
      "tpu.region"() ({
        %run_scoped3A = tpu.sem_alloc : memref<!tpu.dma_semaphore, #tpu.memory_space<semaphore_mem>>
        %dma_start3A = arith.constant 0 : i32
        %dma_start3A_1749 = arith.constant 0 : i32
        %dma_start3A_1750 = tpu.memref_slice %arg10[%dma_start3A, %dma_start3A_1749] : memref<8x512xi32, #tpu.memory_space<vmem>> -> memref<8x256xi32, #tpu.memory_space<vmem>>
        %dma_start3A_1751 = arith.constant 0 : i32
        %dma_start3A_1752 = tpu.memref_slice %arg12[%select_n3A, %dma_start3A_1751, %mul3A_69] : memref<2x8x4096xi32, #tpu.memory_space<vmem_shared>> -> memref<1x8x256xi32, #tpu.memory_space<vmem_shared>>
        %dma_start3A_1753 = tpu.memref_squeeze %dma_start3A_1752 : memref<1x8x256xi32, #tpu.memory_space<vmem_shared>> -> memref<8x256xi32, #tpu.memory_space<vmem_shared>>
        %dma_start3A_1754 = arith.constant 0 : i32
        %dma_start3A_1755 = arith.constant 0 : i32
        %dma_start3A_1756 = tpu.memref_slice %arg10[%dma_start3A_1754, %dma_start3A_1755] : memref<8x512xi32, #tpu.memory_space<vmem>> -> memref<8x256xi32, #tpu.memory_space<vmem>>
        %dma_start3A_1757 = arith.constant 0 : i32
        %dma_start3A_1758 = tpu.memref_slice %arg12[%select_n3A, %dma_start3A_1757, %mul3A_69] : memref<2x8x4096xi32, #tpu.memory_space<vmem_shared>> -> memref<1x8x256xi32, #tpu.memory_space<vmem_shared>>
        %dma_start3A_1759 = tpu.memref_squeeze %dma_start3A_1758 : memref<1x8x256xi32, #tpu.memory_space<vmem_shared>> -> memref<8x256xi32, #tpu.memory_space<vmem_shared>>
        tpu.enqueue_dma source(%dma_start3A_1759 : memref<8x256xi32, #tpu.memory_space<vmem_shared>>) target(%dma_start3A_1756 : memref<8x256xi32, #tpu.memory_space<vmem>>) target_semaphore(%run_scoped3A : memref<!tpu.dma_semaphore, #tpu.memory_space<semaphore_mem>>)
        %dma_wait3A = arith.constant 0 : i32
        %dma_wait3A_1760 = arith.constant 0 : i32
        %dma_wait3A_1761 = tpu.memref_slice %arg10[%dma_wait3A, %dma_wait3A_1760] : memref<8x512xi32, #tpu.memory_space<vmem>> -> memref<8x256xi32, #tpu.memory_space<vmem>>
        %dma_wait3A_1762 = arith.constant 0 : i32
        %dma_wait3A_1763 = tpu.memref_slice %arg12[%select_n3A, %dma_wait3A_1762, %mul3A_69] : memref<2x8x4096xi32, #tpu.memory_space<vmem_shared>> -> memref<1x8x256xi32, #tpu.memory_space<vmem_shared>>
        %dma_wait3A_1764 = tpu.memref_squeeze %dma_wait3A_1763 : memref<1x8x256xi32, #tpu.memory_space<vmem_shared>> -> memref<8x256xi32, #tpu.memory_space<vmem_shared>>
        %dma_wait3A_1765 = arith.constant 0 : i32
        %dma_wait3A_1766 = arith.constant 0 : i32
        %dma_wait3A_1767 = tpu.memref_slice %arg10[%dma_wait3A_1765, %dma_wait3A_1766] : memref<8x512xi32, #tpu.memory_space<vmem>> -> memref<8x256xi32, #tpu.memory_space<vmem>>
        %dma_wait3A_1768 = arith.constant 0 : i32
        %dma_wait3A_1769 = tpu.memref_slice %arg12[%select_n3A, %dma_wait3A_1768, %mul3A_69] : memref<2x8x4096xi32, #tpu.memory_space<vmem_shared>> -> memref<1x8x256xi32, #tpu.memory_space<vmem_shared>>
        %dma_wait3A_1770 = tpu.memref_squeeze %dma_wait3A_1769 : memref<1x8x256xi32, #tpu.memory_space<vmem_shared>> -> memref<8x256xi32, #tpu.memory_space<vmem_shared>>
        tpu.wait_dma2 semaphore(%run_scoped3A : memref<!tpu.dma_semaphore, #tpu.memory_space<semaphore_mem>>) src(%dma_wait3A_1770 : memref<8x256xi32, #tpu.memory_space<vmem_shared>>) dst(%dma_wait3A_1767 : memref<8x256xi32, #tpu.memory_space<vmem>>)
        tpu.yield
      }) : () -> ()
      %scan3A_70 = arith.constant 0 : i32
      %scan3A_71 = arith.constant 0 : i32
      %scan3A_72 = arith.constant 8 : i32
      %scan3A_73 = arith.addi %scan3A_71, %scan3A_72 : i32
      %scan3A_74 = arith.constant 1 : i32
      %scan3A_75 = scf.for %scan3A_1749 = %scan3A_71 to %scan3A_73 step %scan3A_74 iter_args(%scan3A_1750 = %scan3A_70) -> (i32)  : i32 {
        %mul3A_1751 = arith.constant 2 : i32
        %mul3A_1752 = arith.muli %scan3A_1749, %mul3A_1751 : i32
        %add3A_1753 = arith.constant 0 : i32
        %add3A_1754 = arith.addi %mul3A_1752, %add3A_1753 : i32
        %mul3A_1755 = arith.constant 16 : i32
        %mul3A_1756 = arith.muli %add3A_1754, %mul3A_1755 : i32
        %get3A_1757 = arith.constant 0 : i32
        %get3A_1758 = arith.index_cast %get3A_1757 : i32 to index
        %get3A_1759 = arith.index_cast %mul3A_1756 : i32 to index
        %get3A_1760 = tpu.vector_load %arg10[%get3A_1758, %get3A_1759] {strides = array<i32>} : memref<8x512xi32, #tpu.memory_space<vmem>>, vector<16xi32>,
        %mul3A_1761 = arith.constant 16 : i32
        %mul3A_1762 = arith.muli %add3A_1754, %mul3A_1761 : i32
        %get3A_1763 = arith.constant 1 : i32
        %get3A_1764 = arith.index_cast %get3A_1763 : i32 to index
        %get3A_1765 = arith.index_cast %mul3A_1762 : i32 to index
        %get3A_1766 = tpu.vector_load %arg10[%get3A_1764, %get3A_1765] {strides = array<i32>} : memref<8x512xi32, #tpu.memory_space<vmem>>, vector<16xi32>,
        %add3A_1767 = arith.addi %get3A_1760, %get3A_1766 : vector<16xi32>
        %mul3A_1768 = arith.constant 16 : i32
        %mul3A_1769 = arith.muli %add3A_1754, %mul3A_1768 : i32
        %get3A_1770 = arith.constant 2 : i32
        %get3A_1771 = arith.index_cast %get3A_1770 : i32 to index
        %get3A_1772 = arith.index_cast %mul3A_1769 : i32 to index
        %get3A_1773 = tpu.vector_load %arg10[%get3A_1771, %get3A_1772] {strides = array<i32>} : memref<8x512xi32, #tpu.memory_space<vmem>>, vector<16xi32>,
        %add3A_1774 = arith.addi %add3A_1767, %get3A_1773 : vector<16xi32>
        %mul3A_1775 = arith.constant 16 : i32
        %mul3A_1776 = arith.muli %add3A_1754, %mul3A_1775 : i32
        %get3A_1777 = arith.constant 3 : i32
        %get3A_1778 = arith.index_cast %get3A_1777 : i32 to index
        %get3A_1779 = arith.index_cast %mul3A_1776 : i32 to index
        %get3A_1780 = tpu.vector_load %arg10[%get3A_1778, %get3A_1779] {strides = array<i32>} : memref<8x512xi32, #tpu.memory_space<vmem>>, vector<16xi32>,
        %add3A_1781 = arith.addi %add3A_1774, %get3A_1780 : vector<16xi32>
        %mul3A_1782 = arith.constant 16 : i32
        %mul3A_1783 = arith.muli %add3A_1754, %mul3A_1782 : i32
        %get3A_1784 = arith.constant 4 : i32
        %get3A_1785 = arith.index_cast %get3A_1784 : i32 to index
        %get3A_1786 = arith.index_cast %mul3A_1783 : i32 to index
        %get3A_1787 = tpu.vector_load %arg10[%get3A_1785, %get3A_1786] {strides = array<i32>} : memref<8x512xi32, #tpu.memory_space<vmem>>, vector<16xi32>,
        %add3A_1788 = arith.addi %add3A_1781, %get3A_1787 : vector<16xi32>
        %mul3A_1789 = arith.constant 16 : i32
        %mul3A_1790 = arith.muli %add3A_1754, %mul3A_1789 : i32
        %get3A_1791 = arith.constant 5 : i32
        %get3A_1792 = arith.index_cast %get3A_1791 : i32 to index
        %get3A_1793 = arith.index_cast %mul3A_1790 : i32 to index
        %get3A_1794 = tpu.vector_load %arg10[%get3A_1792, %get3A_1793] {strides = array<i32>} : memref<8x512xi32, #tpu.memory_space<vmem>>, vector<16xi32>,
        %add3A_1795 = arith.addi %add3A_1788, %get3A_1794 : vector<16xi32>
        %mul3A_1796 = arith.constant 16 : i32
        %mul3A_1797 = arith.muli %add3A_1754, %mul3A_1796 : i32
        %get3A_1798 = arith.constant 6 : i32
        %get3A_1799 = arith.index_cast %get3A_1798 : i32 to index
        %get3A_1800 = arith.index_cast %mul3A_1797 : i32 to index
        %get3A_1801 = tpu.vector_load %arg10[%get3A_1799, %get3A_1800] {strides = array<i32>} : memref<8x512xi32, #tpu.memory_space<vmem>>, vector<16xi32>,
        %add3A_1802 = arith.addi %add3A_1795, %get3A_1801 : vector<16xi32>
        %mul3A_1803 = arith.constant 16 : i32
        %mul3A_1804 = arith.muli %add3A_1754, %mul3A_1803 : i32
        %get3A_1805 = arith.constant 7 : i32
        %get3A_1806 = arith.index_cast %get3A_1805 : i32 to index
        %get3A_1807 = arith.index_cast %mul3A_1804 : i32 to index
        %get3A_1808 = tpu.vector_load %arg10[%get3A_1806, %get3A_1807] {strides = array<i32>} : memref<8x512xi32, #tpu.memory_space<vmem>>, vector<16xi32>,
        %add3A_1809 = arith.addi %add3A_1802, %get3A_1808 : vector<16xi32>
        %mul3A_1810 = arith.constant 16 : i32
        %mul3A_1811 = arith.muli %add3A_1754, %mul3A_1810 : i32
        %swap3A = arith.index_cast %mul3A_1811 : i32 to index
        %swap3A_1812 = tpu.vector_load %arg11[%swap3A] {strides = array<i32>} : memref<512xi32, #tpu.memory_space<vmem>>, vector<16xi32>,
        tpu.vector_store %arg11[%swap3A], %add3A_1809 {strides = array<i32>} : memref<512xi32, #tpu.memory_space<vmem>>, vector<16xi32>,
        %mul3A_1813 = arith.constant 2 : i32
        %mul3A_1814 = arith.muli %scan3A_1749, %mul3A_1813 : i32
        %add3A_1815 = arith.constant 1 : i32
        %add3A_1816 = arith.addi %mul3A_1814, %add3A_1815 : i32
        %mul3A_1817 = arith.constant 16 : i32
        %mul3A_1818 = arith.muli %add3A_1816, %mul3A_1817 : i32
        %get3A_1819 = arith.constant 0 : i32
        %get3A_1820 = arith.index_cast %get3A_1819 : i32 to index
        %get3A_1821 = arith.index_cast %mul3A_1818 : i32 to index
        %get3A_1822 = tpu.vector_load %arg10[%get3A_1820, %get3A_1821] {strides = array<i32>} : memref<8x512xi32, #tpu.memory_space<vmem>>, vector<16xi32>,
        %mul3A_1823 = arith.constant 16 : i32
        %mul3A_1824 = arith.muli %add3A_1816, %mul3A_1823 : i32
        %get3A_1825 = arith.constant 1 : i32
        %get3A_1826 = arith.index_cast %get3A_1825 : i32 to index
        %get3A_1827 = arith.index_cast %mul3A_1824 : i32 to index
        %get3A_1828 = tpu.vector_load %arg10[%get3A_1826, %get3A_1827] {strides = array<i32>} : memref<8x512xi32, #tpu.memory_space<vmem>>, vector<16xi32>,
        %add3A_1829 = arith.addi %get3A_1822, %get3A_1828 : vector<16xi32>
        %mul3A_1830 = arith.constant 16 : i32
        %mul3A_1831 = arith.muli %add3A_1816, %mul3A_1830 : i32
        %get3A_1832 = arith.constant 2 : i32
        %get3A_1833 = arith.index_cast %get3A_1832 : i32 to index
        %get3A_1834 = arith.index_cast %mul3A_1831 : i32 to index
        %get3A_1835 = tpu.vector_load %arg10[%get3A_1833, %get3A_1834] {strides = array<i32>} : memref<8x512xi32, #tpu.memory_space<vmem>>, vector<16xi32>,
        %add3A_1836 = arith.addi %add3A_1829, %get3A_1835 : vector<16xi32>
        %mul3A_1837 = arith.constant 16 : i32
        %mul3A_1838 = arith.muli %add3A_1816, %mul3A_1837 : i32
        %get3A_1839 = arith.constant 3 : i32
        %get3A_1840 = arith.index_cast %get3A_1839 : i32 to index
        %get3A_1841 = arith.index_cast %mul3A_1838 : i32 to index
        %get3A_1842 = tpu.vector_load %arg10[%get3A_1840, %get3A_1841] {strides = array<i32>} : memref<8x512xi32, #tpu.memory_space<vmem>>, vector<16xi32>,
        %add3A_1843 = arith.addi %add3A_1836, %get3A_1842 : vector<16xi32>
        %mul3A_1844 = arith.constant 16 : i32
        %mul3A_1845 = arith.muli %add3A_1816, %mul3A_1844 : i32
        %get3A_1846 = arith.constant 4 : i32
        %get3A_1847 = arith.index_cast %get3A_1846 : i32 to index
        %get3A_1848 = arith.index_cast %mul3A_1845 : i32 to index
        %get3A_1849 = tpu.vector_load %arg10[%get3A_1847, %get3A_1848] {strides = array<i32>} : memref<8x512xi32, #tpu.memory_space<vmem>>, vector<16xi32>,
        %add3A_1850 = arith.addi %add3A_1843, %get3A_1849 : vector<16xi32>
        %mul3A_1851 = arith.constant 16 : i32
        %mul3A_1852 = arith.muli %add3A_1816, %mul3A_1851 : i32
        %get3A_1853 = arith.constant 5 : i32
        %get3A_1854 = arith.index_cast %get3A_1853 : i32 to index
        %get3A_1855 = arith.index_cast %mul3A_1852 : i32 to index
        %get3A_1856 = tpu.vector_load %arg10[%get3A_1854, %get3A_1855] {strides = array<i32>} : memref<8x512xi32, #tpu.memory_space<vmem>>, vector<16xi32>,
        %add3A_1857 = arith.addi %add3A_1850, %get3A_1856 : vector<16xi32>
        %mul3A_1858 = arith.constant 16 : i32
        %mul3A_1859 = arith.muli %add3A_1816, %mul3A_1858 : i32
        %get3A_1860 = arith.constant 6 : i32
        %get3A_1861 = arith.index_cast %get3A_1860 : i32 to index
        %get3A_1862 = arith.index_cast %mul3A_1859 : i32 to index
        %get3A_1863 = tpu.vector_load %arg10[%get3A_1861, %get3A_1862] {strides = array<i32>} : memref<8x512xi32, #tpu.memory_space<vmem>>, vector<16xi32>,
        %add3A_1864 = arith.addi %add3A_1857, %get3A_1863 : vector<16xi32>
        %mul3A_1865 = arith.constant 16 : i32
        %mul3A_1866 = arith.muli %add3A_1816, %mul3A_1865 : i32
        %get3A_1867 = arith.constant 7 : i32
        %get3A_1868 = arith.index_cast %get3A_1867 : i32 to index
        %get3A_1869 = arith.index_cast %mul3A_1866 : i32 to index
        %get3A_1870 = tpu.vector_load %arg10[%get3A_1868, %get3A_1869] {strides = array<i32>} : memref<8x512xi32, #tpu.memory_space<vmem>>, vector<16xi32>,
        %add3A_1871 = arith.addi %add3A_1864, %get3A_1870 : vector<16xi32>
        %mul3A_1872 = arith.constant 16 : i32
        %mul3A_1873 = arith.muli %add3A_1816, %mul3A_1872 : i32
        %swap3A_1874 = arith.index_cast %mul3A_1873 : i32 to index
        %swap3A_1875 = tpu.vector_load %arg11[%swap3A_1874] {strides = array<i32>} : memref<512xi32, #tpu.memory_space<vmem>>, vector<16xi32>,
        tpu.vector_store %arg11[%swap3A_1874], %add3A_1871 {strides = array<i32>} : memref<512xi32, #tpu.memory_space<vmem>>, vector<16xi32>,
        %scan3A_1876 = arith.constant 0 : i32
        scf.yield %scan3A_1876 : i32
      }
      %scan3A_76 = arith.constant 8 : i32
      %mul3A_77 = arith.constant 256 : i32
      %mul3A_78 = arith.muli %select_n3A_28, %mul3A_77 : i32
      "tpu.region"() ({
        %run_scoped3A = tpu.sem_alloc : memref<!tpu.dma_semaphore, #tpu.memory_space<semaphore_mem>>
        %dma_start3A = arith.constant 0 : i32
        %dma_start3A_1749 = tpu.memref_slice %arg11[%dma_start3A] : memref<512xi32, #tpu.memory_space<vmem>> -> memref<256xi32, #tpu.memory_space<vmem>>
        %dma_start3A_1750 = tpu.memref_slice %arg13[%select_n3A, %mul3A_78] : memref<2x4096xi32, #tpu.memory_space<vmem_shared>> -> memref<1x256xi32, #tpu.memory_space<vmem_shared>>
        %dma_start3A_1751 = tpu.memref_squeeze %dma_start3A_1750 : memref<1x256xi32, #tpu.memory_space<vmem_shared>> -> memref<256xi32, #tpu.memory_space<vmem_shared>>
        %dma_start3A_1752 = tpu.memref_slice %arg13[%select_n3A, %mul3A_78] : memref<2x4096xi32, #tpu.memory_space<vmem_shared>> -> memref<1x256xi32, #tpu.memory_space<vmem_shared>>
        %dma_start3A_1753 = tpu.memref_squeeze %dma_start3A_1752 : memref<1x256xi32, #tpu.memory_space<vmem_shared>> -> memref<256xi32, #tpu.memory_space<vmem_shared>>
        %dma_start3A_1754 = arith.constant 0 : i32
        %dma_start3A_1755 = tpu.memref_slice %arg11[%dma_start3A_1754] : memref<512xi32, #tpu.memory_space<vmem>> -> memref<256xi32, #tpu.memory_space<vmem>>
        tpu.enqueue_dma source(%dma_start3A_1755 : memref<256xi32, #tpu.memory_space<vmem>>) target(%dma_start3A_1753 : memref<256xi32, #tpu.memory_space<vmem_shared>>) target_semaphore(%run_scoped3A : memref<!tpu.dma_semaphore, #tpu.memory_space<semaphore_mem>>)
        %dma_wait3A = arith.constant 0 : i32
        %dma_wait3A_1756 = tpu.memref_slice %arg11[%dma_wait3A] : memref<512xi32, #tpu.memory_space<vmem>> -> memref<256xi32, #tpu.memory_space<vmem>>
        %dma_wait3A_1757 = tpu.memref_slice %arg13[%select_n3A, %mul3A_78] : memref<2x4096xi32, #tpu.memory_space<vmem_shared>> -> memref<1x256xi32, #tpu.memory_space<vmem_shared>>
        %dma_wait3A_1758 = tpu.memref_squeeze %dma_wait3A_1757 : memref<1x256xi32, #tpu.memory_space<vmem_shared>> -> memref<256xi32, #tpu.memory_space<vmem_shared>>
        %dma_wait3A_1759 = tpu.memref_slice %arg13[%select_n3A, %mul3A_78] : memref<2x4096xi32, #tpu.memory_space<vmem_shared>> -> memref<1x256xi32, #tpu.memory_space<vmem_shared>>
        %dma_wait3A_1760 = tpu.memref_squeeze %dma_wait3A_1759 : memref<1x256xi32, #tpu.memory_space<vmem_shared>> -> memref<256xi32, #tpu.memory_space<vmem_shared>>
        %dma_wait3A_1761 = arith.constant 0 : i32
        %dma_wait3A_1762 = tpu.memref_slice %arg11[%dma_wait3A_1761] : memref<512xi32, #tpu.memory_space<vmem>> -> memref<256xi32, #tpu.memory_space<vmem>>
        tpu.wait_dma2 semaphore(%run_scoped3A : memref<!tpu.dma_semaphore, #tpu.memory_space<semaphore_mem>>) src(%dma_wait3A_1762 : memref<256xi32, #tpu.memory_space<vmem>>) dst(%dma_wait3A_1760 : memref<256xi32, #tpu.memory_space<vmem_shared>>)
        tpu.yield
      }) : () -> ()
      %barrier3A_79 = arith.constant 0 : index
      tpu.barrier barrier_id(%barrier3A_79)
      "tpu.region"() ({
        %run_scoped3A = tpu.sem_alloc : memref<!tpu.dma_semaphore, #tpu.memory_space<semaphore_mem>>
        %dma_start3A = arith.constant 0 : i32
        %dma_start3A_1749 = tpu.memref_slice %arg9[%dma_start3A] : memref<4096xi32, #tpu.memory_space<vmem>> -> memref<2048xi32, #tpu.memory_space<vmem>>
        %dma_start3A_1750 = arith.constant 0 : i32
        %dma_start3A_1751 = tpu.memref_slice %arg13[%select_n3A, %dma_start3A_1750] : memref<2x4096xi32, #tpu.memory_space<vmem_shared>> -> memref<1x2048xi32, #tpu.memory_space<vmem_shared>>
        %dma_start3A_1752 = tpu.memref_squeeze %dma_start3A_1751 : memref<1x2048xi32, #tpu.memory_space<vmem_shared>> -> memref<2048xi32, #tpu.memory_space<vmem_shared>>
        %dma_start3A_1753 = arith.constant 0 : i32
        %dma_start3A_1754 = tpu.memref_slice %arg9[%dma_start3A_1753] : memref<4096xi32, #tpu.memory_space<vmem>> -> memref<2048xi32, #tpu.memory_space<vmem>>
        %dma_start3A_1755 = arith.constant 0 : i32
        %dma_start3A_1756 = tpu.memref_slice %arg13[%select_n3A, %dma_start3A_1755] : memref<2x4096xi32, #tpu.memory_space<vmem_shared>> -> memref<1x2048xi32, #tpu.memory_space<vmem_shared>>
        %dma_start3A_1757 = tpu.memref_squeeze %dma_start3A_1756 : memref<1x2048xi32, #tpu.memory_space<vmem_shared>> -> memref<2048xi32, #tpu.memory_space<vmem_shared>>
        tpu.enqueue_dma source(%dma_start3A_1757 : memref<2048xi32, #tpu.memory_space<vmem_shared>>) target(%dma_start3A_1754 : memref<2048xi32, #tpu.memory_space<vmem>>) target_semaphore(%run_scoped3A : memref<!tpu.dma_semaphore, #tpu.memory_space<semaphore_mem>>)
        %dma_wait3A = arith.constant 0 : i32
        %dma_wait3A_1758 = tpu.memref_slice %arg9[%dma_wait3A] : memref<4096xi32, #tpu.memory_space<vmem>> -> memref<2048xi32, #tpu.memory_space<vmem>>
        %dma_wait3A_1759 = arith.constant 0 : i32
        %dma_wait3A_1760 = tpu.memref_slice %arg13[%select_n3A, %dma_wait3A_1759] : memref<2x4096xi32, #tpu.memory_space<vmem_shared>> -> memref<1x2048xi32, #tpu.memory_space<vmem_shared>>
        %dma_wait3A_1761 = tpu.memref_squeeze %dma_wait3A_1760 : memref<1x2048xi32, #tpu.memory_space<vmem_shared>> -> memref<2048xi32, #tpu.memory_space<vmem_shared>>
        %dma_wait3A_1762 = arith.constant 0 : i32
        %dma_wait3A_1763 = tpu.memref_slice %arg9[%dma_wait3A_1762] : memref<4096xi32, #tpu.memory_space<vmem>> -> memref<2048xi32, #tpu.memory_space<vmem>>
        %dma_wait3A_1764 = arith.constant 0 : i32
        %dma_wait3A_1765 = tpu.memref_slice %arg13[%select_n3A, %dma_wait3A_1764] : memref<2x4096xi32, #tpu.memory_space<vmem_shared>> -> memref<1x2048xi32, #tpu.memory_space<vmem_shared>>
        %dma_wait3A_1766 = tpu.memref_squeeze %dma_wait3A_1765 : memref<1x2048xi32, #tpu.memory_space<vmem_shared>> -> memref<2048xi32, #tpu.memory_space<vmem_shared>>
        tpu.wait_dma2 semaphore(%run_scoped3A : memref<!tpu.dma_semaphore, #tpu.memory_space<semaphore_mem>>) src(%dma_wait3A_1766 : memref<2048xi32, #tpu.memory_space<vmem_shared>>) dst(%dma_wait3A_1763 : memref<2048xi32, #tpu.memory_space<vmem>>)
        tpu.yield
      }) : () -> ()
      %broadcast_in_dim3A_80 = arith.constant 0 : i32
      %broadcast_in_dim3A_81 = vector.broadcast %broadcast_in_dim3A_80 : i32 to vector<16xi32>
      %iota3A = tpu.iota {dimensions = array<i32: 0>} : vector<16xi32>
      %scan3A_82 = arith.constant 0 : i32
      %scan3A_83 = arith.constant 32 : i32
      %scan3A_84 = arith.addi %scan3A_82, %scan3A_83 : i32
      %scan3A_85 = arith.constant 1 : i32
      %scan3A_86 = scf.for %scan3A_1749 = %scan3A_82 to %scan3A_84 step %scan3A_85 iter_args(%scan3A_1750 = %broadcast_in_dim3A_81) -> (vector<16xi32>)  : i32 {
        %mul3A_1751 = arith.constant 4 : i32
        %mul3A_1752 = arith.muli %scan3A_1749, %mul3A_1751 : i32
        %add3A_1753 = arith.constant 0 : i32
        %add3A_1754 = arith.addi %mul3A_1752, %add3A_1753 : i32
        %mul3A_1755 = arith.constant 16 : i32
        %mul3A_1756 = arith.muli %add3A_1754, %mul3A_1755 : i32
        %add3A_1757 = arith.constant 0 : i32
        %add3A_1758 = arith.addi %add3A_1757, %mul3A_1756 : i32
        %get3A_1759 = arith.index_cast %add3A_1758 : i32 to index
        %get3A_1760 = tpu.vector_load %arg9[%get3A_1759] {strides = array<i32>} : memref<4096xi32, #tpu.memory_space<vmem>>, vector<16xi32>,
        %add3A_1761 = arith.addi %scan3A_1750, %get3A_1760 : vector<16xi32>
        %mul3A_1762 = arith.constant 4 : i32
        %mul3A_1763 = arith.muli %scan3A_1749, %mul3A_1762 : i32
        %add3A_1764 = arith.constant 1 : i32
        %add3A_1765 = arith.addi %mul3A_1763, %add3A_1764 : i32
        %mul3A_1766 = arith.constant 16 : i32
        %mul3A_1767 = arith.muli %add3A_1765, %mul3A_1766 : i32
        %add3A_1768 = arith.constant 0 : i32
        %add3A_1769 = arith.addi %add3A_1768, %mul3A_1767 : i32
        %get3A_1770 = arith.index_cast %add3A_1769 : i32 to index
        %get3A_1771 = tpu.vector_load %arg9[%get3A_1770] {strides = array<i32>} : memref<4096xi32, #tpu.memory_space<vmem>>, vector<16xi32>,
        %add3A_1772 = arith.addi %add3A_1761, %get3A_1771 : vector<16xi32>
        %mul3A_1773 = arith.constant 4 : i32
        %mul3A_1774 = arith.muli %scan3A_1749, %mul3A_1773 : i32
        %add3A_1775 = arith.constant 2 : i32
        %add3A_1776 = arith.addi %mul3A_1774, %add3A_1775 : i32
        %mul3A_1777 = arith.constant 16 : i32
        %mul3A_1778 = arith.muli %add3A_1776, %mul3A_1777 : i32
        %add3A_1779 = arith.constant 0 : i32
        %add3A_1780 = arith.addi %add3A_1779, %mul3A_1778 : i32
        %get3A_1781 = arith.index_cast %add3A_1780 : i32 to index
        %get3A_1782 = tpu.vector_load %arg9[%get3A_1781] {strides = array<i32>} : memref<4096xi32, #tpu.memory_space<vmem>>, vector<16xi32>,
        %add3A_1783 = arith.addi %add3A_1772, %get3A_1782 : vector<16xi32>
        %mul3A_1784 = arith.constant 4 : i32
        %mul3A_1785 = arith.muli %scan3A_1749, %mul3A_1784 : i32
        %add3A_1786 = arith.constant 3 : i32
        %add3A_1787 = arith.addi %mul3A_1785, %add3A_1786 : i32
        %mul3A_1788 = arith.constant 16 : i32
        %mul3A_1789 = arith.muli %add3A_1787, %mul3A_1788 : i32
        %add3A_1790 = arith.constant 0 : i32
        %add3A_1791 = arith.addi %add3A_1790, %mul3A_1789 : i32
        %get3A_1792 = arith.index_cast %add3A_1791 : i32 to index
        %get3A_1793 = tpu.vector_load %arg9[%get3A_1792] {strides = array<i32>} : memref<4096xi32, #tpu.memory_space<vmem>>, vector<16xi32>,
        %add3A_1794 = arith.addi %add3A_1783, %get3A_1793 : vector<16xi32>
        scf.yield %add3A_1794 : vector<16xi32>
      }
      %scan3A_87 = arith.constant 32 : i32
      %slice3A_88 = vector.extract_strided_slice %scan3A_86 {offsets = [0], sizes = [1], strides = [1]} : vector<16xi32> to vector<1xi32>
      %squeeze3A_89 = vector.extract %slice3A_88[0] : i32 from vector<1xi32>
      %slice3A_90 = vector.extract_strided_slice %scan3A_86 {offsets = [1], sizes = [1], strides = [1]} : vector<16xi32> to vector<1xi32>
      %squeeze3A_91 = vector.extract %slice3A_90[0] : i32 from vector<1xi32>
      %add3A_92 = arith.addi %squeeze3A_89, %squeeze3A_91 : i32
      %slice3A_93 = vector.extract_strided_slice %scan3A_86 {offsets = [2], sizes = [1], strides = [1]} : vector<16xi32> to vector<1xi32>
      %squeeze3A_94 = vector.extract %slice3A_93[0] : i32 from vector<1xi32>
      %add3A_95 = arith.addi %add3A_92, %squeeze3A_94 : i32
      %slice3A_96 = vector.extract_strided_slice %scan3A_86 {offsets = [3], sizes = [1], strides = [1]} : vector<16xi32> to vector<1xi32>
      %squeeze3A_97 = vector.extract %slice3A_96[0] : i32 from vector<1xi32>
      %add3A_98 = arith.addi %add3A_95, %squeeze3A_97 : i32
      %slice3A_99 = vector.extract_strided_slice %scan3A_86 {offsets = [4], sizes = [1], strides = [1]} : vector<16xi32> to vector<1xi32>
      %squeeze3A_100 = vector.extract %slice3A_99[0] : i32 from vector<1xi32>
      %add3A_101 = arith.addi %add3A_98, %squeeze3A_100 : i32
      %slice3A_102 = vector.extract_strided_slice %scan3A_86 {offsets = [5], sizes = [1], strides = [1]} : vector<16xi32> to vector<1xi32>
      %squeeze3A_103 = vector.extract %slice3A_102[0] : i32 from vector<1xi32>
      %add3A_104 = arith.addi %add3A_101, %squeeze3A_103 : i32
      %slice3A_105 = vector.extract_strided_slice %scan3A_86 {offsets = [6], sizes = [1], strides = [1]} : vector<16xi32> to vector<1xi32>
      %squeeze3A_106 = vector.extract %slice3A_105[0] : i32 from vector<1xi32>
      %add3A_107 = arith.addi %add3A_104, %squeeze3A_106 : i32
      %slice3A_108 = vector.extract_strided_slice %scan3A_86 {offsets = [7], sizes = [1], strides = [1]} : vector<16xi32> to vector<1xi32>
      %squeeze3A_109 = vector.extract %slice3A_108[0] : i32 from vector<1xi32>
      %add3A_110 = arith.addi %add3A_107, %squeeze3A_109 : i32
      %slice3A_111 = vector.extract_strided_slice %scan3A_86 {offsets = [8], sizes = [1], strides = [1]} : vector<16xi32> to vector<1xi32>
      %squeeze3A_112 = vector.extract %slice3A_111[0] : i32 from vector<1xi32>
      %add3A_113 = arith.addi %add3A_110, %squeeze3A_112 : i32
      %slice3A_114 = vector.extract_strided_slice %scan3A_86 {offsets = [9], sizes = [1], strides = [1]} : vector<16xi32> to vector<1xi32>
      %squeeze3A_115 = vector.extract %slice3A_114[0] : i32 from vector<1xi32>
      %add3A_116 = arith.addi %add3A_113, %squeeze3A_115 : i32
      %slice3A_117 = vector.extract_strided_slice %scan3A_86 {offsets = [10], sizes = [1], strides = [1]} : vector<16xi32> to vector<1xi32>
      %squeeze3A_118 = vector.extract %slice3A_117[0] : i32 from vector<1xi32>
      %add3A_119 = arith.addi %add3A_116, %squeeze3A_118 : i32
      %slice3A_120 = vector.extract_strided_slice %scan3A_86 {offsets = [11], sizes = [1], strides = [1]} : vector<16xi32> to vector<1xi32>
      %squeeze3A_121 = vector.extract %slice3A_120[0] : i32 from vector<1xi32>
      %add3A_122 = arith.addi %add3A_119, %squeeze3A_121 : i32
      %slice3A_123 = vector.extract_strided_slice %scan3A_86 {offsets = [12], sizes = [1], strides = [1]} : vector<16xi32> to vector<1xi32>
      %squeeze3A_124 = vector.extract %slice3A_123[0] : i32 from vector<1xi32>
      %add3A_125 = arith.addi %add3A_122, %squeeze3A_124 : i32
      %slice3A_126 = vector.extract_strided_slice %scan3A_86 {offsets = [13], sizes = [1], strides = [1]} : vector<16xi32> to vector<1xi32>
      %squeeze3A_127 = vector.extract %slice3A_126[0] : i32 from vector<1xi32>
      %add3A_128 = arith.addi %add3A_125, %squeeze3A_127 : i32
      %slice3A_129 = vector.extract_strided_slice %scan3A_86 {offsets = [14], sizes = [1], strides = [1]} : vector<16xi32> to vector<1xi32>
      %squeeze3A_130 = vector.extract %slice3A_129[0] : i32 from vector<1xi32>
      %add3A_131 = arith.addi %add3A_128, %squeeze3A_130 : i32
      %slice3A_132 = vector.extract_strided_slice %scan3A_86 {offsets = [15], sizes = [1], strides = [1]} : vector<16xi32> to vector<1xi32>
      %squeeze3A_133 = vector.extract %slice3A_132[0] : i32 from vector<1xi32>
      %add3A_134 = arith.addi %add3A_131, %squeeze3A_133 : i32
      %eq3A_135 = arith.constant 0 : i32
      %eq3A_136 = vector.broadcast %eq3A_135 : i32 to vector<16xi32>
      %eq3A_137 = arith.cmpi eq, %iota3A, %eq3A_136 : vector<16xi32>
      %jit3A_138 = arith.constant 0 : i32
      %broadcast_in_dim3A_139 = vector.broadcast %jit3A_138 : i32 to vector<16xi32>
      %select_n3A_140 = arith.select %eq3A_137, %broadcast_in_dim3A_139, %broadcast_in_dim3A_81 : vector<16xi1>, vector<16xi32>
      %slice3A_141 = vector.extract_strided_slice %scan3A_86 {offsets = [0], sizes = [1], strides = [1]} : vector<16xi32> to vector<1xi32>
      %squeeze3A_142 = vector.extract %slice3A_141[0] : i32 from vector<1xi32>
      %add3A_143 = arith.constant 0 : i32
      %add3A_144 = arith.addi %add3A_143, %squeeze3A_142 : i32
      %eq3A_145 = arith.constant 1 : i32
      %eq3A_146 = vector.broadcast %eq3A_145 : i32 to vector<16xi32>
      %eq3A_147 = arith.cmpi eq, %iota3A, %eq3A_146 : vector<16xi32>
      %broadcast_in_dim3A_148 = vector.broadcast %add3A_144 : i32 to vector<16xi32>
      %select_n3A_149 = arith.select %eq3A_147, %broadcast_in_dim3A_148, %select_n3A_140 : vector<16xi1>, vector<16xi32>
      %slice3A_150 = vector.extract_strided_slice %scan3A_86 {offsets = [1], sizes = [1], strides = [1]} : vector<16xi32> to vector<1xi32>
      %squeeze3A_151 = vector.extract %slice3A_150[0] : i32 from vector<1xi32>
      %add3A_152 = arith.addi %add3A_144, %squeeze3A_151 : i32
      %eq3A_153 = arith.constant 2 : i32
      %eq3A_154 = vector.broadcast %eq3A_153 : i32 to vector<16xi32>
      %eq3A_155 = arith.cmpi eq, %iota3A, %eq3A_154 : vector<16xi32>
      %broadcast_in_dim3A_156 = vector.broadcast %add3A_152 : i32 to vector<16xi32>
      %select_n3A_157 = arith.select %eq3A_155, %broadcast_in_dim3A_156, %select_n3A_149 : vector<16xi1>, vector<16xi32>
      %slice3A_158 = vector.extract_strided_slice %scan3A_86 {offsets = [2], sizes = [1], strides = [1]} : vector<16xi32> to vector<1xi32>
      %squeeze3A_159 = vector.extract %slice3A_158[0] : i32 from vector<1xi32>
      %add3A_160 = arith.addi %add3A_152, %squeeze3A_159 : i32
      %eq3A_161 = arith.constant 3 : i32
      %eq3A_162 = vector.broadcast %eq3A_161 : i32 to vector<16xi32>
      %eq3A_163 = arith.cmpi eq, %iota3A, %eq3A_162 : vector<16xi32>
      %broadcast_in_dim3A_164 = vector.broadcast %add3A_160 : i32 to vector<16xi32>
      %select_n3A_165 = arith.select %eq3A_163, %broadcast_in_dim3A_164, %select_n3A_157 : vector<16xi1>, vector<16xi32>
      %slice3A_166 = vector.extract_strided_slice %scan3A_86 {offsets = [3], sizes = [1], strides = [1]} : vector<16xi32> to vector<1xi32>
      %squeeze3A_167 = vector.extract %slice3A_166[0] : i32 from vector<1xi32>
      %add3A_168 = arith.addi %add3A_160, %squeeze3A_167 : i32
      %eq3A_169 = arith.constant 4 : i32
      %eq3A_170 = vector.broadcast %eq3A_169 : i32 to vector<16xi32>
      %eq3A_171 = arith.cmpi eq, %iota3A, %eq3A_170 : vector<16xi32>
      %broadcast_in_dim3A_172 = vector.broadcast %add3A_168 : i32 to vector<16xi32>
      %select_n3A_173 = arith.select %eq3A_171, %broadcast_in_dim3A_172, %select_n3A_165 : vector<16xi1>, vector<16xi32>
      %slice3A_174 = vector.extract_strided_slice %scan3A_86 {offsets = [4], sizes = [1], strides = [1]} : vector<16xi32> to vector<1xi32>
      %squeeze3A_175 = vector.extract %slice3A_174[0] : i32 from vector<1xi32>
      %add3A_176 = arith.addi %add3A_168, %squeeze3A_175 : i32
      %eq3A_177 = arith.constant 5 : i32
      %eq3A_178 = vector.broadcast %eq3A_177 : i32 to vector<16xi32>
      %eq3A_179 = arith.cmpi eq, %iota3A, %eq3A_178 : vector<16xi32>
      %broadcast_in_dim3A_180 = vector.broadcast %add3A_176 : i32 to vector<16xi32>
      %select_n3A_181 = arith.select %eq3A_179, %broadcast_in_dim3A_180, %select_n3A_173 : vector<16xi1>, vector<16xi32>
      %slice3A_182 = vector.extract_strided_slice %scan3A_86 {offsets = [5], sizes = [1], strides = [1]} : vector<16xi32> to vector<1xi32>
      %squeeze3A_183 = vector.extract %slice3A_182[0] : i32 from vector<1xi32>
      %add3A_184 = arith.addi %add3A_176, %squeeze3A_183 : i32
      %eq3A_185 = arith.constant 6 : i32
      %eq3A_186 = vector.broadcast %eq3A_185 : i32 to vector<16xi32>
      %eq3A_187 = arith.cmpi eq, %iota3A, %eq3A_186 : vector<16xi32>
      %broadcast_in_dim3A_188 = vector.broadcast %add3A_184 : i32 to vector<16xi32>
      %select_n3A_189 = arith.select %eq3A_187, %broadcast_in_dim3A_188, %select_n3A_181 : vector<16xi1>, vector<16xi32>
      %slice3A_190 = vector.extract_strided_slice %scan3A_86 {offsets = [6], sizes = [1], strides = [1]} : vector<16xi32> to vector<1xi32>
      %squeeze3A_191 = vector.extract %slice3A_190[0] : i32 from vector<1xi32>
      %add3A_192 = arith.addi %add3A_184, %squeeze3A_191 : i32
      %eq3A_193 = arith.constant 7 : i32
      %eq3A_194 = vector.broadcast %eq3A_193 : i32 to vector<16xi32>
      %eq3A_195 = arith.cmpi eq, %iota3A, %eq3A_194 : vector<16xi32>
      %broadcast_in_dim3A_196 = vector.broadcast %add3A_192 : i32 to vector<16xi32>
      %select_n3A_197 = arith.select %eq3A_195, %broadcast_in_dim3A_196, %select_n3A_189 : vector<16xi1>, vector<16xi32>
      %slice3A_198 = vector.extract_strided_slice %scan3A_86 {offsets = [7], sizes = [1], strides = [1]} : vector<16xi32> to vector<1xi32>
      %squeeze3A_199 = vector.extract %slice3A_198[0] : i32 from vector<1xi32>
      %add3A_200 = arith.addi %add3A_192, %squeeze3A_199 : i32
      %eq3A_201 = arith.constant 8 : i32
      %eq3A_202 = vector.broadcast %eq3A_201 : i32 to vector<16xi32>
      %eq3A_203 = arith.cmpi eq, %iota3A, %eq3A_202 : vector<16xi32>
      %broadcast_in_dim3A_204 = vector.broadcast %add3A_200 : i32 to vector<16xi32>
      %select_n3A_205 = arith.select %eq3A_203, %broadcast_in_dim3A_204, %select_n3A_197 : vector<16xi1>, vector<16xi32>
      %slice3A_206 = vector.extract_strided_slice %scan3A_86 {offsets = [8], sizes = [1], strides = [1]} : vector<16xi32> to vector<1xi32>
      %squeeze3A_207 = vector.extract %slice3A_206[0] : i32 from vector<1xi32>
      %add3A_208 = arith.addi %add3A_200, %squeeze3A_207 : i32
      %eq3A_209 = arith.constant 9 : i32
      %eq3A_210 = vector.broadcast %eq3A_209 : i32 to vector<16xi32>
      %eq3A_211 = arith.cmpi eq, %iota3A, %eq3A_210 : vector<16xi32>
      %broadcast_in_dim3A_212 = vector.broadcast %add3A_208 : i32 to vector<16xi32>
      %select_n3A_213 = arith.select %eq3A_211, %broadcast_in_dim3A_212, %select_n3A_205 : vector<16xi1>, vector<16xi32>
      %slice3A_214 = vector.extract_strided_slice %scan3A_86 {offsets = [9], sizes = [1], strides = [1]} : vector<16xi32> to vector<1xi32>
      %squeeze3A_215 = vector.extract %slice3A_214[0] : i32 from vector<1xi32>
      %add3A_216 = arith.addi %add3A_208, %squeeze3A_215 : i32
      %eq3A_217 = arith.constant 10 : i32
      %eq3A_218 = vector.broadcast %eq3A_217 : i32 to vector<16xi32>
      %eq3A_219 = arith.cmpi eq, %iota3A, %eq3A_218 : vector<16xi32>
      %broadcast_in_dim3A_220 = vector.broadcast %add3A_216 : i32 to vector<16xi32>
      %select_n3A_221 = arith.select %eq3A_219, %broadcast_in_dim3A_220, %select_n3A_213 : vector<16xi1>, vector<16xi32>
      %slice3A_222 = vector.extract_strided_slice %scan3A_86 {offsets = [10], sizes = [1], strides = [1]} : vector<16xi32> to vector<1xi32>
      %squeeze3A_223 = vector.extract %slice3A_222[0] : i32 from vector<1xi32>
      %add3A_224 = arith.addi %add3A_216, %squeeze3A_223 : i32
      %eq3A_225 = arith.constant 11 : i32
      %eq3A_226 = vector.broadcast %eq3A_225 : i32 to vector<16xi32>
      %eq3A_227 = arith.cmpi eq, %iota3A, %eq3A_226 : vector<16xi32>
      %broadcast_in_dim3A_228 = vector.broadcast %add3A_224 : i32 to vector<16xi32>
      %select_n3A_229 = arith.select %eq3A_227, %broadcast_in_dim3A_228, %select_n3A_221 : vector<16xi1>, vector<16xi32>
      %slice3A_230 = vector.extract_strided_slice %scan3A_86 {offsets = [11], sizes = [1], strides = [1]} : vector<16xi32> to vector<1xi32>
      %squeeze3A_231 = vector.extract %slice3A_230[0] : i32 from vector<1xi32>
      %add3A_232 = arith.addi %add3A_224, %squeeze3A_231 : i32
      %eq3A_233 = arith.constant 12 : i32
      %eq3A_234 = vector.broadcast %eq3A_233 : i32 to vector<16xi32>
      %eq3A_235 = arith.cmpi eq, %iota3A, %eq3A_234 : vector<16xi32>
      %broadcast_in_dim3A_236 = vector.broadcast %add3A_232 : i32 to vector<16xi32>
      %select_n3A_237 = arith.select %eq3A_235, %broadcast_in_dim3A_236, %select_n3A_229 : vector<16xi1>, vector<16xi32>
      %slice3A_238 = vector.extract_strided_slice %scan3A_86 {offsets = [12], sizes = [1], strides = [1]} : vector<16xi32> to vector<1xi32>
      %squeeze3A_239 = vector.extract %slice3A_238[0] : i32 from vector<1xi32>
      %add3A_240 = arith.addi %add3A_232, %squeeze3A_239 : i32
      %eq3A_241 = arith.constant 13 : i32
      %eq3A_242 = vector.broadcast %eq3A_241 : i32 to vector<16xi32>
      %eq3A_243 = arith.cmpi eq, %iota3A, %eq3A_242 : vector<16xi32>
      %broadcast_in_dim3A_244 = vector.broadcast %add3A_240 : i32 to vector<16xi32>
      %select_n3A_245 = arith.select %eq3A_243, %broadcast_in_dim3A_244, %select_n3A_237 : vector<16xi1>, vector<16xi32>
      %slice3A_246 = vector.extract_strided_slice %scan3A_86 {offsets = [13], sizes = [1], strides = [1]} : vector<16xi32> to vector<1xi32>
      %squeeze3A_247 = vector.extract %slice3A_246[0] : i32 from vector<1xi32>
      %add3A_248 = arith.addi %add3A_240, %squeeze3A_247 : i32
      %eq3A_249 = arith.constant 14 : i32
      %eq3A_250 = vector.broadcast %eq3A_249 : i32 to vector<16xi32>
      %eq3A_251 = arith.cmpi eq, %iota3A, %eq3A_250 : vector<16xi32>
      %broadcast_in_dim3A_252 = vector.broadcast %add3A_248 : i32 to vector<16xi32>
      %select_n3A_253 = arith.select %eq3A_251, %broadcast_in_dim3A_252, %select_n3A_245 : vector<16xi1>, vector<16xi32>
      %slice3A_254 = vector.extract_strided_slice %scan3A_86 {offsets = [14], sizes = [1], strides = [1]} : vector<16xi32> to vector<1xi32>
      %squeeze3A_255 = vector.extract %slice3A_254[0] : i32 from vector<1xi32>
      %add3A_256 = arith.addi %add3A_248, %squeeze3A_255 : i32
      %eq3A_257 = arith.constant 15 : i32
      %eq3A_258 = vector.broadcast %eq3A_257 : i32 to vector<16xi32>
      %eq3A_259 = arith.cmpi eq, %iota3A, %eq3A_258 : vector<16xi32>
      %broadcast_in_dim3A_260 = vector.broadcast %add3A_256 : i32 to vector<16xi32>
      %select_n3A_261 = arith.select %eq3A_259, %broadcast_in_dim3A_260, %select_n3A_253 : vector<16xi1>, vector<16xi32>
      %slice3A_262 = vector.extract_strided_slice %scan3A_86 {offsets = [15], sizes = [1], strides = [1]} : vector<16xi32> to vector<1xi32>
      %squeeze3A_263 = vector.extract %slice3A_262[0] : i32 from vector<1xi32>
      %add3A_264 = arith.addi %add3A_256, %squeeze3A_263 : i32
      %broadcast_in_dim3A_265 = arith.constant 0 : i32
      %broadcast_in_dim3A_266 = vector.broadcast %broadcast_in_dim3A_265 : i32 to vector<16xi32>
      %sub3A_267 = arith.constant 2000 : i32
      %sub3A_268 = arith.subi %add3A_134, %sub3A_267 : i32
      %scan3A_269 = arith.constant 0 : i32
      %scan3A_270 = arith.constant 64 : i32
      %scan3A_271 = arith.addi %scan3A_269, %scan3A_270 : i32
      %scan3A_272 = arith.constant 1 : i32
      %scan3A_273:3 = scf.for %scan3A_1749 = %scan3A_269 to %scan3A_271 step %scan3A_272 iter_args(%scan3A_1750 = %broadcast_in_dim3A_266, %scan3A_1751 = %broadcast_in_dim3A_266, %scan3A_1752 = %broadcast_in_dim3A_266) -> (vector<16xi32>, vector<16xi32>, vector<16xi32>)  : i32 {
        %mul3A_1753 = arith.constant 2 : i32
        %mul3A_1754 = arith.muli %scan3A_1749, %mul3A_1753 : i32
        %add3A_1755 = arith.constant 0 : i32
        %add3A_1756 = arith.addi %mul3A_1754, %add3A_1755 : i32
        %mul3A_1757 = arith.constant 16 : i32
        %mul3A_1758 = arith.muli %add3A_1756, %mul3A_1757 : i32
        %add3A_1759 = arith.constant 0 : i32
        %add3A_1760 = arith.addi %add3A_1759, %mul3A_1758 : i32
        %get3A_1761 = arith.index_cast %add3A_1760 : i32 to index
        %get3A_1762 = tpu.vector_load %arg9[%get3A_1761] {strides = array<i32>} : memref<4096xi32, #tpu.memory_space<vmem>>, vector<16xi32>,
        %add3A_1763 = arith.addi %select_n3A_261, %scan3A_1750 : vector<16xi32>
        %le3A = vector.broadcast %sub3A_268 : i32 to vector<16xi32>
        %le3A_1764 = arith.cmpi sle, %add3A_1763, %le3A : vector<16xi32>
        %jit3A_1765 = arith.constant 1 : i32
        %jit3A_1766 = arith.constant 0 : i32
        %broadcast_in_dim3A_1767 = vector.broadcast %jit3A_1765 : i32 to vector<16xi32>
        %broadcast_in_dim3A_1768 = vector.broadcast %jit3A_1766 : i32 to vector<16xi32>
        %select_n3A_1769 = arith.select %le3A_1764, %broadcast_in_dim3A_1767, %broadcast_in_dim3A_1768 : vector<16xi1>, vector<16xi32>
        %add3A_1770 = arith.addi %scan3A_1751, %select_n3A_1769 : vector<16xi32>
        %jit3A_1771 = arith.constant 0 : i32
        %broadcast_in_dim3A_1772 = vector.broadcast %jit3A_1771 : i32 to vector<16xi32>
        %select_n3A_1773 = arith.select %le3A_1764, %get3A_1762, %broadcast_in_dim3A_1772 : vector<16xi1>, vector<16xi32>
        %add3A_1774 = arith.addi %scan3A_1752, %select_n3A_1773 : vector<16xi32>
        %add3A_1775 = arith.addi %scan3A_1750, %get3A_1762 : vector<16xi32>
        %mul3A_1776 = arith.constant 2 : i32
        %mul3A_1777 = arith.muli %scan3A_1749, %mul3A_1776 : i32
        %add3A_1778 = arith.constant 1 : i32
        %add3A_1779 = arith.addi %mul3A_1777, %add3A_1778 : i32
        %mul3A_1780 = arith.constant 16 : i32
        %mul3A_1781 = arith.muli %add3A_1779, %mul3A_1780 : i32
        %add3A_1782 = arith.constant 0 : i32
        %add3A_1783 = arith.addi %add3A_1782, %mul3A_1781 : i32
        %get3A_1784 = arith.index_cast %add3A_1783 : i32 to index
        %get3A_1785 = tpu.vector_load %arg9[%get3A_1784] {strides = array<i32>} : memref<4096xi32, #tpu.memory_space<vmem>>, vector<16xi32>,
        %add3A_1786 = arith.addi %select_n3A_261, %add3A_1775 : vector<16xi32>
        %le3A_1787 = vector.broadcast %sub3A_268 : i32 to vector<16xi32>
        %le3A_1788 = arith.cmpi sle, %add3A_1786, %le3A_1787 : vector<16xi32>
        %jit3A_1789 = arith.constant 1 : i32
        %jit3A_1790 = arith.constant 0 : i32
        %broadcast_in_dim3A_1791 = vector.broadcast %jit3A_1789 : i32 to vector<16xi32>
        %broadcast_in_dim3A_1792 = vector.broadcast %jit3A_1790 : i32 to vector<16xi32>
        %select_n3A_1793 = arith.select %le3A_1788, %broadcast_in_dim3A_1791, %broadcast_in_dim3A_1792 : vector<16xi1>, vector<16xi32>
        %add3A_1794 = arith.addi %add3A_1770, %select_n3A_1793 : vector<16xi32>
        %jit3A_1795 = arith.constant 0 : i32
        %broadcast_in_dim3A_1796 = vector.broadcast %jit3A_1795 : i32 to vector<16xi32>
        %select_n3A_1797 = arith.select %le3A_1788, %get3A_1785, %broadcast_in_dim3A_1796 : vector<16xi1>, vector<16xi32>
        %add3A_1798 = arith.addi %add3A_1774, %select_n3A_1797 : vector<16xi32>
        %add3A_1799 = arith.addi %add3A_1775, %get3A_1785 : vector<16xi32>
        scf.yield %add3A_1799, %add3A_1794, %add3A_1798 : vector<16xi32>, vector<16xi32>, vector<16xi32>
      }
      %scan3A_274 = arith.constant 64 : i32
      %slice3A_275 = vector.extract_strided_slice %scan3A_273#1 {offsets = [0], sizes = [1], strides = [1]} : vector<16xi32> to vector<1xi32>
      %squeeze3A_276 = vector.extract %slice3A_275[0] : i32 from vector<1xi32>
      %slice3A_277 = vector.extract_strided_slice %scan3A_273#1 {offsets = [1], sizes = [1], strides = [1]} : vector<16xi32> to vector<1xi32>
      %squeeze3A_278 = vector.extract %slice3A_277[0] : i32 from vector<1xi32>
      %add3A_279 = arith.addi %squeeze3A_276, %squeeze3A_278 : i32
      %slice3A_280 = vector.extract_strided_slice %scan3A_273#1 {offsets = [2], sizes = [1], strides = [1]} : vector<16xi32> to vector<1xi32>
      %squeeze3A_281 = vector.extract %slice3A_280[0] : i32 from vector<1xi32>
      %add3A_282 = arith.addi %add3A_279, %squeeze3A_281 : i32
      %slice3A_283 = vector.extract_strided_slice %scan3A_273#1 {offsets = [3], sizes = [1], strides = [1]} : vector<16xi32> to vector<1xi32>
      %squeeze3A_284 = vector.extract %slice3A_283[0] : i32 from vector<1xi32>
      %add3A_285 = arith.addi %add3A_282, %squeeze3A_284 : i32
      %slice3A_286 = vector.extract_strided_slice %scan3A_273#1 {offsets = [4], sizes = [1], strides = [1]} : vector<16xi32> to vector<1xi32>
      %squeeze3A_287 = vector.extract %slice3A_286[0] : i32 from vector<1xi32>
      %add3A_288 = arith.addi %add3A_285, %squeeze3A_287 : i32
      %slice3A_289 = vector.extract_strided_slice %scan3A_273#1 {offsets = [5], sizes = [1], strides = [1]} : vector<16xi32> to vector<1xi32>
      %squeeze3A_290 = vector.extract %slice3A_289[0] : i32 from vector<1xi32>
      %add3A_291 = arith.addi %add3A_288, %squeeze3A_290 : i32
      %slice3A_292 = vector.extract_strided_slice %scan3A_273#1 {offsets = [6], sizes = [1], strides = [1]} : vector<16xi32> to vector<1xi32>
      %squeeze3A_293 = vector.extract %slice3A_292[0] : i32 from vector<1xi32>
      %add3A_294 = arith.addi %add3A_291, %squeeze3A_293 : i32
      %slice3A_295 = vector.extract_strided_slice %scan3A_273#1 {offsets = [7], sizes = [1], strides = [1]} : vector<16xi32> to vector<1xi32>
      %squeeze3A_296 = vector.extract %slice3A_295[0] : i32 from vector<1xi32>
      %add3A_297 = arith.addi %add3A_294, %squeeze3A_296 : i32
      %slice3A_298 = vector.extract_strided_slice %scan3A_273#1 {offsets = [8], sizes = [1], strides = [1]} : vector<16xi32> to vector<1xi32>
      %squeeze3A_299 = vector.extract %slice3A_298[0] : i32 from vector<1xi32>
      %add3A_300 = arith.addi %add3A_297, %squeeze3A_299 : i32
      %slice3A_301 = vector.extract_strided_slice %scan3A_273#1 {offsets = [9], sizes = [1], strides = [1]} : vector<16xi32> to vector<1xi32>
      %squeeze3A_302 = vector.extract %slice3A_301[0] : i32 from vector<1xi32>
      %add3A_303 = arith.addi %add3A_300, %squeeze3A_302 : i32
      %slice3A_304 = vector.extract_strided_slice %scan3A_273#1 {offsets = [10], sizes = [1], strides = [1]} : vector<16xi32> to vector<1xi32>
      %squeeze3A_305 = vector.extract %slice3A_304[0] : i32 from vector<1xi32>
      %add3A_306 = arith.addi %add3A_303, %squeeze3A_305 : i32
      %slice3A_307 = vector.extract_strided_slice %scan3A_273#1 {offsets = [11], sizes = [1], strides = [1]} : vector<16xi32> to vector<1xi32>
      %squeeze3A_308 = vector.extract %slice3A_307[0] : i32 from vector<1xi32>
      %add3A_309 = arith.addi %add3A_306, %squeeze3A_308 : i32
      %slice3A_310 = vector.extract_strided_slice %scan3A_273#1 {offsets = [12], sizes = [1], strides = [1]} : vector<16xi32> to vector<1xi32>
      %squeeze3A_311 = vector.extract %slice3A_310[0] : i32 from vector<1xi32>
      %add3A_312 = arith.addi %add3A_309, %squeeze3A_311 : i32
      %slice3A_313 = vector.extract_strided_slice %scan3A_273#1 {offsets = [13], sizes = [1], strides = [1]} : vector<16xi32> to vector<1xi32>
      %squeeze3A_314 = vector.extract %slice3A_313[0] : i32 from vector<1xi32>
      %add3A_315 = arith.addi %add3A_312, %squeeze3A_314 : i32
      %slice3A_316 = vector.extract_strided_slice %scan3A_273#1 {offsets = [14], sizes = [1], strides = [1]} : vector<16xi32> to vector<1xi32>
      %squeeze3A_317 = vector.extract %slice3A_316[0] : i32 from vector<1xi32>
      %add3A_318 = arith.addi %add3A_315, %squeeze3A_317 : i32
      %slice3A_319 = vector.extract_strided_slice %scan3A_273#1 {offsets = [15], sizes = [1], strides = [1]} : vector<16xi32> to vector<1xi32>
      %squeeze3A_320 = vector.extract %slice3A_319[0] : i32 from vector<1xi32>
      %add3A_321 = arith.addi %add3A_318, %squeeze3A_320 : i32
      %sub3A_322 = arith.constant 1 : i32
      %sub3A_323 = arith.subi %add3A_321, %sub3A_322 : i32
      %slice3A_324 = vector.extract_strided_slice %scan3A_273#2 {offsets = [0], sizes = [1], strides = [1]} : vector<16xi32> to vector<1xi32>
      %squeeze3A_325 = vector.extract %slice3A_324[0] : i32 from vector<1xi32>
      %slice3A_326 = vector.extract_strided_slice %scan3A_273#2 {offsets = [1], sizes = [1], strides = [1]} : vector<16xi32> to vector<1xi32>
      %squeeze3A_327 = vector.extract %slice3A_326[0] : i32 from vector<1xi32>
      %add3A_328 = arith.addi %squeeze3A_325, %squeeze3A_327 : i32
      %slice3A_329 = vector.extract_strided_slice %scan3A_273#2 {offsets = [2], sizes = [1], strides = [1]} : vector<16xi32> to vector<1xi32>
      %squeeze3A_330 = vector.extract %slice3A_329[0] : i32 from vector<1xi32>
      %add3A_331 = arith.addi %add3A_328, %squeeze3A_330 : i32
      %slice3A_332 = vector.extract_strided_slice %scan3A_273#2 {offsets = [3], sizes = [1], strides = [1]} : vector<16xi32> to vector<1xi32>
      %squeeze3A_333 = vector.extract %slice3A_332[0] : i32 from vector<1xi32>
      %add3A_334 = arith.addi %add3A_331, %squeeze3A_333 : i32
      %slice3A_335 = vector.extract_strided_slice %scan3A_273#2 {offsets = [4], sizes = [1], strides = [1]} : vector<16xi32> to vector<1xi32>
      %squeeze3A_336 = vector.extract %slice3A_335[0] : i32 from vector<1xi32>
      %add3A_337 = arith.addi %add3A_334, %squeeze3A_336 : i32
      %slice3A_338 = vector.extract_strided_slice %scan3A_273#2 {offsets = [5], sizes = [1], strides = [1]} : vector<16xi32> to vector<1xi32>
      %squeeze3A_339 = vector.extract %slice3A_338[0] : i32 from vector<1xi32>
      %add3A_340 = arith.addi %add3A_337, %squeeze3A_339 : i32
      %slice3A_341 = vector.extract_strided_slice %scan3A_273#2 {offsets = [6], sizes = [1], strides = [1]} : vector<16xi32> to vector<1xi32>
      %squeeze3A_342 = vector.extract %slice3A_341[0] : i32 from vector<1xi32>
      %add3A_343 = arith.addi %add3A_340, %squeeze3A_342 : i32
      %slice3A_344 = vector.extract_strided_slice %scan3A_273#2 {offsets = [7], sizes = [1], strides = [1]} : vector<16xi32> to vector<1xi32>
      %squeeze3A_345 = vector.extract %slice3A_344[0] : i32 from vector<1xi32>
      %add3A_346 = arith.addi %add3A_343, %squeeze3A_345 : i32
      %slice3A_347 = vector.extract_strided_slice %scan3A_273#2 {offsets = [8], sizes = [1], strides = [1]} : vector<16xi32> to vector<1xi32>
      %squeeze3A_348 = vector.extract %slice3A_347[0] : i32 from vector<1xi32>
      %add3A_349 = arith.addi %add3A_346, %squeeze3A_348 : i32
      %slice3A_350 = vector.extract_strided_slice %scan3A_273#2 {offsets = [9], sizes = [1], strides = [1]} : vector<16xi32> to vector<1xi32>
      %squeeze3A_351 = vector.extract %slice3A_350[0] : i32 from vector<1xi32>
      %add3A_352 = arith.addi %add3A_349, %squeeze3A_351 : i32
      %slice3A_353 = vector.extract_strided_slice %scan3A_273#2 {offsets = [10], sizes = [1], strides = [1]} : vector<16xi32> to vector<1xi32>
      %squeeze3A_354 = vector.extract %slice3A_353[0] : i32 from vector<1xi32>
      %add3A_355 = arith.addi %add3A_352, %squeeze3A_354 : i32
      %slice3A_356 = vector.extract_strided_slice %scan3A_273#2 {offsets = [11], sizes = [1], strides = [1]} : vector<16xi32> to vector<1xi32>
      %squeeze3A_357 = vector.extract %slice3A_356[0] : i32 from vector<1xi32>
      %add3A_358 = arith.addi %add3A_355, %squeeze3A_357 : i32
      %slice3A_359 = vector.extract_strided_slice %scan3A_273#2 {offsets = [12], sizes = [1], strides = [1]} : vector<16xi32> to vector<1xi32>
      %squeeze3A_360 = vector.extract %slice3A_359[0] : i32 from vector<1xi32>
      %add3A_361 = arith.addi %add3A_358, %squeeze3A_360 : i32
      %slice3A_362 = vector.extract_strided_slice %scan3A_273#2 {offsets = [13], sizes = [1], strides = [1]} : vector<16xi32> to vector<1xi32>
      %squeeze3A_363 = vector.extract %slice3A_362[0] : i32 from vector<1xi32>
      %add3A_364 = arith.addi %add3A_361, %squeeze3A_363 : i32
      %slice3A_365 = vector.extract_strided_slice %scan3A_273#2 {offsets = [14], sizes = [1], strides = [1]} : vector<16xi32> to vector<1xi32>
      %squeeze3A_366 = vector.extract %slice3A_365[0] : i32 from vector<1xi32>
      %add3A_367 = arith.addi %add3A_364, %squeeze3A_366 : i32
      %slice3A_368 = vector.extract_strided_slice %scan3A_273#2 {offsets = [15], sizes = [1], strides = [1]} : vector<16xi32> to vector<1xi32>
      %squeeze3A_369 = vector.extract %slice3A_368[0] : i32 from vector<1xi32>
      %add3A_370 = arith.addi %add3A_367, %squeeze3A_369 : i32
      %sub3A_371 = arith.subi %add3A_134, %add3A_370 : i32
      %broadcast_in_dim3A_372 = arith.constant 0 : i32
      %broadcast_in_dim3A_373 = vector.broadcast %broadcast_in_dim3A_372 : i32 to vector<16xi32>
      %sub3A_374 = arith.subi %add3A_134, %squeeze3A : i32
      %scan3A_375 = arith.constant 0 : i32
      %scan3A_376 = arith.constant 64 : i32
      %scan3A_377 = arith.addi %scan3A_375, %scan3A_376 : i32
      %scan3A_378 = arith.constant 1 : i32
      %scan3A_379:3 = scf.for %scan3A_1749 = %scan3A_375 to %scan3A_377 step %scan3A_378 iter_args(%scan3A_1750 = %broadcast_in_dim3A_373, %scan3A_1751 = %broadcast_in_dim3A_373, %scan3A_1752 = %broadcast_in_dim3A_373) -> (vector<16xi32>, vector<16xi32>, vector<16xi32>)  : i32 {
        %mul3A_1753 = arith.constant 2 : i32
        %mul3A_1754 = arith.muli %scan3A_1749, %mul3A_1753 : i32
        %add3A_1755 = arith.constant 0 : i32
        %add3A_1756 = arith.addi %mul3A_1754, %add3A_1755 : i32
        %mul3A_1757 = arith.constant 16 : i32
        %mul3A_1758 = arith.muli %add3A_1756, %mul3A_1757 : i32
        %add3A_1759 = arith.constant 0 : i32
        %add3A_1760 = arith.addi %add3A_1759, %mul3A_1758 : i32
        %get3A_1761 = arith.index_cast %add3A_1760 : i32 to index
        %get3A_1762 = tpu.vector_load %arg9[%get3A_1761] {strides = array<i32>} : memref<4096xi32, #tpu.memory_space<vmem>>, vector<16xi32>,
        %add3A_1763 = arith.addi %select_n3A_261, %scan3A_1750 : vector<16xi32>
        %le3A = vector.broadcast %sub3A_374 : i32 to vector<16xi32>
        %le3A_1764 = arith.cmpi sle, %add3A_1763, %le3A : vector<16xi32>
        %jit3A_1765 = arith.constant 1 : i32
        %jit3A_1766 = arith.constant 0 : i32
        %broadcast_in_dim3A_1767 = vector.broadcast %jit3A_1765 : i32 to vector<16xi32>
        %broadcast_in_dim3A_1768 = vector.broadcast %jit3A_1766 : i32 to vector<16xi32>
        %select_n3A_1769 = arith.select %le3A_1764, %broadcast_in_dim3A_1767, %broadcast_in_dim3A_1768 : vector<16xi1>, vector<16xi32>
        %add3A_1770 = arith.addi %scan3A_1751, %select_n3A_1769 : vector<16xi32>
        %jit3A_1771 = arith.constant 0 : i32
        %broadcast_in_dim3A_1772 = vector.broadcast %jit3A_1771 : i32 to vector<16xi32>
        %select_n3A_1773 = arith.select %le3A_1764, %get3A_1762, %broadcast_in_dim3A_1772 : vector<16xi1>, vector<16xi32>
        %add3A_1774 = arith.addi %scan3A_1752, %select_n3A_1773 : vector<16xi32>
        %add3A_1775 = arith.addi %scan3A_1750, %get3A_1762 : vector<16xi32>
        %mul3A_1776 = arith.constant 2 : i32
        %mul3A_1777 = arith.muli %scan3A_1749, %mul3A_1776 : i32
        %add3A_1778 = arith.constant 1 : i32
        %add3A_1779 = arith.addi %mul3A_1777, %add3A_1778 : i32
        %mul3A_1780 = arith.constant 16 : i32
        %mul3A_1781 = arith.muli %add3A_1779, %mul3A_1780 : i32
        %add3A_1782 = arith.constant 0 : i32
        %add3A_1783 = arith.addi %add3A_1782, %mul3A_1781 : i32
        %get3A_1784 = arith.index_cast %add3A_1783 : i32 to index
        %get3A_1785 = tpu.vector_load %arg9[%get3A_1784] {strides = array<i32>} : memref<4096xi32, #tpu.memory_space<vmem>>, vector<16xi32>,
        %add3A_1786 = arith.addi %select_n3A_261, %add3A_1775 : vector<16xi32>
        %le3A_1787 = vector.broadcast %sub3A_374 : i32 to vector<16xi32>
        %le3A_1788 = arith.cmpi sle, %add3A_1786, %le3A_1787 : vector<16xi32>
        %jit3A_1789 = arith.constant 1 : i32
        %jit3A_1790 = arith.constant 0 : i32
        %broadcast_in_dim3A_1791 = vector.broadcast %jit3A_1789 : i32 to vector<16xi32>
        %broadcast_in_dim3A_1792 = vector.broadcast %jit3A_1790 : i32 to vector<16xi32>
        %select_n3A_1793 = arith.select %le3A_1788, %broadcast_in_dim3A_1791, %broadcast_in_dim3A_1792 : vector<16xi1>, vector<16xi32>
        %add3A_1794 = arith.addi %add3A_1770, %select_n3A_1793 : vector<16xi32>
        %jit3A_1795 = arith.constant 0 : i32
        %broadcast_in_dim3A_1796 = vector.broadcast %jit3A_1795 : i32 to vector<16xi32>
        %select_n3A_1797 = arith.select %le3A_1788, %get3A_1785, %broadcast_in_dim3A_1796 : vector<16xi1>, vector<16xi32>
        %add3A_1798 = arith.addi %add3A_1774, %select_n3A_1797 : vector<16xi32>
        %add3A_1799 = arith.addi %add3A_1775, %get3A_1785 : vector<16xi32>
        scf.yield %add3A_1799, %add3A_1794, %add3A_1798 : vector<16xi32>, vector<16xi32>, vector<16xi32>
      }
      %scan3A_380 = arith.constant 64 : i32
      %slice3A_381 = vector.extract_strided_slice %scan3A_379#1 {offsets = [0], sizes = [1], strides = [1]} : vector<16xi32> to vector<1xi32>
      %squeeze3A_382 = vector.extract %slice3A_381[0] : i32 from vector<1xi32>
      %slice3A_383 = vector.extract_strided_slice %scan3A_379#1 {offsets = [1], sizes = [1], strides = [1]} : vector<16xi32> to vector<1xi32>
      %squeeze3A_384 = vector.extract %slice3A_383[0] : i32 from vector<1xi32>
      %add3A_385 = arith.addi %squeeze3A_382, %squeeze3A_384 : i32
      %slice3A_386 = vector.extract_strided_slice %scan3A_379#1 {offsets = [2], sizes = [1], strides = [1]} : vector<16xi32> to vector<1xi32>
      %squeeze3A_387 = vector.extract %slice3A_386[0] : i32 from vector<1xi32>
      %add3A_388 = arith.addi %add3A_385, %squeeze3A_387 : i32
      %slice3A_389 = vector.extract_strided_slice %scan3A_379#1 {offsets = [3], sizes = [1], strides = [1]} : vector<16xi32> to vector<1xi32>
      %squeeze3A_390 = vector.extract %slice3A_389[0] : i32 from vector<1xi32>
      %add3A_391 = arith.addi %add3A_388, %squeeze3A_390 : i32
      %slice3A_392 = vector.extract_strided_slice %scan3A_379#1 {offsets = [4], sizes = [1], strides = [1]} : vector<16xi32> to vector<1xi32>
      %squeeze3A_393 = vector.extract %slice3A_392[0] : i32 from vector<1xi32>
      %add3A_394 = arith.addi %add3A_391, %squeeze3A_393 : i32
      %slice3A_395 = vector.extract_strided_slice %scan3A_379#1 {offsets = [5], sizes = [1], strides = [1]} : vector<16xi32> to vector<1xi32>
      %squeeze3A_396 = vector.extract %slice3A_395[0] : i32 from vector<1xi32>
      %add3A_397 = arith.addi %add3A_394, %squeeze3A_396 : i32
      %slice3A_398 = vector.extract_strided_slice %scan3A_379#1 {offsets = [6], sizes = [1], strides = [1]} : vector<16xi32> to vector<1xi32>
      %squeeze3A_399 = vector.extract %slice3A_398[0] : i32 from vector<1xi32>
      %add3A_400 = arith.addi %add3A_397, %squeeze3A_399 : i32
      %slice3A_401 = vector.extract_strided_slice %scan3A_379#1 {offsets = [7], sizes = [1], strides = [1]} : vector<16xi32> to vector<1xi32>
      %squeeze3A_402 = vector.extract %slice3A_401[0] : i32 from vector<1xi32>
      %add3A_403 = arith.addi %add3A_400, %squeeze3A_402 : i32
      %slice3A_404 = vector.extract_strided_slice %scan3A_379#1 {offsets = [8], sizes = [1], strides = [1]} : vector<16xi32> to vector<1xi32>
      %squeeze3A_405 = vector.extract %slice3A_404[0] : i32 from vector<1xi32>
      %add3A_406 = arith.addi %add3A_403, %squeeze3A_405 : i32
      %slice3A_407 = vector.extract_strided_slice %scan3A_379#1 {offsets = [9], sizes = [1], strides = [1]} : vector<16xi32> to vector<1xi32>
      %squeeze3A_408 = vector.extract %slice3A_407[0] : i32 from vector<1xi32>
      %add3A_409 = arith.addi %add3A_406, %squeeze3A_408 : i32
      %slice3A_410 = vector.extract_strided_slice %scan3A_379#1 {offsets = [10], sizes = [1], strides = [1]} : vector<16xi32> to vector<1xi32>
      %squeeze3A_411 = vector.extract %slice3A_410[0] : i32 from vector<1xi32>
      %add3A_412 = arith.addi %add3A_409, %squeeze3A_411 : i32
      %slice3A_413 = vector.extract_strided_slice %scan3A_379#1 {offsets = [11], sizes = [1], strides = [1]} : vector<16xi32> to vector<1xi32>
      %squeeze3A_414 = vector.extract %slice3A_413[0] : i32 from vector<1xi32>
      %add3A_415 = arith.addi %add3A_412, %squeeze3A_414 : i32
      %slice3A_416 = vector.extract_strided_slice %scan3A_379#1 {offsets = [12], sizes = [1], strides = [1]} : vector<16xi32> to vector<1xi32>
      %squeeze3A_417 = vector.extract %slice3A_416[0] : i32 from vector<1xi32>
      %add3A_418 = arith.addi %add3A_415, %squeeze3A_417 : i32
      %slice3A_419 = vector.extract_strided_slice %scan3A_379#1 {offsets = [13], sizes = [1], strides = [1]} : vector<16xi32> to vector<1xi32>
      %squeeze3A_420 = vector.extract %slice3A_419[0] : i32 from vector<1xi32>
      %add3A_421 = arith.addi %add3A_418, %squeeze3A_420 : i32
      %slice3A_422 = vector.extract_strided_slice %scan3A_379#1 {offsets = [14], sizes = [1], strides = [1]} : vector<16xi32> to vector<1xi32>
      %squeeze3A_423 = vector.extract %slice3A_422[0] : i32 from vector<1xi32>
      %add3A_424 = arith.addi %add3A_421, %squeeze3A_423 : i32
      %slice3A_425 = vector.extract_strided_slice %scan3A_379#1 {offsets = [15], sizes = [1], strides = [1]} : vector<16xi32> to vector<1xi32>
      %squeeze3A_426 = vector.extract %slice3A_425[0] : i32 from vector<1xi32>
      %add3A_427 = arith.addi %add3A_424, %squeeze3A_426 : i32
      %sub3A_428 = arith.constant 1 : i32
      %sub3A_429 = arith.subi %add3A_427, %sub3A_428 : i32
      %slice3A_430 = vector.extract_strided_slice %scan3A_379#2 {offsets = [0], sizes = [1], strides = [1]} : vector<16xi32> to vector<1xi32>
      %squeeze3A_431 = vector.extract %slice3A_430[0] : i32 from vector<1xi32>
      %slice3A_432 = vector.extract_strided_slice %scan3A_379#2 {offsets = [1], sizes = [1], strides = [1]} : vector<16xi32> to vector<1xi32>
      %squeeze3A_433 = vector.extract %slice3A_432[0] : i32 from vector<1xi32>
      %add3A_434 = arith.addi %squeeze3A_431, %squeeze3A_433 : i32
      %slice3A_435 = vector.extract_strided_slice %scan3A_379#2 {offsets = [2], sizes = [1], strides = [1]} : vector<16xi32> to vector<1xi32>
      %squeeze3A_436 = vector.extract %slice3A_435[0] : i32 from vector<1xi32>
      %add3A_437 = arith.addi %add3A_434, %squeeze3A_436 : i32
      %slice3A_438 = vector.extract_strided_slice %scan3A_379#2 {offsets = [3], sizes = [1], strides = [1]} : vector<16xi32> to vector<1xi32>
      %squeeze3A_439 = vector.extract %slice3A_438[0] : i32 from vector<1xi32>
      %add3A_440 = arith.addi %add3A_437, %squeeze3A_439 : i32
      %slice3A_441 = vector.extract_strided_slice %scan3A_379#2 {offsets = [4], sizes = [1], strides = [1]} : vector<16xi32> to vector<1xi32>
      %squeeze3A_442 = vector.extract %slice3A_441[0] : i32 from vector<1xi32>
      %add3A_443 = arith.addi %add3A_440, %squeeze3A_442 : i32
      %slice3A_444 = vector.extract_strided_slice %scan3A_379#2 {offsets = [5], sizes = [1], strides = [1]} : vector<16xi32> to vector<1xi32>
      %squeeze3A_445 = vector.extract %slice3A_444[0] : i32 from vector<1xi32>
      %add3A_446 = arith.addi %add3A_443, %squeeze3A_445 : i32
      %slice3A_447 = vector.extract_strided_slice %scan3A_379#2 {offsets = [6], sizes = [1], strides = [1]} : vector<16xi32> to vector<1xi32>
      %squeeze3A_448 = vector.extract %slice3A_447[0] : i32 from vector<1xi32>
      %add3A_449 = arith.addi %add3A_446, %squeeze3A_448 : i32
      %slice3A_450 = vector.extract_strided_slice %scan3A_379#2 {offsets = [7], sizes = [1], strides = [1]} : vector<16xi32> to vector<1xi32>
      %squeeze3A_451 = vector.extract %slice3A_450[0] : i32 from vector<1xi32>
      %add3A_452 = arith.addi %add3A_449, %squeeze3A_451 : i32
      %slice3A_453 = vector.extract_strided_slice %scan3A_379#2 {offsets = [8], sizes = [1], strides = [1]} : vector<16xi32> to vector<1xi32>
      %squeeze3A_454 = vector.extract %slice3A_453[0] : i32 from vector<1xi32>
      %add3A_455 = arith.addi %add3A_452, %squeeze3A_454 : i32
      %slice3A_456 = vector.extract_strided_slice %scan3A_379#2 {offsets = [9], sizes = [1], strides = [1]} : vector<16xi32> to vector<1xi32>
      %squeeze3A_457 = vector.extract %slice3A_456[0] : i32 from vector<1xi32>
      %add3A_458 = arith.addi %add3A_455, %squeeze3A_457 : i32
      %slice3A_459 = vector.extract_strided_slice %scan3A_379#2 {offsets = [10], sizes = [1], strides = [1]} : vector<16xi32> to vector<1xi32>
      %squeeze3A_460 = vector.extract %slice3A_459[0] : i32 from vector<1xi32>
      %add3A_461 = arith.addi %add3A_458, %squeeze3A_460 : i32
      %slice3A_462 = vector.extract_strided_slice %scan3A_379#2 {offsets = [11], sizes = [1], strides = [1]} : vector<16xi32> to vector<1xi32>
      %squeeze3A_463 = vector.extract %slice3A_462[0] : i32 from vector<1xi32>
      %add3A_464 = arith.addi %add3A_461, %squeeze3A_463 : i32
      %slice3A_465 = vector.extract_strided_slice %scan3A_379#2 {offsets = [12], sizes = [1], strides = [1]} : vector<16xi32> to vector<1xi32>
      %squeeze3A_466 = vector.extract %slice3A_465[0] : i32 from vector<1xi32>
      %add3A_467 = arith.addi %add3A_464, %squeeze3A_466 : i32
      %slice3A_468 = vector.extract_strided_slice %scan3A_379#2 {offsets = [13], sizes = [1], strides = [1]} : vector<16xi32> to vector<1xi32>
      %squeeze3A_469 = vector.extract %slice3A_468[0] : i32 from vector<1xi32>
      %add3A_470 = arith.addi %add3A_467, %squeeze3A_469 : i32
      %slice3A_471 = vector.extract_strided_slice %scan3A_379#2 {offsets = [14], sizes = [1], strides = [1]} : vector<16xi32> to vector<1xi32>
      %squeeze3A_472 = vector.extract %slice3A_471[0] : i32 from vector<1xi32>
      %add3A_473 = arith.addi %add3A_470, %squeeze3A_472 : i32
      %slice3A_474 = vector.extract_strided_slice %scan3A_379#2 {offsets = [15], sizes = [1], strides = [1]} : vector<16xi32> to vector<1xi32>
      %squeeze3A_475 = vector.extract %slice3A_474[0] : i32 from vector<1xi32>
      %add3A_476 = arith.addi %add3A_473, %squeeze3A_475 : i32
      %sub3A_477 = arith.subi %add3A_134, %add3A_476 : i32
      %broadcast_in_dim3A_478 = arith.constant 0 : i32
      %broadcast_in_dim3A_479 = vector.broadcast %broadcast_in_dim3A_478 : i32 to vector<16xi32>
      %scan3A_480 = arith.constant 0 : i32
      %scan3A_481 = arith.constant 0 : i32
      %scan3A_482 = arith.constant 64 : i32
      %scan3A_483 = arith.addi %scan3A_481, %scan3A_482 : i32
      %scan3A_484 = arith.constant 1 : i32
      %scan3A_485 = scf.for %scan3A_1749 = %scan3A_481 to %scan3A_483 step %scan3A_484 iter_args(%scan3A_1750 = %scan3A_480) -> (i32)  : i32 {
        %mul3A_1751 = arith.constant 4 : i32
        %mul3A_1752 = arith.muli %scan3A_1749, %mul3A_1751 : i32
        %add3A_1753 = arith.constant 0 : i32
        %add3A_1754 = arith.addi %mul3A_1752, %add3A_1753 : i32
        %mul3A_1755 = arith.constant 16 : i32
        %mul3A_1756 = arith.muli %add3A_1754, %mul3A_1755 : i32
        %swap3A = arith.index_cast %mul3A_1756 : i32 to index
        %swap3A_1757 = tpu.vector_load %arg8[%swap3A] {strides = array<i32>} : memref<4096xi32, #tpu.memory_space<vmem>>, vector<16xi32>,
        tpu.vector_store %arg8[%swap3A], %broadcast_in_dim3A_479 {strides = array<i32>} : memref<4096xi32, #tpu.memory_space<vmem>>, vector<16xi32>,
        %mul3A_1758 = arith.constant 4 : i32
        %mul3A_1759 = arith.muli %scan3A_1749, %mul3A_1758 : i32
        %add3A_1760 = arith.constant 1 : i32
        %add3A_1761 = arith.addi %mul3A_1759, %add3A_1760 : i32
        %mul3A_1762 = arith.constant 16 : i32
        %mul3A_1763 = arith.muli %add3A_1761, %mul3A_1762 : i32
        %swap3A_1764 = arith.index_cast %mul3A_1763 : i32 to index
        %swap3A_1765 = tpu.vector_load %arg8[%swap3A_1764] {strides = array<i32>} : memref<4096xi32, #tpu.memory_space<vmem>>, vector<16xi32>,
        tpu.vector_store %arg8[%swap3A_1764], %broadcast_in_dim3A_479 {strides = array<i32>} : memref<4096xi32, #tpu.memory_space<vmem>>, vector<16xi32>,
        %mul3A_1766 = arith.constant 4 : i32
        %mul3A_1767 = arith.muli %scan3A_1749, %mul3A_1766 : i32
        %add3A_1768 = arith.constant 2 : i32
        %add3A_1769 = arith.addi %mul3A_1767, %add3A_1768 : i32
        %mul3A_1770 = arith.constant 16 : i32
        %mul3A_1771 = arith.muli %add3A_1769, %mul3A_1770 : i32
        %swap3A_1772 = arith.index_cast %mul3A_1771 : i32 to index
        %swap3A_1773 = tpu.vector_load %arg8[%swap3A_1772] {strides = array<i32>} : memref<4096xi32, #tpu.memory_space<vmem>>, vector<16xi32>,
        tpu.vector_store %arg8[%swap3A_1772], %broadcast_in_dim3A_479 {strides = array<i32>} : memref<4096xi32, #tpu.memory_space<vmem>>, vector<16xi32>,
        %mul3A_1774 = arith.constant 4 : i32
        %mul3A_1775 = arith.muli %scan3A_1749, %mul3A_1774 : i32
        %add3A_1776 = arith.constant 3 : i32
        %add3A_1777 = arith.addi %mul3A_1775, %add3A_1776 : i32
        %mul3A_1778 = arith.constant 16 : i32
        %mul3A_1779 = arith.muli %add3A_1777, %mul3A_1778 : i32
        %swap3A_1780 = arith.index_cast %mul3A_1779 : i32 to index
        %swap3A_1781 = tpu.vector_load %arg8[%swap3A_1780] {strides = array<i32>} : memref<4096xi32, #tpu.memory_space<vmem>>, vector<16xi32>,
        tpu.vector_store %arg8[%swap3A_1780], %broadcast_in_dim3A_479 {strides = array<i32>} : memref<4096xi32, #tpu.memory_space<vmem>>, vector<16xi32>,
        %scan3A_1782 = arith.constant 0 : i32
        scf.yield %scan3A_1782 : i32
      }
      %scan3A_486 = arith.constant 64 : i32
      %broadcast_in_dim3A_487 = arith.constant 1 : i32
      %broadcast_in_dim3A_488 = vector.broadcast %broadcast_in_dim3A_487 : i32 to vector<16xi32>
      %eq3A_489 = arith.cmpi eq, %sub3A_323, %sub3A_429 : i32
      %convert_element_type3A_490 = arith.extui %eq3A_489 : i1 to i32
      %cond3A_491 = arith.constant 0 : i32
      %cond3A_492 = arith.cmpi ne, %convert_element_type3A_490, %cond3A_491 : i32
      scf.if %cond3A_492 {
        %scan3A_1749 = arith.constant 0 : i32
        %scan3A_1750 = arith.constant 0 : i32
        %scan3A_1751 = arith.constant 256 : i32
        %scan3A_1752 = arith.addi %scan3A_1750, %scan3A_1751 : i32
        %scan3A_1753 = arith.constant 1 : i32
        %scan3A_1754 = scf.for %scan3A_1756 = %scan3A_1750 to %scan3A_1752 step %scan3A_1753 iter_args(%scan3A_1757 = %scan3A_1749) -> (i32)  : i32 {
          %mul3A_1758 = arith.constant 8 : i32
          %mul3A_1759 = arith.muli %scan3A_1756, %mul3A_1758 : i32
          %add3A_1760 = arith.constant 0 : i32
          %add3A_1761 = arith.addi %mul3A_1759, %add3A_1760 : i32
          %mul3A_1762 = arith.constant 16 : i32
          %mul3A_1763 = arith.muli %add3A_1761, %mul3A_1762 : i32
          %get3A_1764 = arith.index_cast %mul3A_1763 : i32 to index
          %get3A_1765 = tpu.vector_load %arg6[%get3A_1764] {strides = array<i32>} : memref<32768xi32, #tpu.memory_space<vmem>>, vector<16xi32>,
          %shift_right_arithmetic3A = arith.constant 9 : i32
          %shift_right_arithmetic3A_1766 = vector.broadcast %shift_right_arithmetic3A : i32 to vector<16xi32>
          %shift_right_arithmetic3A_1767 = arith.shrsi %get3A_1765, %shift_right_arithmetic3A_1766 : vector<16xi32>
          %and3A_1768 = arith.constant 2047 : i32
          %and3A_1769 = vector.broadcast %and3A_1768 : i32 to vector<16xi32>
          %and3A_1770 = arith.andi %shift_right_arithmetic3A_1767, %and3A_1769 : vector<16xi32>
          %and3A_1771 = arith.constant 127 : i32
          %and3A_1772 = vector.broadcast %and3A_1771 : i32 to vector<16xi32>
          %and3A_1773 = arith.andi %and3A_1770, %and3A_1772 : vector<16xi32>
          %shift_left3A_1774 = arith.constant 4 : i32
          %shift_left3A_1775 = vector.broadcast %shift_left3A_1774 : i32 to vector<16xi32>
          %shift_left3A_1776 = arith.shli %and3A_1773, %shift_left3A_1775 : vector<16xi32>
          %shift_right_arithmetic3A_1777 = arith.constant 7 : i32
          %shift_right_arithmetic3A_1778 = vector.broadcast %shift_right_arithmetic3A_1777 : i32 to vector<16xi32>
          %shift_right_arithmetic3A_1779 = arith.shrsi %and3A_1770, %shift_right_arithmetic3A_1778 : vector<16xi32>
          %or3A_1780 = arith.ori %shift_left3A_1776, %shift_right_arithmetic3A_1779 : vector<16xi32>
          %shift_right_arithmetic3A_1781 = arith.constant 20 : i32
          %shift_right_arithmetic3A_1782 = vector.broadcast %shift_right_arithmetic3A_1781 : i32 to vector<16xi32>
          %shift_right_arithmetic3A_1783 = arith.shrsi %get3A_1765, %shift_right_arithmetic3A_1782 : vector<16xi32>
          %eq3A_1784 = vector.broadcast %sub3A_323 : i32 to vector<16xi32>
          %eq3A_1785 = arith.cmpi eq, %shift_right_arithmetic3A_1783, %eq3A_1784 : vector<16xi32>
          tpu.vector_store_idx %arg8[%or3A_1780], %broadcast_in_dim3A_488 masked %eq3A_1785 {add = true} : memref<4096xi32, #tpu.memory_space<vmem>>[vector<16xi32>], vector<16xi32>, vector<16xi1>
          %mul3A_1786 = arith.constant 8 : i32
          %mul3A_1787 = arith.muli %scan3A_1756, %mul3A_1786 : i32
          %add3A_1788 = arith.constant 1 : i32
          %add3A_1789 = arith.addi %mul3A_1787, %add3A_1788 : i32
          %mul3A_1790 = arith.constant 16 : i32
          %mul3A_1791 = arith.muli %add3A_1789, %mul3A_1790 : i32
          %get3A_1792 = arith.index_cast %mul3A_1791 : i32 to index
          %get3A_1793 = tpu.vector_load %arg6[%get3A_1792] {strides = array<i32>} : memref<32768xi32, #tpu.memory_space<vmem>>, vector<16xi32>,
          %shift_right_arithmetic3A_1794 = arith.constant 9 : i32
          %shift_right_arithmetic3A_1795 = vector.broadcast %shift_right_arithmetic3A_1794 : i32 to vector<16xi32>
          %shift_right_arithmetic3A_1796 = arith.shrsi %get3A_1793, %shift_right_arithmetic3A_1795 : vector<16xi32>
          %and3A_1797 = arith.constant 2047 : i32
          %and3A_1798 = vector.broadcast %and3A_1797 : i32 to vector<16xi32>
          %and3A_1799 = arith.andi %shift_right_arithmetic3A_1796, %and3A_1798 : vector<16xi32>
          %and3A_1800 = arith.constant 127 : i32
          %and3A_1801 = vector.broadcast %and3A_1800 : i32 to vector<16xi32>
          %and3A_1802 = arith.andi %and3A_1799, %and3A_1801 : vector<16xi32>
          %shift_left3A_1803 = arith.constant 4 : i32
          %shift_left3A_1804 = vector.broadcast %shift_left3A_1803 : i32 to vector<16xi32>
          %shift_left3A_1805 = arith.shli %and3A_1802, %shift_left3A_1804 : vector<16xi32>
          %shift_right_arithmetic3A_1806 = arith.constant 7 : i32
          %shift_right_arithmetic3A_1807 = vector.broadcast %shift_right_arithmetic3A_1806 : i32 to vector<16xi32>
          %shift_right_arithmetic3A_1808 = arith.shrsi %and3A_1799, %shift_right_arithmetic3A_1807 : vector<16xi32>
          %or3A_1809 = arith.ori %shift_left3A_1805, %shift_right_arithmetic3A_1808 : vector<16xi32>
          %shift_right_arithmetic3A_1810 = arith.constant 20 : i32
          %shift_right_arithmetic3A_1811 = vector.broadcast %shift_right_arithmetic3A_1810 : i32 to vector<16xi32>
          %shift_right_arithmetic3A_1812 = arith.shrsi %get3A_1793, %shift_right_arithmetic3A_1811 : vector<16xi32>
          %eq3A_1813 = vector.broadcast %sub3A_323 : i32 to vector<16xi32>
          %eq3A_1814 = arith.cmpi eq, %shift_right_arithmetic3A_1812, %eq3A_1813 : vector<16xi32>
          tpu.vector_store_idx %arg8[%or3A_1809], %broadcast_in_dim3A_488 masked %eq3A_1814 {add = true} : memref<4096xi32, #tpu.memory_space<vmem>>[vector<16xi32>], vector<16xi32>, vector<16xi1>
          %mul3A_1815 = arith.constant 8 : i32
          %mul3A_1816 = arith.muli %scan3A_1756, %mul3A_1815 : i32
          %add3A_1817 = arith.constant 2 : i32
          %add3A_1818 = arith.addi %mul3A_1816, %add3A_1817 : i32
          %mul3A_1819 = arith.constant 16 : i32
          %mul3A_1820 = arith.muli %add3A_1818, %mul3A_1819 : i32
          %get3A_1821 = arith.index_cast %mul3A_1820 : i32 to index
          %get3A_1822 = tpu.vector_load %arg6[%get3A_1821] {strides = array<i32>} : memref<32768xi32, #tpu.memory_space<vmem>>, vector<16xi32>,
          %shift_right_arithmetic3A_1823 = arith.constant 9 : i32
          %shift_right_arithmetic3A_1824 = vector.broadcast %shift_right_arithmetic3A_1823 : i32 to vector<16xi32>
          %shift_right_arithmetic3A_1825 = arith.shrsi %get3A_1822, %shift_right_arithmetic3A_1824 : vector<16xi32>
          %and3A_1826 = arith.constant 2047 : i32
          %and3A_1827 = vector.broadcast %and3A_1826 : i32 to vector<16xi32>
          %and3A_1828 = arith.andi %shift_right_arithmetic3A_1825, %and3A_1827 : vector<16xi32>
          %and3A_1829 = arith.constant 127 : i32
          %and3A_1830 = vector.broadcast %and3A_1829 : i32 to vector<16xi32>
          %and3A_1831 = arith.andi %and3A_1828, %and3A_1830 : vector<16xi32>
          %shift_left3A_1832 = arith.constant 4 : i32
          %shift_left3A_1833 = vector.broadcast %shift_left3A_1832 : i32 to vector<16xi32>
          %shift_left3A_1834 = arith.shli %and3A_1831, %shift_left3A_1833 : vector<16xi32>
          %shift_right_arithmetic3A_1835 = arith.constant 7 : i32
          %shift_right_arithmetic3A_1836 = vector.broadcast %shift_right_arithmetic3A_1835 : i32 to vector<16xi32>
          %shift_right_arithmetic3A_1837 = arith.shrsi %and3A_1828, %shift_right_arithmetic3A_1836 : vector<16xi32>
          %or3A_1838 = arith.ori %shift_left3A_1834, %shift_right_arithmetic3A_1837 : vector<16xi32>
          %shift_right_arithmetic3A_1839 = arith.constant 20 : i32
          %shift_right_arithmetic3A_1840 = vector.broadcast %shift_right_arithmetic3A_1839 : i32 to vector<16xi32>
          %shift_right_arithmetic3A_1841 = arith.shrsi %get3A_1822, %shift_right_arithmetic3A_1840 : vector<16xi32>
          %eq3A_1842 = vector.broadcast %sub3A_323 : i32 to vector<16xi32>
          %eq3A_1843 = arith.cmpi eq, %shift_right_arithmetic3A_1841, %eq3A_1842 : vector<16xi32>
          tpu.vector_store_idx %arg8[%or3A_1838], %broadcast_in_dim3A_488 masked %eq3A_1843 {add = true} : memref<4096xi32, #tpu.memory_space<vmem>>[vector<16xi32>], vector<16xi32>, vector<16xi1>
          %mul3A_1844 = arith.constant 8 : i32
          %mul3A_1845 = arith.muli %scan3A_1756, %mul3A_1844 : i32
          %add3A_1846 = arith.constant 3 : i32
          %add3A_1847 = arith.addi %mul3A_1845, %add3A_1846 : i32
          %mul3A_1848 = arith.constant 16 : i32
          %mul3A_1849 = arith.muli %add3A_1847, %mul3A_1848 : i32
          %get3A_1850 = arith.index_cast %mul3A_1849 : i32 to index
          %get3A_1851 = tpu.vector_load %arg6[%get3A_1850] {strides = array<i32>} : memref<32768xi32, #tpu.memory_space<vmem>>, vector<16xi32>,
          %shift_right_arithmetic3A_1852 = arith.constant 9 : i32
          %shift_right_arithmetic3A_1853 = vector.broadcast %shift_right_arithmetic3A_1852 : i32 to vector<16xi32>
          %shift_right_arithmetic3A_1854 = arith.shrsi %get3A_1851, %shift_right_arithmetic3A_1853 : vector<16xi32>
          %and3A_1855 = arith.constant 2047 : i32
          %and3A_1856 = vector.broadcast %and3A_1855 : i32 to vector<16xi32>
          %and3A_1857 = arith.andi %shift_right_arithmetic3A_1854, %and3A_1856 : vector<16xi32>
          %and3A_1858 = arith.constant 127 : i32
          %and3A_1859 = vector.broadcast %and3A_1858 : i32 to vector<16xi32>
          %and3A_1860 = arith.andi %and3A_1857, %and3A_1859 : vector<16xi32>
          %shift_left3A_1861 = arith.constant 4 : i32
          %shift_left3A_1862 = vector.broadcast %shift_left3A_1861 : i32 to vector<16xi32>
          %shift_left3A_1863 = arith.shli %and3A_1860, %shift_left3A_1862 : vector<16xi32>
          %shift_right_arithmetic3A_1864 = arith.constant 7 : i32
          %shift_right_arithmetic3A_1865 = vector.broadcast %shift_right_arithmetic3A_1864 : i32 to vector<16xi32>
          %shift_right_arithmetic3A_1866 = arith.shrsi %and3A_1857, %shift_right_arithmetic3A_1865 : vector<16xi32>
          %or3A_1867 = arith.ori %shift_left3A_1863, %shift_right_arithmetic3A_1866 : vector<16xi32>
          %shift_right_arithmetic3A_1868 = arith.constant 20 : i32
          %shift_right_arithmetic3A_1869 = vector.broadcast %shift_right_arithmetic3A_1868 : i32 to vector<16xi32>
          %shift_right_arithmetic3A_1870 = arith.shrsi %get3A_1851, %shift_right_arithmetic3A_1869 : vector<16xi32>
          %eq3A_1871 = vector.broadcast %sub3A_323 : i32 to vector<16xi32>
          %eq3A_1872 = arith.cmpi eq, %shift_right_arithmetic3A_1870, %eq3A_1871 : vector<16xi32>
          tpu.vector_store_idx %arg8[%or3A_1867], %broadcast_in_dim3A_488 masked %eq3A_1872 {add = true} : memref<4096xi32, #tpu.memory_space<vmem>>[vector<16xi32>], vector<16xi32>, vector<16xi1>
          %mul3A_1873 = arith.constant 8 : i32
          %mul3A_1874 = arith.muli %scan3A_1756, %mul3A_1873 : i32
          %add3A_1875 = arith.constant 4 : i32
          %add3A_1876 = arith.addi %mul3A_1874, %add3A_1875 : i32
          %mul3A_1877 = arith.constant 16 : i32
          %mul3A_1878 = arith.muli %add3A_1876, %mul3A_1877 : i32
          %get3A_1879 = arith.index_cast %mul3A_1878 : i32 to index
          %get3A_1880 = tpu.vector_load %arg6[%get3A_1879] {strides = array<i32>} : memref<32768xi32, #tpu.memory_space<vmem>>, vector<16xi32>,
          %shift_right_arithmetic3A_1881 = arith.constant 9 : i32
          %shift_right_arithmetic3A_1882 = vector.broadcast %shift_right_arithmetic3A_1881 : i32 to vector<16xi32>
          %shift_right_arithmetic3A_1883 = arith.shrsi %get3A_1880, %shift_right_arithmetic3A_1882 : vector<16xi32>
          %and3A_1884 = arith.constant 2047 : i32
          %and3A_1885 = vector.broadcast %and3A_1884 : i32 to vector<16xi32>
          %and3A_1886 = arith.andi %shift_right_arithmetic3A_1883, %and3A_1885 : vector<16xi32>
          %and3A_1887 = arith.constant 127 : i32
          %and3A_1888 = vector.broadcast %and3A_1887 : i32 to vector<16xi32>
          %and3A_1889 = arith.andi %and3A_1886, %and3A_1888 : vector<16xi32>
          %shift_left3A_1890 = arith.constant 4 : i32
          %shift_left3A_1891 = vector.broadcast %shift_left3A_1890 : i32 to vector<16xi32>
          %shift_left3A_1892 = arith.shli %and3A_1889, %shift_left3A_1891 : vector<16xi32>
          %shift_right_arithmetic3A_1893 = arith.constant 7 : i32
          %shift_right_arithmetic3A_1894 = vector.broadcast %shift_right_arithmetic3A_1893 : i32 to vector<16xi32>
          %shift_right_arithmetic3A_1895 = arith.shrsi %and3A_1886, %shift_right_arithmetic3A_1894 : vector<16xi32>
          %or3A_1896 = arith.ori %shift_left3A_1892, %shift_right_arithmetic3A_1895 : vector<16xi32>
          %shift_right_arithmetic3A_1897 = arith.constant 20 : i32
          %shift_right_arithmetic3A_1898 = vector.broadcast %shift_right_arithmetic3A_1897 : i32 to vector<16xi32>
          %shift_right_arithmetic3A_1899 = arith.shrsi %get3A_1880, %shift_right_arithmetic3A_1898 : vector<16xi32>
          %eq3A_1900 = vector.broadcast %sub3A_323 : i32 to vector<16xi32>
          %eq3A_1901 = arith.cmpi eq, %shift_right_arithmetic3A_1899, %eq3A_1900 : vector<16xi32>
          tpu.vector_store_idx %arg8[%or3A_1896], %broadcast_in_dim3A_488 masked %eq3A_1901 {add = true} : memref<4096xi32, #tpu.memory_space<vmem>>[vector<16xi32>], vector<16xi32>, vector<16xi1>
          %mul3A_1902 = arith.constant 8 : i32
          %mul3A_1903 = arith.muli %scan3A_1756, %mul3A_1902 : i32
          %add3A_1904 = arith.constant 5 : i32
          %add3A_1905 = arith.addi %mul3A_1903, %add3A_1904 : i32
          %mul3A_1906 = arith.constant 16 : i32
          %mul3A_1907 = arith.muli %add3A_1905, %mul3A_1906 : i32
          %get3A_1908 = arith.index_cast %mul3A_1907 : i32 to index
          %get3A_1909 = tpu.vector_load %arg6[%get3A_1908] {strides = array<i32>} : memref<32768xi32, #tpu.memory_space<vmem>>, vector<16xi32>,
          %shift_right_arithmetic3A_1910 = arith.constant 9 : i32
          %shift_right_arithmetic3A_1911 = vector.broadcast %shift_right_arithmetic3A_1910 : i32 to vector<16xi32>
          %shift_right_arithmetic3A_1912 = arith.shrsi %get3A_1909, %shift_right_arithmetic3A_1911 : vector<16xi32>
          %and3A_1913 = arith.constant 2047 : i32
          %and3A_1914 = vector.broadcast %and3A_1913 : i32 to vector<16xi32>
          %and3A_1915 = arith.andi %shift_right_arithmetic3A_1912, %and3A_1914 : vector<16xi32>
          %and3A_1916 = arith.constant 127 : i32
          %and3A_1917 = vector.broadcast %and3A_1916 : i32 to vector<16xi32>
          %and3A_1918 = arith.andi %and3A_1915, %and3A_1917 : vector<16xi32>
          %shift_left3A_1919 = arith.constant 4 : i32
          %shift_left3A_1920 = vector.broadcast %shift_left3A_1919 : i32 to vector<16xi32>
          %shift_left3A_1921 = arith.shli %and3A_1918, %shift_left3A_1920 : vector<16xi32>
          %shift_right_arithmetic3A_1922 = arith.constant 7 : i32
          %shift_right_arithmetic3A_1923 = vector.broadcast %shift_right_arithmetic3A_1922 : i32 to vector<16xi32>
          %shift_right_arithmetic3A_1924 = arith.shrsi %and3A_1915, %shift_right_arithmetic3A_1923 : vector<16xi32>
          %or3A_1925 = arith.ori %shift_left3A_1921, %shift_right_arithmetic3A_1924 : vector<16xi32>
          %shift_right_arithmetic3A_1926 = arith.constant 20 : i32
          %shift_right_arithmetic3A_1927 = vector.broadcast %shift_right_arithmetic3A_1926 : i32 to vector<16xi32>
          %shift_right_arithmetic3A_1928 = arith.shrsi %get3A_1909, %shift_right_arithmetic3A_1927 : vector<16xi32>
          %eq3A_1929 = vector.broadcast %sub3A_323 : i32 to vector<16xi32>
          %eq3A_1930 = arith.cmpi eq, %shift_right_arithmetic3A_1928, %eq3A_1929 : vector<16xi32>
          tpu.vector_store_idx %arg8[%or3A_1925], %broadcast_in_dim3A_488 masked %eq3A_1930 {add = true} : memref<4096xi32, #tpu.memory_space<vmem>>[vector<16xi32>], vector<16xi32>, vector<16xi1>
          %mul3A_1931 = arith.constant 8 : i32
          %mul3A_1932 = arith.muli %scan3A_1756, %mul3A_1931 : i32
          %add3A_1933 = arith.constant 6 : i32
          %add3A_1934 = arith.addi %mul3A_1932, %add3A_1933 : i32
          %mul3A_1935 = arith.constant 16 : i32
          %mul3A_1936 = arith.muli %add3A_1934, %mul3A_1935 : i32
          %get3A_1937 = arith.index_cast %mul3A_1936 : i32 to index
          %get3A_1938 = tpu.vector_load %arg6[%get3A_1937] {strides = array<i32>} : memref<32768xi32, #tpu.memory_space<vmem>>, vector<16xi32>,
          %shift_right_arithmetic3A_1939 = arith.constant 9 : i32
          %shift_right_arithmetic3A_1940 = vector.broadcast %shift_right_arithmetic3A_1939 : i32 to vector<16xi32>
          %shift_right_arithmetic3A_1941 = arith.shrsi %get3A_1938, %shift_right_arithmetic3A_1940 : vector<16xi32>
          %and3A_1942 = arith.constant 2047 : i32
          %and3A_1943 = vector.broadcast %and3A_1942 : i32 to vector<16xi32>
          %and3A_1944 = arith.andi %shift_right_arithmetic3A_1941, %and3A_1943 : vector<16xi32>
          %and3A_1945 = arith.constant 127 : i32
          %and3A_1946 = vector.broadcast %and3A_1945 : i32 to vector<16xi32>
          %and3A_1947 = arith.andi %and3A_1944, %and3A_1946 : vector<16xi32>
          %shift_left3A_1948 = arith.constant 4 : i32
          %shift_left3A_1949 = vector.broadcast %shift_left3A_1948 : i32 to vector<16xi32>
          %shift_left3A_1950 = arith.shli %and3A_1947, %shift_left3A_1949 : vector<16xi32>
          %shift_right_arithmetic3A_1951 = arith.constant 7 : i32
          %shift_right_arithmetic3A_1952 = vector.broadcast %shift_right_arithmetic3A_1951 : i32 to vector<16xi32>
          %shift_right_arithmetic3A_1953 = arith.shrsi %and3A_1944, %shift_right_arithmetic3A_1952 : vector<16xi32>
          %or3A_1954 = arith.ori %shift_left3A_1950, %shift_right_arithmetic3A_1953 : vector<16xi32>
          %shift_right_arithmetic3A_1955 = arith.constant 20 : i32
          %shift_right_arithmetic3A_1956 = vector.broadcast %shift_right_arithmetic3A_1955 : i32 to vector<16xi32>
          %shift_right_arithmetic3A_1957 = arith.shrsi %get3A_1938, %shift_right_arithmetic3A_1956 : vector<16xi32>
          %eq3A_1958 = vector.broadcast %sub3A_323 : i32 to vector<16xi32>
          %eq3A_1959 = arith.cmpi eq, %shift_right_arithmetic3A_1957, %eq3A_1958 : vector<16xi32>
          tpu.vector_store_idx %arg8[%or3A_1954], %broadcast_in_dim3A_488 masked %eq3A_1959 {add = true} : memref<4096xi32, #tpu.memory_space<vmem>>[vector<16xi32>], vector<16xi32>, vector<16xi1>
          %mul3A_1960 = arith.constant 8 : i32
          %mul3A_1961 = arith.muli %scan3A_1756, %mul3A_1960 : i32
          %add3A_1962 = arith.constant 7 : i32
          %add3A_1963 = arith.addi %mul3A_1961, %add3A_1962 : i32
          %mul3A_1964 = arith.constant 16 : i32
          %mul3A_1965 = arith.muli %add3A_1963, %mul3A_1964 : i32
          %get3A_1966 = arith.index_cast %mul3A_1965 : i32 to index
          %get3A_1967 = tpu.vector_load %arg6[%get3A_1966] {strides = array<i32>} : memref<32768xi32, #tpu.memory_space<vmem>>, vector<16xi32>,
          %shift_right_arithmetic3A_1968 = arith.constant 9 : i32
          %shift_right_arithmetic3A_1969 = vector.broadcast %shift_right_arithmetic3A_1968 : i32 to vector<16xi32>
          %shift_right_arithmetic3A_1970 = arith.shrsi %get3A_1967, %shift_right_arithmetic3A_1969 : vector<16xi32>
          %and3A_1971 = arith.constant 2047 : i32
          %and3A_1972 = vector.broadcast %and3A_1971 : i32 to vector<16xi32>
          %and3A_1973 = arith.andi %shift_right_arithmetic3A_1970, %and3A_1972 : vector<16xi32>
          %and3A_1974 = arith.constant 127 : i32
          %and3A_1975 = vector.broadcast %and3A_1974 : i32 to vector<16xi32>
          %and3A_1976 = arith.andi %and3A_1973, %and3A_1975 : vector<16xi32>
          %shift_left3A_1977 = arith.constant 4 : i32
          %shift_left3A_1978 = vector.broadcast %shift_left3A_1977 : i32 to vector<16xi32>
          %shift_left3A_1979 = arith.shli %and3A_1976, %shift_left3A_1978 : vector<16xi32>
          %shift_right_arithmetic3A_1980 = arith.constant 7 : i32
          %shift_right_arithmetic3A_1981 = vector.broadcast %shift_right_arithmetic3A_1980 : i32 to vector<16xi32>
          %shift_right_arithmetic3A_1982 = arith.shrsi %and3A_1973, %shift_right_arithmetic3A_1981 : vector<16xi32>
          %or3A_1983 = arith.ori %shift_left3A_1979, %shift_right_arithmetic3A_1982 : vector<16xi32>
          %shift_right_arithmetic3A_1984 = arith.constant 20 : i32
          %shift_right_arithmetic3A_1985 = vector.broadcast %shift_right_arithmetic3A_1984 : i32 to vector<16xi32>
          %shift_right_arithmetic3A_1986 = arith.shrsi %get3A_1967, %shift_right_arithmetic3A_1985 : vector<16xi32>
          %eq3A_1987 = vector.broadcast %sub3A_323 : i32 to vector<16xi32>
          %eq3A_1988 = arith.cmpi eq, %shift_right_arithmetic3A_1986, %eq3A_1987 : vector<16xi32>
          tpu.vector_store_idx %arg8[%or3A_1983], %broadcast_in_dim3A_488 masked %eq3A_1988 {add = true} : memref<4096xi32, #tpu.memory_space<vmem>>[vector<16xi32>], vector<16xi32>, vector<16xi1>
          %scan3A_1989 = arith.constant 0 : i32
          scf.yield %scan3A_1989 : i32
        }
        %scan3A_1755 = arith.constant 256 : i32
      } else {
      }
      %not3A = arith.constant true
      %not3A_493 = arith.xori %eq3A_489, %not3A : i1
      %convert_element_type3A_494 = arith.extui %not3A_493 : i1 to i32
      %cond3A_495 = arith.constant 0 : i32
      %cond3A_496 = arith.cmpi ne, %convert_element_type3A_494, %cond3A_495 : i32
      scf.if %cond3A_496 {
        %scan3A_1749 = arith.constant 0 : i32
        %scan3A_1750 = arith.constant 0 : i32
        %scan3A_1751 = arith.constant 256 : i32
        %scan3A_1752 = arith.addi %scan3A_1750, %scan3A_1751 : i32
        %scan3A_1753 = arith.constant 1 : i32
        %scan3A_1754 = scf.for %scan3A_1756 = %scan3A_1750 to %scan3A_1752 step %scan3A_1753 iter_args(%scan3A_1757 = %scan3A_1749) -> (i32)  : i32 {
          %mul3A_1758 = arith.constant 8 : i32
          %mul3A_1759 = arith.muli %scan3A_1756, %mul3A_1758 : i32
          %add3A_1760 = arith.constant 0 : i32
          %add3A_1761 = arith.addi %mul3A_1759, %add3A_1760 : i32
          %mul3A_1762 = arith.constant 16 : i32
          %mul3A_1763 = arith.muli %add3A_1761, %mul3A_1762 : i32
          %get3A_1764 = arith.index_cast %mul3A_1763 : i32 to index
          %get3A_1765 = tpu.vector_load %arg6[%get3A_1764] {strides = array<i32>} : memref<32768xi32, #tpu.memory_space<vmem>>, vector<16xi32>,
          %shift_right_arithmetic3A = arith.constant 20 : i32
          %shift_right_arithmetic3A_1766 = vector.broadcast %shift_right_arithmetic3A : i32 to vector<16xi32>
          %shift_right_arithmetic3A_1767 = arith.shrsi %get3A_1765, %shift_right_arithmetic3A_1766 : vector<16xi32>
          %shift_right_arithmetic3A_1768 = arith.constant 9 : i32
          %shift_right_arithmetic3A_1769 = vector.broadcast %shift_right_arithmetic3A_1768 : i32 to vector<16xi32>
          %shift_right_arithmetic3A_1770 = arith.shrsi %get3A_1765, %shift_right_arithmetic3A_1769 : vector<16xi32>
          %and3A_1771 = arith.constant 2047 : i32
          %and3A_1772 = vector.broadcast %and3A_1771 : i32 to vector<16xi32>
          %and3A_1773 = arith.andi %shift_right_arithmetic3A_1770, %and3A_1772 : vector<16xi32>
          %and3A_1774 = arith.constant 127 : i32
          %and3A_1775 = vector.broadcast %and3A_1774 : i32 to vector<16xi32>
          %and3A_1776 = arith.andi %and3A_1773, %and3A_1775 : vector<16xi32>
          %shift_left3A_1777 = arith.constant 4 : i32
          %shift_left3A_1778 = vector.broadcast %shift_left3A_1777 : i32 to vector<16xi32>
          %shift_left3A_1779 = arith.shli %and3A_1776, %shift_left3A_1778 : vector<16xi32>
          %shift_right_arithmetic3A_1780 = arith.constant 7 : i32
          %shift_right_arithmetic3A_1781 = vector.broadcast %shift_right_arithmetic3A_1780 : i32 to vector<16xi32>
          %shift_right_arithmetic3A_1782 = arith.shrsi %and3A_1773, %shift_right_arithmetic3A_1781 : vector<16xi32>
          %or3A_1783 = arith.ori %shift_left3A_1779, %shift_right_arithmetic3A_1782 : vector<16xi32>
          %eq3A_1784 = vector.broadcast %sub3A_323 : i32 to vector<16xi32>
          %eq3A_1785 = arith.cmpi eq, %shift_right_arithmetic3A_1767, %eq3A_1784 : vector<16xi32>
          tpu.vector_store_idx %arg8[%or3A_1783], %broadcast_in_dim3A_488 masked %eq3A_1785 {add = true} : memref<4096xi32, #tpu.memory_space<vmem>>[vector<16xi32>], vector<16xi32>, vector<16xi1>
          %add3A_1786 = arith.constant 2048 : i32
          %add3A_1787 = vector.broadcast %add3A_1786 : i32 to vector<16xi32>
          %add3A_1788 = arith.addi %or3A_1783, %add3A_1787 : vector<16xi32>
          %eq3A_1789 = vector.broadcast %sub3A_429 : i32 to vector<16xi32>
          %eq3A_1790 = arith.cmpi eq, %shift_right_arithmetic3A_1767, %eq3A_1789 : vector<16xi32>
          tpu.vector_store_idx %arg8[%add3A_1788], %broadcast_in_dim3A_488 masked %eq3A_1790 {add = true} : memref<4096xi32, #tpu.memory_space<vmem>>[vector<16xi32>], vector<16xi32>, vector<16xi1>
          %mul3A_1791 = arith.constant 8 : i32
          %mul3A_1792 = arith.muli %scan3A_1756, %mul3A_1791 : i32
          %add3A_1793 = arith.constant 1 : i32
          %add3A_1794 = arith.addi %mul3A_1792, %add3A_1793 : i32
          %mul3A_1795 = arith.constant 16 : i32
          %mul3A_1796 = arith.muli %add3A_1794, %mul3A_1795 : i32
          %get3A_1797 = arith.index_cast %mul3A_1796 : i32 to index
          %get3A_1798 = tpu.vector_load %arg6[%get3A_1797] {strides = array<i32>} : memref<32768xi32, #tpu.memory_space<vmem>>, vector<16xi32>,
          %shift_right_arithmetic3A_1799 = arith.constant 20 : i32
          %shift_right_arithmetic3A_1800 = vector.broadcast %shift_right_arithmetic3A_1799 : i32 to vector<16xi32>
          %shift_right_arithmetic3A_1801 = arith.shrsi %get3A_1798, %shift_right_arithmetic3A_1800 : vector<16xi32>
          %shift_right_arithmetic3A_1802 = arith.constant 9 : i32
          %shift_right_arithmetic3A_1803 = vector.broadcast %shift_right_arithmetic3A_1802 : i32 to vector<16xi32>
          %shift_right_arithmetic3A_1804 = arith.shrsi %get3A_1798, %shift_right_arithmetic3A_1803 : vector<16xi32>
          %and3A_1805 = arith.constant 2047 : i32
          %and3A_1806 = vector.broadcast %and3A_1805 : i32 to vector<16xi32>
          %and3A_1807 = arith.andi %shift_right_arithmetic3A_1804, %and3A_1806 : vector<16xi32>
          %and3A_1808 = arith.constant 127 : i32
          %and3A_1809 = vector.broadcast %and3A_1808 : i32 to vector<16xi32>
          %and3A_1810 = arith.andi %and3A_1807, %and3A_1809 : vector<16xi32>
          %shift_left3A_1811 = arith.constant 4 : i32
          %shift_left3A_1812 = vector.broadcast %shift_left3A_1811 : i32 to vector<16xi32>
          %shift_left3A_1813 = arith.shli %and3A_1810, %shift_left3A_1812 : vector<16xi32>
          %shift_right_arithmetic3A_1814 = arith.constant 7 : i32
          %shift_right_arithmetic3A_1815 = vector.broadcast %shift_right_arithmetic3A_1814 : i32 to vector<16xi32>
          %shift_right_arithmetic3A_1816 = arith.shrsi %and3A_1807, %shift_right_arithmetic3A_1815 : vector<16xi32>
          %or3A_1817 = arith.ori %shift_left3A_1813, %shift_right_arithmetic3A_1816 : vector<16xi32>
          %eq3A_1818 = vector.broadcast %sub3A_323 : i32 to vector<16xi32>
          %eq3A_1819 = arith.cmpi eq, %shift_right_arithmetic3A_1801, %eq3A_1818 : vector<16xi32>
          tpu.vector_store_idx %arg8[%or3A_1817], %broadcast_in_dim3A_488 masked %eq3A_1819 {add = true} : memref<4096xi32, #tpu.memory_space<vmem>>[vector<16xi32>], vector<16xi32>, vector<16xi1>
          %add3A_1820 = arith.constant 2048 : i32
          %add3A_1821 = vector.broadcast %add3A_1820 : i32 to vector<16xi32>
          %add3A_1822 = arith.addi %or3A_1817, %add3A_1821 : vector<16xi32>
          %eq3A_1823 = vector.broadcast %sub3A_429 : i32 to vector<16xi32>
          %eq3A_1824 = arith.cmpi eq, %shift_right_arithmetic3A_1801, %eq3A_1823 : vector<16xi32>
          tpu.vector_store_idx %arg8[%add3A_1822], %broadcast_in_dim3A_488 masked %eq3A_1824 {add = true} : memref<4096xi32, #tpu.memory_space<vmem>>[vector<16xi32>], vector<16xi32>, vector<16xi1>
          %mul3A_1825 = arith.constant 8 : i32
          %mul3A_1826 = arith.muli %scan3A_1756, %mul3A_1825 : i32
          %add3A_1827 = arith.constant 2 : i32
          %add3A_1828 = arith.addi %mul3A_1826, %add3A_1827 : i32
          %mul3A_1829 = arith.constant 16 : i32
          %mul3A_1830 = arith.muli %add3A_1828, %mul3A_1829 : i32
          %get3A_1831 = arith.index_cast %mul3A_1830 : i32 to index
          %get3A_1832 = tpu.vector_load %arg6[%get3A_1831] {strides = array<i32>} : memref<32768xi32, #tpu.memory_space<vmem>>, vector<16xi32>,
          %shift_right_arithmetic3A_1833 = arith.constant 20 : i32
          %shift_right_arithmetic3A_1834 = vector.broadcast %shift_right_arithmetic3A_1833 : i32 to vector<16xi32>
          %shift_right_arithmetic3A_1835 = arith.shrsi %get3A_1832, %shift_right_arithmetic3A_1834 : vector<16xi32>
          %shift_right_arithmetic3A_1836 = arith.constant 9 : i32
          %shift_right_arithmetic3A_1837 = vector.broadcast %shift_right_arithmetic3A_1836 : i32 to vector<16xi32>
          %shift_right_arithmetic3A_1838 = arith.shrsi %get3A_1832, %shift_right_arithmetic3A_1837 : vector<16xi32>
          %and3A_1839 = arith.constant 2047 : i32
          %and3A_1840 = vector.broadcast %and3A_1839 : i32 to vector<16xi32>
          %and3A_1841 = arith.andi %shift_right_arithmetic3A_1838, %and3A_1840 : vector<16xi32>
          %and3A_1842 = arith.constant 127 : i32
          %and3A_1843 = vector.broadcast %and3A_1842 : i32 to vector<16xi32>
          %and3A_1844 = arith.andi %and3A_1841, %and3A_1843 : vector<16xi32>
          %shift_left3A_1845 = arith.constant 4 : i32
          %shift_left3A_1846 = vector.broadcast %shift_left3A_1845 : i32 to vector<16xi32>
          %shift_left3A_1847 = arith.shli %and3A_1844, %shift_left3A_1846 : vector<16xi32>
          %shift_right_arithmetic3A_1848 = arith.constant 7 : i32
          %shift_right_arithmetic3A_1849 = vector.broadcast %shift_right_arithmetic3A_1848 : i32 to vector<16xi32>
          %shift_right_arithmetic3A_1850 = arith.shrsi %and3A_1841, %shift_right_arithmetic3A_1849 : vector<16xi32>
          %or3A_1851 = arith.ori %shift_left3A_1847, %shift_right_arithmetic3A_1850 : vector<16xi32>
          %eq3A_1852 = vector.broadcast %sub3A_323 : i32 to vector<16xi32>
          %eq3A_1853 = arith.cmpi eq, %shift_right_arithmetic3A_1835, %eq3A_1852 : vector<16xi32>
          tpu.vector_store_idx %arg8[%or3A_1851], %broadcast_in_dim3A_488 masked %eq3A_1853 {add = true} : memref<4096xi32, #tpu.memory_space<vmem>>[vector<16xi32>], vector<16xi32>, vector<16xi1>
          %add3A_1854 = arith.constant 2048 : i32
          %add3A_1855 = vector.broadcast %add3A_1854 : i32 to vector<16xi32>
          %add3A_1856 = arith.addi %or3A_1851, %add3A_1855 : vector<16xi32>
          %eq3A_1857 = vector.broadcast %sub3A_429 : i32 to vector<16xi32>
          %eq3A_1858 = arith.cmpi eq, %shift_right_arithmetic3A_1835, %eq3A_1857 : vector<16xi32>
          tpu.vector_store_idx %arg8[%add3A_1856], %broadcast_in_dim3A_488 masked %eq3A_1858 {add = true} : memref<4096xi32, #tpu.memory_space<vmem>>[vector<16xi32>], vector<16xi32>, vector<16xi1>
          %mul3A_1859 = arith.constant 8 : i32
          %mul3A_1860 = arith.muli %scan3A_1756, %mul3A_1859 : i32
          %add3A_1861 = arith.constant 3 : i32
          %add3A_1862 = arith.addi %mul3A_1860, %add3A_1861 : i32
          %mul3A_1863 = arith.constant 16 : i32
          %mul3A_1864 = arith.muli %add3A_1862, %mul3A_1863 : i32
          %get3A_1865 = arith.index_cast %mul3A_1864 : i32 to index
          %get3A_1866 = tpu.vector_load %arg6[%get3A_1865] {strides = array<i32>} : memref<32768xi32, #tpu.memory_space<vmem>>, vector<16xi32>,
          %shift_right_arithmetic3A_1867 = arith.constant 20 : i32
          %shift_right_arithmetic3A_1868 = vector.broadcast %shift_right_arithmetic3A_1867 : i32 to vector<16xi32>
          %shift_right_arithmetic3A_1869 = arith.shrsi %get3A_1866, %shift_right_arithmetic3A_1868 : vector<16xi32>
          %shift_right_arithmetic3A_1870 = arith.constant 9 : i32
          %shift_right_arithmetic3A_1871 = vector.broadcast %shift_right_arithmetic3A_1870 : i32 to vector<16xi32>
          %shift_right_arithmetic3A_1872 = arith.shrsi %get3A_1866, %shift_right_arithmetic3A_1871 : vector<16xi32>
          %and3A_1873 = arith.constant 2047 : i32
          %and3A_1874 = vector.broadcast %and3A_1873 : i32 to vector<16xi32>
          %and3A_1875 = arith.andi %shift_right_arithmetic3A_1872, %and3A_1874 : vector<16xi32>
          %and3A_1876 = arith.constant 127 : i32
          %and3A_1877 = vector.broadcast %and3A_1876 : i32 to vector<16xi32>
          %and3A_1878 = arith.andi %and3A_1875, %and3A_1877 : vector<16xi32>
          %shift_left3A_1879 = arith.constant 4 : i32
          %shift_left3A_1880 = vector.broadcast %shift_left3A_1879 : i32 to vector<16xi32>
          %shift_left3A_1881 = arith.shli %and3A_1878, %shift_left3A_1880 : vector<16xi32>
          %shift_right_arithmetic3A_1882 = arith.constant 7 : i32
          %shift_right_arithmetic3A_1883 = vector.broadcast %shift_right_arithmetic3A_1882 : i32 to vector<16xi32>
          %shift_right_arithmetic3A_1884 = arith.shrsi %and3A_1875, %shift_right_arithmetic3A_1883 : vector<16xi32>
          %or3A_1885 = arith.ori %shift_left3A_1881, %shift_right_arithmetic3A_1884 : vector<16xi32>
          %eq3A_1886 = vector.broadcast %sub3A_323 : i32 to vector<16xi32>
          %eq3A_1887 = arith.cmpi eq, %shift_right_arithmetic3A_1869, %eq3A_1886 : vector<16xi32>
          tpu.vector_store_idx %arg8[%or3A_1885], %broadcast_in_dim3A_488 masked %eq3A_1887 {add = true} : memref<4096xi32, #tpu.memory_space<vmem>>[vector<16xi32>], vector<16xi32>, vector<16xi1>
          %add3A_1888 = arith.constant 2048 : i32
          %add3A_1889 = vector.broadcast %add3A_1888 : i32 to vector<16xi32>
          %add3A_1890 = arith.addi %or3A_1885, %add3A_1889 : vector<16xi32>
          %eq3A_1891 = vector.broadcast %sub3A_429 : i32 to vector<16xi32>
          %eq3A_1892 = arith.cmpi eq, %shift_right_arithmetic3A_1869, %eq3A_1891 : vector<16xi32>
          tpu.vector_store_idx %arg8[%add3A_1890], %broadcast_in_dim3A_488 masked %eq3A_1892 {add = true} : memref<4096xi32, #tpu.memory_space<vmem>>[vector<16xi32>], vector<16xi32>, vector<16xi1>
          %mul3A_1893 = arith.constant 8 : i32
          %mul3A_1894 = arith.muli %scan3A_1756, %mul3A_1893 : i32
          %add3A_1895 = arith.constant 4 : i32
          %add3A_1896 = arith.addi %mul3A_1894, %add3A_1895 : i32
          %mul3A_1897 = arith.constant 16 : i32
          %mul3A_1898 = arith.muli %add3A_1896, %mul3A_1897 : i32
          %get3A_1899 = arith.index_cast %mul3A_1898 : i32 to index
          %get3A_1900 = tpu.vector_load %arg6[%get3A_1899] {strides = array<i32>} : memref<32768xi32, #tpu.memory_space<vmem>>, vector<16xi32>,
          %shift_right_arithmetic3A_1901 = arith.constant 20 : i32
          %shift_right_arithmetic3A_1902 = vector.broadcast %shift_right_arithmetic3A_1901 : i32 to vector<16xi32>
          %shift_right_arithmetic3A_1903 = arith.shrsi %get3A_1900, %shift_right_arithmetic3A_1902 : vector<16xi32>
          %shift_right_arithmetic3A_1904 = arith.constant 9 : i32
          %shift_right_arithmetic3A_1905 = vector.broadcast %shift_right_arithmetic3A_1904 : i32 to vector<16xi32>
          %shift_right_arithmetic3A_1906 = arith.shrsi %get3A_1900, %shift_right_arithmetic3A_1905 : vector<16xi32>
          %and3A_1907 = arith.constant 2047 : i32
          %and3A_1908 = vector.broadcast %and3A_1907 : i32 to vector<16xi32>
          %and3A_1909 = arith.andi %shift_right_arithmetic3A_1906, %and3A_1908 : vector<16xi32>
          %and3A_1910 = arith.constant 127 : i32
          %and3A_1911 = vector.broadcast %and3A_1910 : i32 to vector<16xi32>
          %and3A_1912 = arith.andi %and3A_1909, %and3A_1911 : vector<16xi32>
          %shift_left3A_1913 = arith.constant 4 : i32
          %shift_left3A_1914 = vector.broadcast %shift_left3A_1913 : i32 to vector<16xi32>
          %shift_left3A_1915 = arith.shli %and3A_1912, %shift_left3A_1914 : vector<16xi32>
          %shift_right_arithmetic3A_1916 = arith.constant 7 : i32
          %shift_right_arithmetic3A_1917 = vector.broadcast %shift_right_arithmetic3A_1916 : i32 to vector<16xi32>
          %shift_right_arithmetic3A_1918 = arith.shrsi %and3A_1909, %shift_right_arithmetic3A_1917 : vector<16xi32>
          %or3A_1919 = arith.ori %shift_left3A_1915, %shift_right_arithmetic3A_1918 : vector<16xi32>
          %eq3A_1920 = vector.broadcast %sub3A_323 : i32 to vector<16xi32>
          %eq3A_1921 = arith.cmpi eq, %shift_right_arithmetic3A_1903, %eq3A_1920 : vector<16xi32>
          tpu.vector_store_idx %arg8[%or3A_1919], %broadcast_in_dim3A_488 masked %eq3A_1921 {add = true} : memref<4096xi32, #tpu.memory_space<vmem>>[vector<16xi32>], vector<16xi32>, vector<16xi1>
          %add3A_1922 = arith.constant 2048 : i32
          %add3A_1923 = vector.broadcast %add3A_1922 : i32 to vector<16xi32>
          %add3A_1924 = arith.addi %or3A_1919, %add3A_1923 : vector<16xi32>
          %eq3A_1925 = vector.broadcast %sub3A_429 : i32 to vector<16xi32>
          %eq3A_1926 = arith.cmpi eq, %shift_right_arithmetic3A_1903, %eq3A_1925 : vector<16xi32>
          tpu.vector_store_idx %arg8[%add3A_1924], %broadcast_in_dim3A_488 masked %eq3A_1926 {add = true} : memref<4096xi32, #tpu.memory_space<vmem>>[vector<16xi32>], vector<16xi32>, vector<16xi1>
          %mul3A_1927 = arith.constant 8 : i32
          %mul3A_1928 = arith.muli %scan3A_1756, %mul3A_1927 : i32
          %add3A_1929 = arith.constant 5 : i32
          %add3A_1930 = arith.addi %mul3A_1928, %add3A_1929 : i32
          %mul3A_1931 = arith.constant 16 : i32
          %mul3A_1932 = arith.muli %add3A_1930, %mul3A_1931 : i32
          %get3A_1933 = arith.index_cast %mul3A_1932 : i32 to index
          %get3A_1934 = tpu.vector_load %arg6[%get3A_1933] {strides = array<i32>} : memref<32768xi32, #tpu.memory_space<vmem>>, vector<16xi32>,
          %shift_right_arithmetic3A_1935 = arith.constant 20 : i32
          %shift_right_arithmetic3A_1936 = vector.broadcast %shift_right_arithmetic3A_1935 : i32 to vector<16xi32>
          %shift_right_arithmetic3A_1937 = arith.shrsi %get3A_1934, %shift_right_arithmetic3A_1936 : vector<16xi32>
          %shift_right_arithmetic3A_1938 = arith.constant 9 : i32
          %shift_right_arithmetic3A_1939 = vector.broadcast %shift_right_arithmetic3A_1938 : i32 to vector<16xi32>
          %shift_right_arithmetic3A_1940 = arith.shrsi %get3A_1934, %shift_right_arithmetic3A_1939 : vector<16xi32>
          %and3A_1941 = arith.constant 2047 : i32
          %and3A_1942 = vector.broadcast %and3A_1941 : i32 to vector<16xi32>
          %and3A_1943 = arith.andi %shift_right_arithmetic3A_1940, %and3A_1942 : vector<16xi32>
          %and3A_1944 = arith.constant 127 : i32
          %and3A_1945 = vector.broadcast %and3A_1944 : i32 to vector<16xi32>
          %and3A_1946 = arith.andi %and3A_1943, %and3A_1945 : vector<16xi32>
          %shift_left3A_1947 = arith.constant 4 : i32
          %shift_left3A_1948 = vector.broadcast %shift_left3A_1947 : i32 to vector<16xi32>
          %shift_left3A_1949 = arith.shli %and3A_1946, %shift_left3A_1948 : vector<16xi32>
          %shift_right_arithmetic3A_1950 = arith.constant 7 : i32
          %shift_right_arithmetic3A_1951 = vector.broadcast %shift_right_arithmetic3A_1950 : i32 to vector<16xi32>
          %shift_right_arithmetic3A_1952 = arith.shrsi %and3A_1943, %shift_right_arithmetic3A_1951 : vector<16xi32>
          %or3A_1953 = arith.ori %shift_left3A_1949, %shift_right_arithmetic3A_1952 : vector<16xi32>
          %eq3A_1954 = vector.broadcast %sub3A_323 : i32 to vector<16xi32>
          %eq3A_1955 = arith.cmpi eq, %shift_right_arithmetic3A_1937, %eq3A_1954 : vector<16xi32>
          tpu.vector_store_idx %arg8[%or3A_1953], %broadcast_in_dim3A_488 masked %eq3A_1955 {add = true} : memref<4096xi32, #tpu.memory_space<vmem>>[vector<16xi32>], vector<16xi32>, vector<16xi1>
          %add3A_1956 = arith.constant 2048 : i32
          %add3A_1957 = vector.broadcast %add3A_1956 : i32 to vector<16xi32>
          %add3A_1958 = arith.addi %or3A_1953, %add3A_1957 : vector<16xi32>
          %eq3A_1959 = vector.broadcast %sub3A_429 : i32 to vector<16xi32>
          %eq3A_1960 = arith.cmpi eq, %shift_right_arithmetic3A_1937, %eq3A_1959 : vector<16xi32>
          tpu.vector_store_idx %arg8[%add3A_1958], %broadcast_in_dim3A_488 masked %eq3A_1960 {add = true} : memref<4096xi32, #tpu.memory_space<vmem>>[vector<16xi32>], vector<16xi32>, vector<16xi1>
          %mul3A_1961 = arith.constant 8 : i32
          %mul3A_1962 = arith.muli %scan3A_1756, %mul3A_1961 : i32
          %add3A_1963 = arith.constant 6 : i32
          %add3A_1964 = arith.addi %mul3A_1962, %add3A_1963 : i32
          %mul3A_1965 = arith.constant 16 : i32
          %mul3A_1966 = arith.muli %add3A_1964, %mul3A_1965 : i32
          %get3A_1967 = arith.index_cast %mul3A_1966 : i32 to index
          %get3A_1968 = tpu.vector_load %arg6[%get3A_1967] {strides = array<i32>} : memref<32768xi32, #tpu.memory_space<vmem>>, vector<16xi32>,
          %shift_right_arithmetic3A_1969 = arith.constant 20 : i32
          %shift_right_arithmetic3A_1970 = vector.broadcast %shift_right_arithmetic3A_1969 : i32 to vector<16xi32>
          %shift_right_arithmetic3A_1971 = arith.shrsi %get3A_1968, %shift_right_arithmetic3A_1970 : vector<16xi32>
          %shift_right_arithmetic3A_1972 = arith.constant 9 : i32
          %shift_right_arithmetic3A_1973 = vector.broadcast %shift_right_arithmetic3A_1972 : i32 to vector<16xi32>
          %shift_right_arithmetic3A_1974 = arith.shrsi %get3A_1968, %shift_right_arithmetic3A_1973 : vector<16xi32>
          %and3A_1975 = arith.constant 2047 : i32
          %and3A_1976 = vector.broadcast %and3A_1975 : i32 to vector<16xi32>
          %and3A_1977 = arith.andi %shift_right_arithmetic3A_1974, %and3A_1976 : vector<16xi32>
          %and3A_1978 = arith.constant 127 : i32
          %and3A_1979 = vector.broadcast %and3A_1978 : i32 to vector<16xi32>
          %and3A_1980 = arith.andi %and3A_1977, %and3A_1979 : vector<16xi32>
          %shift_left3A_1981 = arith.constant 4 : i32
          %shift_left3A_1982 = vector.broadcast %shift_left3A_1981 : i32 to vector<16xi32>
          %shift_left3A_1983 = arith.shli %and3A_1980, %shift_left3A_1982 : vector<16xi32>
          %shift_right_arithmetic3A_1984 = arith.constant 7 : i32
          %shift_right_arithmetic3A_1985 = vector.broadcast %shift_right_arithmetic3A_1984 : i32 to vector<16xi32>
          %shift_right_arithmetic3A_1986 = arith.shrsi %and3A_1977, %shift_right_arithmetic3A_1985 : vector<16xi32>
          %or3A_1987 = arith.ori %shift_left3A_1983, %shift_right_arithmetic3A_1986 : vector<16xi32>
          %eq3A_1988 = vector.broadcast %sub3A_323 : i32 to vector<16xi32>
          %eq3A_1989 = arith.cmpi eq, %shift_right_arithmetic3A_1971, %eq3A_1988 : vector<16xi32>
          tpu.vector_store_idx %arg8[%or3A_1987], %broadcast_in_dim3A_488 masked %eq3A_1989 {add = true} : memref<4096xi32, #tpu.memory_space<vmem>>[vector<16xi32>], vector<16xi32>, vector<16xi1>
          %add3A_1990 = arith.constant 2048 : i32
          %add3A_1991 = vector.broadcast %add3A_1990 : i32 to vector<16xi32>
          %add3A_1992 = arith.addi %or3A_1987, %add3A_1991 : vector<16xi32>
          %eq3A_1993 = vector.broadcast %sub3A_429 : i32 to vector<16xi32>
          %eq3A_1994 = arith.cmpi eq, %shift_right_arithmetic3A_1971, %eq3A_1993 : vector<16xi32>
          tpu.vector_store_idx %arg8[%add3A_1992], %broadcast_in_dim3A_488 masked %eq3A_1994 {add = true} : memref<4096xi32, #tpu.memory_space<vmem>>[vector<16xi32>], vector<16xi32>, vector<16xi1>
          %mul3A_1995 = arith.constant 8 : i32
          %mul3A_1996 = arith.muli %scan3A_1756, %mul3A_1995 : i32
          %add3A_1997 = arith.constant 7 : i32
          %add3A_1998 = arith.addi %mul3A_1996, %add3A_1997 : i32
          %mul3A_1999 = arith.constant 16 : i32
          %mul3A_2000 = arith.muli %add3A_1998, %mul3A_1999 : i32
          %get3A_2001 = arith.index_cast %mul3A_2000 : i32 to index
          %get3A_2002 = tpu.vector_load %arg6[%get3A_2001] {strides = array<i32>} : memref<32768xi32, #tpu.memory_space<vmem>>, vector<16xi32>,
          %shift_right_arithmetic3A_2003 = arith.constant 20 : i32
          %shift_right_arithmetic3A_2004 = vector.broadcast %shift_right_arithmetic3A_2003 : i32 to vector<16xi32>
          %shift_right_arithmetic3A_2005 = arith.shrsi %get3A_2002, %shift_right_arithmetic3A_2004 : vector<16xi32>
          %shift_right_arithmetic3A_2006 = arith.constant 9 : i32
          %shift_right_arithmetic3A_2007 = vector.broadcast %shift_right_arithmetic3A_2006 : i32 to vector<16xi32>
          %shift_right_arithmetic3A_2008 = arith.shrsi %get3A_2002, %shift_right_arithmetic3A_2007 : vector<16xi32>
          %and3A_2009 = arith.constant 2047 : i32
          %and3A_2010 = vector.broadcast %and3A_2009 : i32 to vector<16xi32>
          %and3A_2011 = arith.andi %shift_right_arithmetic3A_2008, %and3A_2010 : vector<16xi32>
          %and3A_2012 = arith.constant 127 : i32
          %and3A_2013 = vector.broadcast %and3A_2012 : i32 to vector<16xi32>
          %and3A_2014 = arith.andi %and3A_2011, %and3A_2013 : vector<16xi32>
          %shift_left3A_2015 = arith.constant 4 : i32
          %shift_left3A_2016 = vector.broadcast %shift_left3A_2015 : i32 to vector<16xi32>
          %shift_left3A_2017 = arith.shli %and3A_2014, %shift_left3A_2016 : vector<16xi32>
          %shift_right_arithmetic3A_2018 = arith.constant 7 : i32
          %shift_right_arithmetic3A_2019 = vector.broadcast %shift_right_arithmetic3A_2018 : i32 to vector<16xi32>
          %shift_right_arithmetic3A_2020 = arith.shrsi %and3A_2011, %shift_right_arithmetic3A_2019 : vector<16xi32>
          %or3A_2021 = arith.ori %shift_left3A_2017, %shift_right_arithmetic3A_2020 : vector<16xi32>
          %eq3A_2022 = vector.broadcast %sub3A_323 : i32 to vector<16xi32>
          %eq3A_2023 = arith.cmpi eq, %shift_right_arithmetic3A_2005, %eq3A_2022 : vector<16xi32>
          tpu.vector_store_idx %arg8[%or3A_2021], %broadcast_in_dim3A_488 masked %eq3A_2023 {add = true} : memref<4096xi32, #tpu.memory_space<vmem>>[vector<16xi32>], vector<16xi32>, vector<16xi1>
          %add3A_2024 = arith.constant 2048 : i32
          %add3A_2025 = vector.broadcast %add3A_2024 : i32 to vector<16xi32>
          %add3A_2026 = arith.addi %or3A_2021, %add3A_2025 : vector<16xi32>
          %eq3A_2027 = vector.broadcast %sub3A_429 : i32 to vector<16xi32>
          %eq3A_2028 = arith.cmpi eq, %shift_right_arithmetic3A_2005, %eq3A_2027 : vector<16xi32>
          tpu.vector_store_idx %arg8[%add3A_2026], %broadcast_in_dim3A_488 masked %eq3A_2028 {add = true} : memref<4096xi32, #tpu.memory_space<vmem>>[vector<16xi32>], vector<16xi32>, vector<16xi1>
          %scan3A_2029 = arith.constant 0 : i32
          scf.yield %scan3A_2029 : i32
        }
        %scan3A_1755 = arith.constant 256 : i32
      } else {
      }
      "tpu.region"() ({
        %run_scoped3A = tpu.sem_alloc : memref<!tpu.dma_semaphore, #tpu.memory_space<semaphore_mem>>
        %dma_start3A = arith.constant 0 : i32
        %dma_start3A_1749 = tpu.memref_slice %arg8[%dma_start3A] : memref<4096xi32, #tpu.memory_space<vmem>> -> memref<4096xi32, #tpu.memory_space<vmem>>
        %dma_start3A_1750 = arith.constant 0 : i32
        %dma_start3A_1751 = tpu.memref_slice %arg12[%select_n3A, %select_n3A_28, %dma_start3A_1750] : memref<2x8x4096xi32, #tpu.memory_space<vmem_shared>> -> memref<1x1x4096xi32, #tpu.memory_space<vmem_shared>>
        %dma_start3A_1752 = tpu.memref_squeeze %dma_start3A_1751 : memref<1x1x4096xi32, #tpu.memory_space<vmem_shared>> -> memref<4096xi32, #tpu.memory_space<vmem_shared>>
        %dma_start3A_1753 = arith.constant 0 : i32
        %dma_start3A_1754 = tpu.memref_slice %arg12[%select_n3A, %select_n3A_28, %dma_start3A_1753] : memref<2x8x4096xi32, #tpu.memory_space<vmem_shared>> -> memref<1x1x4096xi32, #tpu.memory_space<vmem_shared>>
        %dma_start3A_1755 = tpu.memref_squeeze %dma_start3A_1754 : memref<1x1x4096xi32, #tpu.memory_space<vmem_shared>> -> memref<4096xi32, #tpu.memory_space<vmem_shared>>
        %dma_start3A_1756 = arith.constant 0 : i32
        %dma_start3A_1757 = tpu.memref_slice %arg8[%dma_start3A_1756] : memref<4096xi32, #tpu.memory_space<vmem>> -> memref<4096xi32, #tpu.memory_space<vmem>>
        tpu.enqueue_dma source(%dma_start3A_1757 : memref<4096xi32, #tpu.memory_space<vmem>>) target(%dma_start3A_1755 : memref<4096xi32, #tpu.memory_space<vmem_shared>>) target_semaphore(%run_scoped3A : memref<!tpu.dma_semaphore, #tpu.memory_space<semaphore_mem>>)
        %dma_wait3A = arith.constant 0 : i32
        %dma_wait3A_1758 = tpu.memref_slice %arg8[%dma_wait3A] : memref<4096xi32, #tpu.memory_space<vmem>> -> memref<4096xi32, #tpu.memory_space<vmem>>
        %dma_wait3A_1759 = arith.constant 0 : i32
        %dma_wait3A_1760 = tpu.memref_slice %arg12[%select_n3A, %select_n3A_28, %dma_wait3A_1759] : memref<2x8x4096xi32, #tpu.memory_space<vmem_shared>> -> memref<1x1x4096xi32, #tpu.memory_space<vmem_shared>>
        %dma_wait3A_1761 = tpu.memref_squeeze %dma_wait3A_1760 : memref<1x1x4096xi32, #tpu.memory_space<vmem_shared>> -> memref<4096xi32, #tpu.memory_space<vmem_shared>>
        %dma_wait3A_1762 = arith.constant 0 : i32
        %dma_wait3A_1763 = tpu.memref_slice %arg12[%select_n3A, %select_n3A_28, %dma_wait3A_1762] : memref<2x8x4096xi32, #tpu.memory_space<vmem_shared>> -> memref<1x1x4096xi32, #tpu.memory_space<vmem_shared>>
        %dma_wait3A_1764 = tpu.memref_squeeze %dma_wait3A_1763 : memref<1x1x4096xi32, #tpu.memory_space<vmem_shared>> -> memref<4096xi32, #tpu.memory_space<vmem_shared>>
        %dma_wait3A_1765 = arith.constant 0 : i32
        %dma_wait3A_1766 = tpu.memref_slice %arg8[%dma_wait3A_1765] : memref<4096xi32, #tpu.memory_space<vmem>> -> memref<4096xi32, #tpu.memory_space<vmem>>
        tpu.wait_dma2 semaphore(%run_scoped3A : memref<!tpu.dma_semaphore, #tpu.memory_space<semaphore_mem>>) src(%dma_wait3A_1766 : memref<4096xi32, #tpu.memory_space<vmem>>) dst(%dma_wait3A_1764 : memref<4096xi32, #tpu.memory_space<vmem_shared>>)
        tpu.yield
      }) : () -> ()
      %barrier3A_497 = arith.constant 0 : index
      tpu.barrier barrier_id(%barrier3A_497)
      %mul3A_498 = arith.constant 512 : i32
      %mul3A_499 = arith.muli %select_n3A_28, %mul3A_498 : i32
      "tpu.region"() ({
        %run_scoped3A = tpu.sem_alloc : memref<!tpu.dma_semaphore, #tpu.memory_space<semaphore_mem>>
        %dma_start3A = arith.constant 0 : i32
        %dma_start3A_1749 = arith.constant 0 : i32
        %dma_start3A_1750 = tpu.memref_slice %arg10[%dma_start3A, %dma_start3A_1749] : memref<8x512xi32, #tpu.memory_space<vmem>> -> memref<8x512xi32, #tpu.memory_space<vmem>>
        %dma_start3A_1751 = arith.constant 0 : i32
        %dma_start3A_1752 = tpu.memref_slice %arg12[%select_n3A, %dma_start3A_1751, %mul3A_499] : memref<2x8x4096xi32, #tpu.memory_space<vmem_shared>> -> memref<1x8x512xi32, #tpu.memory_space<vmem_shared>>
        %dma_start3A_1753 = tpu.memref_squeeze %dma_start3A_1752 : memref<1x8x512xi32, #tpu.memory_space<vmem_shared>> -> memref<8x512xi32, #tpu.memory_space<vmem_shared>>
        %dma_start3A_1754 = arith.constant 0 : i32
        %dma_start3A_1755 = arith.constant 0 : i32
        %dma_start3A_1756 = tpu.memref_slice %arg10[%dma_start3A_1754, %dma_start3A_1755] : memref<8x512xi32, #tpu.memory_space<vmem>> -> memref<8x512xi32, #tpu.memory_space<vmem>>
        %dma_start3A_1757 = arith.constant 0 : i32
        %dma_start3A_1758 = tpu.memref_slice %arg12[%select_n3A, %dma_start3A_1757, %mul3A_499] : memref<2x8x4096xi32, #tpu.memory_space<vmem_shared>> -> memref<1x8x512xi32, #tpu.memory_space<vmem_shared>>
        %dma_start3A_1759 = tpu.memref_squeeze %dma_start3A_1758 : memref<1x8x512xi32, #tpu.memory_space<vmem_shared>> -> memref<8x512xi32, #tpu.memory_space<vmem_shared>>
        tpu.enqueue_dma source(%dma_start3A_1759 : memref<8x512xi32, #tpu.memory_space<vmem_shared>>) target(%dma_start3A_1756 : memref<8x512xi32, #tpu.memory_space<vmem>>) target_semaphore(%run_scoped3A : memref<!tpu.dma_semaphore, #tpu.memory_space<semaphore_mem>>)
        %dma_wait3A = arith.constant 0 : i32
        %dma_wait3A_1760 = arith.constant 0 : i32
        %dma_wait3A_1761 = tpu.memref_slice %arg10[%dma_wait3A, %dma_wait3A_1760] : memref<8x512xi32, #tpu.memory_space<vmem>> -> memref<8x512xi32, #tpu.memory_space<vmem>>
        %dma_wait3A_1762 = arith.constant 0 : i32
        %dma_wait3A_1763 = tpu.memref_slice %arg12[%select_n3A, %dma_wait3A_1762, %mul3A_499] : memref<2x8x4096xi32, #tpu.memory_space<vmem_shared>> -> memref<1x8x512xi32, #tpu.memory_space<vmem_shared>>
        %dma_wait3A_1764 = tpu.memref_squeeze %dma_wait3A_1763 : memref<1x8x512xi32, #tpu.memory_space<vmem_shared>> -> memref<8x512xi32, #tpu.memory_space<vmem_shared>>
        %dma_wait3A_1765 = arith.constant 0 : i32
        %dma_wait3A_1766 = arith.constant 0 : i32
        %dma_wait3A_1767 = tpu.memref_slice %arg10[%dma_wait3A_1765, %dma_wait3A_1766] : memref<8x512xi32, #tpu.memory_space<vmem>> -> memref<8x512xi32, #tpu.memory_space<vmem>>
        %dma_wait3A_1768 = arith.constant 0 : i32
        %dma_wait3A_1769 = tpu.memref_slice %arg12[%select_n3A, %dma_wait3A_1768, %mul3A_499] : memref<2x8x4096xi32, #tpu.memory_space<vmem_shared>> -> memref<1x8x512xi32, #tpu.memory_space<vmem_shared>>
        %dma_wait3A_1770 = tpu.memref_squeeze %dma_wait3A_1769 : memref<1x8x512xi32, #tpu.memory_space<vmem_shared>> -> memref<8x512xi32, #tpu.memory_space<vmem_shared>>
        tpu.wait_dma2 semaphore(%run_scoped3A : memref<!tpu.dma_semaphore, #tpu.memory_space<semaphore_mem>>) src(%dma_wait3A_1770 : memref<8x512xi32, #tpu.memory_space<vmem_shared>>) dst(%dma_wait3A_1767 : memref<8x512xi32, #tpu.memory_space<vmem>>)
        tpu.yield
      }) : () -> ()
      %scan3A_500 = arith.constant 0 : i32
      %scan3A_501 = arith.constant 0 : i32
      %scan3A_502 = arith.constant 16 : i32
      %scan3A_503 = arith.addi %scan3A_501, %scan3A_502 : i32
      %scan3A_504 = arith.constant 1 : i32
      %scan3A_505 = scf.for %scan3A_1749 = %scan3A_501 to %scan3A_503 step %scan3A_504 iter_args(%scan3A_1750 = %scan3A_500) -> (i32)  : i32 {
        %mul3A_1751 = arith.constant 2 : i32
        %mul3A_1752 = arith.muli %scan3A_1749, %mul3A_1751 : i32
        %add3A_1753 = arith.constant 0 : i32
        %add3A_1754 = arith.addi %mul3A_1752, %add3A_1753 : i32
        %mul3A_1755 = arith.constant 16 : i32
        %mul3A_1756 = arith.muli %add3A_1754, %mul3A_1755 : i32
        %get3A_1757 = arith.constant 0 : i32
        %get3A_1758 = arith.index_cast %get3A_1757 : i32 to index
        %get3A_1759 = arith.index_cast %mul3A_1756 : i32 to index
        %get3A_1760 = tpu.vector_load %arg10[%get3A_1758, %get3A_1759] {strides = array<i32>} : memref<8x512xi32, #tpu.memory_space<vmem>>, vector<16xi32>,
        %mul3A_1761 = arith.constant 16 : i32
        %mul3A_1762 = arith.muli %add3A_1754, %mul3A_1761 : i32
        %get3A_1763 = arith.constant 1 : i32
        %get3A_1764 = arith.index_cast %get3A_1763 : i32 to index
        %get3A_1765 = arith.index_cast %mul3A_1762 : i32 to index
        %get3A_1766 = tpu.vector_load %arg10[%get3A_1764, %get3A_1765] {strides = array<i32>} : memref<8x512xi32, #tpu.memory_space<vmem>>, vector<16xi32>,
        %add3A_1767 = arith.addi %get3A_1760, %get3A_1766 : vector<16xi32>
        %mul3A_1768 = arith.constant 16 : i32
        %mul3A_1769 = arith.muli %add3A_1754, %mul3A_1768 : i32
        %get3A_1770 = arith.constant 2 : i32
        %get3A_1771 = arith.index_cast %get3A_1770 : i32 to index
        %get3A_1772 = arith.index_cast %mul3A_1769 : i32 to index
        %get3A_1773 = tpu.vector_load %arg10[%get3A_1771, %get3A_1772] {strides = array<i32>} : memref<8x512xi32, #tpu.memory_space<vmem>>, vector<16xi32>,
        %add3A_1774 = arith.addi %add3A_1767, %get3A_1773 : vector<16xi32>
        %mul3A_1775 = arith.constant 16 : i32
        %mul3A_1776 = arith.muli %add3A_1754, %mul3A_1775 : i32
        %get3A_1777 = arith.constant 3 : i32
        %get3A_1778 = arith.index_cast %get3A_1777 : i32 to index
        %get3A_1779 = arith.index_cast %mul3A_1776 : i32 to index
        %get3A_1780 = tpu.vector_load %arg10[%get3A_1778, %get3A_1779] {strides = array<i32>} : memref<8x512xi32, #tpu.memory_space<vmem>>, vector<16xi32>,
        %add3A_1781 = arith.addi %add3A_1774, %get3A_1780 : vector<16xi32>
        %mul3A_1782 = arith.constant 16 : i32
        %mul3A_1783 = arith.muli %add3A_1754, %mul3A_1782 : i32
        %get3A_1784 = arith.constant 4 : i32
        %get3A_1785 = arith.index_cast %get3A_1784 : i32 to index
        %get3A_1786 = arith.index_cast %mul3A_1783 : i32 to index
        %get3A_1787 = tpu.vector_load %arg10[%get3A_1785, %get3A_1786] {strides = array<i32>} : memref<8x512xi32, #tpu.memory_space<vmem>>, vector<16xi32>,
        %add3A_1788 = arith.addi %add3A_1781, %get3A_1787 : vector<16xi32>
        %mul3A_1789 = arith.constant 16 : i32
        %mul3A_1790 = arith.muli %add3A_1754, %mul3A_1789 : i32
        %get3A_1791 = arith.constant 5 : i32
        %get3A_1792 = arith.index_cast %get3A_1791 : i32 to index
        %get3A_1793 = arith.index_cast %mul3A_1790 : i32 to index
        %get3A_1794 = tpu.vector_load %arg10[%get3A_1792, %get3A_1793] {strides = array<i32>} : memref<8x512xi32, #tpu.memory_space<vmem>>, vector<16xi32>,
        %add3A_1795 = arith.addi %add3A_1788, %get3A_1794 : vector<16xi32>
        %mul3A_1796 = arith.constant 16 : i32
        %mul3A_1797 = arith.muli %add3A_1754, %mul3A_1796 : i32
        %get3A_1798 = arith.constant 6 : i32
        %get3A_1799 = arith.index_cast %get3A_1798 : i32 to index
        %get3A_1800 = arith.index_cast %mul3A_1797 : i32 to index
        %get3A_1801 = tpu.vector_load %arg10[%get3A_1799, %get3A_1800] {strides = array<i32>} : memref<8x512xi32, #tpu.memory_space<vmem>>, vector<16xi32>,
        %add3A_1802 = arith.addi %add3A_1795, %get3A_1801 : vector<16xi32>
        %mul3A_1803 = arith.constant 16 : i32
        %mul3A_1804 = arith.muli %add3A_1754, %mul3A_1803 : i32
        %get3A_1805 = arith.constant 7 : i32
        %get3A_1806 = arith.index_cast %get3A_1805 : i32 to index
        %get3A_1807 = arith.index_cast %mul3A_1804 : i32 to index
        %get3A_1808 = tpu.vector_load %arg10[%get3A_1806, %get3A_1807] {strides = array<i32>} : memref<8x512xi32, #tpu.memory_space<vmem>>, vector<16xi32>,
        %add3A_1809 = arith.addi %add3A_1802, %get3A_1808 : vector<16xi32>
        %mul3A_1810 = arith.constant 16 : i32
        %mul3A_1811 = arith.muli %add3A_1754, %mul3A_1810 : i32
        %swap3A = arith.index_cast %mul3A_1811 : i32 to index
        %swap3A_1812 = tpu.vector_load %arg11[%swap3A] {strides = array<i32>} : memref<512xi32, #tpu.memory_space<vmem>>, vector<16xi32>,
        tpu.vector_store %arg11[%swap3A], %add3A_1809 {strides = array<i32>} : memref<512xi32, #tpu.memory_space<vmem>>, vector<16xi32>,
        %mul3A_1813 = arith.constant 2 : i32
        %mul3A_1814 = arith.muli %scan3A_1749, %mul3A_1813 : i32
        %add3A_1815 = arith.constant 1 : i32
        %add3A_1816 = arith.addi %mul3A_1814, %add3A_1815 : i32
        %mul3A_1817 = arith.constant 16 : i32
        %mul3A_1818 = arith.muli %add3A_1816, %mul3A_1817 : i32
        %get3A_1819 = arith.constant 0 : i32
        %get3A_1820 = arith.index_cast %get3A_1819 : i32 to index
        %get3A_1821 = arith.index_cast %mul3A_1818 : i32 to index
        %get3A_1822 = tpu.vector_load %arg10[%get3A_1820, %get3A_1821] {strides = array<i32>} : memref<8x512xi32, #tpu.memory_space<vmem>>, vector<16xi32>,
        %mul3A_1823 = arith.constant 16 : i32
        %mul3A_1824 = arith.muli %add3A_1816, %mul3A_1823 : i32
        %get3A_1825 = arith.constant 1 : i32
        %get3A_1826 = arith.index_cast %get3A_1825 : i32 to index
        %get3A_1827 = arith.index_cast %mul3A_1824 : i32 to index
        %get3A_1828 = tpu.vector_load %arg10[%get3A_1826, %get3A_1827] {strides = array<i32>} : memref<8x512xi32, #tpu.memory_space<vmem>>, vector<16xi32>,
        %add3A_1829 = arith.addi %get3A_1822, %get3A_1828 : vector<16xi32>
        %mul3A_1830 = arith.constant 16 : i32
        %mul3A_1831 = arith.muli %add3A_1816, %mul3A_1830 : i32
        %get3A_1832 = arith.constant 2 : i32
        %get3A_1833 = arith.index_cast %get3A_1832 : i32 to index
        %get3A_1834 = arith.index_cast %mul3A_1831 : i32 to index
        %get3A_1835 = tpu.vector_load %arg10[%get3A_1833, %get3A_1834] {strides = array<i32>} : memref<8x512xi32, #tpu.memory_space<vmem>>, vector<16xi32>,
        %add3A_1836 = arith.addi %add3A_1829, %get3A_1835 : vector<16xi32>
        %mul3A_1837 = arith.constant 16 : i32
        %mul3A_1838 = arith.muli %add3A_1816, %mul3A_1837 : i32
        %get3A_1839 = arith.constant 3 : i32
        %get3A_1840 = arith.index_cast %get3A_1839 : i32 to index
        %get3A_1841 = arith.index_cast %mul3A_1838 : i32 to index
        %get3A_1842 = tpu.vector_load %arg10[%get3A_1840, %get3A_1841] {strides = array<i32>} : memref<8x512xi32, #tpu.memory_space<vmem>>, vector<16xi32>,
        %add3A_1843 = arith.addi %add3A_1836, %get3A_1842 : vector<16xi32>
        %mul3A_1844 = arith.constant 16 : i32
        %mul3A_1845 = arith.muli %add3A_1816, %mul3A_1844 : i32
        %get3A_1846 = arith.constant 4 : i32
        %get3A_1847 = arith.index_cast %get3A_1846 : i32 to index
        %get3A_1848 = arith.index_cast %mul3A_1845 : i32 to index
        %get3A_1849 = tpu.vector_load %arg10[%get3A_1847, %get3A_1848] {strides = array<i32>} : memref<8x512xi32, #tpu.memory_space<vmem>>, vector<16xi32>,
        %add3A_1850 = arith.addi %add3A_1843, %get3A_1849 : vector<16xi32>
        %mul3A_1851 = arith.constant 16 : i32
        %mul3A_1852 = arith.muli %add3A_1816, %mul3A_1851 : i32
        %get3A_1853 = arith.constant 5 : i32
        %get3A_1854 = arith.index_cast %get3A_1853 : i32 to index
        %get3A_1855 = arith.index_cast %mul3A_1852 : i32 to index
        %get3A_1856 = tpu.vector_load %arg10[%get3A_1854, %get3A_1855] {strides = array<i32>} : memref<8x512xi32, #tpu.memory_space<vmem>>, vector<16xi32>,
        %add3A_1857 = arith.addi %add3A_1850, %get3A_1856 : vector<16xi32>
        %mul3A_1858 = arith.constant 16 : i32
        %mul3A_1859 = arith.muli %add3A_1816, %mul3A_1858 : i32
        %get3A_1860 = arith.constant 6 : i32
        %get3A_1861 = arith.index_cast %get3A_1860 : i32 to index
        %get3A_1862 = arith.index_cast %mul3A_1859 : i32 to index
        %get3A_1863 = tpu.vector_load %arg10[%get3A_1861, %get3A_1862] {strides = array<i32>} : memref<8x512xi32, #tpu.memory_space<vmem>>, vector<16xi32>,
        %add3A_1864 = arith.addi %add3A_1857, %get3A_1863 : vector<16xi32>
        %mul3A_1865 = arith.constant 16 : i32
        %mul3A_1866 = arith.muli %add3A_1816, %mul3A_1865 : i32
        %get3A_1867 = arith.constant 7 : i32
        %get3A_1868 = arith.index_cast %get3A_1867 : i32 to index
        %get3A_1869 = arith.index_cast %mul3A_1866 : i32 to index
        %get3A_1870 = tpu.vector_load %arg10[%get3A_1868, %get3A_1869] {strides = array<i32>} : memref<8x512xi32, #tpu.memory_space<vmem>>, vector<16xi32>,
        %add3A_1871 = arith.addi %add3A_1864, %get3A_1870 : vector<16xi32>
        %mul3A_1872 = arith.constant 16 : i32
        %mul3A_1873 = arith.muli %add3A_1816, %mul3A_1872 : i32
        %swap3A_1874 = arith.index_cast %mul3A_1873 : i32 to index
        %swap3A_1875 = tpu.vector_load %arg11[%swap3A_1874] {strides = array<i32>} : memref<512xi32, #tpu.memory_space<vmem>>, vector<16xi32>,
        tpu.vector_store %arg11[%swap3A_1874], %add3A_1871 {strides = array<i32>} : memref<512xi32, #tpu.memory_space<vmem>>, vector<16xi32>,
        %scan3A_1876 = arith.constant 0 : i32
        scf.yield %scan3A_1876 : i32
      }
      %scan3A_506 = arith.constant 16 : i32
      %mul3A_507 = arith.constant 512 : i32
      %mul3A_508 = arith.muli %select_n3A_28, %mul3A_507 : i32
      "tpu.region"() ({
        %run_scoped3A = tpu.sem_alloc : memref<!tpu.dma_semaphore, #tpu.memory_space<semaphore_mem>>
        %dma_start3A = arith.constant 0 : i32
        %dma_start3A_1749 = tpu.memref_slice %arg11[%dma_start3A] : memref<512xi32, #tpu.memory_space<vmem>> -> memref<512xi32, #tpu.memory_space<vmem>>
        %dma_start3A_1750 = tpu.memref_slice %arg13[%select_n3A, %mul3A_508] : memref<2x4096xi32, #tpu.memory_space<vmem_shared>> -> memref<1x512xi32, #tpu.memory_space<vmem_shared>>
        %dma_start3A_1751 = tpu.memref_squeeze %dma_start3A_1750 : memref<1x512xi32, #tpu.memory_space<vmem_shared>> -> memref<512xi32, #tpu.memory_space<vmem_shared>>
        %dma_start3A_1752 = tpu.memref_slice %arg13[%select_n3A, %mul3A_508] : memref<2x4096xi32, #tpu.memory_space<vmem_shared>> -> memref<1x512xi32, #tpu.memory_space<vmem_shared>>
        %dma_start3A_1753 = tpu.memref_squeeze %dma_start3A_1752 : memref<1x512xi32, #tpu.memory_space<vmem_shared>> -> memref<512xi32, #tpu.memory_space<vmem_shared>>
        %dma_start3A_1754 = arith.constant 0 : i32
        %dma_start3A_1755 = tpu.memref_slice %arg11[%dma_start3A_1754] : memref<512xi32, #tpu.memory_space<vmem>> -> memref<512xi32, #tpu.memory_space<vmem>>
        tpu.enqueue_dma source(%dma_start3A_1755 : memref<512xi32, #tpu.memory_space<vmem>>) target(%dma_start3A_1753 : memref<512xi32, #tpu.memory_space<vmem_shared>>) target_semaphore(%run_scoped3A : memref<!tpu.dma_semaphore, #tpu.memory_space<semaphore_mem>>)
        %dma_wait3A = arith.constant 0 : i32
        %dma_wait3A_1756 = tpu.memref_slice %arg11[%dma_wait3A] : memref<512xi32, #tpu.memory_space<vmem>> -> memref<512xi32, #tpu.memory_space<vmem>>
        %dma_wait3A_1757 = tpu.memref_slice %arg13[%select_n3A, %mul3A_508] : memref<2x4096xi32, #tpu.memory_space<vmem_shared>> -> memref<1x512xi32, #tpu.memory_space<vmem_shared>>
        %dma_wait3A_1758 = tpu.memref_squeeze %dma_wait3A_1757 : memref<1x512xi32, #tpu.memory_space<vmem_shared>> -> memref<512xi32, #tpu.memory_space<vmem_shared>>
        %dma_wait3A_1759 = tpu.memref_slice %arg13[%select_n3A, %mul3A_508] : memref<2x4096xi32, #tpu.memory_space<vmem_shared>> -> memref<1x512xi32, #tpu.memory_space<vmem_shared>>
        %dma_wait3A_1760 = tpu.memref_squeeze %dma_wait3A_1759 : memref<1x512xi32, #tpu.memory_space<vmem_shared>> -> memref<512xi32, #tpu.memory_space<vmem_shared>>
        %dma_wait3A_1761 = arith.constant 0 : i32
        %dma_wait3A_1762 = tpu.memref_slice %arg11[%dma_wait3A_1761] : memref<512xi32, #tpu.memory_space<vmem>> -> memref<512xi32, #tpu.memory_space<vmem>>
        tpu.wait_dma2 semaphore(%run_scoped3A : memref<!tpu.dma_semaphore, #tpu.memory_space<semaphore_mem>>) src(%dma_wait3A_1762 : memref<512xi32, #tpu.memory_space<vmem>>) dst(%dma_wait3A_1760 : memref<512xi32, #tpu.memory_space<vmem_shared>>)
        tpu.yield
      }) : () -> ()
      %barrier3A_509 = arith.constant 0 : index
      tpu.barrier barrier_id(%barrier3A_509)
      "tpu.region"() ({
        %run_scoped3A = tpu.sem_alloc : memref<!tpu.dma_semaphore, #tpu.memory_space<semaphore_mem>>
        %dma_start3A = arith.constant 0 : i32
        %dma_start3A_1749 = tpu.memref_slice %arg9[%dma_start3A] : memref<4096xi32, #tpu.memory_space<vmem>> -> memref<4096xi32, #tpu.memory_space<vmem>>
        %dma_start3A_1750 = arith.constant 0 : i32
        %dma_start3A_1751 = tpu.memref_slice %arg13[%select_n3A, %dma_start3A_1750] : memref<2x4096xi32, #tpu.memory_space<vmem_shared>> -> memref<1x4096xi32, #tpu.memory_space<vmem_shared>>
        %dma_start3A_1752 = tpu.memref_squeeze %dma_start3A_1751 : memref<1x4096xi32, #tpu.memory_space<vmem_shared>> -> memref<4096xi32, #tpu.memory_space<vmem_shared>>
        %dma_start3A_1753 = arith.constant 0 : i32
        %dma_start3A_1754 = tpu.memref_slice %arg9[%dma_start3A_1753] : memref<4096xi32, #tpu.memory_space<vmem>> -> memref<4096xi32, #tpu.memory_space<vmem>>
        %dma_start3A_1755 = arith.constant 0 : i32
        %dma_start3A_1756 = tpu.memref_slice %arg13[%select_n3A, %dma_start3A_1755] : memref<2x4096xi32, #tpu.memory_space<vmem_shared>> -> memref<1x4096xi32, #tpu.memory_space<vmem_shared>>
        %dma_start3A_1757 = tpu.memref_squeeze %dma_start3A_1756 : memref<1x4096xi32, #tpu.memory_space<vmem_shared>> -> memref<4096xi32, #tpu.memory_space<vmem_shared>>
        tpu.enqueue_dma source(%dma_start3A_1757 : memref<4096xi32, #tpu.memory_space<vmem_shared>>) target(%dma_start3A_1754 : memref<4096xi32, #tpu.memory_space<vmem>>) target_semaphore(%run_scoped3A : memref<!tpu.dma_semaphore, #tpu.memory_space<semaphore_mem>>)
        %dma_wait3A = arith.constant 0 : i32
        %dma_wait3A_1758 = tpu.memref_slice %arg9[%dma_wait3A] : memref<4096xi32, #tpu.memory_space<vmem>> -> memref<4096xi32, #tpu.memory_space<vmem>>
        %dma_wait3A_1759 = arith.constant 0 : i32
        %dma_wait3A_1760 = tpu.memref_slice %arg13[%select_n3A, %dma_wait3A_1759] : memref<2x4096xi32, #tpu.memory_space<vmem_shared>> -> memref<1x4096xi32, #tpu.memory_space<vmem_shared>>
        %dma_wait3A_1761 = tpu.memref_squeeze %dma_wait3A_1760 : memref<1x4096xi32, #tpu.memory_space<vmem_shared>> -> memref<4096xi32, #tpu.memory_space<vmem_shared>>
        %dma_wait3A_1762 = arith.constant 0 : i32
        %dma_wait3A_1763 = tpu.memref_slice %arg9[%dma_wait3A_1762] : memref<4096xi32, #tpu.memory_space<vmem>> -> memref<4096xi32, #tpu.memory_space<vmem>>
        %dma_wait3A_1764 = arith.constant 0 : i32
        %dma_wait3A_1765 = tpu.memref_slice %arg13[%select_n3A, %dma_wait3A_1764] : memref<2x4096xi32, #tpu.memory_space<vmem_shared>> -> memref<1x4096xi32, #tpu.memory_space<vmem_shared>>
        %dma_wait3A_1766 = tpu.memref_squeeze %dma_wait3A_1765 : memref<1x4096xi32, #tpu.memory_space<vmem_shared>> -> memref<4096xi32, #tpu.memory_space<vmem_shared>>
        tpu.wait_dma2 semaphore(%run_scoped3A : memref<!tpu.dma_semaphore, #tpu.memory_space<semaphore_mem>>) src(%dma_wait3A_1766 : memref<4096xi32, #tpu.memory_space<vmem_shared>>) dst(%dma_wait3A_1763 : memref<4096xi32, #tpu.memory_space<vmem>>)
        tpu.yield
      }) : () -> ()
      %eq3A_510 = arith.cmpi eq, %sub3A_323, %sub3A_429 : i32
      %jit3A_511 = arith.constant 0 : i32
      %jit3A_512 = arith.constant 2048 : i32
      %select_n3A_513 = arith.select %eq3A_510, %jit3A_511, %jit3A_512 : i32
      %broadcast_in_dim3A_514 = arith.constant 0 : i32
      %broadcast_in_dim3A_515 = vector.broadcast %broadcast_in_dim3A_514 : i32 to vector<16xi32>
      %iota3A_516 = tpu.iota {dimensions = array<i32: 0>} : vector<16xi32>
      %scan3A_517 = arith.constant 0 : i32
      %scan3A_518 = arith.constant 32 : i32
      %scan3A_519 = arith.addi %scan3A_517, %scan3A_518 : i32
      %scan3A_520 = arith.constant 1 : i32
      %scan3A_521 = scf.for %scan3A_1749 = %scan3A_517 to %scan3A_519 step %scan3A_520 iter_args(%scan3A_1750 = %broadcast_in_dim3A_515) -> (vector<16xi32>)  : i32 {
        %mul3A_1751 = arith.constant 4 : i32
        %mul3A_1752 = arith.muli %scan3A_1749, %mul3A_1751 : i32
        %add3A_1753 = arith.constant 0 : i32
        %add3A_1754 = arith.addi %mul3A_1752, %add3A_1753 : i32
        %mul3A_1755 = arith.constant 16 : i32
        %mul3A_1756 = arith.muli %add3A_1754, %mul3A_1755 : i32
        %add3A_1757 = arith.constant 0 : i32
        %add3A_1758 = arith.addi %add3A_1757, %mul3A_1756 : i32
        %get3A_1759 = arith.index_cast %add3A_1758 : i32 to index
        %get3A_1760 = tpu.vector_load %arg9[%get3A_1759] {strides = array<i32>} : memref<4096xi32, #tpu.memory_space<vmem>>, vector<16xi32>,
        %add3A_1761 = arith.addi %scan3A_1750, %get3A_1760 : vector<16xi32>
        %mul3A_1762 = arith.constant 4 : i32
        %mul3A_1763 = arith.muli %scan3A_1749, %mul3A_1762 : i32
        %add3A_1764 = arith.constant 1 : i32
        %add3A_1765 = arith.addi %mul3A_1763, %add3A_1764 : i32
        %mul3A_1766 = arith.constant 16 : i32
        %mul3A_1767 = arith.muli %add3A_1765, %mul3A_1766 : i32
        %add3A_1768 = arith.constant 0 : i32
        %add3A_1769 = arith.addi %add3A_1768, %mul3A_1767 : i32
        %get3A_1770 = arith.index_cast %add3A_1769 : i32 to index
        %get3A_1771 = tpu.vector_load %arg9[%get3A_1770] {strides = array<i32>} : memref<4096xi32, #tpu.memory_space<vmem>>, vector<16xi32>,
        %add3A_1772 = arith.addi %add3A_1761, %get3A_1771 : vector<16xi32>
        %mul3A_1773 = arith.constant 4 : i32
        %mul3A_1774 = arith.muli %scan3A_1749, %mul3A_1773 : i32
        %add3A_1775 = arith.constant 2 : i32
        %add3A_1776 = arith.addi %mul3A_1774, %add3A_1775 : i32
        %mul3A_1777 = arith.constant 16 : i32
        %mul3A_1778 = arith.muli %add3A_1776, %mul3A_1777 : i32
        %add3A_1779 = arith.constant 0 : i32
        %add3A_1780 = arith.addi %add3A_1779, %mul3A_1778 : i32
        %get3A_1781 = arith.index_cast %add3A_1780 : i32 to index
        %get3A_1782 = tpu.vector_load %arg9[%get3A_1781] {strides = array<i32>} : memref<4096xi32, #tpu.memory_space<vmem>>, vector<16xi32>,
        %add3A_1783 = arith.addi %add3A_1772, %get3A_1782 : vector<16xi32>
        %mul3A_1784 = arith.constant 4 : i32
        %mul3A_1785 = arith.muli %scan3A_1749, %mul3A_1784 : i32
        %add3A_1786 = arith.constant 3 : i32
        %add3A_1787 = arith.addi %mul3A_1785, %add3A_1786 : i32
        %mul3A_1788 = arith.constant 16 : i32
        %mul3A_1789 = arith.muli %add3A_1787, %mul3A_1788 : i32
        %add3A_1790 = arith.constant 0 : i32
        %add3A_1791 = arith.addi %add3A_1790, %mul3A_1789 : i32
        %get3A_1792 = arith.index_cast %add3A_1791 : i32 to index
        %get3A_1793 = tpu.vector_load %arg9[%get3A_1792] {strides = array<i32>} : memref<4096xi32, #tpu.memory_space<vmem>>, vector<16xi32>,
        %add3A_1794 = arith.addi %add3A_1783, %get3A_1793 : vector<16xi32>
        scf.yield %add3A_1794 : vector<16xi32>
      }
      %scan3A_522 = arith.constant 32 : i32
      %slice3A_523 = vector.extract_strided_slice %scan3A_521 {offsets = [0], sizes = [1], strides = [1]} : vector<16xi32> to vector<1xi32>
      %squeeze3A_524 = vector.extract %slice3A_523[0] : i32 from vector<1xi32>
      %slice3A_525 = vector.extract_strided_slice %scan3A_521 {offsets = [1], sizes = [1], strides = [1]} : vector<16xi32> to vector<1xi32>
      %squeeze3A_526 = vector.extract %slice3A_525[0] : i32 from vector<1xi32>
      %add3A_527 = arith.addi %squeeze3A_524, %squeeze3A_526 : i32
      %slice3A_528 = vector.extract_strided_slice %scan3A_521 {offsets = [2], sizes = [1], strides = [1]} : vector<16xi32> to vector<1xi32>
      %squeeze3A_529 = vector.extract %slice3A_528[0] : i32 from vector<1xi32>
      %add3A_530 = arith.addi %add3A_527, %squeeze3A_529 : i32
      %slice3A_531 = vector.extract_strided_slice %scan3A_521 {offsets = [3], sizes = [1], strides = [1]} : vector<16xi32> to vector<1xi32>
      %squeeze3A_532 = vector.extract %slice3A_531[0] : i32 from vector<1xi32>
      %add3A_533 = arith.addi %add3A_530, %squeeze3A_532 : i32
      %slice3A_534 = vector.extract_strided_slice %scan3A_521 {offsets = [4], sizes = [1], strides = [1]} : vector<16xi32> to vector<1xi32>
      %squeeze3A_535 = vector.extract %slice3A_534[0] : i32 from vector<1xi32>
      %add3A_536 = arith.addi %add3A_533, %squeeze3A_535 : i32
      %slice3A_537 = vector.extract_strided_slice %scan3A_521 {offsets = [5], sizes = [1], strides = [1]} : vector<16xi32> to vector<1xi32>
      %squeeze3A_538 = vector.extract %slice3A_537[0] : i32 from vector<1xi32>
      %add3A_539 = arith.addi %add3A_536, %squeeze3A_538 : i32
      %slice3A_540 = vector.extract_strided_slice %scan3A_521 {offsets = [6], sizes = [1], strides = [1]} : vector<16xi32> to vector<1xi32>
      %squeeze3A_541 = vector.extract %slice3A_540[0] : i32 from vector<1xi32>
      %add3A_542 = arith.addi %add3A_539, %squeeze3A_541 : i32
      %slice3A_543 = vector.extract_strided_slice %scan3A_521 {offsets = [7], sizes = [1], strides = [1]} : vector<16xi32> to vector<1xi32>
      %squeeze3A_544 = vector.extract %slice3A_543[0] : i32 from vector<1xi32>
      %add3A_545 = arith.addi %add3A_542, %squeeze3A_544 : i32
      %slice3A_546 = vector.extract_strided_slice %scan3A_521 {offsets = [8], sizes = [1], strides = [1]} : vector<16xi32> to vector<1xi32>
      %squeeze3A_547 = vector.extract %slice3A_546[0] : i32 from vector<1xi32>
      %add3A_548 = arith.addi %add3A_545, %squeeze3A_547 : i32
      %slice3A_549 = vector.extract_strided_slice %scan3A_521 {offsets = [9], sizes = [1], strides = [1]} : vector<16xi32> to vector<1xi32>
      %squeeze3A_550 = vector.extract %slice3A_549[0] : i32 from vector<1xi32>
      %add3A_551 = arith.addi %add3A_548, %squeeze3A_550 : i32
      %slice3A_552 = vector.extract_strided_slice %scan3A_521 {offsets = [10], sizes = [1], strides = [1]} : vector<16xi32> to vector<1xi32>
      %squeeze3A_553 = vector.extract %slice3A_552[0] : i32 from vector<1xi32>
      %add3A_554 = arith.addi %add3A_551, %squeeze3A_553 : i32
      %slice3A_555 = vector.extract_strided_slice %scan3A_521 {offsets = [11], sizes = [1], strides = [1]} : vector<16xi32> to vector<1xi32>
      %squeeze3A_556 = vector.extract %slice3A_555[0] : i32 from vector<1xi32>
      %add3A_557 = arith.addi %add3A_554, %squeeze3A_556 : i32
      %slice3A_558 = vector.extract_strided_slice %scan3A_521 {offsets = [12], sizes = [1], strides = [1]} : vector<16xi32> to vector<1xi32>
      %squeeze3A_559 = vector.extract %slice3A_558[0] : i32 from vector<1xi32>
      %add3A_560 = arith.addi %add3A_557, %squeeze3A_559 : i32
      %slice3A_561 = vector.extract_strided_slice %scan3A_521 {offsets = [13], sizes = [1], strides = [1]} : vector<16xi32> to vector<1xi32>
      %squeeze3A_562 = vector.extract %slice3A_561[0] : i32 from vector<1xi32>
      %add3A_563 = arith.addi %add3A_560, %squeeze3A_562 : i32
      %slice3A_564 = vector.extract_strided_slice %scan3A_521 {offsets = [14], sizes = [1], strides = [1]} : vector<16xi32> to vector<1xi32>
      %squeeze3A_565 = vector.extract %slice3A_564[0] : i32 from vector<1xi32>
      %add3A_566 = arith.addi %add3A_563, %squeeze3A_565 : i32
      %slice3A_567 = vector.extract_strided_slice %scan3A_521 {offsets = [15], sizes = [1], strides = [1]} : vector<16xi32> to vector<1xi32>
      %squeeze3A_568 = vector.extract %slice3A_567[0] : i32 from vector<1xi32>
      %add3A_569 = arith.addi %add3A_566, %squeeze3A_568 : i32
      %eq3A_570 = arith.constant 0 : i32
      %eq3A_571 = vector.broadcast %eq3A_570 : i32 to vector<16xi32>
      %eq3A_572 = arith.cmpi eq, %iota3A_516, %eq3A_571 : vector<16xi32>
      %jit3A_573 = arith.constant 0 : i32
      %broadcast_in_dim3A_574 = vector.broadcast %jit3A_573 : i32 to vector<16xi32>
      %select_n3A_575 = arith.select %eq3A_572, %broadcast_in_dim3A_574, %broadcast_in_dim3A_515 : vector<16xi1>, vector<16xi32>
      %slice3A_576 = vector.extract_strided_slice %scan3A_521 {offsets = [0], sizes = [1], strides = [1]} : vector<16xi32> to vector<1xi32>
      %squeeze3A_577 = vector.extract %slice3A_576[0] : i32 from vector<1xi32>
      %add3A_578 = arith.constant 0 : i32
      %add3A_579 = arith.addi %add3A_578, %squeeze3A_577 : i32
      %eq3A_580 = arith.constant 1 : i32
      %eq3A_581 = vector.broadcast %eq3A_580 : i32 to vector<16xi32>
      %eq3A_582 = arith.cmpi eq, %iota3A_516, %eq3A_581 : vector<16xi32>
      %broadcast_in_dim3A_583 = vector.broadcast %add3A_579 : i32 to vector<16xi32>
      %select_n3A_584 = arith.select %eq3A_582, %broadcast_in_dim3A_583, %select_n3A_575 : vector<16xi1>, vector<16xi32>
      %slice3A_585 = vector.extract_strided_slice %scan3A_521 {offsets = [1], sizes = [1], strides = [1]} : vector<16xi32> to vector<1xi32>
      %squeeze3A_586 = vector.extract %slice3A_585[0] : i32 from vector<1xi32>
      %add3A_587 = arith.addi %add3A_579, %squeeze3A_586 : i32
      %eq3A_588 = arith.constant 2 : i32
      %eq3A_589 = vector.broadcast %eq3A_588 : i32 to vector<16xi32>
      %eq3A_590 = arith.cmpi eq, %iota3A_516, %eq3A_589 : vector<16xi32>
      %broadcast_in_dim3A_591 = vector.broadcast %add3A_587 : i32 to vector<16xi32>
      %select_n3A_592 = arith.select %eq3A_590, %broadcast_in_dim3A_591, %select_n3A_584 : vector<16xi1>, vector<16xi32>
      %slice3A_593 = vector.extract_strided_slice %scan3A_521 {offsets = [2], sizes = [1], strides = [1]} : vector<16xi32> to vector<1xi32>
      %squeeze3A_594 = vector.extract %slice3A_593[0] : i32 from vector<1xi32>
      %add3A_595 = arith.addi %add3A_587, %squeeze3A_594 : i32
      %eq3A_596 = arith.constant 3 : i32
      %eq3A_597 = vector.broadcast %eq3A_596 : i32 to vector<16xi32>
      %eq3A_598 = arith.cmpi eq, %iota3A_516, %eq3A_597 : vector<16xi32>
      %broadcast_in_dim3A_599 = vector.broadcast %add3A_595 : i32 to vector<16xi32>
      %select_n3A_600 = arith.select %eq3A_598, %broadcast_in_dim3A_599, %select_n3A_592 : vector<16xi1>, vector<16xi32>
      %slice3A_601 = vector.extract_strided_slice %scan3A_521 {offsets = [3], sizes = [1], strides = [1]} : vector<16xi32> to vector<1xi32>
      %squeeze3A_602 = vector.extract %slice3A_601[0] : i32 from vector<1xi32>
      %add3A_603 = arith.addi %add3A_595, %squeeze3A_602 : i32
      %eq3A_604 = arith.constant 4 : i32
      %eq3A_605 = vector.broadcast %eq3A_604 : i32 to vector<16xi32>
      %eq3A_606 = arith.cmpi eq, %iota3A_516, %eq3A_605 : vector<16xi32>
      %broadcast_in_dim3A_607 = vector.broadcast %add3A_603 : i32 to vector<16xi32>
      %select_n3A_608 = arith.select %eq3A_606, %broadcast_in_dim3A_607, %select_n3A_600 : vector<16xi1>, vector<16xi32>
      %slice3A_609 = vector.extract_strided_slice %scan3A_521 {offsets = [4], sizes = [1], strides = [1]} : vector<16xi32> to vector<1xi32>
      %squeeze3A_610 = vector.extract %slice3A_609[0] : i32 from vector<1xi32>
      %add3A_611 = arith.addi %add3A_603, %squeeze3A_610 : i32
      %eq3A_612 = arith.constant 5 : i32
      %eq3A_613 = vector.broadcast %eq3A_612 : i32 to vector<16xi32>
      %eq3A_614 = arith.cmpi eq, %iota3A_516, %eq3A_613 : vector<16xi32>
      %broadcast_in_dim3A_615 = vector.broadcast %add3A_611 : i32 to vector<16xi32>
      %select_n3A_616 = arith.select %eq3A_614, %broadcast_in_dim3A_615, %select_n3A_608 : vector<16xi1>, vector<16xi32>
      %slice3A_617 = vector.extract_strided_slice %scan3A_521 {offsets = [5], sizes = [1], strides = [1]} : vector<16xi32> to vector<1xi32>
      %squeeze3A_618 = vector.extract %slice3A_617[0] : i32 from vector<1xi32>
      %add3A_619 = arith.addi %add3A_611, %squeeze3A_618 : i32
      %eq3A_620 = arith.constant 6 : i32
      %eq3A_621 = vector.broadcast %eq3A_620 : i32 to vector<16xi32>
      %eq3A_622 = arith.cmpi eq, %iota3A_516, %eq3A_621 : vector<16xi32>
      %broadcast_in_dim3A_623 = vector.broadcast %add3A_619 : i32 to vector<16xi32>
      %select_n3A_624 = arith.select %eq3A_622, %broadcast_in_dim3A_623, %select_n3A_616 : vector<16xi1>, vector<16xi32>
      %slice3A_625 = vector.extract_strided_slice %scan3A_521 {offsets = [6], sizes = [1], strides = [1]} : vector<16xi32> to vector<1xi32>
      %squeeze3A_626 = vector.extract %slice3A_625[0] : i32 from vector<1xi32>
      %add3A_627 = arith.addi %add3A_619, %squeeze3A_626 : i32
      %eq3A_628 = arith.constant 7 : i32
      %eq3A_629 = vector.broadcast %eq3A_628 : i32 to vector<16xi32>
      %eq3A_630 = arith.cmpi eq, %iota3A_516, %eq3A_629 : vector<16xi32>
      %broadcast_in_dim3A_631 = vector.broadcast %add3A_627 : i32 to vector<16xi32>
      %select_n3A_632 = arith.select %eq3A_630, %broadcast_in_dim3A_631, %select_n3A_624 : vector<16xi1>, vector<16xi32>
      %slice3A_633 = vector.extract_strided_slice %scan3A_521 {offsets = [7], sizes = [1], strides = [1]} : vector<16xi32> to vector<1xi32>
      %squeeze3A_634 = vector.extract %slice3A_633[0] : i32 from vector<1xi32>
      %add3A_635 = arith.addi %add3A_627, %squeeze3A_634 : i32
      %eq3A_636 = arith.constant 8 : i32
      %eq3A_637 = vector.broadcast %eq3A_636 : i32 to vector<16xi32>
      %eq3A_638 = arith.cmpi eq, %iota3A_516, %eq3A_637 : vector<16xi32>
      %broadcast_in_dim3A_639 = vector.broadcast %add3A_635 : i32 to vector<16xi32>
      %select_n3A_640 = arith.select %eq3A_638, %broadcast_in_dim3A_639, %select_n3A_632 : vector<16xi1>, vector<16xi32>
      %slice3A_641 = vector.extract_strided_slice %scan3A_521 {offsets = [8], sizes = [1], strides = [1]} : vector<16xi32> to vector<1xi32>
      %squeeze3A_642 = vector.extract %slice3A_641[0] : i32 from vector<1xi32>
      %add3A_643 = arith.addi %add3A_635, %squeeze3A_642 : i32
      %eq3A_644 = arith.constant 9 : i32
      %eq3A_645 = vector.broadcast %eq3A_644 : i32 to vector<16xi32>
      %eq3A_646 = arith.cmpi eq, %iota3A_516, %eq3A_645 : vector<16xi32>
      %broadcast_in_dim3A_647 = vector.broadcast %add3A_643 : i32 to vector<16xi32>
      %select_n3A_648 = arith.select %eq3A_646, %broadcast_in_dim3A_647, %select_n3A_640 : vector<16xi1>, vector<16xi32>
      %slice3A_649 = vector.extract_strided_slice %scan3A_521 {offsets = [9], sizes = [1], strides = [1]} : vector<16xi32> to vector<1xi32>
      %squeeze3A_650 = vector.extract %slice3A_649[0] : i32 from vector<1xi32>
      %add3A_651 = arith.addi %add3A_643, %squeeze3A_650 : i32
      %eq3A_652 = arith.constant 10 : i32
      %eq3A_653 = vector.broadcast %eq3A_652 : i32 to vector<16xi32>
      %eq3A_654 = arith.cmpi eq, %iota3A_516, %eq3A_653 : vector<16xi32>
      %broadcast_in_dim3A_655 = vector.broadcast %add3A_651 : i32 to vector<16xi32>
      %select_n3A_656 = arith.select %eq3A_654, %broadcast_in_dim3A_655, %select_n3A_648 : vector<16xi1>, vector<16xi32>
      %slice3A_657 = vector.extract_strided_slice %scan3A_521 {offsets = [10], sizes = [1], strides = [1]} : vector<16xi32> to vector<1xi32>
      %squeeze3A_658 = vector.extract %slice3A_657[0] : i32 from vector<1xi32>
      %add3A_659 = arith.addi %add3A_651, %squeeze3A_658 : i32
      %eq3A_660 = arith.constant 11 : i32
      %eq3A_661 = vector.broadcast %eq3A_660 : i32 to vector<16xi32>
      %eq3A_662 = arith.cmpi eq, %iota3A_516, %eq3A_661 : vector<16xi32>
      %broadcast_in_dim3A_663 = vector.broadcast %add3A_659 : i32 to vector<16xi32>
      %select_n3A_664 = arith.select %eq3A_662, %broadcast_in_dim3A_663, %select_n3A_656 : vector<16xi1>, vector<16xi32>
      %slice3A_665 = vector.extract_strided_slice %scan3A_521 {offsets = [11], sizes = [1], strides = [1]} : vector<16xi32> to vector<1xi32>
      %squeeze3A_666 = vector.extract %slice3A_665[0] : i32 from vector<1xi32>
      %add3A_667 = arith.addi %add3A_659, %squeeze3A_666 : i32
      %eq3A_668 = arith.constant 12 : i32
      %eq3A_669 = vector.broadcast %eq3A_668 : i32 to vector<16xi32>
      %eq3A_670 = arith.cmpi eq, %iota3A_516, %eq3A_669 : vector<16xi32>
      %broadcast_in_dim3A_671 = vector.broadcast %add3A_667 : i32 to vector<16xi32>
      %select_n3A_672 = arith.select %eq3A_670, %broadcast_in_dim3A_671, %select_n3A_664 : vector<16xi1>, vector<16xi32>
      %slice3A_673 = vector.extract_strided_slice %scan3A_521 {offsets = [12], sizes = [1], strides = [1]} : vector<16xi32> to vector<1xi32>
      %squeeze3A_674 = vector.extract %slice3A_673[0] : i32 from vector<1xi32>
      %add3A_675 = arith.addi %add3A_667, %squeeze3A_674 : i32
      %eq3A_676 = arith.constant 13 : i32
      %eq3A_677 = vector.broadcast %eq3A_676 : i32 to vector<16xi32>
      %eq3A_678 = arith.cmpi eq, %iota3A_516, %eq3A_677 : vector<16xi32>
      %broadcast_in_dim3A_679 = vector.broadcast %add3A_675 : i32 to vector<16xi32>
      %select_n3A_680 = arith.select %eq3A_678, %broadcast_in_dim3A_679, %select_n3A_672 : vector<16xi1>, vector<16xi32>
      %slice3A_681 = vector.extract_strided_slice %scan3A_521 {offsets = [13], sizes = [1], strides = [1]} : vector<16xi32> to vector<1xi32>
      %squeeze3A_682 = vector.extract %slice3A_681[0] : i32 from vector<1xi32>
      %add3A_683 = arith.addi %add3A_675, %squeeze3A_682 : i32
      %eq3A_684 = arith.constant 14 : i32
      %eq3A_685 = vector.broadcast %eq3A_684 : i32 to vector<16xi32>
      %eq3A_686 = arith.cmpi eq, %iota3A_516, %eq3A_685 : vector<16xi32>
      %broadcast_in_dim3A_687 = vector.broadcast %add3A_683 : i32 to vector<16xi32>
      %select_n3A_688 = arith.select %eq3A_686, %broadcast_in_dim3A_687, %select_n3A_680 : vector<16xi1>, vector<16xi32>
      %slice3A_689 = vector.extract_strided_slice %scan3A_521 {offsets = [14], sizes = [1], strides = [1]} : vector<16xi32> to vector<1xi32>
      %squeeze3A_690 = vector.extract %slice3A_689[0] : i32 from vector<1xi32>
      %add3A_691 = arith.addi %add3A_683, %squeeze3A_690 : i32
      %eq3A_692 = arith.constant 15 : i32
      %eq3A_693 = vector.broadcast %eq3A_692 : i32 to vector<16xi32>
      %eq3A_694 = arith.cmpi eq, %iota3A_516, %eq3A_693 : vector<16xi32>
      %broadcast_in_dim3A_695 = vector.broadcast %add3A_691 : i32 to vector<16xi32>
      %select_n3A_696 = arith.select %eq3A_694, %broadcast_in_dim3A_695, %select_n3A_688 : vector<16xi1>, vector<16xi32>
      %slice3A_697 = vector.extract_strided_slice %scan3A_521 {offsets = [15], sizes = [1], strides = [1]} : vector<16xi32> to vector<1xi32>
      %squeeze3A_698 = vector.extract %slice3A_697[0] : i32 from vector<1xi32>
      %add3A_699 = arith.addi %add3A_691, %squeeze3A_698 : i32
      %sub3A_700 = arith.constant 2000 : i32
      %sub3A_701 = arith.subi %sub3A_700, %sub3A_371 : i32
      %broadcast_in_dim3A_702 = arith.constant 0 : i32
      %broadcast_in_dim3A_703 = vector.broadcast %broadcast_in_dim3A_702 : i32 to vector<16xi32>
      %sub3A_704 = arith.subi %add3A_569, %sub3A_701 : i32
      %scan3A_705 = arith.constant 0 : i32
      %scan3A_706 = arith.constant 64 : i32
      %scan3A_707 = arith.addi %scan3A_705, %scan3A_706 : i32
      %scan3A_708 = arith.constant 1 : i32
      %scan3A_709:3 = scf.for %scan3A_1749 = %scan3A_705 to %scan3A_707 step %scan3A_708 iter_args(%scan3A_1750 = %broadcast_in_dim3A_703, %scan3A_1751 = %broadcast_in_dim3A_703, %scan3A_1752 = %broadcast_in_dim3A_703) -> (vector<16xi32>, vector<16xi32>, vector<16xi32>)  : i32 {
        %mul3A_1753 = arith.constant 2 : i32
        %mul3A_1754 = arith.muli %scan3A_1749, %mul3A_1753 : i32
        %add3A_1755 = arith.constant 0 : i32
        %add3A_1756 = arith.addi %mul3A_1754, %add3A_1755 : i32
        %mul3A_1757 = arith.constant 16 : i32
        %mul3A_1758 = arith.muli %add3A_1756, %mul3A_1757 : i32
        %add3A_1759 = arith.constant 0 : i32
        %add3A_1760 = arith.addi %add3A_1759, %mul3A_1758 : i32
        %get3A_1761 = arith.index_cast %add3A_1760 : i32 to index
        %get3A_1762 = tpu.vector_load %arg9[%get3A_1761] {strides = array<i32>} : memref<4096xi32, #tpu.memory_space<vmem>>, vector<16xi32>,
        %add3A_1763 = arith.addi %select_n3A_696, %scan3A_1750 : vector<16xi32>
        %le3A = vector.broadcast %sub3A_704 : i32 to vector<16xi32>
        %le3A_1764 = arith.cmpi sle, %add3A_1763, %le3A : vector<16xi32>
        %jit3A_1765 = arith.constant 1 : i32
        %jit3A_1766 = arith.constant 0 : i32
        %broadcast_in_dim3A_1767 = vector.broadcast %jit3A_1765 : i32 to vector<16xi32>
        %broadcast_in_dim3A_1768 = vector.broadcast %jit3A_1766 : i32 to vector<16xi32>
        %select_n3A_1769 = arith.select %le3A_1764, %broadcast_in_dim3A_1767, %broadcast_in_dim3A_1768 : vector<16xi1>, vector<16xi32>
        %add3A_1770 = arith.addi %scan3A_1751, %select_n3A_1769 : vector<16xi32>
        %jit3A_1771 = arith.constant 0 : i32
        %broadcast_in_dim3A_1772 = vector.broadcast %jit3A_1771 : i32 to vector<16xi32>
        %select_n3A_1773 = arith.select %le3A_1764, %get3A_1762, %broadcast_in_dim3A_1772 : vector<16xi1>, vector<16xi32>
        %add3A_1774 = arith.addi %scan3A_1752, %select_n3A_1773 : vector<16xi32>
        %add3A_1775 = arith.addi %scan3A_1750, %get3A_1762 : vector<16xi32>
        %mul3A_1776 = arith.constant 2 : i32
        %mul3A_1777 = arith.muli %scan3A_1749, %mul3A_1776 : i32
        %add3A_1778 = arith.constant 1 : i32
        %add3A_1779 = arith.addi %mul3A_1777, %add3A_1778 : i32
        %mul3A_1780 = arith.constant 16 : i32
        %mul3A_1781 = arith.muli %add3A_1779, %mul3A_1780 : i32
        %add3A_1782 = arith.constant 0 : i32
        %add3A_1783 = arith.addi %add3A_1782, %mul3A_1781 : i32
        %get3A_1784 = arith.index_cast %add3A_1783 : i32 to index
        %get3A_1785 = tpu.vector_load %arg9[%get3A_1784] {strides = array<i32>} : memref<4096xi32, #tpu.memory_space<vmem>>, vector<16xi32>,
        %add3A_1786 = arith.addi %select_n3A_696, %add3A_1775 : vector<16xi32>
        %le3A_1787 = vector.broadcast %sub3A_704 : i32 to vector<16xi32>
        %le3A_1788 = arith.cmpi sle, %add3A_1786, %le3A_1787 : vector<16xi32>
        %jit3A_1789 = arith.constant 1 : i32
        %jit3A_1790 = arith.constant 0 : i32
        %broadcast_in_dim3A_1791 = vector.broadcast %jit3A_1789 : i32 to vector<16xi32>
        %broadcast_in_dim3A_1792 = vector.broadcast %jit3A_1790 : i32 to vector<16xi32>
        %select_n3A_1793 = arith.select %le3A_1788, %broadcast_in_dim3A_1791, %broadcast_in_dim3A_1792 : vector<16xi1>, vector<16xi32>
        %add3A_1794 = arith.addi %add3A_1770, %select_n3A_1793 : vector<16xi32>
        %jit3A_1795 = arith.constant 0 : i32
        %broadcast_in_dim3A_1796 = vector.broadcast %jit3A_1795 : i32 to vector<16xi32>
        %select_n3A_1797 = arith.select %le3A_1788, %get3A_1785, %broadcast_in_dim3A_1796 : vector<16xi1>, vector<16xi32>
        %add3A_1798 = arith.addi %add3A_1774, %select_n3A_1797 : vector<16xi32>
        %add3A_1799 = arith.addi %add3A_1775, %get3A_1785 : vector<16xi32>
        scf.yield %add3A_1799, %add3A_1794, %add3A_1798 : vector<16xi32>, vector<16xi32>, vector<16xi32>
      }
      %scan3A_710 = arith.constant 64 : i32
      %slice3A_711 = vector.extract_strided_slice %scan3A_709#1 {offsets = [0], sizes = [1], strides = [1]} : vector<16xi32> to vector<1xi32>
      %squeeze3A_712 = vector.extract %slice3A_711[0] : i32 from vector<1xi32>
      %slice3A_713 = vector.extract_strided_slice %scan3A_709#1 {offsets = [1], sizes = [1], strides = [1]} : vector<16xi32> to vector<1xi32>
      %squeeze3A_714 = vector.extract %slice3A_713[0] : i32 from vector<1xi32>
      %add3A_715 = arith.addi %squeeze3A_712, %squeeze3A_714 : i32
      %slice3A_716 = vector.extract_strided_slice %scan3A_709#1 {offsets = [2], sizes = [1], strides = [1]} : vector<16xi32> to vector<1xi32>
      %squeeze3A_717 = vector.extract %slice3A_716[0] : i32 from vector<1xi32>
      %add3A_718 = arith.addi %add3A_715, %squeeze3A_717 : i32
      %slice3A_719 = vector.extract_strided_slice %scan3A_709#1 {offsets = [3], sizes = [1], strides = [1]} : vector<16xi32> to vector<1xi32>
      %squeeze3A_720 = vector.extract %slice3A_719[0] : i32 from vector<1xi32>
      %add3A_721 = arith.addi %add3A_718, %squeeze3A_720 : i32
      %slice3A_722 = vector.extract_strided_slice %scan3A_709#1 {offsets = [4], sizes = [1], strides = [1]} : vector<16xi32> to vector<1xi32>
      %squeeze3A_723 = vector.extract %slice3A_722[0] : i32 from vector<1xi32>
      %add3A_724 = arith.addi %add3A_721, %squeeze3A_723 : i32
      %slice3A_725 = vector.extract_strided_slice %scan3A_709#1 {offsets = [5], sizes = [1], strides = [1]} : vector<16xi32> to vector<1xi32>
      %squeeze3A_726 = vector.extract %slice3A_725[0] : i32 from vector<1xi32>
      %add3A_727 = arith.addi %add3A_724, %squeeze3A_726 : i32
      %slice3A_728 = vector.extract_strided_slice %scan3A_709#1 {offsets = [6], sizes = [1], strides = [1]} : vector<16xi32> to vector<1xi32>
      %squeeze3A_729 = vector.extract %slice3A_728[0] : i32 from vector<1xi32>
      %add3A_730 = arith.addi %add3A_727, %squeeze3A_729 : i32
      %slice3A_731 = vector.extract_strided_slice %scan3A_709#1 {offsets = [7], sizes = [1], strides = [1]} : vector<16xi32> to vector<1xi32>
      %squeeze3A_732 = vector.extract %slice3A_731[0] : i32 from vector<1xi32>
      %add3A_733 = arith.addi %add3A_730, %squeeze3A_732 : i32
      %slice3A_734 = vector.extract_strided_slice %scan3A_709#1 {offsets = [8], sizes = [1], strides = [1]} : vector<16xi32> to vector<1xi32>
      %squeeze3A_735 = vector.extract %slice3A_734[0] : i32 from vector<1xi32>
      %add3A_736 = arith.addi %add3A_733, %squeeze3A_735 : i32
      %slice3A_737 = vector.extract_strided_slice %scan3A_709#1 {offsets = [9], sizes = [1], strides = [1]} : vector<16xi32> to vector<1xi32>
      %squeeze3A_738 = vector.extract %slice3A_737[0] : i32 from vector<1xi32>
      %add3A_739 = arith.addi %add3A_736, %squeeze3A_738 : i32
      %slice3A_740 = vector.extract_strided_slice %scan3A_709#1 {offsets = [10], sizes = [1], strides = [1]} : vector<16xi32> to vector<1xi32>
      %squeeze3A_741 = vector.extract %slice3A_740[0] : i32 from vector<1xi32>
      %add3A_742 = arith.addi %add3A_739, %squeeze3A_741 : i32
      %slice3A_743 = vector.extract_strided_slice %scan3A_709#1 {offsets = [11], sizes = [1], strides = [1]} : vector<16xi32> to vector<1xi32>
      %squeeze3A_744 = vector.extract %slice3A_743[0] : i32 from vector<1xi32>
      %add3A_745 = arith.addi %add3A_742, %squeeze3A_744 : i32
      %slice3A_746 = vector.extract_strided_slice %scan3A_709#1 {offsets = [12], sizes = [1], strides = [1]} : vector<16xi32> to vector<1xi32>
      %squeeze3A_747 = vector.extract %slice3A_746[0] : i32 from vector<1xi32>
      %add3A_748 = arith.addi %add3A_745, %squeeze3A_747 : i32
      %slice3A_749 = vector.extract_strided_slice %scan3A_709#1 {offsets = [13], sizes = [1], strides = [1]} : vector<16xi32> to vector<1xi32>
      %squeeze3A_750 = vector.extract %slice3A_749[0] : i32 from vector<1xi32>
      %add3A_751 = arith.addi %add3A_748, %squeeze3A_750 : i32
      %slice3A_752 = vector.extract_strided_slice %scan3A_709#1 {offsets = [14], sizes = [1], strides = [1]} : vector<16xi32> to vector<1xi32>
      %squeeze3A_753 = vector.extract %slice3A_752[0] : i32 from vector<1xi32>
      %add3A_754 = arith.addi %add3A_751, %squeeze3A_753 : i32
      %slice3A_755 = vector.extract_strided_slice %scan3A_709#1 {offsets = [15], sizes = [1], strides = [1]} : vector<16xi32> to vector<1xi32>
      %squeeze3A_756 = vector.extract %slice3A_755[0] : i32 from vector<1xi32>
      %add3A_757 = arith.addi %add3A_754, %squeeze3A_756 : i32
      %sub3A_758 = arith.constant 1 : i32
      %sub3A_759 = arith.subi %add3A_757, %sub3A_758 : i32
      %slice3A_760 = vector.extract_strided_slice %scan3A_709#2 {offsets = [0], sizes = [1], strides = [1]} : vector<16xi32> to vector<1xi32>
      %squeeze3A_761 = vector.extract %slice3A_760[0] : i32 from vector<1xi32>
      %slice3A_762 = vector.extract_strided_slice %scan3A_709#2 {offsets = [1], sizes = [1], strides = [1]} : vector<16xi32> to vector<1xi32>
      %squeeze3A_763 = vector.extract %slice3A_762[0] : i32 from vector<1xi32>
      %add3A_764 = arith.addi %squeeze3A_761, %squeeze3A_763 : i32
      %slice3A_765 = vector.extract_strided_slice %scan3A_709#2 {offsets = [2], sizes = [1], strides = [1]} : vector<16xi32> to vector<1xi32>
      %squeeze3A_766 = vector.extract %slice3A_765[0] : i32 from vector<1xi32>
      %add3A_767 = arith.addi %add3A_764, %squeeze3A_766 : i32
      %slice3A_768 = vector.extract_strided_slice %scan3A_709#2 {offsets = [3], sizes = [1], strides = [1]} : vector<16xi32> to vector<1xi32>
      %squeeze3A_769 = vector.extract %slice3A_768[0] : i32 from vector<1xi32>
      %add3A_770 = arith.addi %add3A_767, %squeeze3A_769 : i32
      %slice3A_771 = vector.extract_strided_slice %scan3A_709#2 {offsets = [4], sizes = [1], strides = [1]} : vector<16xi32> to vector<1xi32>
      %squeeze3A_772 = vector.extract %slice3A_771[0] : i32 from vector<1xi32>
      %add3A_773 = arith.addi %add3A_770, %squeeze3A_772 : i32
      %slice3A_774 = vector.extract_strided_slice %scan3A_709#2 {offsets = [5], sizes = [1], strides = [1]} : vector<16xi32> to vector<1xi32>
      %squeeze3A_775 = vector.extract %slice3A_774[0] : i32 from vector<1xi32>
      %add3A_776 = arith.addi %add3A_773, %squeeze3A_775 : i32
      %slice3A_777 = vector.extract_strided_slice %scan3A_709#2 {offsets = [6], sizes = [1], strides = [1]} : vector<16xi32> to vector<1xi32>
      %squeeze3A_778 = vector.extract %slice3A_777[0] : i32 from vector<1xi32>
      %add3A_779 = arith.addi %add3A_776, %squeeze3A_778 : i32
      %slice3A_780 = vector.extract_strided_slice %scan3A_709#2 {offsets = [7], sizes = [1], strides = [1]} : vector<16xi32> to vector<1xi32>
      %squeeze3A_781 = vector.extract %slice3A_780[0] : i32 from vector<1xi32>
      %add3A_782 = arith.addi %add3A_779, %squeeze3A_781 : i32
      %slice3A_783 = vector.extract_strided_slice %scan3A_709#2 {offsets = [8], sizes = [1], strides = [1]} : vector<16xi32> to vector<1xi32>
      %squeeze3A_784 = vector.extract %slice3A_783[0] : i32 from vector<1xi32>
      %add3A_785 = arith.addi %add3A_782, %squeeze3A_784 : i32
      %slice3A_786 = vector.extract_strided_slice %scan3A_709#2 {offsets = [9], sizes = [1], strides = [1]} : vector<16xi32> to vector<1xi32>
      %squeeze3A_787 = vector.extract %slice3A_786[0] : i32 from vector<1xi32>
      %add3A_788 = arith.addi %add3A_785, %squeeze3A_787 : i32
      %slice3A_789 = vector.extract_strided_slice %scan3A_709#2 {offsets = [10], sizes = [1], strides = [1]} : vector<16xi32> to vector<1xi32>
      %squeeze3A_790 = vector.extract %slice3A_789[0] : i32 from vector<1xi32>
      %add3A_791 = arith.addi %add3A_788, %squeeze3A_790 : i32
      %slice3A_792 = vector.extract_strided_slice %scan3A_709#2 {offsets = [11], sizes = [1], strides = [1]} : vector<16xi32> to vector<1xi32>
      %squeeze3A_793 = vector.extract %slice3A_792[0] : i32 from vector<1xi32>
      %add3A_794 = arith.addi %add3A_791, %squeeze3A_793 : i32
      %slice3A_795 = vector.extract_strided_slice %scan3A_709#2 {offsets = [12], sizes = [1], strides = [1]} : vector<16xi32> to vector<1xi32>
      %squeeze3A_796 = vector.extract %slice3A_795[0] : i32 from vector<1xi32>
      %add3A_797 = arith.addi %add3A_794, %squeeze3A_796 : i32
      %slice3A_798 = vector.extract_strided_slice %scan3A_709#2 {offsets = [13], sizes = [1], strides = [1]} : vector<16xi32> to vector<1xi32>
      %squeeze3A_799 = vector.extract %slice3A_798[0] : i32 from vector<1xi32>
      %add3A_800 = arith.addi %add3A_797, %squeeze3A_799 : i32
      %slice3A_801 = vector.extract_strided_slice %scan3A_709#2 {offsets = [14], sizes = [1], strides = [1]} : vector<16xi32> to vector<1xi32>
      %squeeze3A_802 = vector.extract %slice3A_801[0] : i32 from vector<1xi32>
      %add3A_803 = arith.addi %add3A_800, %squeeze3A_802 : i32
      %slice3A_804 = vector.extract_strided_slice %scan3A_709#2 {offsets = [15], sizes = [1], strides = [1]} : vector<16xi32> to vector<1xi32>
      %squeeze3A_805 = vector.extract %slice3A_804[0] : i32 from vector<1xi32>
      %add3A_806 = arith.addi %add3A_803, %squeeze3A_805 : i32
      %sub3A_807 = arith.subi %add3A_569, %add3A_806 : i32
      %broadcast_in_dim3A_808 = arith.constant 0 : i32
      %broadcast_in_dim3A_809 = vector.broadcast %broadcast_in_dim3A_808 : i32 to vector<16xi32>
      %iota3A_810 = tpu.iota {dimensions = array<i32: 0>} : vector<16xi32>
      %scan3A_811 = arith.constant 0 : i32
      %scan3A_812 = arith.constant 32 : i32
      %scan3A_813 = arith.addi %scan3A_811, %scan3A_812 : i32
      %scan3A_814 = arith.constant 1 : i32
      %scan3A_815 = scf.for %scan3A_1749 = %scan3A_811 to %scan3A_813 step %scan3A_814 iter_args(%scan3A_1750 = %broadcast_in_dim3A_809) -> (vector<16xi32>)  : i32 {
        %mul3A_1751 = arith.constant 4 : i32
        %mul3A_1752 = arith.muli %scan3A_1749, %mul3A_1751 : i32
        %add3A_1753 = arith.constant 0 : i32
        %add3A_1754 = arith.addi %mul3A_1752, %add3A_1753 : i32
        %mul3A_1755 = arith.constant 16 : i32
        %mul3A_1756 = arith.muli %add3A_1754, %mul3A_1755 : i32
        %add3A_1757 = arith.addi %select_n3A_513, %mul3A_1756 : i32
        %get3A_1758 = arith.index_cast %add3A_1757 : i32 to index
        %get3A_1759 = tpu.vector_load %arg9[%get3A_1758] {strides = array<i32>} : memref<4096xi32, #tpu.memory_space<vmem>>, vector<16xi32>,
        %add3A_1760 = arith.addi %scan3A_1750, %get3A_1759 : vector<16xi32>
        %mul3A_1761 = arith.constant 4 : i32
        %mul3A_1762 = arith.muli %scan3A_1749, %mul3A_1761 : i32
        %add3A_1763 = arith.constant 1 : i32
        %add3A_1764 = arith.addi %mul3A_1762, %add3A_1763 : i32
        %mul3A_1765 = arith.constant 16 : i32
        %mul3A_1766 = arith.muli %add3A_1764, %mul3A_1765 : i32
        %add3A_1767 = arith.addi %select_n3A_513, %mul3A_1766 : i32
        %get3A_1768 = arith.index_cast %add3A_1767 : i32 to index
        %get3A_1769 = tpu.vector_load %arg9[%get3A_1768] {strides = array<i32>} : memref<4096xi32, #tpu.memory_space<vmem>>, vector<16xi32>,
        %add3A_1770 = arith.addi %add3A_1760, %get3A_1769 : vector<16xi32>
        %mul3A_1771 = arith.constant 4 : i32
        %mul3A_1772 = arith.muli %scan3A_1749, %mul3A_1771 : i32
        %add3A_1773 = arith.constant 2 : i32
        %add3A_1774 = arith.addi %mul3A_1772, %add3A_1773 : i32
        %mul3A_1775 = arith.constant 16 : i32
        %mul3A_1776 = arith.muli %add3A_1774, %mul3A_1775 : i32
        %add3A_1777 = arith.addi %select_n3A_513, %mul3A_1776 : i32
        %get3A_1778 = arith.index_cast %add3A_1777 : i32 to index
        %get3A_1779 = tpu.vector_load %arg9[%get3A_1778] {strides = array<i32>} : memref<4096xi32, #tpu.memory_space<vmem>>, vector<16xi32>,
        %add3A_1780 = arith.addi %add3A_1770, %get3A_1779 : vector<16xi32>
        %mul3A_1781 = arith.constant 4 : i32
        %mul3A_1782 = arith.muli %scan3A_1749, %mul3A_1781 : i32
        %add3A_1783 = arith.constant 3 : i32
        %add3A_1784 = arith.addi %mul3A_1782, %add3A_1783 : i32
        %mul3A_1785 = arith.constant 16 : i32
        %mul3A_1786 = arith.muli %add3A_1784, %mul3A_1785 : i32
        %add3A_1787 = arith.addi %select_n3A_513, %mul3A_1786 : i32
        %get3A_1788 = arith.index_cast %add3A_1787 : i32 to index
        %get3A_1789 = tpu.vector_load %arg9[%get3A_1788] {strides = array<i32>} : memref<4096xi32, #tpu.memory_space<vmem>>, vector<16xi32>,
        %add3A_1790 = arith.addi %add3A_1780, %get3A_1789 : vector<16xi32>
        scf.yield %add3A_1790 : vector<16xi32>
      }
      %scan3A_816 = arith.constant 32 : i32
      %slice3A_817 = vector.extract_strided_slice %scan3A_815 {offsets = [0], sizes = [1], strides = [1]} : vector<16xi32> to vector<1xi32>
      %squeeze3A_818 = vector.extract %slice3A_817[0] : i32 from vector<1xi32>
      %slice3A_819 = vector.extract_strided_slice %scan3A_815 {offsets = [1], sizes = [1], strides = [1]} : vector<16xi32> to vector<1xi32>
      %squeeze3A_820 = vector.extract %slice3A_819[0] : i32 from vector<1xi32>
      %add3A_821 = arith.addi %squeeze3A_818, %squeeze3A_820 : i32
      %slice3A_822 = vector.extract_strided_slice %scan3A_815 {offsets = [2], sizes = [1], strides = [1]} : vector<16xi32> to vector<1xi32>
      %squeeze3A_823 = vector.extract %slice3A_822[0] : i32 from vector<1xi32>
      %add3A_824 = arith.addi %add3A_821, %squeeze3A_823 : i32
      %slice3A_825 = vector.extract_strided_slice %scan3A_815 {offsets = [3], sizes = [1], strides = [1]} : vector<16xi32> to vector<1xi32>
      %squeeze3A_826 = vector.extract %slice3A_825[0] : i32 from vector<1xi32>
      %add3A_827 = arith.addi %add3A_824, %squeeze3A_826 : i32
      %slice3A_828 = vector.extract_strided_slice %scan3A_815 {offsets = [4], sizes = [1], strides = [1]} : vector<16xi32> to vector<1xi32>
      %squeeze3A_829 = vector.extract %slice3A_828[0] : i32 from vector<1xi32>
      %add3A_830 = arith.addi %add3A_827, %squeeze3A_829 : i32
      %slice3A_831 = vector.extract_strided_slice %scan3A_815 {offsets = [5], sizes = [1], strides = [1]} : vector<16xi32> to vector<1xi32>
      %squeeze3A_832 = vector.extract %slice3A_831[0] : i32 from vector<1xi32>
      %add3A_833 = arith.addi %add3A_830, %squeeze3A_832 : i32
      %slice3A_834 = vector.extract_strided_slice %scan3A_815 {offsets = [6], sizes = [1], strides = [1]} : vector<16xi32> to vector<1xi32>
      %squeeze3A_835 = vector.extract %slice3A_834[0] : i32 from vector<1xi32>
      %add3A_836 = arith.addi %add3A_833, %squeeze3A_835 : i32
      %slice3A_837 = vector.extract_strided_slice %scan3A_815 {offsets = [7], sizes = [1], strides = [1]} : vector<16xi32> to vector<1xi32>
      %squeeze3A_838 = vector.extract %slice3A_837[0] : i32 from vector<1xi32>
      %add3A_839 = arith.addi %add3A_836, %squeeze3A_838 : i32
      %slice3A_840 = vector.extract_strided_slice %scan3A_815 {offsets = [8], sizes = [1], strides = [1]} : vector<16xi32> to vector<1xi32>
      %squeeze3A_841 = vector.extract %slice3A_840[0] : i32 from vector<1xi32>
      %add3A_842 = arith.addi %add3A_839, %squeeze3A_841 : i32
      %slice3A_843 = vector.extract_strided_slice %scan3A_815 {offsets = [9], sizes = [1], strides = [1]} : vector<16xi32> to vector<1xi32>
      %squeeze3A_844 = vector.extract %slice3A_843[0] : i32 from vector<1xi32>
      %add3A_845 = arith.addi %add3A_842, %squeeze3A_844 : i32
      %slice3A_846 = vector.extract_strided_slice %scan3A_815 {offsets = [10], sizes = [1], strides = [1]} : vector<16xi32> to vector<1xi32>
      %squeeze3A_847 = vector.extract %slice3A_846[0] : i32 from vector<1xi32>
      %add3A_848 = arith.addi %add3A_845, %squeeze3A_847 : i32
      %slice3A_849 = vector.extract_strided_slice %scan3A_815 {offsets = [11], sizes = [1], strides = [1]} : vector<16xi32> to vector<1xi32>
      %squeeze3A_850 = vector.extract %slice3A_849[0] : i32 from vector<1xi32>
      %add3A_851 = arith.addi %add3A_848, %squeeze3A_850 : i32
      %slice3A_852 = vector.extract_strided_slice %scan3A_815 {offsets = [12], sizes = [1], strides = [1]} : vector<16xi32> to vector<1xi32>
      %squeeze3A_853 = vector.extract %slice3A_852[0] : i32 from vector<1xi32>
      %add3A_854 = arith.addi %add3A_851, %squeeze3A_853 : i32
      %slice3A_855 = vector.extract_strided_slice %scan3A_815 {offsets = [13], sizes = [1], strides = [1]} : vector<16xi32> to vector<1xi32>
      %squeeze3A_856 = vector.extract %slice3A_855[0] : i32 from vector<1xi32>
      %add3A_857 = arith.addi %add3A_854, %squeeze3A_856 : i32
      %slice3A_858 = vector.extract_strided_slice %scan3A_815 {offsets = [14], sizes = [1], strides = [1]} : vector<16xi32> to vector<1xi32>
      %squeeze3A_859 = vector.extract %slice3A_858[0] : i32 from vector<1xi32>
      %add3A_860 = arith.addi %add3A_857, %squeeze3A_859 : i32
      %slice3A_861 = vector.extract_strided_slice %scan3A_815 {offsets = [15], sizes = [1], strides = [1]} : vector<16xi32> to vector<1xi32>
      %squeeze3A_862 = vector.extract %slice3A_861[0] : i32 from vector<1xi32>
      %add3A_863 = arith.addi %add3A_860, %squeeze3A_862 : i32
      %eq3A_864 = arith.constant 0 : i32
      %eq3A_865 = vector.broadcast %eq3A_864 : i32 to vector<16xi32>
      %eq3A_866 = arith.cmpi eq, %iota3A_810, %eq3A_865 : vector<16xi32>
      %jit3A_867 = arith.constant 0 : i32
      %broadcast_in_dim3A_868 = vector.broadcast %jit3A_867 : i32 to vector<16xi32>
      %select_n3A_869 = arith.select %eq3A_866, %broadcast_in_dim3A_868, %broadcast_in_dim3A_809 : vector<16xi1>, vector<16xi32>
      %slice3A_870 = vector.extract_strided_slice %scan3A_815 {offsets = [0], sizes = [1], strides = [1]} : vector<16xi32> to vector<1xi32>
      %squeeze3A_871 = vector.extract %slice3A_870[0] : i32 from vector<1xi32>
      %add3A_872 = arith.constant 0 : i32
      %add3A_873 = arith.addi %add3A_872, %squeeze3A_871 : i32
      %eq3A_874 = arith.constant 1 : i32
      %eq3A_875 = vector.broadcast %eq3A_874 : i32 to vector<16xi32>
      %eq3A_876 = arith.cmpi eq, %iota3A_810, %eq3A_875 : vector<16xi32>
      %broadcast_in_dim3A_877 = vector.broadcast %add3A_873 : i32 to vector<16xi32>
      %select_n3A_878 = arith.select %eq3A_876, %broadcast_in_dim3A_877, %select_n3A_869 : vector<16xi1>, vector<16xi32>
      %slice3A_879 = vector.extract_strided_slice %scan3A_815 {offsets = [1], sizes = [1], strides = [1]} : vector<16xi32> to vector<1xi32>
      %squeeze3A_880 = vector.extract %slice3A_879[0] : i32 from vector<1xi32>
      %add3A_881 = arith.addi %add3A_873, %squeeze3A_880 : i32
      %eq3A_882 = arith.constant 2 : i32
      %eq3A_883 = vector.broadcast %eq3A_882 : i32 to vector<16xi32>
      %eq3A_884 = arith.cmpi eq, %iota3A_810, %eq3A_883 : vector<16xi32>
      %broadcast_in_dim3A_885 = vector.broadcast %add3A_881 : i32 to vector<16xi32>
      %select_n3A_886 = arith.select %eq3A_884, %broadcast_in_dim3A_885, %select_n3A_878 : vector<16xi1>, vector<16xi32>
      %slice3A_887 = vector.extract_strided_slice %scan3A_815 {offsets = [2], sizes = [1], strides = [1]} : vector<16xi32> to vector<1xi32>
      %squeeze3A_888 = vector.extract %slice3A_887[0] : i32 from vector<1xi32>
      %add3A_889 = arith.addi %add3A_881, %squeeze3A_888 : i32
      %eq3A_890 = arith.constant 3 : i32
      %eq3A_891 = vector.broadcast %eq3A_890 : i32 to vector<16xi32>
      %eq3A_892 = arith.cmpi eq, %iota3A_810, %eq3A_891 : vector<16xi32>
      %broadcast_in_dim3A_893 = vector.broadcast %add3A_889 : i32 to vector<16xi32>
      %select_n3A_894 = arith.select %eq3A_892, %broadcast_in_dim3A_893, %select_n3A_886 : vector<16xi1>, vector<16xi32>
      %slice3A_895 = vector.extract_strided_slice %scan3A_815 {offsets = [3], sizes = [1], strides = [1]} : vector<16xi32> to vector<1xi32>
      %squeeze3A_896 = vector.extract %slice3A_895[0] : i32 from vector<1xi32>
      %add3A_897 = arith.addi %add3A_889, %squeeze3A_896 : i32
      %eq3A_898 = arith.constant 4 : i32
      %eq3A_899 = vector.broadcast %eq3A_898 : i32 to vector<16xi32>
      %eq3A_900 = arith.cmpi eq, %iota3A_810, %eq3A_899 : vector<16xi32>
      %broadcast_in_dim3A_901 = vector.broadcast %add3A_897 : i32 to vector<16xi32>
      %select_n3A_902 = arith.select %eq3A_900, %broadcast_in_dim3A_901, %select_n3A_894 : vector<16xi1>, vector<16xi32>
      %slice3A_903 = vector.extract_strided_slice %scan3A_815 {offsets = [4], sizes = [1], strides = [1]} : vector<16xi32> to vector<1xi32>
      %squeeze3A_904 = vector.extract %slice3A_903[0] : i32 from vector<1xi32>
      %add3A_905 = arith.addi %add3A_897, %squeeze3A_904 : i32
      %eq3A_906 = arith.constant 5 : i32
      %eq3A_907 = vector.broadcast %eq3A_906 : i32 to vector<16xi32>
      %eq3A_908 = arith.cmpi eq, %iota3A_810, %eq3A_907 : vector<16xi32>
      %broadcast_in_dim3A_909 = vector.broadcast %add3A_905 : i32 to vector<16xi32>
      %select_n3A_910 = arith.select %eq3A_908, %broadcast_in_dim3A_909, %select_n3A_902 : vector<16xi1>, vector<16xi32>
      %slice3A_911 = vector.extract_strided_slice %scan3A_815 {offsets = [5], sizes = [1], strides = [1]} : vector<16xi32> to vector<1xi32>
      %squeeze3A_912 = vector.extract %slice3A_911[0] : i32 from vector<1xi32>
      %add3A_913 = arith.addi %add3A_905, %squeeze3A_912 : i32
      %eq3A_914 = arith.constant 6 : i32
      %eq3A_915 = vector.broadcast %eq3A_914 : i32 to vector<16xi32>
      %eq3A_916 = arith.cmpi eq, %iota3A_810, %eq3A_915 : vector<16xi32>
      %broadcast_in_dim3A_917 = vector.broadcast %add3A_913 : i32 to vector<16xi32>
      %select_n3A_918 = arith.select %eq3A_916, %broadcast_in_dim3A_917, %select_n3A_910 : vector<16xi1>, vector<16xi32>
      %slice3A_919 = vector.extract_strided_slice %scan3A_815 {offsets = [6], sizes = [1], strides = [1]} : vector<16xi32> to vector<1xi32>
      %squeeze3A_920 = vector.extract %slice3A_919[0] : i32 from vector<1xi32>
      %add3A_921 = arith.addi %add3A_913, %squeeze3A_920 : i32
      %eq3A_922 = arith.constant 7 : i32
      %eq3A_923 = vector.broadcast %eq3A_922 : i32 to vector<16xi32>
      %eq3A_924 = arith.cmpi eq, %iota3A_810, %eq3A_923 : vector<16xi32>
      %broadcast_in_dim3A_925 = vector.broadcast %add3A_921 : i32 to vector<16xi32>
      %select_n3A_926 = arith.select %eq3A_924, %broadcast_in_dim3A_925, %select_n3A_918 : vector<16xi1>, vector<16xi32>
      %slice3A_927 = vector.extract_strided_slice %scan3A_815 {offsets = [7], sizes = [1], strides = [1]} : vector<16xi32> to vector<1xi32>
      %squeeze3A_928 = vector.extract %slice3A_927[0] : i32 from vector<1xi32>
      %add3A_929 = arith.addi %add3A_921, %squeeze3A_928 : i32
      %eq3A_930 = arith.constant 8 : i32
      %eq3A_931 = vector.broadcast %eq3A_930 : i32 to vector<16xi32>
      %eq3A_932 = arith.cmpi eq, %iota3A_810, %eq3A_931 : vector<16xi32>
      %broadcast_in_dim3A_933 = vector.broadcast %add3A_929 : i32 to vector<16xi32>
      %select_n3A_934 = arith.select %eq3A_932, %broadcast_in_dim3A_933, %select_n3A_926 : vector<16xi1>, vector<16xi32>
      %slice3A_935 = vector.extract_strided_slice %scan3A_815 {offsets = [8], sizes = [1], strides = [1]} : vector<16xi32> to vector<1xi32>
      %squeeze3A_936 = vector.extract %slice3A_935[0] : i32 from vector<1xi32>
      %add3A_937 = arith.addi %add3A_929, %squeeze3A_936 : i32
      %eq3A_938 = arith.constant 9 : i32
      %eq3A_939 = vector.broadcast %eq3A_938 : i32 to vector<16xi32>
      %eq3A_940 = arith.cmpi eq, %iota3A_810, %eq3A_939 : vector<16xi32>
      %broadcast_in_dim3A_941 = vector.broadcast %add3A_937 : i32 to vector<16xi32>
      %select_n3A_942 = arith.select %eq3A_940, %broadcast_in_dim3A_941, %select_n3A_934 : vector<16xi1>, vector<16xi32>
      %slice3A_943 = vector.extract_strided_slice %scan3A_815 {offsets = [9], sizes = [1], strides = [1]} : vector<16xi32> to vector<1xi32>
      %squeeze3A_944 = vector.extract %slice3A_943[0] : i32 from vector<1xi32>
      %add3A_945 = arith.addi %add3A_937, %squeeze3A_944 : i32
      %eq3A_946 = arith.constant 10 : i32
      %eq3A_947 = vector.broadcast %eq3A_946 : i32 to vector<16xi32>
      %eq3A_948 = arith.cmpi eq, %iota3A_810, %eq3A_947 : vector<16xi32>
      %broadcast_in_dim3A_949 = vector.broadcast %add3A_945 : i32 to vector<16xi32>
      %select_n3A_950 = arith.select %eq3A_948, %broadcast_in_dim3A_949, %select_n3A_942 : vector<16xi1>, vector<16xi32>
      %slice3A_951 = vector.extract_strided_slice %scan3A_815 {offsets = [10], sizes = [1], strides = [1]} : vector<16xi32> to vector<1xi32>
      %squeeze3A_952 = vector.extract %slice3A_951[0] : i32 from vector<1xi32>
      %add3A_953 = arith.addi %add3A_945, %squeeze3A_952 : i32
      %eq3A_954 = arith.constant 11 : i32
      %eq3A_955 = vector.broadcast %eq3A_954 : i32 to vector<16xi32>
      %eq3A_956 = arith.cmpi eq, %iota3A_810, %eq3A_955 : vector<16xi32>
      %broadcast_in_dim3A_957 = vector.broadcast %add3A_953 : i32 to vector<16xi32>
      %select_n3A_958 = arith.select %eq3A_956, %broadcast_in_dim3A_957, %select_n3A_950 : vector<16xi1>, vector<16xi32>
      %slice3A_959 = vector.extract_strided_slice %scan3A_815 {offsets = [11], sizes = [1], strides = [1]} : vector<16xi32> to vector<1xi32>
      %squeeze3A_960 = vector.extract %slice3A_959[0] : i32 from vector<1xi32>
      %add3A_961 = arith.addi %add3A_953, %squeeze3A_960 : i32
      %eq3A_962 = arith.constant 12 : i32
      %eq3A_963 = vector.broadcast %eq3A_962 : i32 to vector<16xi32>
      %eq3A_964 = arith.cmpi eq, %iota3A_810, %eq3A_963 : vector<16xi32>
      %broadcast_in_dim3A_965 = vector.broadcast %add3A_961 : i32 to vector<16xi32>
      %select_n3A_966 = arith.select %eq3A_964, %broadcast_in_dim3A_965, %select_n3A_958 : vector<16xi1>, vector<16xi32>
      %slice3A_967 = vector.extract_strided_slice %scan3A_815 {offsets = [12], sizes = [1], strides = [1]} : vector<16xi32> to vector<1xi32>
      %squeeze3A_968 = vector.extract %slice3A_967[0] : i32 from vector<1xi32>
      %add3A_969 = arith.addi %add3A_961, %squeeze3A_968 : i32
      %eq3A_970 = arith.constant 13 : i32
      %eq3A_971 = vector.broadcast %eq3A_970 : i32 to vector<16xi32>
      %eq3A_972 = arith.cmpi eq, %iota3A_810, %eq3A_971 : vector<16xi32>
      %broadcast_in_dim3A_973 = vector.broadcast %add3A_969 : i32 to vector<16xi32>
      %select_n3A_974 = arith.select %eq3A_972, %broadcast_in_dim3A_973, %select_n3A_966 : vector<16xi1>, vector<16xi32>
      %slice3A_975 = vector.extract_strided_slice %scan3A_815 {offsets = [13], sizes = [1], strides = [1]} : vector<16xi32> to vector<1xi32>
      %squeeze3A_976 = vector.extract %slice3A_975[0] : i32 from vector<1xi32>
      %add3A_977 = arith.addi %add3A_969, %squeeze3A_976 : i32
      %eq3A_978 = arith.constant 14 : i32
      %eq3A_979 = vector.broadcast %eq3A_978 : i32 to vector<16xi32>
      %eq3A_980 = arith.cmpi eq, %iota3A_810, %eq3A_979 : vector<16xi32>
      %broadcast_in_dim3A_981 = vector.broadcast %add3A_977 : i32 to vector<16xi32>
      %select_n3A_982 = arith.select %eq3A_980, %broadcast_in_dim3A_981, %select_n3A_974 : vector<16xi1>, vector<16xi32>
      %slice3A_983 = vector.extract_strided_slice %scan3A_815 {offsets = [14], sizes = [1], strides = [1]} : vector<16xi32> to vector<1xi32>
      %squeeze3A_984 = vector.extract %slice3A_983[0] : i32 from vector<1xi32>
      %add3A_985 = arith.addi %add3A_977, %squeeze3A_984 : i32
      %eq3A_986 = arith.constant 15 : i32
      %eq3A_987 = vector.broadcast %eq3A_986 : i32 to vector<16xi32>
      %eq3A_988 = arith.cmpi eq, %iota3A_810, %eq3A_987 : vector<16xi32>
      %broadcast_in_dim3A_989 = vector.broadcast %add3A_985 : i32 to vector<16xi32>
      %select_n3A_990 = arith.select %eq3A_988, %broadcast_in_dim3A_989, %select_n3A_982 : vector<16xi1>, vector<16xi32>
      %slice3A_991 = vector.extract_strided_slice %scan3A_815 {offsets = [15], sizes = [1], strides = [1]} : vector<16xi32> to vector<1xi32>
      %squeeze3A_992 = vector.extract %slice3A_991[0] : i32 from vector<1xi32>
      %add3A_993 = arith.addi %add3A_985, %squeeze3A_992 : i32
      %sub3A_994 = arith.subi %squeeze3A, %sub3A_477 : i32
      %broadcast_in_dim3A_995 = arith.constant 0 : i32
      %broadcast_in_dim3A_996 = vector.broadcast %broadcast_in_dim3A_995 : i32 to vector<16xi32>
      %sub3A_997 = arith.subi %add3A_863, %sub3A_994 : i32
      %scan3A_998 = arith.constant 0 : i32
      %scan3A_999 = arith.constant 64 : i32
      %scan3A_1000 = arith.addi %scan3A_998, %scan3A_999 : i32
      %scan3A_1001 = arith.constant 1 : i32
      %scan3A_1002:3 = scf.for %scan3A_1749 = %scan3A_998 to %scan3A_1000 step %scan3A_1001 iter_args(%scan3A_1750 = %broadcast_in_dim3A_996, %scan3A_1751 = %broadcast_in_dim3A_996, %scan3A_1752 = %broadcast_in_dim3A_996) -> (vector<16xi32>, vector<16xi32>, vector<16xi32>)  : i32 {
        %mul3A_1753 = arith.constant 2 : i32
        %mul3A_1754 = arith.muli %scan3A_1749, %mul3A_1753 : i32
        %add3A_1755 = arith.constant 0 : i32
        %add3A_1756 = arith.addi %mul3A_1754, %add3A_1755 : i32
        %mul3A_1757 = arith.constant 16 : i32
        %mul3A_1758 = arith.muli %add3A_1756, %mul3A_1757 : i32
        %add3A_1759 = arith.addi %select_n3A_513, %mul3A_1758 : i32
        %get3A_1760 = arith.index_cast %add3A_1759 : i32 to index
        %get3A_1761 = tpu.vector_load %arg9[%get3A_1760] {strides = array<i32>} : memref<4096xi32, #tpu.memory_space<vmem>>, vector<16xi32>,
        %add3A_1762 = arith.addi %select_n3A_990, %scan3A_1750 : vector<16xi32>
        %le3A = vector.broadcast %sub3A_997 : i32 to vector<16xi32>
        %le3A_1763 = arith.cmpi sle, %add3A_1762, %le3A : vector<16xi32>
        %jit3A_1764 = arith.constant 1 : i32
        %jit3A_1765 = arith.constant 0 : i32
        %broadcast_in_dim3A_1766 = vector.broadcast %jit3A_1764 : i32 to vector<16xi32>
        %broadcast_in_dim3A_1767 = vector.broadcast %jit3A_1765 : i32 to vector<16xi32>
        %select_n3A_1768 = arith.select %le3A_1763, %broadcast_in_dim3A_1766, %broadcast_in_dim3A_1767 : vector<16xi1>, vector<16xi32>
        %add3A_1769 = arith.addi %scan3A_1751, %select_n3A_1768 : vector<16xi32>
        %jit3A_1770 = arith.constant 0 : i32
        %broadcast_in_dim3A_1771 = vector.broadcast %jit3A_1770 : i32 to vector<16xi32>
        %select_n3A_1772 = arith.select %le3A_1763, %get3A_1761, %broadcast_in_dim3A_1771 : vector<16xi1>, vector<16xi32>
        %add3A_1773 = arith.addi %scan3A_1752, %select_n3A_1772 : vector<16xi32>
        %add3A_1774 = arith.addi %scan3A_1750, %get3A_1761 : vector<16xi32>
        %mul3A_1775 = arith.constant 2 : i32
        %mul3A_1776 = arith.muli %scan3A_1749, %mul3A_1775 : i32
        %add3A_1777 = arith.constant 1 : i32
        %add3A_1778 = arith.addi %mul3A_1776, %add3A_1777 : i32
        %mul3A_1779 = arith.constant 16 : i32
        %mul3A_1780 = arith.muli %add3A_1778, %mul3A_1779 : i32
        %add3A_1781 = arith.addi %select_n3A_513, %mul3A_1780 : i32
        %get3A_1782 = arith.index_cast %add3A_1781 : i32 to index
        %get3A_1783 = tpu.vector_load %arg9[%get3A_1782] {strides = array<i32>} : memref<4096xi32, #tpu.memory_space<vmem>>, vector<16xi32>,
        %add3A_1784 = arith.addi %select_n3A_990, %add3A_1774 : vector<16xi32>
        %le3A_1785 = vector.broadcast %sub3A_997 : i32 to vector<16xi32>
        %le3A_1786 = arith.cmpi sle, %add3A_1784, %le3A_1785 : vector<16xi32>
        %jit3A_1787 = arith.constant 1 : i32
        %jit3A_1788 = arith.constant 0 : i32
        %broadcast_in_dim3A_1789 = vector.broadcast %jit3A_1787 : i32 to vector<16xi32>
        %broadcast_in_dim3A_1790 = vector.broadcast %jit3A_1788 : i32 to vector<16xi32>
        %select_n3A_1791 = arith.select %le3A_1786, %broadcast_in_dim3A_1789, %broadcast_in_dim3A_1790 : vector<16xi1>, vector<16xi32>
        %add3A_1792 = arith.addi %add3A_1769, %select_n3A_1791 : vector<16xi32>
        %jit3A_1793 = arith.constant 0 : i32
        %broadcast_in_dim3A_1794 = vector.broadcast %jit3A_1793 : i32 to vector<16xi32>
        %select_n3A_1795 = arith.select %le3A_1786, %get3A_1783, %broadcast_in_dim3A_1794 : vector<16xi1>, vector<16xi32>
        %add3A_1796 = arith.addi %add3A_1773, %select_n3A_1795 : vector<16xi32>
        %add3A_1797 = arith.addi %add3A_1774, %get3A_1783 : vector<16xi32>
        scf.yield %add3A_1797, %add3A_1792, %add3A_1796 : vector<16xi32>, vector<16xi32>, vector<16xi32>
      }
      %scan3A_1003 = arith.constant 64 : i32
      %slice3A_1004 = vector.extract_strided_slice %scan3A_1002#1 {offsets = [0], sizes = [1], strides = [1]} : vector<16xi32> to vector<1xi32>
      %squeeze3A_1005 = vector.extract %slice3A_1004[0] : i32 from vector<1xi32>
      %slice3A_1006 = vector.extract_strided_slice %scan3A_1002#1 {offsets = [1], sizes = [1], strides = [1]} : vector<16xi32> to vector<1xi32>
      %squeeze3A_1007 = vector.extract %slice3A_1006[0] : i32 from vector<1xi32>
      %add3A_1008 = arith.addi %squeeze3A_1005, %squeeze3A_1007 : i32
      %slice3A_1009 = vector.extract_strided_slice %scan3A_1002#1 {offsets = [2], sizes = [1], strides = [1]} : vector<16xi32> to vector<1xi32>
      %squeeze3A_1010 = vector.extract %slice3A_1009[0] : i32 from vector<1xi32>
      %add3A_1011 = arith.addi %add3A_1008, %squeeze3A_1010 : i32
      %slice3A_1012 = vector.extract_strided_slice %scan3A_1002#1 {offsets = [3], sizes = [1], strides = [1]} : vector<16xi32> to vector<1xi32>
      %squeeze3A_1013 = vector.extract %slice3A_1012[0] : i32 from vector<1xi32>
      %add3A_1014 = arith.addi %add3A_1011, %squeeze3A_1013 : i32
      %slice3A_1015 = vector.extract_strided_slice %scan3A_1002#1 {offsets = [4], sizes = [1], strides = [1]} : vector<16xi32> to vector<1xi32>
      %squeeze3A_1016 = vector.extract %slice3A_1015[0] : i32 from vector<1xi32>
      %add3A_1017 = arith.addi %add3A_1014, %squeeze3A_1016 : i32
      %slice3A_1018 = vector.extract_strided_slice %scan3A_1002#1 {offsets = [5], sizes = [1], strides = [1]} : vector<16xi32> to vector<1xi32>
      %squeeze3A_1019 = vector.extract %slice3A_1018[0] : i32 from vector<1xi32>
      %add3A_1020 = arith.addi %add3A_1017, %squeeze3A_1019 : i32
      %slice3A_1021 = vector.extract_strided_slice %scan3A_1002#1 {offsets = [6], sizes = [1], strides = [1]} : vector<16xi32> to vector<1xi32>
      %squeeze3A_1022 = vector.extract %slice3A_1021[0] : i32 from vector<1xi32>
      %add3A_1023 = arith.addi %add3A_1020, %squeeze3A_1022 : i32
      %slice3A_1024 = vector.extract_strided_slice %scan3A_1002#1 {offsets = [7], sizes = [1], strides = [1]} : vector<16xi32> to vector<1xi32>
      %squeeze3A_1025 = vector.extract %slice3A_1024[0] : i32 from vector<1xi32>
      %add3A_1026 = arith.addi %add3A_1023, %squeeze3A_1025 : i32
      %slice3A_1027 = vector.extract_strided_slice %scan3A_1002#1 {offsets = [8], sizes = [1], strides = [1]} : vector<16xi32> to vector<1xi32>
      %squeeze3A_1028 = vector.extract %slice3A_1027[0] : i32 from vector<1xi32>
      %add3A_1029 = arith.addi %add3A_1026, %squeeze3A_1028 : i32
      %slice3A_1030 = vector.extract_strided_slice %scan3A_1002#1 {offsets = [9], sizes = [1], strides = [1]} : vector<16xi32> to vector<1xi32>
      %squeeze3A_1031 = vector.extract %slice3A_1030[0] : i32 from vector<1xi32>
      %add3A_1032 = arith.addi %add3A_1029, %squeeze3A_1031 : i32
      %slice3A_1033 = vector.extract_strided_slice %scan3A_1002#1 {offsets = [10], sizes = [1], strides = [1]} : vector<16xi32> to vector<1xi32>
      %squeeze3A_1034 = vector.extract %slice3A_1033[0] : i32 from vector<1xi32>
      %add3A_1035 = arith.addi %add3A_1032, %squeeze3A_1034 : i32
      %slice3A_1036 = vector.extract_strided_slice %scan3A_1002#1 {offsets = [11], sizes = [1], strides = [1]} : vector<16xi32> to vector<1xi32>
      %squeeze3A_1037 = vector.extract %slice3A_1036[0] : i32 from vector<1xi32>
      %add3A_1038 = arith.addi %add3A_1035, %squeeze3A_1037 : i32
      %slice3A_1039 = vector.extract_strided_slice %scan3A_1002#1 {offsets = [12], sizes = [1], strides = [1]} : vector<16xi32> to vector<1xi32>
      %squeeze3A_1040 = vector.extract %slice3A_1039[0] : i32 from vector<1xi32>
      %add3A_1041 = arith.addi %add3A_1038, %squeeze3A_1040 : i32
      %slice3A_1042 = vector.extract_strided_slice %scan3A_1002#1 {offsets = [13], sizes = [1], strides = [1]} : vector<16xi32> to vector<1xi32>
      %squeeze3A_1043 = vector.extract %slice3A_1042[0] : i32 from vector<1xi32>
      %add3A_1044 = arith.addi %add3A_1041, %squeeze3A_1043 : i32
      %slice3A_1045 = vector.extract_strided_slice %scan3A_1002#1 {offsets = [14], sizes = [1], strides = [1]} : vector<16xi32> to vector<1xi32>
      %squeeze3A_1046 = vector.extract %slice3A_1045[0] : i32 from vector<1xi32>
      %add3A_1047 = arith.addi %add3A_1044, %squeeze3A_1046 : i32
      %slice3A_1048 = vector.extract_strided_slice %scan3A_1002#1 {offsets = [15], sizes = [1], strides = [1]} : vector<16xi32> to vector<1xi32>
      %squeeze3A_1049 = vector.extract %slice3A_1048[0] : i32 from vector<1xi32>
      %add3A_1050 = arith.addi %add3A_1047, %squeeze3A_1049 : i32
      %sub3A_1051 = arith.constant 1 : i32
      %sub3A_1052 = arith.subi %add3A_1050, %sub3A_1051 : i32
      %slice3A_1053 = vector.extract_strided_slice %scan3A_1002#2 {offsets = [0], sizes = [1], strides = [1]} : vector<16xi32> to vector<1xi32>
      %squeeze3A_1054 = vector.extract %slice3A_1053[0] : i32 from vector<1xi32>
      %slice3A_1055 = vector.extract_strided_slice %scan3A_1002#2 {offsets = [1], sizes = [1], strides = [1]} : vector<16xi32> to vector<1xi32>
      %squeeze3A_1056 = vector.extract %slice3A_1055[0] : i32 from vector<1xi32>
      %add3A_1057 = arith.addi %squeeze3A_1054, %squeeze3A_1056 : i32
      %slice3A_1058 = vector.extract_strided_slice %scan3A_1002#2 {offsets = [2], sizes = [1], strides = [1]} : vector<16xi32> to vector<1xi32>
      %squeeze3A_1059 = vector.extract %slice3A_1058[0] : i32 from vector<1xi32>
      %add3A_1060 = arith.addi %add3A_1057, %squeeze3A_1059 : i32
      %slice3A_1061 = vector.extract_strided_slice %scan3A_1002#2 {offsets = [3], sizes = [1], strides = [1]} : vector<16xi32> to vector<1xi32>
      %squeeze3A_1062 = vector.extract %slice3A_1061[0] : i32 from vector<1xi32>
      %add3A_1063 = arith.addi %add3A_1060, %squeeze3A_1062 : i32
      %slice3A_1064 = vector.extract_strided_slice %scan3A_1002#2 {offsets = [4], sizes = [1], strides = [1]} : vector<16xi32> to vector<1xi32>
      %squeeze3A_1065 = vector.extract %slice3A_1064[0] : i32 from vector<1xi32>
      %add3A_1066 = arith.addi %add3A_1063, %squeeze3A_1065 : i32
      %slice3A_1067 = vector.extract_strided_slice %scan3A_1002#2 {offsets = [5], sizes = [1], strides = [1]} : vector<16xi32> to vector<1xi32>
      %squeeze3A_1068 = vector.extract %slice3A_1067[0] : i32 from vector<1xi32>
      %add3A_1069 = arith.addi %add3A_1066, %squeeze3A_1068 : i32
      %slice3A_1070 = vector.extract_strided_slice %scan3A_1002#2 {offsets = [6], sizes = [1], strides = [1]} : vector<16xi32> to vector<1xi32>
      %squeeze3A_1071 = vector.extract %slice3A_1070[0] : i32 from vector<1xi32>
      %add3A_1072 = arith.addi %add3A_1069, %squeeze3A_1071 : i32
      %slice3A_1073 = vector.extract_strided_slice %scan3A_1002#2 {offsets = [7], sizes = [1], strides = [1]} : vector<16xi32> to vector<1xi32>
      %squeeze3A_1074 = vector.extract %slice3A_1073[0] : i32 from vector<1xi32>
      %add3A_1075 = arith.addi %add3A_1072, %squeeze3A_1074 : i32
      %slice3A_1076 = vector.extract_strided_slice %scan3A_1002#2 {offsets = [8], sizes = [1], strides = [1]} : vector<16xi32> to vector<1xi32>
      %squeeze3A_1077 = vector.extract %slice3A_1076[0] : i32 from vector<1xi32>
      %add3A_1078 = arith.addi %add3A_1075, %squeeze3A_1077 : i32
      %slice3A_1079 = vector.extract_strided_slice %scan3A_1002#2 {offsets = [9], sizes = [1], strides = [1]} : vector<16xi32> to vector<1xi32>
      %squeeze3A_1080 = vector.extract %slice3A_1079[0] : i32 from vector<1xi32>
      %add3A_1081 = arith.addi %add3A_1078, %squeeze3A_1080 : i32
      %slice3A_1082 = vector.extract_strided_slice %scan3A_1002#2 {offsets = [10], sizes = [1], strides = [1]} : vector<16xi32> to vector<1xi32>
      %squeeze3A_1083 = vector.extract %slice3A_1082[0] : i32 from vector<1xi32>
      %add3A_1084 = arith.addi %add3A_1081, %squeeze3A_1083 : i32
      %slice3A_1085 = vector.extract_strided_slice %scan3A_1002#2 {offsets = [11], sizes = [1], strides = [1]} : vector<16xi32> to vector<1xi32>
      %squeeze3A_1086 = vector.extract %slice3A_1085[0] : i32 from vector<1xi32>
      %add3A_1087 = arith.addi %add3A_1084, %squeeze3A_1086 : i32
      %slice3A_1088 = vector.extract_strided_slice %scan3A_1002#2 {offsets = [12], sizes = [1], strides = [1]} : vector<16xi32> to vector<1xi32>
      %squeeze3A_1089 = vector.extract %slice3A_1088[0] : i32 from vector<1xi32>
      %add3A_1090 = arith.addi %add3A_1087, %squeeze3A_1089 : i32
      %slice3A_1091 = vector.extract_strided_slice %scan3A_1002#2 {offsets = [13], sizes = [1], strides = [1]} : vector<16xi32> to vector<1xi32>
      %squeeze3A_1092 = vector.extract %slice3A_1091[0] : i32 from vector<1xi32>
      %add3A_1093 = arith.addi %add3A_1090, %squeeze3A_1092 : i32
      %slice3A_1094 = vector.extract_strided_slice %scan3A_1002#2 {offsets = [14], sizes = [1], strides = [1]} : vector<16xi32> to vector<1xi32>
      %squeeze3A_1095 = vector.extract %slice3A_1094[0] : i32 from vector<1xi32>
      %add3A_1096 = arith.addi %add3A_1093, %squeeze3A_1095 : i32
      %slice3A_1097 = vector.extract_strided_slice %scan3A_1002#2 {offsets = [15], sizes = [1], strides = [1]} : vector<16xi32> to vector<1xi32>
      %squeeze3A_1098 = vector.extract %slice3A_1097[0] : i32 from vector<1xi32>
      %add3A_1099 = arith.addi %add3A_1096, %squeeze3A_1098 : i32
      %sub3A_1100 = arith.subi %add3A_863, %add3A_1099 : i32
      %shift_left3A = arith.constant 11 : i32
      %shift_left3A_1101 = arith.shli %sub3A_323, %shift_left3A : i32
      %or3A = arith.ori %shift_left3A_1101, %sub3A_759 : i32
      %shift_left3A_1102 = arith.constant 11 : i32
      %shift_left3A_1103 = arith.shli %sub3A_429, %shift_left3A_1102 : i32
      %or3A_1104 = arith.ori %shift_left3A_1103, %sub3A_1052 : i32
      %broadcast_in_dim3A_1105 = arith.constant 0 : i32
      %broadcast_in_dim3A_1106 = vector.broadcast %broadcast_in_dim3A_1105 : i32 to vector<16xi32>
      %scan3A_1107 = arith.constant 0 : i32
      %scan3A_1108 = arith.constant 0 : i32
      %scan3A_1109 = arith.constant 16 : i32
      %scan3A_1110 = arith.addi %scan3A_1108, %scan3A_1109 : i32
      %scan3A_1111 = arith.constant 1 : i32
      %scan3A_1112 = scf.for %scan3A_1749 = %scan3A_1108 to %scan3A_1110 step %scan3A_1111 iter_args(%scan3A_1750 = %scan3A_1107) -> (i32)  : i32 {
        %mul3A_1751 = arith.constant 4 : i32
        %mul3A_1752 = arith.muli %scan3A_1749, %mul3A_1751 : i32
        %add3A_1753 = arith.constant 0 : i32
        %add3A_1754 = arith.addi %mul3A_1752, %add3A_1753 : i32
        %mul3A_1755 = arith.constant 16 : i32
        %mul3A_1756 = arith.muli %add3A_1754, %mul3A_1755 : i32
        %swap3A = arith.index_cast %mul3A_1756 : i32 to index
        %swap3A_1757 = tpu.vector_load %arg8[%swap3A] {strides = array<i32>} : memref<4096xi32, #tpu.memory_space<vmem>>, vector<16xi32>,
        tpu.vector_store %arg8[%swap3A], %broadcast_in_dim3A_1106 {strides = array<i32>} : memref<4096xi32, #tpu.memory_space<vmem>>, vector<16xi32>,
        %mul3A_1758 = arith.constant 4 : i32
        %mul3A_1759 = arith.muli %scan3A_1749, %mul3A_1758 : i32
        %add3A_1760 = arith.constant 1 : i32
        %add3A_1761 = arith.addi %mul3A_1759, %add3A_1760 : i32
        %mul3A_1762 = arith.constant 16 : i32
        %mul3A_1763 = arith.muli %add3A_1761, %mul3A_1762 : i32
        %swap3A_1764 = arith.index_cast %mul3A_1763 : i32 to index
        %swap3A_1765 = tpu.vector_load %arg8[%swap3A_1764] {strides = array<i32>} : memref<4096xi32, #tpu.memory_space<vmem>>, vector<16xi32>,
        tpu.vector_store %arg8[%swap3A_1764], %broadcast_in_dim3A_1106 {strides = array<i32>} : memref<4096xi32, #tpu.memory_space<vmem>>, vector<16xi32>,
        %mul3A_1766 = arith.constant 4 : i32
        %mul3A_1767 = arith.muli %scan3A_1749, %mul3A_1766 : i32
        %add3A_1768 = arith.constant 2 : i32
        %add3A_1769 = arith.addi %mul3A_1767, %add3A_1768 : i32
        %mul3A_1770 = arith.constant 16 : i32
        %mul3A_1771 = arith.muli %add3A_1769, %mul3A_1770 : i32
        %swap3A_1772 = arith.index_cast %mul3A_1771 : i32 to index
        %swap3A_1773 = tpu.vector_load %arg8[%swap3A_1772] {strides = array<i32>} : memref<4096xi32, #tpu.memory_space<vmem>>, vector<16xi32>,
        tpu.vector_store %arg8[%swap3A_1772], %broadcast_in_dim3A_1106 {strides = array<i32>} : memref<4096xi32, #tpu.memory_space<vmem>>, vector<16xi32>,
        %mul3A_1774 = arith.constant 4 : i32
        %mul3A_1775 = arith.muli %scan3A_1749, %mul3A_1774 : i32
        %add3A_1776 = arith.constant 3 : i32
        %add3A_1777 = arith.addi %mul3A_1775, %add3A_1776 : i32
        %mul3A_1778 = arith.constant 16 : i32
        %mul3A_1779 = arith.muli %add3A_1777, %mul3A_1778 : i32
        %swap3A_1780 = arith.index_cast %mul3A_1779 : i32 to index
        %swap3A_1781 = tpu.vector_load %arg8[%swap3A_1780] {strides = array<i32>} : memref<4096xi32, #tpu.memory_space<vmem>>, vector<16xi32>,
        tpu.vector_store %arg8[%swap3A_1780], %broadcast_in_dim3A_1106 {strides = array<i32>} : memref<4096xi32, #tpu.memory_space<vmem>>, vector<16xi32>,
        %scan3A_1782 = arith.constant 0 : i32
        scf.yield %scan3A_1782 : i32
      }
      %scan3A_1113 = arith.constant 16 : i32
      %broadcast_in_dim3A_1114 = arith.constant 1 : i32
      %broadcast_in_dim3A_1115 = vector.broadcast %broadcast_in_dim3A_1114 : i32 to vector<16xi32>
      %eq3A_1116 = arith.cmpi eq, %or3A, %or3A_1104 : i32
      %convert_element_type3A_1117 = arith.extui %eq3A_1116 : i1 to i32
      %cond3A_1118 = arith.constant 0 : i32
      %cond3A_1119 = arith.cmpi ne, %convert_element_type3A_1117, %cond3A_1118 : i32
      scf.if %cond3A_1119 {
        %scan3A_1749 = arith.constant 0 : i32
        %scan3A_1750 = arith.constant 0 : i32
        %scan3A_1751 = arith.constant 256 : i32
        %scan3A_1752 = arith.addi %scan3A_1750, %scan3A_1751 : i32
        %scan3A_1753 = arith.constant 1 : i32
        %scan3A_1754 = scf.for %scan3A_1756 = %scan3A_1750 to %scan3A_1752 step %scan3A_1753 iter_args(%scan3A_1757 = %scan3A_1749) -> (i32)  : i32 {
          %mul3A_1758 = arith.constant 8 : i32
          %mul3A_1759 = arith.muli %scan3A_1756, %mul3A_1758 : i32
          %add3A_1760 = arith.constant 0 : i32
          %add3A_1761 = arith.addi %mul3A_1759, %add3A_1760 : i32
          %mul3A_1762 = arith.constant 16 : i32
          %mul3A_1763 = arith.muli %add3A_1761, %mul3A_1762 : i32
          %get3A_1764 = arith.index_cast %mul3A_1763 : i32 to index
          %get3A_1765 = tpu.vector_load %arg6[%get3A_1764] {strides = array<i32>} : memref<32768xi32, #tpu.memory_space<vmem>>, vector<16xi32>,
          %shift_right_arithmetic3A = arith.constant 0 : i32
          %shift_right_arithmetic3A_1766 = vector.broadcast %shift_right_arithmetic3A : i32 to vector<16xi32>
          %shift_right_arithmetic3A_1767 = arith.shrsi %get3A_1765, %shift_right_arithmetic3A_1766 : vector<16xi32>
          %and3A_1768 = arith.constant 511 : i32
          %and3A_1769 = vector.broadcast %and3A_1768 : i32 to vector<16xi32>
          %and3A_1770 = arith.andi %shift_right_arithmetic3A_1767, %and3A_1769 : vector<16xi32>
          %and3A_1771 = arith.constant 31 : i32
          %and3A_1772 = vector.broadcast %and3A_1771 : i32 to vector<16xi32>
          %and3A_1773 = arith.andi %and3A_1770, %and3A_1772 : vector<16xi32>
          %shift_left3A_1774 = arith.constant 4 : i32
          %shift_left3A_1775 = vector.broadcast %shift_left3A_1774 : i32 to vector<16xi32>
          %shift_left3A_1776 = arith.shli %and3A_1773, %shift_left3A_1775 : vector<16xi32>
          %shift_right_arithmetic3A_1777 = arith.constant 5 : i32
          %shift_right_arithmetic3A_1778 = vector.broadcast %shift_right_arithmetic3A_1777 : i32 to vector<16xi32>
          %shift_right_arithmetic3A_1779 = arith.shrsi %and3A_1770, %shift_right_arithmetic3A_1778 : vector<16xi32>
          %or3A_1780 = arith.ori %shift_left3A_1776, %shift_right_arithmetic3A_1779 : vector<16xi32>
          %shift_right_arithmetic3A_1781 = arith.constant 9 : i32
          %shift_right_arithmetic3A_1782 = vector.broadcast %shift_right_arithmetic3A_1781 : i32 to vector<16xi32>
          %shift_right_arithmetic3A_1783 = arith.shrsi %get3A_1765, %shift_right_arithmetic3A_1782 : vector<16xi32>
          %eq3A_1784 = vector.broadcast %or3A : i32 to vector<16xi32>
          %eq3A_1785 = arith.cmpi eq, %shift_right_arithmetic3A_1783, %eq3A_1784 : vector<16xi32>
          tpu.vector_store_idx %arg8[%or3A_1780], %broadcast_in_dim3A_1115 masked %eq3A_1785 {add = true} : memref<4096xi32, #tpu.memory_space<vmem>>[vector<16xi32>], vector<16xi32>, vector<16xi1>
          %mul3A_1786 = arith.constant 8 : i32
          %mul3A_1787 = arith.muli %scan3A_1756, %mul3A_1786 : i32
          %add3A_1788 = arith.constant 1 : i32
          %add3A_1789 = arith.addi %mul3A_1787, %add3A_1788 : i32
          %mul3A_1790 = arith.constant 16 : i32
          %mul3A_1791 = arith.muli %add3A_1789, %mul3A_1790 : i32
          %get3A_1792 = arith.index_cast %mul3A_1791 : i32 to index
          %get3A_1793 = tpu.vector_load %arg6[%get3A_1792] {strides = array<i32>} : memref<32768xi32, #tpu.memory_space<vmem>>, vector<16xi32>,
          %shift_right_arithmetic3A_1794 = arith.constant 0 : i32
          %shift_right_arithmetic3A_1795 = vector.broadcast %shift_right_arithmetic3A_1794 : i32 to vector<16xi32>
          %shift_right_arithmetic3A_1796 = arith.shrsi %get3A_1793, %shift_right_arithmetic3A_1795 : vector<16xi32>
          %and3A_1797 = arith.constant 511 : i32
          %and3A_1798 = vector.broadcast %and3A_1797 : i32 to vector<16xi32>
          %and3A_1799 = arith.andi %shift_right_arithmetic3A_1796, %and3A_1798 : vector<16xi32>
          %and3A_1800 = arith.constant 31 : i32
          %and3A_1801 = vector.broadcast %and3A_1800 : i32 to vector<16xi32>
          %and3A_1802 = arith.andi %and3A_1799, %and3A_1801 : vector<16xi32>
          %shift_left3A_1803 = arith.constant 4 : i32
          %shift_left3A_1804 = vector.broadcast %shift_left3A_1803 : i32 to vector<16xi32>
          %shift_left3A_1805 = arith.shli %and3A_1802, %shift_left3A_1804 : vector<16xi32>
          %shift_right_arithmetic3A_1806 = arith.constant 5 : i32
          %shift_right_arithmetic3A_1807 = vector.broadcast %shift_right_arithmetic3A_1806 : i32 to vector<16xi32>
          %shift_right_arithmetic3A_1808 = arith.shrsi %and3A_1799, %shift_right_arithmetic3A_1807 : vector<16xi32>
          %or3A_1809 = arith.ori %shift_left3A_1805, %shift_right_arithmetic3A_1808 : vector<16xi32>
          %shift_right_arithmetic3A_1810 = arith.constant 9 : i32
          %shift_right_arithmetic3A_1811 = vector.broadcast %shift_right_arithmetic3A_1810 : i32 to vector<16xi32>
          %shift_right_arithmetic3A_1812 = arith.shrsi %get3A_1793, %shift_right_arithmetic3A_1811 : vector<16xi32>
          %eq3A_1813 = vector.broadcast %or3A : i32 to vector<16xi32>
          %eq3A_1814 = arith.cmpi eq, %shift_right_arithmetic3A_1812, %eq3A_1813 : vector<16xi32>
          tpu.vector_store_idx %arg8[%or3A_1809], %broadcast_in_dim3A_1115 masked %eq3A_1814 {add = true} : memref<4096xi32, #tpu.memory_space<vmem>>[vector<16xi32>], vector<16xi32>, vector<16xi1>
          %mul3A_1815 = arith.constant 8 : i32
          %mul3A_1816 = arith.muli %scan3A_1756, %mul3A_1815 : i32
          %add3A_1817 = arith.constant 2 : i32
          %add3A_1818 = arith.addi %mul3A_1816, %add3A_1817 : i32
          %mul3A_1819 = arith.constant 16 : i32
          %mul3A_1820 = arith.muli %add3A_1818, %mul3A_1819 : i32
          %get3A_1821 = arith.index_cast %mul3A_1820 : i32 to index
          %get3A_1822 = tpu.vector_load %arg6[%get3A_1821] {strides = array<i32>} : memref<32768xi32, #tpu.memory_space<vmem>>, vector<16xi32>,
          %shift_right_arithmetic3A_1823 = arith.constant 0 : i32
          %shift_right_arithmetic3A_1824 = vector.broadcast %shift_right_arithmetic3A_1823 : i32 to vector<16xi32>
          %shift_right_arithmetic3A_1825 = arith.shrsi %get3A_1822, %shift_right_arithmetic3A_1824 : vector<16xi32>
          %and3A_1826 = arith.constant 511 : i32
          %and3A_1827 = vector.broadcast %and3A_1826 : i32 to vector<16xi32>
          %and3A_1828 = arith.andi %shift_right_arithmetic3A_1825, %and3A_1827 : vector<16xi32>
          %and3A_1829 = arith.constant 31 : i32
          %and3A_1830 = vector.broadcast %and3A_1829 : i32 to vector<16xi32>
          %and3A_1831 = arith.andi %and3A_1828, %and3A_1830 : vector<16xi32>
          %shift_left3A_1832 = arith.constant 4 : i32
          %shift_left3A_1833 = vector.broadcast %shift_left3A_1832 : i32 to vector<16xi32>
          %shift_left3A_1834 = arith.shli %and3A_1831, %shift_left3A_1833 : vector<16xi32>
          %shift_right_arithmetic3A_1835 = arith.constant 5 : i32
          %shift_right_arithmetic3A_1836 = vector.broadcast %shift_right_arithmetic3A_1835 : i32 to vector<16xi32>
          %shift_right_arithmetic3A_1837 = arith.shrsi %and3A_1828, %shift_right_arithmetic3A_1836 : vector<16xi32>
          %or3A_1838 = arith.ori %shift_left3A_1834, %shift_right_arithmetic3A_1837 : vector<16xi32>
          %shift_right_arithmetic3A_1839 = arith.constant 9 : i32
          %shift_right_arithmetic3A_1840 = vector.broadcast %shift_right_arithmetic3A_1839 : i32 to vector<16xi32>
          %shift_right_arithmetic3A_1841 = arith.shrsi %get3A_1822, %shift_right_arithmetic3A_1840 : vector<16xi32>
          %eq3A_1842 = vector.broadcast %or3A : i32 to vector<16xi32>
          %eq3A_1843 = arith.cmpi eq, %shift_right_arithmetic3A_1841, %eq3A_1842 : vector<16xi32>
          tpu.vector_store_idx %arg8[%or3A_1838], %broadcast_in_dim3A_1115 masked %eq3A_1843 {add = true} : memref<4096xi32, #tpu.memory_space<vmem>>[vector<16xi32>], vector<16xi32>, vector<16xi1>
          %mul3A_1844 = arith.constant 8 : i32
          %mul3A_1845 = arith.muli %scan3A_1756, %mul3A_1844 : i32
          %add3A_1846 = arith.constant 3 : i32
          %add3A_1847 = arith.addi %mul3A_1845, %add3A_1846 : i32
          %mul3A_1848 = arith.constant 16 : i32
          %mul3A_1849 = arith.muli %add3A_1847, %mul3A_1848 : i32
          %get3A_1850 = arith.index_cast %mul3A_1849 : i32 to index
          %get3A_1851 = tpu.vector_load %arg6[%get3A_1850] {strides = array<i32>} : memref<32768xi32, #tpu.memory_space<vmem>>, vector<16xi32>,
          %shift_right_arithmetic3A_1852 = arith.constant 0 : i32
          %shift_right_arithmetic3A_1853 = vector.broadcast %shift_right_arithmetic3A_1852 : i32 to vector<16xi32>
          %shift_right_arithmetic3A_1854 = arith.shrsi %get3A_1851, %shift_right_arithmetic3A_1853 : vector<16xi32>
          %and3A_1855 = arith.constant 511 : i32
          %and3A_1856 = vector.broadcast %and3A_1855 : i32 to vector<16xi32>
          %and3A_1857 = arith.andi %shift_right_arithmetic3A_1854, %and3A_1856 : vector<16xi32>
          %and3A_1858 = arith.constant 31 : i32
          %and3A_1859 = vector.broadcast %and3A_1858 : i32 to vector<16xi32>
          %and3A_1860 = arith.andi %and3A_1857, %and3A_1859 : vector<16xi32>
          %shift_left3A_1861 = arith.constant 4 : i32
          %shift_left3A_1862 = vector.broadcast %shift_left3A_1861 : i32 to vector<16xi32>
          %shift_left3A_1863 = arith.shli %and3A_1860, %shift_left3A_1862 : vector<16xi32>
          %shift_right_arithmetic3A_1864 = arith.constant 5 : i32
          %shift_right_arithmetic3A_1865 = vector.broadcast %shift_right_arithmetic3A_1864 : i32 to vector<16xi32>
          %shift_right_arithmetic3A_1866 = arith.shrsi %and3A_1857, %shift_right_arithmetic3A_1865 : vector<16xi32>
          %or3A_1867 = arith.ori %shift_left3A_1863, %shift_right_arithmetic3A_1866 : vector<16xi32>
          %shift_right_arithmetic3A_1868 = arith.constant 9 : i32
          %shift_right_arithmetic3A_1869 = vector.broadcast %shift_right_arithmetic3A_1868 : i32 to vector<16xi32>
          %shift_right_arithmetic3A_1870 = arith.shrsi %get3A_1851, %shift_right_arithmetic3A_1869 : vector<16xi32>
          %eq3A_1871 = vector.broadcast %or3A : i32 to vector<16xi32>
          %eq3A_1872 = arith.cmpi eq, %shift_right_arithmetic3A_1870, %eq3A_1871 : vector<16xi32>
          tpu.vector_store_idx %arg8[%or3A_1867], %broadcast_in_dim3A_1115 masked %eq3A_1872 {add = true} : memref<4096xi32, #tpu.memory_space<vmem>>[vector<16xi32>], vector<16xi32>, vector<16xi1>
          %mul3A_1873 = arith.constant 8 : i32
          %mul3A_1874 = arith.muli %scan3A_1756, %mul3A_1873 : i32
          %add3A_1875 = arith.constant 4 : i32
          %add3A_1876 = arith.addi %mul3A_1874, %add3A_1875 : i32
          %mul3A_1877 = arith.constant 16 : i32
          %mul3A_1878 = arith.muli %add3A_1876, %mul3A_1877 : i32
          %get3A_1879 = arith.index_cast %mul3A_1878 : i32 to index
          %get3A_1880 = tpu.vector_load %arg6[%get3A_1879] {strides = array<i32>} : memref<32768xi32, #tpu.memory_space<vmem>>, vector<16xi32>,
          %shift_right_arithmetic3A_1881 = arith.constant 0 : i32
          %shift_right_arithmetic3A_1882 = vector.broadcast %shift_right_arithmetic3A_1881 : i32 to vector<16xi32>
          %shift_right_arithmetic3A_1883 = arith.shrsi %get3A_1880, %shift_right_arithmetic3A_1882 : vector<16xi32>
          %and3A_1884 = arith.constant 511 : i32
          %and3A_1885 = vector.broadcast %and3A_1884 : i32 to vector<16xi32>
          %and3A_1886 = arith.andi %shift_right_arithmetic3A_1883, %and3A_1885 : vector<16xi32>
          %and3A_1887 = arith.constant 31 : i32
          %and3A_1888 = vector.broadcast %and3A_1887 : i32 to vector<16xi32>
          %and3A_1889 = arith.andi %and3A_1886, %and3A_1888 : vector<16xi32>
          %shift_left3A_1890 = arith.constant 4 : i32
          %shift_left3A_1891 = vector.broadcast %shift_left3A_1890 : i32 to vector<16xi32>
          %shift_left3A_1892 = arith.shli %and3A_1889, %shift_left3A_1891 : vector<16xi32>
          %shift_right_arithmetic3A_1893 = arith.constant 5 : i32
          %shift_right_arithmetic3A_1894 = vector.broadcast %shift_right_arithmetic3A_1893 : i32 to vector<16xi32>
          %shift_right_arithmetic3A_1895 = arith.shrsi %and3A_1886, %shift_right_arithmetic3A_1894 : vector<16xi32>
          %or3A_1896 = arith.ori %shift_left3A_1892, %shift_right_arithmetic3A_1895 : vector<16xi32>
          %shift_right_arithmetic3A_1897 = arith.constant 9 : i32
          %shift_right_arithmetic3A_1898 = vector.broadcast %shift_right_arithmetic3A_1897 : i32 to vector<16xi32>
          %shift_right_arithmetic3A_1899 = arith.shrsi %get3A_1880, %shift_right_arithmetic3A_1898 : vector<16xi32>
          %eq3A_1900 = vector.broadcast %or3A : i32 to vector<16xi32>
          %eq3A_1901 = arith.cmpi eq, %shift_right_arithmetic3A_1899, %eq3A_1900 : vector<16xi32>
          tpu.vector_store_idx %arg8[%or3A_1896], %broadcast_in_dim3A_1115 masked %eq3A_1901 {add = true} : memref<4096xi32, #tpu.memory_space<vmem>>[vector<16xi32>], vector<16xi32>, vector<16xi1>
          %mul3A_1902 = arith.constant 8 : i32
          %mul3A_1903 = arith.muli %scan3A_1756, %mul3A_1902 : i32
          %add3A_1904 = arith.constant 5 : i32
          %add3A_1905 = arith.addi %mul3A_1903, %add3A_1904 : i32
          %mul3A_1906 = arith.constant 16 : i32
          %mul3A_1907 = arith.muli %add3A_1905, %mul3A_1906 : i32
          %get3A_1908 = arith.index_cast %mul3A_1907 : i32 to index
          %get3A_1909 = tpu.vector_load %arg6[%get3A_1908] {strides = array<i32>} : memref<32768xi32, #tpu.memory_space<vmem>>, vector<16xi32>,
          %shift_right_arithmetic3A_1910 = arith.constant 0 : i32
          %shift_right_arithmetic3A_1911 = vector.broadcast %shift_right_arithmetic3A_1910 : i32 to vector<16xi32>
          %shift_right_arithmetic3A_1912 = arith.shrsi %get3A_1909, %shift_right_arithmetic3A_1911 : vector<16xi32>
          %and3A_1913 = arith.constant 511 : i32
          %and3A_1914 = vector.broadcast %and3A_1913 : i32 to vector<16xi32>
          %and3A_1915 = arith.andi %shift_right_arithmetic3A_1912, %and3A_1914 : vector<16xi32>
          %and3A_1916 = arith.constant 31 : i32
          %and3A_1917 = vector.broadcast %and3A_1916 : i32 to vector<16xi32>
          %and3A_1918 = arith.andi %and3A_1915, %and3A_1917 : vector<16xi32>
          %shift_left3A_1919 = arith.constant 4 : i32
          %shift_left3A_1920 = vector.broadcast %shift_left3A_1919 : i32 to vector<16xi32>
          %shift_left3A_1921 = arith.shli %and3A_1918, %shift_left3A_1920 : vector<16xi32>
          %shift_right_arithmetic3A_1922 = arith.constant 5 : i32
          %shift_right_arithmetic3A_1923 = vector.broadcast %shift_right_arithmetic3A_1922 : i32 to vector<16xi32>
          %shift_right_arithmetic3A_1924 = arith.shrsi %and3A_1915, %shift_right_arithmetic3A_1923 : vector<16xi32>
          %or3A_1925 = arith.ori %shift_left3A_1921, %shift_right_arithmetic3A_1924 : vector<16xi32>
          %shift_right_arithmetic3A_1926 = arith.constant 9 : i32
          %shift_right_arithmetic3A_1927 = vector.broadcast %shift_right_arithmetic3A_1926 : i32 to vector<16xi32>
          %shift_right_arithmetic3A_1928 = arith.shrsi %get3A_1909, %shift_right_arithmetic3A_1927 : vector<16xi32>
          %eq3A_1929 = vector.broadcast %or3A : i32 to vector<16xi32>
          %eq3A_1930 = arith.cmpi eq, %shift_right_arithmetic3A_1928, %eq3A_1929 : vector<16xi32>
          tpu.vector_store_idx %arg8[%or3A_1925], %broadcast_in_dim3A_1115 masked %eq3A_1930 {add = true} : memref<4096xi32, #tpu.memory_space<vmem>>[vector<16xi32>], vector<16xi32>, vector<16xi1>
          %mul3A_1931 = arith.constant 8 : i32
          %mul3A_1932 = arith.muli %scan3A_1756, %mul3A_1931 : i32
          %add3A_1933 = arith.constant 6 : i32
          %add3A_1934 = arith.addi %mul3A_1932, %add3A_1933 : i32
          %mul3A_1935 = arith.constant 16 : i32
          %mul3A_1936 = arith.muli %add3A_1934, %mul3A_1935 : i32
          %get3A_1937 = arith.index_cast %mul3A_1936 : i32 to index
          %get3A_1938 = tpu.vector_load %arg6[%get3A_1937] {strides = array<i32>} : memref<32768xi32, #tpu.memory_space<vmem>>, vector<16xi32>,
          %shift_right_arithmetic3A_1939 = arith.constant 0 : i32
          %shift_right_arithmetic3A_1940 = vector.broadcast %shift_right_arithmetic3A_1939 : i32 to vector<16xi32>
          %shift_right_arithmetic3A_1941 = arith.shrsi %get3A_1938, %shift_right_arithmetic3A_1940 : vector<16xi32>
          %and3A_1942 = arith.constant 511 : i32
          %and3A_1943 = vector.broadcast %and3A_1942 : i32 to vector<16xi32>
          %and3A_1944 = arith.andi %shift_right_arithmetic3A_1941, %and3A_1943 : vector<16xi32>
          %and3A_1945 = arith.constant 31 : i32
          %and3A_1946 = vector.broadcast %and3A_1945 : i32 to vector<16xi32>
          %and3A_1947 = arith.andi %and3A_1944, %and3A_1946 : vector<16xi32>
          %shift_left3A_1948 = arith.constant 4 : i32
          %shift_left3A_1949 = vector.broadcast %shift_left3A_1948 : i32 to vector<16xi32>
          %shift_left3A_1950 = arith.shli %and3A_1947, %shift_left3A_1949 : vector<16xi32>
          %shift_right_arithmetic3A_1951 = arith.constant 5 : i32
          %shift_right_arithmetic3A_1952 = vector.broadcast %shift_right_arithmetic3A_1951 : i32 to vector<16xi32>
          %shift_right_arithmetic3A_1953 = arith.shrsi %and3A_1944, %shift_right_arithmetic3A_1952 : vector<16xi32>
          %or3A_1954 = arith.ori %shift_left3A_1950, %shift_right_arithmetic3A_1953 : vector<16xi32>
          %shift_right_arithmetic3A_1955 = arith.constant 9 : i32
          %shift_right_arithmetic3A_1956 = vector.broadcast %shift_right_arithmetic3A_1955 : i32 to vector<16xi32>
          %shift_right_arithmetic3A_1957 = arith.shrsi %get3A_1938, %shift_right_arithmetic3A_1956 : vector<16xi32>
          %eq3A_1958 = vector.broadcast %or3A : i32 to vector<16xi32>
          %eq3A_1959 = arith.cmpi eq, %shift_right_arithmetic3A_1957, %eq3A_1958 : vector<16xi32>
          tpu.vector_store_idx %arg8[%or3A_1954], %broadcast_in_dim3A_1115 masked %eq3A_1959 {add = true} : memref<4096xi32, #tpu.memory_space<vmem>>[vector<16xi32>], vector<16xi32>, vector<16xi1>
          %mul3A_1960 = arith.constant 8 : i32
          %mul3A_1961 = arith.muli %scan3A_1756, %mul3A_1960 : i32
          %add3A_1962 = arith.constant 7 : i32
          %add3A_1963 = arith.addi %mul3A_1961, %add3A_1962 : i32
          %mul3A_1964 = arith.constant 16 : i32
          %mul3A_1965 = arith.muli %add3A_1963, %mul3A_1964 : i32
          %get3A_1966 = arith.index_cast %mul3A_1965 : i32 to index
          %get3A_1967 = tpu.vector_load %arg6[%get3A_1966] {strides = array<i32>} : memref<32768xi32, #tpu.memory_space<vmem>>, vector<16xi32>,
          %shift_right_arithmetic3A_1968 = arith.constant 0 : i32
          %shift_right_arithmetic3A_1969 = vector.broadcast %shift_right_arithmetic3A_1968 : i32 to vector<16xi32>
          %shift_right_arithmetic3A_1970 = arith.shrsi %get3A_1967, %shift_right_arithmetic3A_1969 : vector<16xi32>
          %and3A_1971 = arith.constant 511 : i32
          %and3A_1972 = vector.broadcast %and3A_1971 : i32 to vector<16xi32>
          %and3A_1973 = arith.andi %shift_right_arithmetic3A_1970, %and3A_1972 : vector<16xi32>
          %and3A_1974 = arith.constant 31 : i32
          %and3A_1975 = vector.broadcast %and3A_1974 : i32 to vector<16xi32>
          %and3A_1976 = arith.andi %and3A_1973, %and3A_1975 : vector<16xi32>
          %shift_left3A_1977 = arith.constant 4 : i32
          %shift_left3A_1978 = vector.broadcast %shift_left3A_1977 : i32 to vector<16xi32>
          %shift_left3A_1979 = arith.shli %and3A_1976, %shift_left3A_1978 : vector<16xi32>
          %shift_right_arithmetic3A_1980 = arith.constant 5 : i32
          %shift_right_arithmetic3A_1981 = vector.broadcast %shift_right_arithmetic3A_1980 : i32 to vector<16xi32>
          %shift_right_arithmetic3A_1982 = arith.shrsi %and3A_1973, %shift_right_arithmetic3A_1981 : vector<16xi32>
          %or3A_1983 = arith.ori %shift_left3A_1979, %shift_right_arithmetic3A_1982 : vector<16xi32>
          %shift_right_arithmetic3A_1984 = arith.constant 9 : i32
          %shift_right_arithmetic3A_1985 = vector.broadcast %shift_right_arithmetic3A_1984 : i32 to vector<16xi32>
          %shift_right_arithmetic3A_1986 = arith.shrsi %get3A_1967, %shift_right_arithmetic3A_1985 : vector<16xi32>
          %eq3A_1987 = vector.broadcast %or3A : i32 to vector<16xi32>
          %eq3A_1988 = arith.cmpi eq, %shift_right_arithmetic3A_1986, %eq3A_1987 : vector<16xi32>
          tpu.vector_store_idx %arg8[%or3A_1983], %broadcast_in_dim3A_1115 masked %eq3A_1988 {add = true} : memref<4096xi32, #tpu.memory_space<vmem>>[vector<16xi32>], vector<16xi32>, vector<16xi1>
          %scan3A_1989 = arith.constant 0 : i32
          scf.yield %scan3A_1989 : i32
        }
        %scan3A_1755 = arith.constant 256 : i32
      } else {
      }
      %not3A_1120 = arith.constant true
      %not3A_1121 = arith.xori %eq3A_1116, %not3A_1120 : i1
      %convert_element_type3A_1122 = arith.extui %not3A_1121 : i1 to i32
      %cond3A_1123 = arith.constant 0 : i32
      %cond3A_1124 = arith.cmpi ne, %convert_element_type3A_1122, %cond3A_1123 : i32
      scf.if %cond3A_1124 {
        %scan3A_1749 = arith.constant 0 : i32
        %scan3A_1750 = arith.constant 0 : i32
        %scan3A_1751 = arith.constant 256 : i32
        %scan3A_1752 = arith.addi %scan3A_1750, %scan3A_1751 : i32
        %scan3A_1753 = arith.constant 1 : i32
        %scan3A_1754 = scf.for %scan3A_1756 = %scan3A_1750 to %scan3A_1752 step %scan3A_1753 iter_args(%scan3A_1757 = %scan3A_1749) -> (i32)  : i32 {
          %mul3A_1758 = arith.constant 8 : i32
          %mul3A_1759 = arith.muli %scan3A_1756, %mul3A_1758 : i32
          %add3A_1760 = arith.constant 0 : i32
          %add3A_1761 = arith.addi %mul3A_1759, %add3A_1760 : i32
          %mul3A_1762 = arith.constant 16 : i32
          %mul3A_1763 = arith.muli %add3A_1761, %mul3A_1762 : i32
          %get3A_1764 = arith.index_cast %mul3A_1763 : i32 to index
          %get3A_1765 = tpu.vector_load %arg6[%get3A_1764] {strides = array<i32>} : memref<32768xi32, #tpu.memory_space<vmem>>, vector<16xi32>,
          %shift_right_arithmetic3A = arith.constant 9 : i32
          %shift_right_arithmetic3A_1766 = vector.broadcast %shift_right_arithmetic3A : i32 to vector<16xi32>
          %shift_right_arithmetic3A_1767 = arith.shrsi %get3A_1765, %shift_right_arithmetic3A_1766 : vector<16xi32>
          %shift_right_arithmetic3A_1768 = arith.constant 0 : i32
          %shift_right_arithmetic3A_1769 = vector.broadcast %shift_right_arithmetic3A_1768 : i32 to vector<16xi32>
          %shift_right_arithmetic3A_1770 = arith.shrsi %get3A_1765, %shift_right_arithmetic3A_1769 : vector<16xi32>
          %and3A_1771 = arith.constant 511 : i32
          %and3A_1772 = vector.broadcast %and3A_1771 : i32 to vector<16xi32>
          %and3A_1773 = arith.andi %shift_right_arithmetic3A_1770, %and3A_1772 : vector<16xi32>
          %and3A_1774 = arith.constant 31 : i32
          %and3A_1775 = vector.broadcast %and3A_1774 : i32 to vector<16xi32>
          %and3A_1776 = arith.andi %and3A_1773, %and3A_1775 : vector<16xi32>
          %shift_left3A_1777 = arith.constant 4 : i32
          %shift_left3A_1778 = vector.broadcast %shift_left3A_1777 : i32 to vector<16xi32>
          %shift_left3A_1779 = arith.shli %and3A_1776, %shift_left3A_1778 : vector<16xi32>
          %shift_right_arithmetic3A_1780 = arith.constant 5 : i32
          %shift_right_arithmetic3A_1781 = vector.broadcast %shift_right_arithmetic3A_1780 : i32 to vector<16xi32>
          %shift_right_arithmetic3A_1782 = arith.shrsi %and3A_1773, %shift_right_arithmetic3A_1781 : vector<16xi32>
          %or3A_1783 = arith.ori %shift_left3A_1779, %shift_right_arithmetic3A_1782 : vector<16xi32>
          %eq3A_1784 = vector.broadcast %or3A : i32 to vector<16xi32>
          %eq3A_1785 = arith.cmpi eq, %shift_right_arithmetic3A_1767, %eq3A_1784 : vector<16xi32>
          tpu.vector_store_idx %arg8[%or3A_1783], %broadcast_in_dim3A_1115 masked %eq3A_1785 {add = true} : memref<4096xi32, #tpu.memory_space<vmem>>[vector<16xi32>], vector<16xi32>, vector<16xi1>
          %add3A_1786 = arith.constant 512 : i32
          %add3A_1787 = vector.broadcast %add3A_1786 : i32 to vector<16xi32>
          %add3A_1788 = arith.addi %or3A_1783, %add3A_1787 : vector<16xi32>
          %eq3A_1789 = vector.broadcast %or3A_1104 : i32 to vector<16xi32>
          %eq3A_1790 = arith.cmpi eq, %shift_right_arithmetic3A_1767, %eq3A_1789 : vector<16xi32>
          tpu.vector_store_idx %arg8[%add3A_1788], %broadcast_in_dim3A_1115 masked %eq3A_1790 {add = true} : memref<4096xi32, #tpu.memory_space<vmem>>[vector<16xi32>], vector<16xi32>, vector<16xi1>
          %mul3A_1791 = arith.constant 8 : i32
          %mul3A_1792 = arith.muli %scan3A_1756, %mul3A_1791 : i32
          %add3A_1793 = arith.constant 1 : i32
          %add3A_1794 = arith.addi %mul3A_1792, %add3A_1793 : i32
          %mul3A_1795 = arith.constant 16 : i32
          %mul3A_1796 = arith.muli %add3A_1794, %mul3A_1795 : i32
          %get3A_1797 = arith.index_cast %mul3A_1796 : i32 to index
          %get3A_1798 = tpu.vector_load %arg6[%get3A_1797] {strides = array<i32>} : memref<32768xi32, #tpu.memory_space<vmem>>, vector<16xi32>,
          %shift_right_arithmetic3A_1799 = arith.constant 9 : i32
          %shift_right_arithmetic3A_1800 = vector.broadcast %shift_right_arithmetic3A_1799 : i32 to vector<16xi32>
          %shift_right_arithmetic3A_1801 = arith.shrsi %get3A_1798, %shift_right_arithmetic3A_1800 : vector<16xi32>
          %shift_right_arithmetic3A_1802 = arith.constant 0 : i32
          %shift_right_arithmetic3A_1803 = vector.broadcast %shift_right_arithmetic3A_1802 : i32 to vector<16xi32>
          %shift_right_arithmetic3A_1804 = arith.shrsi %get3A_1798, %shift_right_arithmetic3A_1803 : vector<16xi32>
          %and3A_1805 = arith.constant 511 : i32
          %and3A_1806 = vector.broadcast %and3A_1805 : i32 to vector<16xi32>
          %and3A_1807 = arith.andi %shift_right_arithmetic3A_1804, %and3A_1806 : vector<16xi32>
          %and3A_1808 = arith.constant 31 : i32
          %and3A_1809 = vector.broadcast %and3A_1808 : i32 to vector<16xi32>
          %and3A_1810 = arith.andi %and3A_1807, %and3A_1809 : vector<16xi32>
          %shift_left3A_1811 = arith.constant 4 : i32
          %shift_left3A_1812 = vector.broadcast %shift_left3A_1811 : i32 to vector<16xi32>
          %shift_left3A_1813 = arith.shli %and3A_1810, %shift_left3A_1812 : vector<16xi32>
          %shift_right_arithmetic3A_1814 = arith.constant 5 : i32
          %shift_right_arithmetic3A_1815 = vector.broadcast %shift_right_arithmetic3A_1814 : i32 to vector<16xi32>
          %shift_right_arithmetic3A_1816 = arith.shrsi %and3A_1807, %shift_right_arithmetic3A_1815 : vector<16xi32>
          %or3A_1817 = arith.ori %shift_left3A_1813, %shift_right_arithmetic3A_1816 : vector<16xi32>
          %eq3A_1818 = vector.broadcast %or3A : i32 to vector<16xi32>
          %eq3A_1819 = arith.cmpi eq, %shift_right_arithmetic3A_1801, %eq3A_1818 : vector<16xi32>
          tpu.vector_store_idx %arg8[%or3A_1817], %broadcast_in_dim3A_1115 masked %eq3A_1819 {add = true} : memref<4096xi32, #tpu.memory_space<vmem>>[vector<16xi32>], vector<16xi32>, vector<16xi1>
          %add3A_1820 = arith.constant 512 : i32
          %add3A_1821 = vector.broadcast %add3A_1820 : i32 to vector<16xi32>
          %add3A_1822 = arith.addi %or3A_1817, %add3A_1821 : vector<16xi32>
          %eq3A_1823 = vector.broadcast %or3A_1104 : i32 to vector<16xi32>
          %eq3A_1824 = arith.cmpi eq, %shift_right_arithmetic3A_1801, %eq3A_1823 : vector<16xi32>
          tpu.vector_store_idx %arg8[%add3A_1822], %broadcast_in_dim3A_1115 masked %eq3A_1824 {add = true} : memref<4096xi32, #tpu.memory_space<vmem>>[vector<16xi32>], vector<16xi32>, vector<16xi1>
          %mul3A_1825 = arith.constant 8 : i32
          %mul3A_1826 = arith.muli %scan3A_1756, %mul3A_1825 : i32
          %add3A_1827 = arith.constant 2 : i32
          %add3A_1828 = arith.addi %mul3A_1826, %add3A_1827 : i32
          %mul3A_1829 = arith.constant 16 : i32
          %mul3A_1830 = arith.muli %add3A_1828, %mul3A_1829 : i32
          %get3A_1831 = arith.index_cast %mul3A_1830 : i32 to index
          %get3A_1832 = tpu.vector_load %arg6[%get3A_1831] {strides = array<i32>} : memref<32768xi32, #tpu.memory_space<vmem>>, vector<16xi32>,
          %shift_right_arithmetic3A_1833 = arith.constant 9 : i32
          %shift_right_arithmetic3A_1834 = vector.broadcast %shift_right_arithmetic3A_1833 : i32 to vector<16xi32>
          %shift_right_arithmetic3A_1835 = arith.shrsi %get3A_1832, %shift_right_arithmetic3A_1834 : vector<16xi32>
          %shift_right_arithmetic3A_1836 = arith.constant 0 : i32
          %shift_right_arithmetic3A_1837 = vector.broadcast %shift_right_arithmetic3A_1836 : i32 to vector<16xi32>
          %shift_right_arithmetic3A_1838 = arith.shrsi %get3A_1832, %shift_right_arithmetic3A_1837 : vector<16xi32>
          %and3A_1839 = arith.constant 511 : i32
          %and3A_1840 = vector.broadcast %and3A_1839 : i32 to vector<16xi32>
          %and3A_1841 = arith.andi %shift_right_arithmetic3A_1838, %and3A_1840 : vector<16xi32>
          %and3A_1842 = arith.constant 31 : i32
          %and3A_1843 = vector.broadcast %and3A_1842 : i32 to vector<16xi32>
          %and3A_1844 = arith.andi %and3A_1841, %and3A_1843 : vector<16xi32>
          %shift_left3A_1845 = arith.constant 4 : i32
          %shift_left3A_1846 = vector.broadcast %shift_left3A_1845 : i32 to vector<16xi32>
          %shift_left3A_1847 = arith.shli %and3A_1844, %shift_left3A_1846 : vector<16xi32>
          %shift_right_arithmetic3A_1848 = arith.constant 5 : i32
          %shift_right_arithmetic3A_1849 = vector.broadcast %shift_right_arithmetic3A_1848 : i32 to vector<16xi32>
          %shift_right_arithmetic3A_1850 = arith.shrsi %and3A_1841, %shift_right_arithmetic3A_1849 : vector<16xi32>
          %or3A_1851 = arith.ori %shift_left3A_1847, %shift_right_arithmetic3A_1850 : vector<16xi32>
          %eq3A_1852 = vector.broadcast %or3A : i32 to vector<16xi32>
          %eq3A_1853 = arith.cmpi eq, %shift_right_arithmetic3A_1835, %eq3A_1852 : vector<16xi32>
          tpu.vector_store_idx %arg8[%or3A_1851], %broadcast_in_dim3A_1115 masked %eq3A_1853 {add = true} : memref<4096xi32, #tpu.memory_space<vmem>>[vector<16xi32>], vector<16xi32>, vector<16xi1>
          %add3A_1854 = arith.constant 512 : i32
          %add3A_1855 = vector.broadcast %add3A_1854 : i32 to vector<16xi32>
          %add3A_1856 = arith.addi %or3A_1851, %add3A_1855 : vector<16xi32>
          %eq3A_1857 = vector.broadcast %or3A_1104 : i32 to vector<16xi32>
          %eq3A_1858 = arith.cmpi eq, %shift_right_arithmetic3A_1835, %eq3A_1857 : vector<16xi32>
          tpu.vector_store_idx %arg8[%add3A_1856], %broadcast_in_dim3A_1115 masked %eq3A_1858 {add = true} : memref<4096xi32, #tpu.memory_space<vmem>>[vector<16xi32>], vector<16xi32>, vector<16xi1>
          %mul3A_1859 = arith.constant 8 : i32
          %mul3A_1860 = arith.muli %scan3A_1756, %mul3A_1859 : i32
          %add3A_1861 = arith.constant 3 : i32
          %add3A_1862 = arith.addi %mul3A_1860, %add3A_1861 : i32
          %mul3A_1863 = arith.constant 16 : i32
          %mul3A_1864 = arith.muli %add3A_1862, %mul3A_1863 : i32
          %get3A_1865 = arith.index_cast %mul3A_1864 : i32 to index
          %get3A_1866 = tpu.vector_load %arg6[%get3A_1865] {strides = array<i32>} : memref<32768xi32, #tpu.memory_space<vmem>>, vector<16xi32>,
          %shift_right_arithmetic3A_1867 = arith.constant 9 : i32
          %shift_right_arithmetic3A_1868 = vector.broadcast %shift_right_arithmetic3A_1867 : i32 to vector<16xi32>
          %shift_right_arithmetic3A_1869 = arith.shrsi %get3A_1866, %shift_right_arithmetic3A_1868 : vector<16xi32>
          %shift_right_arithmetic3A_1870 = arith.constant 0 : i32
          %shift_right_arithmetic3A_1871 = vector.broadcast %shift_right_arithmetic3A_1870 : i32 to vector<16xi32>
          %shift_right_arithmetic3A_1872 = arith.shrsi %get3A_1866, %shift_right_arithmetic3A_1871 : vector<16xi32>
          %and3A_1873 = arith.constant 511 : i32
          %and3A_1874 = vector.broadcast %and3A_1873 : i32 to vector<16xi32>
          %and3A_1875 = arith.andi %shift_right_arithmetic3A_1872, %and3A_1874 : vector<16xi32>
          %and3A_1876 = arith.constant 31 : i32
          %and3A_1877 = vector.broadcast %and3A_1876 : i32 to vector<16xi32>
          %and3A_1878 = arith.andi %and3A_1875, %and3A_1877 : vector<16xi32>
          %shift_left3A_1879 = arith.constant 4 : i32
          %shift_left3A_1880 = vector.broadcast %shift_left3A_1879 : i32 to vector<16xi32>
          %shift_left3A_1881 = arith.shli %and3A_1878, %shift_left3A_1880 : vector<16xi32>
          %shift_right_arithmetic3A_1882 = arith.constant 5 : i32
          %shift_right_arithmetic3A_1883 = vector.broadcast %shift_right_arithmetic3A_1882 : i32 to vector<16xi32>
          %shift_right_arithmetic3A_1884 = arith.shrsi %and3A_1875, %shift_right_arithmetic3A_1883 : vector<16xi32>
          %or3A_1885 = arith.ori %shift_left3A_1881, %shift_right_arithmetic3A_1884 : vector<16xi32>
          %eq3A_1886 = vector.broadcast %or3A : i32 to vector<16xi32>
          %eq3A_1887 = arith.cmpi eq, %shift_right_arithmetic3A_1869, %eq3A_1886 : vector<16xi32>
          tpu.vector_store_idx %arg8[%or3A_1885], %broadcast_in_dim3A_1115 masked %eq3A_1887 {add = true} : memref<4096xi32, #tpu.memory_space<vmem>>[vector<16xi32>], vector<16xi32>, vector<16xi1>
          %add3A_1888 = arith.constant 512 : i32
          %add3A_1889 = vector.broadcast %add3A_1888 : i32 to vector<16xi32>
          %add3A_1890 = arith.addi %or3A_1885, %add3A_1889 : vector<16xi32>
          %eq3A_1891 = vector.broadcast %or3A_1104 : i32 to vector<16xi32>
          %eq3A_1892 = arith.cmpi eq, %shift_right_arithmetic3A_1869, %eq3A_1891 : vector<16xi32>
          tpu.vector_store_idx %arg8[%add3A_1890], %broadcast_in_dim3A_1115 masked %eq3A_1892 {add = true} : memref<4096xi32, #tpu.memory_space<vmem>>[vector<16xi32>], vector<16xi32>, vector<16xi1>
          %mul3A_1893 = arith.constant 8 : i32
          %mul3A_1894 = arith.muli %scan3A_1756, %mul3A_1893 : i32
          %add3A_1895 = arith.constant 4 : i32
          %add3A_1896 = arith.addi %mul3A_1894, %add3A_1895 : i32
          %mul3A_1897 = arith.constant 16 : i32
          %mul3A_1898 = arith.muli %add3A_1896, %mul3A_1897 : i32
          %get3A_1899 = arith.index_cast %mul3A_1898 : i32 to index
          %get3A_1900 = tpu.vector_load %arg6[%get3A_1899] {strides = array<i32>} : memref<32768xi32, #tpu.memory_space<vmem>>, vector<16xi32>,
          %shift_right_arithmetic3A_1901 = arith.constant 9 : i32
          %shift_right_arithmetic3A_1902 = vector.broadcast %shift_right_arithmetic3A_1901 : i32 to vector<16xi32>
          %shift_right_arithmetic3A_1903 = arith.shrsi %get3A_1900, %shift_right_arithmetic3A_1902 : vector<16xi32>
          %shift_right_arithmetic3A_1904 = arith.constant 0 : i32
          %shift_right_arithmetic3A_1905 = vector.broadcast %shift_right_arithmetic3A_1904 : i32 to vector<16xi32>
          %shift_right_arithmetic3A_1906 = arith.shrsi %get3A_1900, %shift_right_arithmetic3A_1905 : vector<16xi32>
          %and3A_1907 = arith.constant 511 : i32
          %and3A_1908 = vector.broadcast %and3A_1907 : i32 to vector<16xi32>
          %and3A_1909 = arith.andi %shift_right_arithmetic3A_1906, %and3A_1908 : vector<16xi32>
          %and3A_1910 = arith.constant 31 : i32
          %and3A_1911 = vector.broadcast %and3A_1910 : i32 to vector<16xi32>
          %and3A_1912 = arith.andi %and3A_1909, %and3A_1911 : vector<16xi32>
          %shift_left3A_1913 = arith.constant 4 : i32
          %shift_left3A_1914 = vector.broadcast %shift_left3A_1913 : i32 to vector<16xi32>
          %shift_left3A_1915 = arith.shli %and3A_1912, %shift_left3A_1914 : vector<16xi32>
          %shift_right_arithmetic3A_1916 = arith.constant 5 : i32
          %shift_right_arithmetic3A_1917 = vector.broadcast %shift_right_arithmetic3A_1916 : i32 to vector<16xi32>
          %shift_right_arithmetic3A_1918 = arith.shrsi %and3A_1909, %shift_right_arithmetic3A_1917 : vector<16xi32>
          %or3A_1919 = arith.ori %shift_left3A_1915, %shift_right_arithmetic3A_1918 : vector<16xi32>
          %eq3A_1920 = vector.broadcast %or3A : i32 to vector<16xi32>
          %eq3A_1921 = arith.cmpi eq, %shift_right_arithmetic3A_1903, %eq3A_1920 : vector<16xi32>
          tpu.vector_store_idx %arg8[%or3A_1919], %broadcast_in_dim3A_1115 masked %eq3A_1921 {add = true} : memref<4096xi32, #tpu.memory_space<vmem>>[vector<16xi32>], vector<16xi32>, vector<16xi1>
          %add3A_1922 = arith.constant 512 : i32
          %add3A_1923 = vector.broadcast %add3A_1922 : i32 to vector<16xi32>
          %add3A_1924 = arith.addi %or3A_1919, %add3A_1923 : vector<16xi32>
          %eq3A_1925 = vector.broadcast %or3A_1104 : i32 to vector<16xi32>
          %eq3A_1926 = arith.cmpi eq, %shift_right_arithmetic3A_1903, %eq3A_1925 : vector<16xi32>
          tpu.vector_store_idx %arg8[%add3A_1924], %broadcast_in_dim3A_1115 masked %eq3A_1926 {add = true} : memref<4096xi32, #tpu.memory_space<vmem>>[vector<16xi32>], vector<16xi32>, vector<16xi1>
          %mul3A_1927 = arith.constant 8 : i32
          %mul3A_1928 = arith.muli %scan3A_1756, %mul3A_1927 : i32
          %add3A_1929 = arith.constant 5 : i32
          %add3A_1930 = arith.addi %mul3A_1928, %add3A_1929 : i32
          %mul3A_1931 = arith.constant 16 : i32
          %mul3A_1932 = arith.muli %add3A_1930, %mul3A_1931 : i32
          %get3A_1933 = arith.index_cast %mul3A_1932 : i32 to index
          %get3A_1934 = tpu.vector_load %arg6[%get3A_1933] {strides = array<i32>} : memref<32768xi32, #tpu.memory_space<vmem>>, vector<16xi32>,
          %shift_right_arithmetic3A_1935 = arith.constant 9 : i32
          %shift_right_arithmetic3A_1936 = vector.broadcast %shift_right_arithmetic3A_1935 : i32 to vector<16xi32>
          %shift_right_arithmetic3A_1937 = arith.shrsi %get3A_1934, %shift_right_arithmetic3A_1936 : vector<16xi32>
          %shift_right_arithmetic3A_1938 = arith.constant 0 : i32
          %shift_right_arithmetic3A_1939 = vector.broadcast %shift_right_arithmetic3A_1938 : i32 to vector<16xi32>
          %shift_right_arithmetic3A_1940 = arith.shrsi %get3A_1934, %shift_right_arithmetic3A_1939 : vector<16xi32>
          %and3A_1941 = arith.constant 511 : i32
          %and3A_1942 = vector.broadcast %and3A_1941 : i32 to vector<16xi32>
          %and3A_1943 = arith.andi %shift_right_arithmetic3A_1940, %and3A_1942 : vector<16xi32>
          %and3A_1944 = arith.constant 31 : i32
          %and3A_1945 = vector.broadcast %and3A_1944 : i32 to vector<16xi32>
          %and3A_1946 = arith.andi %and3A_1943, %and3A_1945 : vector<16xi32>
          %shift_left3A_1947 = arith.constant 4 : i32
          %shift_left3A_1948 = vector.broadcast %shift_left3A_1947 : i32 to vector<16xi32>
          %shift_left3A_1949 = arith.shli %and3A_1946, %shift_left3A_1948 : vector<16xi32>
          %shift_right_arithmetic3A_1950 = arith.constant 5 : i32
          %shift_right_arithmetic3A_1951 = vector.broadcast %shift_right_arithmetic3A_1950 : i32 to vector<16xi32>
          %shift_right_arithmetic3A_1952 = arith.shrsi %and3A_1943, %shift_right_arithmetic3A_1951 : vector<16xi32>
          %or3A_1953 = arith.ori %shift_left3A_1949, %shift_right_arithmetic3A_1952 : vector<16xi32>
          %eq3A_1954 = vector.broadcast %or3A : i32 to vector<16xi32>
          %eq3A_1955 = arith.cmpi eq, %shift_right_arithmetic3A_1937, %eq3A_1954 : vector<16xi32>
          tpu.vector_store_idx %arg8[%or3A_1953], %broadcast_in_dim3A_1115 masked %eq3A_1955 {add = true} : memref<4096xi32, #tpu.memory_space<vmem>>[vector<16xi32>], vector<16xi32>, vector<16xi1>
          %add3A_1956 = arith.constant 512 : i32
          %add3A_1957 = vector.broadcast %add3A_1956 : i32 to vector<16xi32>
          %add3A_1958 = arith.addi %or3A_1953, %add3A_1957 : vector<16xi32>
          %eq3A_1959 = vector.broadcast %or3A_1104 : i32 to vector<16xi32>
          %eq3A_1960 = arith.cmpi eq, %shift_right_arithmetic3A_1937, %eq3A_1959 : vector<16xi32>
          tpu.vector_store_idx %arg8[%add3A_1958], %broadcast_in_dim3A_1115 masked %eq3A_1960 {add = true} : memref<4096xi32, #tpu.memory_space<vmem>>[vector<16xi32>], vector<16xi32>, vector<16xi1>
          %mul3A_1961 = arith.constant 8 : i32
          %mul3A_1962 = arith.muli %scan3A_1756, %mul3A_1961 : i32
          %add3A_1963 = arith.constant 6 : i32
          %add3A_1964 = arith.addi %mul3A_1962, %add3A_1963 : i32
          %mul3A_1965 = arith.constant 16 : i32
          %mul3A_1966 = arith.muli %add3A_1964, %mul3A_1965 : i32
          %get3A_1967 = arith.index_cast %mul3A_1966 : i32 to index
          %get3A_1968 = tpu.vector_load %arg6[%get3A_1967] {strides = array<i32>} : memref<32768xi32, #tpu.memory_space<vmem>>, vector<16xi32>,
          %shift_right_arithmetic3A_1969 = arith.constant 9 : i32
          %shift_right_arithmetic3A_1970 = vector.broadcast %shift_right_arithmetic3A_1969 : i32 to vector<16xi32>
          %shift_right_arithmetic3A_1971 = arith.shrsi %get3A_1968, %shift_right_arithmetic3A_1970 : vector<16xi32>
          %shift_right_arithmetic3A_1972 = arith.constant 0 : i32
          %shift_right_arithmetic3A_1973 = vector.broadcast %shift_right_arithmetic3A_1972 : i32 to vector<16xi32>
          %shift_right_arithmetic3A_1974 = arith.shrsi %get3A_1968, %shift_right_arithmetic3A_1973 : vector<16xi32>
          %and3A_1975 = arith.constant 511 : i32
          %and3A_1976 = vector.broadcast %and3A_1975 : i32 to vector<16xi32>
          %and3A_1977 = arith.andi %shift_right_arithmetic3A_1974, %and3A_1976 : vector<16xi32>
          %and3A_1978 = arith.constant 31 : i32
          %and3A_1979 = vector.broadcast %and3A_1978 : i32 to vector<16xi32>
          %and3A_1980 = arith.andi %and3A_1977, %and3A_1979 : vector<16xi32>
          %shift_left3A_1981 = arith.constant 4 : i32
          %shift_left3A_1982 = vector.broadcast %shift_left3A_1981 : i32 to vector<16xi32>
          %shift_left3A_1983 = arith.shli %and3A_1980, %shift_left3A_1982 : vector<16xi32>
          %shift_right_arithmetic3A_1984 = arith.constant 5 : i32
          %shift_right_arithmetic3A_1985 = vector.broadcast %shift_right_arithmetic3A_1984 : i32 to vector<16xi32>
          %shift_right_arithmetic3A_1986 = arith.shrsi %and3A_1977, %shift_right_arithmetic3A_1985 : vector<16xi32>
          %or3A_1987 = arith.ori %shift_left3A_1983, %shift_right_arithmetic3A_1986 : vector<16xi32>
          %eq3A_1988 = vector.broadcast %or3A : i32 to vector<16xi32>
          %eq3A_1989 = arith.cmpi eq, %shift_right_arithmetic3A_1971, %eq3A_1988 : vector<16xi32>
          tpu.vector_store_idx %arg8[%or3A_1987], %broadcast_in_dim3A_1115 masked %eq3A_1989 {add = true} : memref<4096xi32, #tpu.memory_space<vmem>>[vector<16xi32>], vector<16xi32>, vector<16xi1>
          %add3A_1990 = arith.constant 512 : i32
          %add3A_1991 = vector.broadcast %add3A_1990 : i32 to vector<16xi32>
          %add3A_1992 = arith.addi %or3A_1987, %add3A_1991 : vector<16xi32>
          %eq3A_1993 = vector.broadcast %or3A_1104 : i32 to vector<16xi32>
          %eq3A_1994 = arith.cmpi eq, %shift_right_arithmetic3A_1971, %eq3A_1993 : vector<16xi32>
          tpu.vector_store_idx %arg8[%add3A_1992], %broadcast_in_dim3A_1115 masked %eq3A_1994 {add = true} : memref<4096xi32, #tpu.memory_space<vmem>>[vector<16xi32>], vector<16xi32>, vector<16xi1>
          %mul3A_1995 = arith.constant 8 : i32
          %mul3A_1996 = arith.muli %scan3A_1756, %mul3A_1995 : i32
          %add3A_1997 = arith.constant 7 : i32
          %add3A_1998 = arith.addi %mul3A_1996, %add3A_1997 : i32
          %mul3A_1999 = arith.constant 16 : i32
          %mul3A_2000 = arith.muli %add3A_1998, %mul3A_1999 : i32
          %get3A_2001 = arith.index_cast %mul3A_2000 : i32 to index
          %get3A_2002 = tpu.vector_load %arg6[%get3A_2001] {strides = array<i32>} : memref<32768xi32, #tpu.memory_space<vmem>>, vector<16xi32>,
          %shift_right_arithmetic3A_2003 = arith.constant 9 : i32
          %shift_right_arithmetic3A_2004 = vector.broadcast %shift_right_arithmetic3A_2003 : i32 to vector<16xi32>
          %shift_right_arithmetic3A_2005 = arith.shrsi %get3A_2002, %shift_right_arithmetic3A_2004 : vector<16xi32>
          %shift_right_arithmetic3A_2006 = arith.constant 0 : i32
          %shift_right_arithmetic3A_2007 = vector.broadcast %shift_right_arithmetic3A_2006 : i32 to vector<16xi32>
          %shift_right_arithmetic3A_2008 = arith.shrsi %get3A_2002, %shift_right_arithmetic3A_2007 : vector<16xi32>
          %and3A_2009 = arith.constant 511 : i32
          %and3A_2010 = vector.broadcast %and3A_2009 : i32 to vector<16xi32>
          %and3A_2011 = arith.andi %shift_right_arithmetic3A_2008, %and3A_2010 : vector<16xi32>
          %and3A_2012 = arith.constant 31 : i32
          %and3A_2013 = vector.broadcast %and3A_2012 : i32 to vector<16xi32>
          %and3A_2014 = arith.andi %and3A_2011, %and3A_2013 : vector<16xi32>
          %shift_left3A_2015 = arith.constant 4 : i32
          %shift_left3A_2016 = vector.broadcast %shift_left3A_2015 : i32 to vector<16xi32>
          %shift_left3A_2017 = arith.shli %and3A_2014, %shift_left3A_2016 : vector<16xi32>
          %shift_right_arithmetic3A_2018 = arith.constant 5 : i32
          %shift_right_arithmetic3A_2019 = vector.broadcast %shift_right_arithmetic3A_2018 : i32 to vector<16xi32>
          %shift_right_arithmetic3A_2020 = arith.shrsi %and3A_2011, %shift_right_arithmetic3A_2019 : vector<16xi32>
          %or3A_2021 = arith.ori %shift_left3A_2017, %shift_right_arithmetic3A_2020 : vector<16xi32>
          %eq3A_2022 = vector.broadcast %or3A : i32 to vector<16xi32>
          %eq3A_2023 = arith.cmpi eq, %shift_right_arithmetic3A_2005, %eq3A_2022 : vector<16xi32>
          tpu.vector_store_idx %arg8[%or3A_2021], %broadcast_in_dim3A_1115 masked %eq3A_2023 {add = true} : memref<4096xi32, #tpu.memory_space<vmem>>[vector<16xi32>], vector<16xi32>, vector<16xi1>
          %add3A_2024 = arith.constant 512 : i32
          %add3A_2025 = vector.broadcast %add3A_2024 : i32 to vector<16xi32>
          %add3A_2026 = arith.addi %or3A_2021, %add3A_2025 : vector<16xi32>
          %eq3A_2027 = vector.broadcast %or3A_1104 : i32 to vector<16xi32>
          %eq3A_2028 = arith.cmpi eq, %shift_right_arithmetic3A_2005, %eq3A_2027 : vector<16xi32>
          tpu.vector_store_idx %arg8[%add3A_2026], %broadcast_in_dim3A_1115 masked %eq3A_2028 {add = true} : memref<4096xi32, #tpu.memory_space<vmem>>[vector<16xi32>], vector<16xi32>, vector<16xi1>
          %scan3A_2029 = arith.constant 0 : i32
          scf.yield %scan3A_2029 : i32
        }
        %scan3A_1755 = arith.constant 256 : i32
      } else {
      }
      "tpu.region"() ({
        %run_scoped3A = tpu.sem_alloc : memref<!tpu.dma_semaphore, #tpu.memory_space<semaphore_mem>>
        %dma_start3A = arith.constant 0 : i32
        %dma_start3A_1749 = tpu.memref_slice %arg8[%dma_start3A] : memref<4096xi32, #tpu.memory_space<vmem>> -> memref<1024xi32, #tpu.memory_space<vmem>>
        %dma_start3A_1750 = arith.constant 0 : i32
        %dma_start3A_1751 = tpu.memref_slice %arg12[%select_n3A, %select_n3A_28, %dma_start3A_1750] : memref<2x8x4096xi32, #tpu.memory_space<vmem_shared>> -> memref<1x1x1024xi32, #tpu.memory_space<vmem_shared>>
        %dma_start3A_1752 = tpu.memref_squeeze %dma_start3A_1751 : memref<1x1x1024xi32, #tpu.memory_space<vmem_shared>> -> memref<1024xi32, #tpu.memory_space<vmem_shared>>
        %dma_start3A_1753 = arith.constant 0 : i32
        %dma_start3A_1754 = tpu.memref_slice %arg12[%select_n3A, %select_n3A_28, %dma_start3A_1753] : memref<2x8x4096xi32, #tpu.memory_space<vmem_shared>> -> memref<1x1x1024xi32, #tpu.memory_space<vmem_shared>>
        %dma_start3A_1755 = tpu.memref_squeeze %dma_start3A_1754 : memref<1x1x1024xi32, #tpu.memory_space<vmem_shared>> -> memref<1024xi32, #tpu.memory_space<vmem_shared>>
        %dma_start3A_1756 = arith.constant 0 : i32
        %dma_start3A_1757 = tpu.memref_slice %arg8[%dma_start3A_1756] : memref<4096xi32, #tpu.memory_space<vmem>> -> memref<1024xi32, #tpu.memory_space<vmem>>
        tpu.enqueue_dma source(%dma_start3A_1757 : memref<1024xi32, #tpu.memory_space<vmem>>) target(%dma_start3A_1755 : memref<1024xi32, #tpu.memory_space<vmem_shared>>) target_semaphore(%run_scoped3A : memref<!tpu.dma_semaphore, #tpu.memory_space<semaphore_mem>>)
        %dma_wait3A = arith.constant 0 : i32
        %dma_wait3A_1758 = tpu.memref_slice %arg8[%dma_wait3A] : memref<4096xi32, #tpu.memory_space<vmem>> -> memref<1024xi32, #tpu.memory_space<vmem>>
        %dma_wait3A_1759 = arith.constant 0 : i32
        %dma_wait3A_1760 = tpu.memref_slice %arg12[%select_n3A, %select_n3A_28, %dma_wait3A_1759] : memref<2x8x4096xi32, #tpu.memory_space<vmem_shared>> -> memref<1x1x1024xi32, #tpu.memory_space<vmem_shared>>
        %dma_wait3A_1761 = tpu.memref_squeeze %dma_wait3A_1760 : memref<1x1x1024xi32, #tpu.memory_space<vmem_shared>> -> memref<1024xi32, #tpu.memory_space<vmem_shared>>
        %dma_wait3A_1762 = arith.constant 0 : i32
        %dma_wait3A_1763 = tpu.memref_slice %arg12[%select_n3A, %select_n3A_28, %dma_wait3A_1762] : memref<2x8x4096xi32, #tpu.memory_space<vmem_shared>> -> memref<1x1x1024xi32, #tpu.memory_space<vmem_shared>>
        %dma_wait3A_1764 = tpu.memref_squeeze %dma_wait3A_1763 : memref<1x1x1024xi32, #tpu.memory_space<vmem_shared>> -> memref<1024xi32, #tpu.memory_space<vmem_shared>>
        %dma_wait3A_1765 = arith.constant 0 : i32
        %dma_wait3A_1766 = tpu.memref_slice %arg8[%dma_wait3A_1765] : memref<4096xi32, #tpu.memory_space<vmem>> -> memref<1024xi32, #tpu.memory_space<vmem>>
        tpu.wait_dma2 semaphore(%run_scoped3A : memref<!tpu.dma_semaphore, #tpu.memory_space<semaphore_mem>>) src(%dma_wait3A_1766 : memref<1024xi32, #tpu.memory_space<vmem>>) dst(%dma_wait3A_1764 : memref<1024xi32, #tpu.memory_space<vmem_shared>>)
        tpu.yield
      }) : () -> ()
      %barrier3A_1125 = arith.constant 0 : index
      tpu.barrier barrier_id(%barrier3A_1125)
      %mul3A_1126 = arith.constant 128 : i32
      %mul3A_1127 = arith.muli %select_n3A_28, %mul3A_1126 : i32
      "tpu.region"() ({
        %run_scoped3A = tpu.sem_alloc : memref<!tpu.dma_semaphore, #tpu.memory_space<semaphore_mem>>
        %dma_start3A = arith.constant 0 : i32
        %dma_start3A_1749 = arith.constant 0 : i32
        %dma_start3A_1750 = tpu.memref_slice %arg10[%dma_start3A, %dma_start3A_1749] : memref<8x512xi32, #tpu.memory_space<vmem>> -> memref<8x128xi32, #tpu.memory_space<vmem>>
        %dma_start3A_1751 = arith.constant 0 : i32
        %dma_start3A_1752 = tpu.memref_slice %arg12[%select_n3A, %dma_start3A_1751, %mul3A_1127] : memref<2x8x4096xi32, #tpu.memory_space<vmem_shared>> -> memref<1x8x128xi32, #tpu.memory_space<vmem_shared>>
        %dma_start3A_1753 = tpu.memref_squeeze %dma_start3A_1752 : memref<1x8x128xi32, #tpu.memory_space<vmem_shared>> -> memref<8x128xi32, #tpu.memory_space<vmem_shared>>
        %dma_start3A_1754 = arith.constant 0 : i32
        %dma_start3A_1755 = arith.constant 0 : i32
        %dma_start3A_1756 = tpu.memref_slice %arg10[%dma_start3A_1754, %dma_start3A_1755] : memref<8x512xi32, #tpu.memory_space<vmem>> -> memref<8x128xi32, #tpu.memory_space<vmem>>
        %dma_start3A_1757 = arith.constant 0 : i32
        %dma_start3A_1758 = tpu.memref_slice %arg12[%select_n3A, %dma_start3A_1757, %mul3A_1127] : memref<2x8x4096xi32, #tpu.memory_space<vmem_shared>> -> memref<1x8x128xi32, #tpu.memory_space<vmem_shared>>
        %dma_start3A_1759 = tpu.memref_squeeze %dma_start3A_1758 : memref<1x8x128xi32, #tpu.memory_space<vmem_shared>> -> memref<8x128xi32, #tpu.memory_space<vmem_shared>>
        tpu.enqueue_dma source(%dma_start3A_1759 : memref<8x128xi32, #tpu.memory_space<vmem_shared>>) target(%dma_start3A_1756 : memref<8x128xi32, #tpu.memory_space<vmem>>) target_semaphore(%run_scoped3A : memref<!tpu.dma_semaphore, #tpu.memory_space<semaphore_mem>>)
        %dma_wait3A = arith.constant 0 : i32
        %dma_wait3A_1760 = arith.constant 0 : i32
        %dma_wait3A_1761 = tpu.memref_slice %arg10[%dma_wait3A, %dma_wait3A_1760] : memref<8x512xi32, #tpu.memory_space<vmem>> -> memref<8x128xi32, #tpu.memory_space<vmem>>
        %dma_wait3A_1762 = arith.constant 0 : i32
        %dma_wait3A_1763 = tpu.memref_slice %arg12[%select_n3A, %dma_wait3A_1762, %mul3A_1127] : memref<2x8x4096xi32, #tpu.memory_space<vmem_shared>> -> memref<1x8x128xi32, #tpu.memory_space<vmem_shared>>
        %dma_wait3A_1764 = tpu.memref_squeeze %dma_wait3A_1763 : memref<1x8x128xi32, #tpu.memory_space<vmem_shared>> -> memref<8x128xi32, #tpu.memory_space<vmem_shared>>
        %dma_wait3A_1765 = arith.constant 0 : i32
        %dma_wait3A_1766 = arith.constant 0 : i32
        %dma_wait3A_1767 = tpu.memref_slice %arg10[%dma_wait3A_1765, %dma_wait3A_1766] : memref<8x512xi32, #tpu.memory_space<vmem>> -> memref<8x128xi32, #tpu.memory_space<vmem>>
        %dma_wait3A_1768 = arith.constant 0 : i32
        %dma_wait3A_1769 = tpu.memref_slice %arg12[%select_n3A, %dma_wait3A_1768, %mul3A_1127] : memref<2x8x4096xi32, #tpu.memory_space<vmem_shared>> -> memref<1x8x128xi32, #tpu.memory_space<vmem_shared>>
        %dma_wait3A_1770 = tpu.memref_squeeze %dma_wait3A_1769 : memref<1x8x128xi32, #tpu.memory_space<vmem_shared>> -> memref<8x128xi32, #tpu.memory_space<vmem_shared>>
        tpu.wait_dma2 semaphore(%run_scoped3A : memref<!tpu.dma_semaphore, #tpu.memory_space<semaphore_mem>>) src(%dma_wait3A_1770 : memref<8x128xi32, #tpu.memory_space<vmem_shared>>) dst(%dma_wait3A_1767 : memref<8x128xi32, #tpu.memory_space<vmem>>)
        tpu.yield
      }) : () -> ()
      %scan3A_1128 = arith.constant 0 : i32
      %scan3A_1129 = arith.constant 0 : i32
      %scan3A_1130 = arith.constant 4 : i32
      %scan3A_1131 = arith.addi %scan3A_1129, %scan3A_1130 : i32
      %scan3A_1132 = arith.constant 1 : i32
      %scan3A_1133 = scf.for %scan3A_1749 = %scan3A_1129 to %scan3A_1131 step %scan3A_1132 iter_args(%scan3A_1750 = %scan3A_1128) -> (i32)  : i32 {
        %mul3A_1751 = arith.constant 2 : i32
        %mul3A_1752 = arith.muli %scan3A_1749, %mul3A_1751 : i32
        %add3A_1753 = arith.constant 0 : i32
        %add3A_1754 = arith.addi %mul3A_1752, %add3A_1753 : i32
        %mul3A_1755 = arith.constant 16 : i32
        %mul3A_1756 = arith.muli %add3A_1754, %mul3A_1755 : i32
        %get3A_1757 = arith.constant 0 : i32
        %get3A_1758 = arith.index_cast %get3A_1757 : i32 to index
        %get3A_1759 = arith.index_cast %mul3A_1756 : i32 to index
        %get3A_1760 = tpu.vector_load %arg10[%get3A_1758, %get3A_1759] {strides = array<i32>} : memref<8x512xi32, #tpu.memory_space<vmem>>, vector<16xi32>,
        %mul3A_1761 = arith.constant 16 : i32
        %mul3A_1762 = arith.muli %add3A_1754, %mul3A_1761 : i32
        %get3A_1763 = arith.constant 1 : i32
        %get3A_1764 = arith.index_cast %get3A_1763 : i32 to index
        %get3A_1765 = arith.index_cast %mul3A_1762 : i32 to index
        %get3A_1766 = tpu.vector_load %arg10[%get3A_1764, %get3A_1765] {strides = array<i32>} : memref<8x512xi32, #tpu.memory_space<vmem>>, vector<16xi32>,
        %add3A_1767 = arith.addi %get3A_1760, %get3A_1766 : vector<16xi32>
        %mul3A_1768 = arith.constant 16 : i32
        %mul3A_1769 = arith.muli %add3A_1754, %mul3A_1768 : i32
        %get3A_1770 = arith.constant 2 : i32
        %get3A_1771 = arith.index_cast %get3A_1770 : i32 to index
        %get3A_1772 = arith.index_cast %mul3A_1769 : i32 to index
        %get3A_1773 = tpu.vector_load %arg10[%get3A_1771, %get3A_1772] {strides = array<i32>} : memref<8x512xi32, #tpu.memory_space<vmem>>, vector<16xi32>,
        %add3A_1774 = arith.addi %add3A_1767, %get3A_1773 : vector<16xi32>
        %mul3A_1775 = arith.constant 16 : i32
        %mul3A_1776 = arith.muli %add3A_1754, %mul3A_1775 : i32
        %get3A_1777 = arith.constant 3 : i32
        %get3A_1778 = arith.index_cast %get3A_1777 : i32 to index
        %get3A_1779 = arith.index_cast %mul3A_1776 : i32 to index
        %get3A_1780 = tpu.vector_load %arg10[%get3A_1778, %get3A_1779] {strides = array<i32>} : memref<8x512xi32, #tpu.memory_space<vmem>>, vector<16xi32>,
        %add3A_1781 = arith.addi %add3A_1774, %get3A_1780 : vector<16xi32>
        %mul3A_1782 = arith.constant 16 : i32
        %mul3A_1783 = arith.muli %add3A_1754, %mul3A_1782 : i32
        %get3A_1784 = arith.constant 4 : i32
        %get3A_1785 = arith.index_cast %get3A_1784 : i32 to index
        %get3A_1786 = arith.index_cast %mul3A_1783 : i32 to index
        %get3A_1787 = tpu.vector_load %arg10[%get3A_1785, %get3A_1786] {strides = array<i32>} : memref<8x512xi32, #tpu.memory_space<vmem>>, vector<16xi32>,
        %add3A_1788 = arith.addi %add3A_1781, %get3A_1787 : vector<16xi32>
        %mul3A_1789 = arith.constant 16 : i32
        %mul3A_1790 = arith.muli %add3A_1754, %mul3A_1789 : i32
        %get3A_1791 = arith.constant 5 : i32
        %get3A_1792 = arith.index_cast %get3A_1791 : i32 to index
        %get3A_1793 = arith.index_cast %mul3A_1790 : i32 to index
        %get3A_1794 = tpu.vector_load %arg10[%get3A_1792, %get3A_1793] {strides = array<i32>} : memref<8x512xi32, #tpu.memory_space<vmem>>, vector<16xi32>,
        %add3A_1795 = arith.addi %add3A_1788, %get3A_1794 : vector<16xi32>
        %mul3A_1796 = arith.constant 16 : i32
        %mul3A_1797 = arith.muli %add3A_1754, %mul3A_1796 : i32
        %get3A_1798 = arith.constant 6 : i32
        %get3A_1799 = arith.index_cast %get3A_1798 : i32 to index
        %get3A_1800 = arith.index_cast %mul3A_1797 : i32 to index
        %get3A_1801 = tpu.vector_load %arg10[%get3A_1799, %get3A_1800] {strides = array<i32>} : memref<8x512xi32, #tpu.memory_space<vmem>>, vector<16xi32>,
        %add3A_1802 = arith.addi %add3A_1795, %get3A_1801 : vector<16xi32>
        %mul3A_1803 = arith.constant 16 : i32
        %mul3A_1804 = arith.muli %add3A_1754, %mul3A_1803 : i32
        %get3A_1805 = arith.constant 7 : i32
        %get3A_1806 = arith.index_cast %get3A_1805 : i32 to index
        %get3A_1807 = arith.index_cast %mul3A_1804 : i32 to index
        %get3A_1808 = tpu.vector_load %arg10[%get3A_1806, %get3A_1807] {strides = array<i32>} : memref<8x512xi32, #tpu.memory_space<vmem>>, vector<16xi32>,
        %add3A_1809 = arith.addi %add3A_1802, %get3A_1808 : vector<16xi32>
        %mul3A_1810 = arith.constant 16 : i32
        %mul3A_1811 = arith.muli %add3A_1754, %mul3A_1810 : i32
        %swap3A = arith.index_cast %mul3A_1811 : i32 to index
        %swap3A_1812 = tpu.vector_load %arg11[%swap3A] {strides = array<i32>} : memref<512xi32, #tpu.memory_space<vmem>>, vector<16xi32>,
        tpu.vector_store %arg11[%swap3A], %add3A_1809 {strides = array<i32>} : memref<512xi32, #tpu.memory_space<vmem>>, vector<16xi32>,
        %mul3A_1813 = arith.constant 2 : i32
        %mul3A_1814 = arith.muli %scan3A_1749, %mul3A_1813 : i32
        %add3A_1815 = arith.constant 1 : i32
        %add3A_1816 = arith.addi %mul3A_1814, %add3A_1815 : i32
        %mul3A_1817 = arith.constant 16 : i32
        %mul3A_1818 = arith.muli %add3A_1816, %mul3A_1817 : i32
        %get3A_1819 = arith.constant 0 : i32
        %get3A_1820 = arith.index_cast %get3A_1819 : i32 to index
        %get3A_1821 = arith.index_cast %mul3A_1818 : i32 to index
        %get3A_1822 = tpu.vector_load %arg10[%get3A_1820, %get3A_1821] {strides = array<i32>} : memref<8x512xi32, #tpu.memory_space<vmem>>, vector<16xi32>,
        %mul3A_1823 = arith.constant 16 : i32
        %mul3A_1824 = arith.muli %add3A_1816, %mul3A_1823 : i32
        %get3A_1825 = arith.constant 1 : i32
        %get3A_1826 = arith.index_cast %get3A_1825 : i32 to index
        %get3A_1827 = arith.index_cast %mul3A_1824 : i32 to index
        %get3A_1828 = tpu.vector_load %arg10[%get3A_1826, %get3A_1827] {strides = array<i32>} : memref<8x512xi32, #tpu.memory_space<vmem>>, vector<16xi32>,
        %add3A_1829 = arith.addi %get3A_1822, %get3A_1828 : vector<16xi32>
        %mul3A_1830 = arith.constant 16 : i32
        %mul3A_1831 = arith.muli %add3A_1816, %mul3A_1830 : i32
        %get3A_1832 = arith.constant 2 : i32
        %get3A_1833 = arith.index_cast %get3A_1832 : i32 to index
        %get3A_1834 = arith.index_cast %mul3A_1831 : i32 to index
        %get3A_1835 = tpu.vector_load %arg10[%get3A_1833, %get3A_1834] {strides = array<i32>} : memref<8x512xi32, #tpu.memory_space<vmem>>, vector<16xi32>,
        %add3A_1836 = arith.addi %add3A_1829, %get3A_1835 : vector<16xi32>
        %mul3A_1837 = arith.constant 16 : i32
        %mul3A_1838 = arith.muli %add3A_1816, %mul3A_1837 : i32
        %get3A_1839 = arith.constant 3 : i32
        %get3A_1840 = arith.index_cast %get3A_1839 : i32 to index
        %get3A_1841 = arith.index_cast %mul3A_1838 : i32 to index
        %get3A_1842 = tpu.vector_load %arg10[%get3A_1840, %get3A_1841] {strides = array<i32>} : memref<8x512xi32, #tpu.memory_space<vmem>>, vector<16xi32>,
        %add3A_1843 = arith.addi %add3A_1836, %get3A_1842 : vector<16xi32>
        %mul3A_1844 = arith.constant 16 : i32
        %mul3A_1845 = arith.muli %add3A_1816, %mul3A_1844 : i32
        %get3A_1846 = arith.constant 4 : i32
        %get3A_1847 = arith.index_cast %get3A_1846 : i32 to index
        %get3A_1848 = arith.index_cast %mul3A_1845 : i32 to index
        %get3A_1849 = tpu.vector_load %arg10[%get3A_1847, %get3A_1848] {strides = array<i32>} : memref<8x512xi32, #tpu.memory_space<vmem>>, vector<16xi32>,
        %add3A_1850 = arith.addi %add3A_1843, %get3A_1849 : vector<16xi32>
        %mul3A_1851 = arith.constant 16 : i32
        %mul3A_1852 = arith.muli %add3A_1816, %mul3A_1851 : i32
        %get3A_1853 = arith.constant 5 : i32
        %get3A_1854 = arith.index_cast %get3A_1853 : i32 to index
        %get3A_1855 = arith.index_cast %mul3A_1852 : i32 to index
        %get3A_1856 = tpu.vector_load %arg10[%get3A_1854, %get3A_1855] {strides = array<i32>} : memref<8x512xi32, #tpu.memory_space<vmem>>, vector<16xi32>,
        %add3A_1857 = arith.addi %add3A_1850, %get3A_1856 : vector<16xi32>
        %mul3A_1858 = arith.constant 16 : i32
        %mul3A_1859 = arith.muli %add3A_1816, %mul3A_1858 : i32
        %get3A_1860 = arith.constant 6 : i32
        %get3A_1861 = arith.index_cast %get3A_1860 : i32 to index
        %get3A_1862 = arith.index_cast %mul3A_1859 : i32 to index
        %get3A_1863 = tpu.vector_load %arg10[%get3A_1861, %get3A_1862] {strides = array<i32>} : memref<8x512xi32, #tpu.memory_space<vmem>>, vector<16xi32>,
        %add3A_1864 = arith.addi %add3A_1857, %get3A_1863 : vector<16xi32>
        %mul3A_1865 = arith.constant 16 : i32
        %mul3A_1866 = arith.muli %add3A_1816, %mul3A_1865 : i32
        %get3A_1867 = arith.constant 7 : i32
        %get3A_1868 = arith.index_cast %get3A_1867 : i32 to index
        %get3A_1869 = arith.index_cast %mul3A_1866 : i32 to index
        %get3A_1870 = tpu.vector_load %arg10[%get3A_1868, %get3A_1869] {strides = array<i32>} : memref<8x512xi32, #tpu.memory_space<vmem>>, vector<16xi32>,
        %add3A_1871 = arith.addi %add3A_1864, %get3A_1870 : vector<16xi32>
        %mul3A_1872 = arith.constant 16 : i32
        %mul3A_1873 = arith.muli %add3A_1816, %mul3A_1872 : i32
        %swap3A_1874 = arith.index_cast %mul3A_1873 : i32 to index
        %swap3A_1875 = tpu.vector_load %arg11[%swap3A_1874] {strides = array<i32>} : memref<512xi32, #tpu.memory_space<vmem>>, vector<16xi32>,
        tpu.vector_store %arg11[%swap3A_1874], %add3A_1871 {strides = array<i32>} : memref<512xi32, #tpu.memory_space<vmem>>, vector<16xi32>,
        %scan3A_1876 = arith.constant 0 : i32
        scf.yield %scan3A_1876 : i32
      }
      %scan3A_1134 = arith.constant 4 : i32
      %mul3A_1135 = arith.constant 128 : i32
      %mul3A_1136 = arith.muli %select_n3A_28, %mul3A_1135 : i32
      "tpu.region"() ({
        %run_scoped3A = tpu.sem_alloc : memref<!tpu.dma_semaphore, #tpu.memory_space<semaphore_mem>>
        %dma_start3A = arith.constant 0 : i32
        %dma_start3A_1749 = tpu.memref_slice %arg11[%dma_start3A] : memref<512xi32, #tpu.memory_space<vmem>> -> memref<128xi32, #tpu.memory_space<vmem>>
        %dma_start3A_1750 = tpu.memref_slice %arg13[%select_n3A, %mul3A_1136] : memref<2x4096xi32, #tpu.memory_space<vmem_shared>> -> memref<1x128xi32, #tpu.memory_space<vmem_shared>>
        %dma_start3A_1751 = tpu.memref_squeeze %dma_start3A_1750 : memref<1x128xi32, #tpu.memory_space<vmem_shared>> -> memref<128xi32, #tpu.memory_space<vmem_shared>>
        %dma_start3A_1752 = tpu.memref_slice %arg13[%select_n3A, %mul3A_1136] : memref<2x4096xi32, #tpu.memory_space<vmem_shared>> -> memref<1x128xi32, #tpu.memory_space<vmem_shared>>
        %dma_start3A_1753 = tpu.memref_squeeze %dma_start3A_1752 : memref<1x128xi32, #tpu.memory_space<vmem_shared>> -> memref<128xi32, #tpu.memory_space<vmem_shared>>
        %dma_start3A_1754 = arith.constant 0 : i32
        %dma_start3A_1755 = tpu.memref_slice %arg11[%dma_start3A_1754] : memref<512xi32, #tpu.memory_space<vmem>> -> memref<128xi32, #tpu.memory_space<vmem>>
        tpu.enqueue_dma source(%dma_start3A_1755 : memref<128xi32, #tpu.memory_space<vmem>>) target(%dma_start3A_1753 : memref<128xi32, #tpu.memory_space<vmem_shared>>) target_semaphore(%run_scoped3A : memref<!tpu.dma_semaphore, #tpu.memory_space<semaphore_mem>>)
        %dma_wait3A = arith.constant 0 : i32
        %dma_wait3A_1756 = tpu.memref_slice %arg11[%dma_wait3A] : memref<512xi32, #tpu.memory_space<vmem>> -> memref<128xi32, #tpu.memory_space<vmem>>
        %dma_wait3A_1757 = tpu.memref_slice %arg13[%select_n3A, %mul3A_1136] : memref<2x4096xi32, #tpu.memory_space<vmem_shared>> -> memref<1x128xi32, #tpu.memory_space<vmem_shared>>
        %dma_wait3A_1758 = tpu.memref_squeeze %dma_wait3A_1757 : memref<1x128xi32, #tpu.memory_space<vmem_shared>> -> memref<128xi32, #tpu.memory_space<vmem_shared>>
        %dma_wait3A_1759 = tpu.memref_slice %arg13[%select_n3A, %mul3A_1136] : memref<2x4096xi32, #tpu.memory_space<vmem_shared>> -> memref<1x128xi32, #tpu.memory_space<vmem_shared>>
        %dma_wait3A_1760 = tpu.memref_squeeze %dma_wait3A_1759 : memref<1x128xi32, #tpu.memory_space<vmem_shared>> -> memref<128xi32, #tpu.memory_space<vmem_shared>>
        %dma_wait3A_1761 = arith.constant 0 : i32
        %dma_wait3A_1762 = tpu.memref_slice %arg11[%dma_wait3A_1761] : memref<512xi32, #tpu.memory_space<vmem>> -> memref<128xi32, #tpu.memory_space<vmem>>
        tpu.wait_dma2 semaphore(%run_scoped3A : memref<!tpu.dma_semaphore, #tpu.memory_space<semaphore_mem>>) src(%dma_wait3A_1762 : memref<128xi32, #tpu.memory_space<vmem>>) dst(%dma_wait3A_1760 : memref<128xi32, #tpu.memory_space<vmem_shared>>)
        tpu.yield
      }) : () -> ()
      %barrier3A_1137 = arith.constant 0 : index
      tpu.barrier barrier_id(%barrier3A_1137)
      "tpu.region"() ({
        %run_scoped3A = tpu.sem_alloc : memref<!tpu.dma_semaphore, #tpu.memory_space<semaphore_mem>>
        %dma_start3A = arith.constant 0 : i32
        %dma_start3A_1749 = tpu.memref_slice %arg9[%dma_start3A] : memref<4096xi32, #tpu.memory_space<vmem>> -> memref<1024xi32, #tpu.memory_space<vmem>>
        %dma_start3A_1750 = arith.constant 0 : i32
        %dma_start3A_1751 = tpu.memref_slice %arg13[%select_n3A, %dma_start3A_1750] : memref<2x4096xi32, #tpu.memory_space<vmem_shared>> -> memref<1x1024xi32, #tpu.memory_space<vmem_shared>>
        %dma_start3A_1752 = tpu.memref_squeeze %dma_start3A_1751 : memref<1x1024xi32, #tpu.memory_space<vmem_shared>> -> memref<1024xi32, #tpu.memory_space<vmem_shared>>
        %dma_start3A_1753 = arith.constant 0 : i32
        %dma_start3A_1754 = tpu.memref_slice %arg9[%dma_start3A_1753] : memref<4096xi32, #tpu.memory_space<vmem>> -> memref<1024xi32, #tpu.memory_space<vmem>>
        %dma_start3A_1755 = arith.constant 0 : i32
        %dma_start3A_1756 = tpu.memref_slice %arg13[%select_n3A, %dma_start3A_1755] : memref<2x4096xi32, #tpu.memory_space<vmem_shared>> -> memref<1x1024xi32, #tpu.memory_space<vmem_shared>>
        %dma_start3A_1757 = tpu.memref_squeeze %dma_start3A_1756 : memref<1x1024xi32, #tpu.memory_space<vmem_shared>> -> memref<1024xi32, #tpu.memory_space<vmem_shared>>
        tpu.enqueue_dma source(%dma_start3A_1757 : memref<1024xi32, #tpu.memory_space<vmem_shared>>) target(%dma_start3A_1754 : memref<1024xi32, #tpu.memory_space<vmem>>) target_semaphore(%run_scoped3A : memref<!tpu.dma_semaphore, #tpu.memory_space<semaphore_mem>>)
        %dma_wait3A = arith.constant 0 : i32
        %dma_wait3A_1758 = tpu.memref_slice %arg9[%dma_wait3A] : memref<4096xi32, #tpu.memory_space<vmem>> -> memref<1024xi32, #tpu.memory_space<vmem>>
        %dma_wait3A_1759 = arith.constant 0 : i32
        %dma_wait3A_1760 = tpu.memref_slice %arg13[%select_n3A, %dma_wait3A_1759] : memref<2x4096xi32, #tpu.memory_space<vmem_shared>> -> memref<1x1024xi32, #tpu.memory_space<vmem_shared>>
        %dma_wait3A_1761 = tpu.memref_squeeze %dma_wait3A_1760 : memref<1x1024xi32, #tpu.memory_space<vmem_shared>> -> memref<1024xi32, #tpu.memory_space<vmem_shared>>
        %dma_wait3A_1762 = arith.constant 0 : i32
        %dma_wait3A_1763 = tpu.memref_slice %arg9[%dma_wait3A_1762] : memref<4096xi32, #tpu.memory_space<vmem>> -> memref<1024xi32, #tpu.memory_space<vmem>>
        %dma_wait3A_1764 = arith.constant 0 : i32
        %dma_wait3A_1765 = tpu.memref_slice %arg13[%select_n3A, %dma_wait3A_1764] : memref<2x4096xi32, #tpu.memory_space<vmem_shared>> -> memref<1x1024xi32, #tpu.memory_space<vmem_shared>>
        %dma_wait3A_1766 = tpu.memref_squeeze %dma_wait3A_1765 : memref<1x1024xi32, #tpu.memory_space<vmem_shared>> -> memref<1024xi32, #tpu.memory_space<vmem_shared>>
        tpu.wait_dma2 semaphore(%run_scoped3A : memref<!tpu.dma_semaphore, #tpu.memory_space<semaphore_mem>>) src(%dma_wait3A_1766 : memref<1024xi32, #tpu.memory_space<vmem_shared>>) dst(%dma_wait3A_1763 : memref<1024xi32, #tpu.memory_space<vmem>>)
        tpu.yield
      }) : () -> ()
      %eq3A_1138 = arith.cmpi eq, %or3A, %or3A_1104 : i32
      %jit3A_1139 = arith.constant 0 : i32
      %jit3A_1140 = arith.constant 512 : i32
      %select_n3A_1141 = arith.select %eq3A_1138, %jit3A_1139, %jit3A_1140 : i32
      %broadcast_in_dim3A_1142 = arith.constant 0 : i32
      %broadcast_in_dim3A_1143 = vector.broadcast %broadcast_in_dim3A_1142 : i32 to vector<16xi32>
      %iota3A_1144 = tpu.iota {dimensions = array<i32: 0>} : vector<16xi32>
      %scan3A_1145 = arith.constant 0 : i32
      %scan3A_1146 = arith.constant 8 : i32
      %scan3A_1147 = arith.addi %scan3A_1145, %scan3A_1146 : i32
      %scan3A_1148 = arith.constant 1 : i32
      %scan3A_1149 = scf.for %scan3A_1749 = %scan3A_1145 to %scan3A_1147 step %scan3A_1148 iter_args(%scan3A_1750 = %broadcast_in_dim3A_1143) -> (vector<16xi32>)  : i32 {
        %mul3A_1751 = arith.constant 4 : i32
        %mul3A_1752 = arith.muli %scan3A_1749, %mul3A_1751 : i32
        %add3A_1753 = arith.constant 0 : i32
        %add3A_1754 = arith.addi %mul3A_1752, %add3A_1753 : i32
        %mul3A_1755 = arith.constant 16 : i32
        %mul3A_1756 = arith.muli %add3A_1754, %mul3A_1755 : i32
        %add3A_1757 = arith.constant 0 : i32
        %add3A_1758 = arith.addi %add3A_1757, %mul3A_1756 : i32
        %get3A_1759 = arith.index_cast %add3A_1758 : i32 to index
        %get3A_1760 = tpu.vector_load %arg9[%get3A_1759] {strides = array<i32>} : memref<4096xi32, #tpu.memory_space<vmem>>, vector<16xi32>,
        %add3A_1761 = arith.addi %scan3A_1750, %get3A_1760 : vector<16xi32>
        %mul3A_1762 = arith.constant 4 : i32
        %mul3A_1763 = arith.muli %scan3A_1749, %mul3A_1762 : i32
        %add3A_1764 = arith.constant 1 : i32
        %add3A_1765 = arith.addi %mul3A_1763, %add3A_1764 : i32
        %mul3A_1766 = arith.constant 16 : i32
        %mul3A_1767 = arith.muli %add3A_1765, %mul3A_1766 : i32
        %add3A_1768 = arith.constant 0 : i32
        %add3A_1769 = arith.addi %add3A_1768, %mul3A_1767 : i32
        %get3A_1770 = arith.index_cast %add3A_1769 : i32 to index
        %get3A_1771 = tpu.vector_load %arg9[%get3A_1770] {strides = array<i32>} : memref<4096xi32, #tpu.memory_space<vmem>>, vector<16xi32>,
        %add3A_1772 = arith.addi %add3A_1761, %get3A_1771 : vector<16xi32>
        %mul3A_1773 = arith.constant 4 : i32
        %mul3A_1774 = arith.muli %scan3A_1749, %mul3A_1773 : i32
        %add3A_1775 = arith.constant 2 : i32
        %add3A_1776 = arith.addi %mul3A_1774, %add3A_1775 : i32
        %mul3A_1777 = arith.constant 16 : i32
        %mul3A_1778 = arith.muli %add3A_1776, %mul3A_1777 : i32
        %add3A_1779 = arith.constant 0 : i32
        %add3A_1780 = arith.addi %add3A_1779, %mul3A_1778 : i32
        %get3A_1781 = arith.index_cast %add3A_1780 : i32 to index
        %get3A_1782 = tpu.vector_load %arg9[%get3A_1781] {strides = array<i32>} : memref<4096xi32, #tpu.memory_space<vmem>>, vector<16xi32>,
        %add3A_1783 = arith.addi %add3A_1772, %get3A_1782 : vector<16xi32>
        %mul3A_1784 = arith.constant 4 : i32
        %mul3A_1785 = arith.muli %scan3A_1749, %mul3A_1784 : i32
        %add3A_1786 = arith.constant 3 : i32
        %add3A_1787 = arith.addi %mul3A_1785, %add3A_1786 : i32
        %mul3A_1788 = arith.constant 16 : i32
        %mul3A_1789 = arith.muli %add3A_1787, %mul3A_1788 : i32
        %add3A_1790 = arith.constant 0 : i32
        %add3A_1791 = arith.addi %add3A_1790, %mul3A_1789 : i32
        %get3A_1792 = arith.index_cast %add3A_1791 : i32 to index
        %get3A_1793 = tpu.vector_load %arg9[%get3A_1792] {strides = array<i32>} : memref<4096xi32, #tpu.memory_space<vmem>>, vector<16xi32>,
        %add3A_1794 = arith.addi %add3A_1783, %get3A_1793 : vector<16xi32>
        scf.yield %add3A_1794 : vector<16xi32>
      }
      %scan3A_1150 = arith.constant 8 : i32
      %slice3A_1151 = vector.extract_strided_slice %scan3A_1149 {offsets = [0], sizes = [1], strides = [1]} : vector<16xi32> to vector<1xi32>
      %squeeze3A_1152 = vector.extract %slice3A_1151[0] : i32 from vector<1xi32>
      %slice3A_1153 = vector.extract_strided_slice %scan3A_1149 {offsets = [1], sizes = [1], strides = [1]} : vector<16xi32> to vector<1xi32>
      %squeeze3A_1154 = vector.extract %slice3A_1153[0] : i32 from vector<1xi32>
      %add3A_1155 = arith.addi %squeeze3A_1152, %squeeze3A_1154 : i32
      %slice3A_1156 = vector.extract_strided_slice %scan3A_1149 {offsets = [2], sizes = [1], strides = [1]} : vector<16xi32> to vector<1xi32>
      %squeeze3A_1157 = vector.extract %slice3A_1156[0] : i32 from vector<1xi32>
      %add3A_1158 = arith.addi %add3A_1155, %squeeze3A_1157 : i32
      %slice3A_1159 = vector.extract_strided_slice %scan3A_1149 {offsets = [3], sizes = [1], strides = [1]} : vector<16xi32> to vector<1xi32>
      %squeeze3A_1160 = vector.extract %slice3A_1159[0] : i32 from vector<1xi32>
      %add3A_1161 = arith.addi %add3A_1158, %squeeze3A_1160 : i32
      %slice3A_1162 = vector.extract_strided_slice %scan3A_1149 {offsets = [4], sizes = [1], strides = [1]} : vector<16xi32> to vector<1xi32>
      %squeeze3A_1163 = vector.extract %slice3A_1162[0] : i32 from vector<1xi32>
      %add3A_1164 = arith.addi %add3A_1161, %squeeze3A_1163 : i32
      %slice3A_1165 = vector.extract_strided_slice %scan3A_1149 {offsets = [5], sizes = [1], strides = [1]} : vector<16xi32> to vector<1xi32>
      %squeeze3A_1166 = vector.extract %slice3A_1165[0] : i32 from vector<1xi32>
      %add3A_1167 = arith.addi %add3A_1164, %squeeze3A_1166 : i32
      %slice3A_1168 = vector.extract_strided_slice %scan3A_1149 {offsets = [6], sizes = [1], strides = [1]} : vector<16xi32> to vector<1xi32>
      %squeeze3A_1169 = vector.extract %slice3A_1168[0] : i32 from vector<1xi32>
      %add3A_1170 = arith.addi %add3A_1167, %squeeze3A_1169 : i32
      %slice3A_1171 = vector.extract_strided_slice %scan3A_1149 {offsets = [7], sizes = [1], strides = [1]} : vector<16xi32> to vector<1xi32>
      %squeeze3A_1172 = vector.extract %slice3A_1171[0] : i32 from vector<1xi32>
      %add3A_1173 = arith.addi %add3A_1170, %squeeze3A_1172 : i32
      %slice3A_1174 = vector.extract_strided_slice %scan3A_1149 {offsets = [8], sizes = [1], strides = [1]} : vector<16xi32> to vector<1xi32>
      %squeeze3A_1175 = vector.extract %slice3A_1174[0] : i32 from vector<1xi32>
      %add3A_1176 = arith.addi %add3A_1173, %squeeze3A_1175 : i32
      %slice3A_1177 = vector.extract_strided_slice %scan3A_1149 {offsets = [9], sizes = [1], strides = [1]} : vector<16xi32> to vector<1xi32>
      %squeeze3A_1178 = vector.extract %slice3A_1177[0] : i32 from vector<1xi32>
      %add3A_1179 = arith.addi %add3A_1176, %squeeze3A_1178 : i32
      %slice3A_1180 = vector.extract_strided_slice %scan3A_1149 {offsets = [10], sizes = [1], strides = [1]} : vector<16xi32> to vector<1xi32>
      %squeeze3A_1181 = vector.extract %slice3A_1180[0] : i32 from vector<1xi32>
      %add3A_1182 = arith.addi %add3A_1179, %squeeze3A_1181 : i32
      %slice3A_1183 = vector.extract_strided_slice %scan3A_1149 {offsets = [11], sizes = [1], strides = [1]} : vector<16xi32> to vector<1xi32>
      %squeeze3A_1184 = vector.extract %slice3A_1183[0] : i32 from vector<1xi32>
      %add3A_1185 = arith.addi %add3A_1182, %squeeze3A_1184 : i32
      %slice3A_1186 = vector.extract_strided_slice %scan3A_1149 {offsets = [12], sizes = [1], strides = [1]} : vector<16xi32> to vector<1xi32>
      %squeeze3A_1187 = vector.extract %slice3A_1186[0] : i32 from vector<1xi32>
      %add3A_1188 = arith.addi %add3A_1185, %squeeze3A_1187 : i32
      %slice3A_1189 = vector.extract_strided_slice %scan3A_1149 {offsets = [13], sizes = [1], strides = [1]} : vector<16xi32> to vector<1xi32>
      %squeeze3A_1190 = vector.extract %slice3A_1189[0] : i32 from vector<1xi32>
      %add3A_1191 = arith.addi %add3A_1188, %squeeze3A_1190 : i32
      %slice3A_1192 = vector.extract_strided_slice %scan3A_1149 {offsets = [14], sizes = [1], strides = [1]} : vector<16xi32> to vector<1xi32>
      %squeeze3A_1193 = vector.extract %slice3A_1192[0] : i32 from vector<1xi32>
      %add3A_1194 = arith.addi %add3A_1191, %squeeze3A_1193 : i32
      %slice3A_1195 = vector.extract_strided_slice %scan3A_1149 {offsets = [15], sizes = [1], strides = [1]} : vector<16xi32> to vector<1xi32>
      %squeeze3A_1196 = vector.extract %slice3A_1195[0] : i32 from vector<1xi32>
      %add3A_1197 = arith.addi %add3A_1194, %squeeze3A_1196 : i32
      %eq3A_1198 = arith.constant 0 : i32
      %eq3A_1199 = vector.broadcast %eq3A_1198 : i32 to vector<16xi32>
      %eq3A_1200 = arith.cmpi eq, %iota3A_1144, %eq3A_1199 : vector<16xi32>
      %jit3A_1201 = arith.constant 0 : i32
      %broadcast_in_dim3A_1202 = vector.broadcast %jit3A_1201 : i32 to vector<16xi32>
      %select_n3A_1203 = arith.select %eq3A_1200, %broadcast_in_dim3A_1202, %broadcast_in_dim3A_1143 : vector<16xi1>, vector<16xi32>
      %slice3A_1204 = vector.extract_strided_slice %scan3A_1149 {offsets = [0], sizes = [1], strides = [1]} : vector<16xi32> to vector<1xi32>
      %squeeze3A_1205 = vector.extract %slice3A_1204[0] : i32 from vector<1xi32>
      %add3A_1206 = arith.constant 0 : i32
      %add3A_1207 = arith.addi %add3A_1206, %squeeze3A_1205 : i32
      %eq3A_1208 = arith.constant 1 : i32
      %eq3A_1209 = vector.broadcast %eq3A_1208 : i32 to vector<16xi32>
      %eq3A_1210 = arith.cmpi eq, %iota3A_1144, %eq3A_1209 : vector<16xi32>
      %broadcast_in_dim3A_1211 = vector.broadcast %add3A_1207 : i32 to vector<16xi32>
      %select_n3A_1212 = arith.select %eq3A_1210, %broadcast_in_dim3A_1211, %select_n3A_1203 : vector<16xi1>, vector<16xi32>
      %slice3A_1213 = vector.extract_strided_slice %scan3A_1149 {offsets = [1], sizes = [1], strides = [1]} : vector<16xi32> to vector<1xi32>
      %squeeze3A_1214 = vector.extract %slice3A_1213[0] : i32 from vector<1xi32>
      %add3A_1215 = arith.addi %add3A_1207, %squeeze3A_1214 : i32
      %eq3A_1216 = arith.constant 2 : i32
      %eq3A_1217 = vector.broadcast %eq3A_1216 : i32 to vector<16xi32>
      %eq3A_1218 = arith.cmpi eq, %iota3A_1144, %eq3A_1217 : vector<16xi32>
      %broadcast_in_dim3A_1219 = vector.broadcast %add3A_1215 : i32 to vector<16xi32>
      %select_n3A_1220 = arith.select %eq3A_1218, %broadcast_in_dim3A_1219, %select_n3A_1212 : vector<16xi1>, vector<16xi32>
      %slice3A_1221 = vector.extract_strided_slice %scan3A_1149 {offsets = [2], sizes = [1], strides = [1]} : vector<16xi32> to vector<1xi32>
      %squeeze3A_1222 = vector.extract %slice3A_1221[0] : i32 from vector<1xi32>
      %add3A_1223 = arith.addi %add3A_1215, %squeeze3A_1222 : i32
      %eq3A_1224 = arith.constant 3 : i32
      %eq3A_1225 = vector.broadcast %eq3A_1224 : i32 to vector<16xi32>
      %eq3A_1226 = arith.cmpi eq, %iota3A_1144, %eq3A_1225 : vector<16xi32>
      %broadcast_in_dim3A_1227 = vector.broadcast %add3A_1223 : i32 to vector<16xi32>
      %select_n3A_1228 = arith.select %eq3A_1226, %broadcast_in_dim3A_1227, %select_n3A_1220 : vector<16xi1>, vector<16xi32>
      %slice3A_1229 = vector.extract_strided_slice %scan3A_1149 {offsets = [3], sizes = [1], strides = [1]} : vector<16xi32> to vector<1xi32>
      %squeeze3A_1230 = vector.extract %slice3A_1229[0] : i32 from vector<1xi32>
      %add3A_1231 = arith.addi %add3A_1223, %squeeze3A_1230 : i32
      %eq3A_1232 = arith.constant 4 : i32
      %eq3A_1233 = vector.broadcast %eq3A_1232 : i32 to vector<16xi32>
      %eq3A_1234 = arith.cmpi eq, %iota3A_1144, %eq3A_1233 : vector<16xi32>
      %broadcast_in_dim3A_1235 = vector.broadcast %add3A_1231 : i32 to vector<16xi32>
      %select_n3A_1236 = arith.select %eq3A_1234, %broadcast_in_dim3A_1235, %select_n3A_1228 : vector<16xi1>, vector<16xi32>
      %slice3A_1237 = vector.extract_strided_slice %scan3A_1149 {offsets = [4], sizes = [1], strides = [1]} : vector<16xi32> to vector<1xi32>
      %squeeze3A_1238 = vector.extract %slice3A_1237[0] : i32 from vector<1xi32>
      %add3A_1239 = arith.addi %add3A_1231, %squeeze3A_1238 : i32
      %eq3A_1240 = arith.constant 5 : i32
      %eq3A_1241 = vector.broadcast %eq3A_1240 : i32 to vector<16xi32>
      %eq3A_1242 = arith.cmpi eq, %iota3A_1144, %eq3A_1241 : vector<16xi32>
      %broadcast_in_dim3A_1243 = vector.broadcast %add3A_1239 : i32 to vector<16xi32>
      %select_n3A_1244 = arith.select %eq3A_1242, %broadcast_in_dim3A_1243, %select_n3A_1236 : vector<16xi1>, vector<16xi32>
      %slice3A_1245 = vector.extract_strided_slice %scan3A_1149 {offsets = [5], sizes = [1], strides = [1]} : vector<16xi32> to vector<1xi32>
      %squeeze3A_1246 = vector.extract %slice3A_1245[0] : i32 from vector<1xi32>
      %add3A_1247 = arith.addi %add3A_1239, %squeeze3A_1246 : i32
      %eq3A_1248 = arith.constant 6 : i32
      %eq3A_1249 = vector.broadcast %eq3A_1248 : i32 to vector<16xi32>
      %eq3A_1250 = arith.cmpi eq, %iota3A_1144, %eq3A_1249 : vector<16xi32>
      %broadcast_in_dim3A_1251 = vector.broadcast %add3A_1247 : i32 to vector<16xi32>
      %select_n3A_1252 = arith.select %eq3A_1250, %broadcast_in_dim3A_1251, %select_n3A_1244 : vector<16xi1>, vector<16xi32>
      %slice3A_1253 = vector.extract_strided_slice %scan3A_1149 {offsets = [6], sizes = [1], strides = [1]} : vector<16xi32> to vector<1xi32>
      %squeeze3A_1254 = vector.extract %slice3A_1253[0] : i32 from vector<1xi32>
      %add3A_1255 = arith.addi %add3A_1247, %squeeze3A_1254 : i32
      %eq3A_1256 = arith.constant 7 : i32
      %eq3A_1257 = vector.broadcast %eq3A_1256 : i32 to vector<16xi32>
      %eq3A_1258 = arith.cmpi eq, %iota3A_1144, %eq3A_1257 : vector<16xi32>
      %broadcast_in_dim3A_1259 = vector.broadcast %add3A_1255 : i32 to vector<16xi32>
      %select_n3A_1260 = arith.select %eq3A_1258, %broadcast_in_dim3A_1259, %select_n3A_1252 : vector<16xi1>, vector<16xi32>
      %slice3A_1261 = vector.extract_strided_slice %scan3A_1149 {offsets = [7], sizes = [1], strides = [1]} : vector<16xi32> to vector<1xi32>
      %squeeze3A_1262 = vector.extract %slice3A_1261[0] : i32 from vector<1xi32>
      %add3A_1263 = arith.addi %add3A_1255, %squeeze3A_1262 : i32
      %eq3A_1264 = arith.constant 8 : i32
      %eq3A_1265 = vector.broadcast %eq3A_1264 : i32 to vector<16xi32>
      %eq3A_1266 = arith.cmpi eq, %iota3A_1144, %eq3A_1265 : vector<16xi32>
      %broadcast_in_dim3A_1267 = vector.broadcast %add3A_1263 : i32 to vector<16xi32>
      %select_n3A_1268 = arith.select %eq3A_1266, %broadcast_in_dim3A_1267, %select_n3A_1260 : vector<16xi1>, vector<16xi32>
      %slice3A_1269 = vector.extract_strided_slice %scan3A_1149 {offsets = [8], sizes = [1], strides = [1]} : vector<16xi32> to vector<1xi32>
      %squeeze3A_1270 = vector.extract %slice3A_1269[0] : i32 from vector<1xi32>
      %add3A_1271 = arith.addi %add3A_1263, %squeeze3A_1270 : i32
      %eq3A_1272 = arith.constant 9 : i32
      %eq3A_1273 = vector.broadcast %eq3A_1272 : i32 to vector<16xi32>
      %eq3A_1274 = arith.cmpi eq, %iota3A_1144, %eq3A_1273 : vector<16xi32>
      %broadcast_in_dim3A_1275 = vector.broadcast %add3A_1271 : i32 to vector<16xi32>
      %select_n3A_1276 = arith.select %eq3A_1274, %broadcast_in_dim3A_1275, %select_n3A_1268 : vector<16xi1>, vector<16xi32>
      %slice3A_1277 = vector.extract_strided_slice %scan3A_1149 {offsets = [9], sizes = [1], strides = [1]} : vector<16xi32> to vector<1xi32>
      %squeeze3A_1278 = vector.extract %slice3A_1277[0] : i32 from vector<1xi32>
      %add3A_1279 = arith.addi %add3A_1271, %squeeze3A_1278 : i32
      %eq3A_1280 = arith.constant 10 : i32
      %eq3A_1281 = vector.broadcast %eq3A_1280 : i32 to vector<16xi32>
      %eq3A_1282 = arith.cmpi eq, %iota3A_1144, %eq3A_1281 : vector<16xi32>
      %broadcast_in_dim3A_1283 = vector.broadcast %add3A_1279 : i32 to vector<16xi32>
      %select_n3A_1284 = arith.select %eq3A_1282, %broadcast_in_dim3A_1283, %select_n3A_1276 : vector<16xi1>, vector<16xi32>
      %slice3A_1285 = vector.extract_strided_slice %scan3A_1149 {offsets = [10], sizes = [1], strides = [1]} : vector<16xi32> to vector<1xi32>
      %squeeze3A_1286 = vector.extract %slice3A_1285[0] : i32 from vector<1xi32>
      %add3A_1287 = arith.addi %add3A_1279, %squeeze3A_1286 : i32
      %eq3A_1288 = arith.constant 11 : i32
      %eq3A_1289 = vector.broadcast %eq3A_1288 : i32 to vector<16xi32>
      %eq3A_1290 = arith.cmpi eq, %iota3A_1144, %eq3A_1289 : vector<16xi32>
      %broadcast_in_dim3A_1291 = vector.broadcast %add3A_1287 : i32 to vector<16xi32>
      %select_n3A_1292 = arith.select %eq3A_1290, %broadcast_in_dim3A_1291, %select_n3A_1284 : vector<16xi1>, vector<16xi32>
      %slice3A_1293 = vector.extract_strided_slice %scan3A_1149 {offsets = [11], sizes = [1], strides = [1]} : vector<16xi32> to vector<1xi32>
      %squeeze3A_1294 = vector.extract %slice3A_1293[0] : i32 from vector<1xi32>
      %add3A_1295 = arith.addi %add3A_1287, %squeeze3A_1294 : i32
      %eq3A_1296 = arith.constant 12 : i32
      %eq3A_1297 = vector.broadcast %eq3A_1296 : i32 to vector<16xi32>
      %eq3A_1298 = arith.cmpi eq, %iota3A_1144, %eq3A_1297 : vector<16xi32>
      %broadcast_in_dim3A_1299 = vector.broadcast %add3A_1295 : i32 to vector<16xi32>
      %select_n3A_1300 = arith.select %eq3A_1298, %broadcast_in_dim3A_1299, %select_n3A_1292 : vector<16xi1>, vector<16xi32>
      %slice3A_1301 = vector.extract_strided_slice %scan3A_1149 {offsets = [12], sizes = [1], strides = [1]} : vector<16xi32> to vector<1xi32>
      %squeeze3A_1302 = vector.extract %slice3A_1301[0] : i32 from vector<1xi32>
      %add3A_1303 = arith.addi %add3A_1295, %squeeze3A_1302 : i32
      %eq3A_1304 = arith.constant 13 : i32
      %eq3A_1305 = vector.broadcast %eq3A_1304 : i32 to vector<16xi32>
      %eq3A_1306 = arith.cmpi eq, %iota3A_1144, %eq3A_1305 : vector<16xi32>
      %broadcast_in_dim3A_1307 = vector.broadcast %add3A_1303 : i32 to vector<16xi32>
      %select_n3A_1308 = arith.select %eq3A_1306, %broadcast_in_dim3A_1307, %select_n3A_1300 : vector<16xi1>, vector<16xi32>
      %slice3A_1309 = vector.extract_strided_slice %scan3A_1149 {offsets = [13], sizes = [1], strides = [1]} : vector<16xi32> to vector<1xi32>
      %squeeze3A_1310 = vector.extract %slice3A_1309[0] : i32 from vector<1xi32>
      %add3A_1311 = arith.addi %add3A_1303, %squeeze3A_1310 : i32
      %eq3A_1312 = arith.constant 14 : i32
      %eq3A_1313 = vector.broadcast %eq3A_1312 : i32 to vector<16xi32>
      %eq3A_1314 = arith.cmpi eq, %iota3A_1144, %eq3A_1313 : vector<16xi32>
      %broadcast_in_dim3A_1315 = vector.broadcast %add3A_1311 : i32 to vector<16xi32>
      %select_n3A_1316 = arith.select %eq3A_1314, %broadcast_in_dim3A_1315, %select_n3A_1308 : vector<16xi1>, vector<16xi32>
      %slice3A_1317 = vector.extract_strided_slice %scan3A_1149 {offsets = [14], sizes = [1], strides = [1]} : vector<16xi32> to vector<1xi32>
      %squeeze3A_1318 = vector.extract %slice3A_1317[0] : i32 from vector<1xi32>
      %add3A_1319 = arith.addi %add3A_1311, %squeeze3A_1318 : i32
      %eq3A_1320 = arith.constant 15 : i32
      %eq3A_1321 = vector.broadcast %eq3A_1320 : i32 to vector<16xi32>
      %eq3A_1322 = arith.cmpi eq, %iota3A_1144, %eq3A_1321 : vector<16xi32>
      %broadcast_in_dim3A_1323 = vector.broadcast %add3A_1319 : i32 to vector<16xi32>
      %select_n3A_1324 = arith.select %eq3A_1322, %broadcast_in_dim3A_1323, %select_n3A_1316 : vector<16xi1>, vector<16xi32>
      %slice3A_1325 = vector.extract_strided_slice %scan3A_1149 {offsets = [15], sizes = [1], strides = [1]} : vector<16xi32> to vector<1xi32>
      %squeeze3A_1326 = vector.extract %slice3A_1325[0] : i32 from vector<1xi32>
      %add3A_1327 = arith.addi %add3A_1319, %squeeze3A_1326 : i32
      %sub3A_1328 = arith.constant 2000 : i32
      %sub3A_1329 = arith.subi %sub3A_1328, %sub3A_371 : i32
      %sub3A_1330 = arith.subi %sub3A_1329, %sub3A_807 : i32
      %broadcast_in_dim3A_1331 = arith.constant 0 : i32
      %broadcast_in_dim3A_1332 = vector.broadcast %broadcast_in_dim3A_1331 : i32 to vector<16xi32>
      %sub3A_1333 = arith.subi %add3A_1197, %sub3A_1330 : i32
      %scan3A_1334 = arith.constant 0 : i32
      %scan3A_1335 = arith.constant 16 : i32
      %scan3A_1336 = arith.addi %scan3A_1334, %scan3A_1335 : i32
      %scan3A_1337 = arith.constant 1 : i32
      %scan3A_1338:3 = scf.for %scan3A_1749 = %scan3A_1334 to %scan3A_1336 step %scan3A_1337 iter_args(%scan3A_1750 = %broadcast_in_dim3A_1332, %scan3A_1751 = %broadcast_in_dim3A_1332, %scan3A_1752 = %broadcast_in_dim3A_1332) -> (vector<16xi32>, vector<16xi32>, vector<16xi32>)  : i32 {
        %mul3A_1753 = arith.constant 2 : i32
        %mul3A_1754 = arith.muli %scan3A_1749, %mul3A_1753 : i32
        %add3A_1755 = arith.constant 0 : i32
        %add3A_1756 = arith.addi %mul3A_1754, %add3A_1755 : i32
        %mul3A_1757 = arith.constant 16 : i32
        %mul3A_1758 = arith.muli %add3A_1756, %mul3A_1757 : i32
        %add3A_1759 = arith.constant 0 : i32
        %add3A_1760 = arith.addi %add3A_1759, %mul3A_1758 : i32
        %get3A_1761 = arith.index_cast %add3A_1760 : i32 to index
        %get3A_1762 = tpu.vector_load %arg9[%get3A_1761] {strides = array<i32>} : memref<4096xi32, #tpu.memory_space<vmem>>, vector<16xi32>,
        %add3A_1763 = arith.addi %select_n3A_1324, %scan3A_1750 : vector<16xi32>
        %le3A = vector.broadcast %sub3A_1333 : i32 to vector<16xi32>
        %le3A_1764 = arith.cmpi sle, %add3A_1763, %le3A : vector<16xi32>
        %jit3A_1765 = arith.constant 1 : i32
        %jit3A_1766 = arith.constant 0 : i32
        %broadcast_in_dim3A_1767 = vector.broadcast %jit3A_1765 : i32 to vector<16xi32>
        %broadcast_in_dim3A_1768 = vector.broadcast %jit3A_1766 : i32 to vector<16xi32>
        %select_n3A_1769 = arith.select %le3A_1764, %broadcast_in_dim3A_1767, %broadcast_in_dim3A_1768 : vector<16xi1>, vector<16xi32>
        %add3A_1770 = arith.addi %scan3A_1751, %select_n3A_1769 : vector<16xi32>
        %jit3A_1771 = arith.constant 0 : i32
        %broadcast_in_dim3A_1772 = vector.broadcast %jit3A_1771 : i32 to vector<16xi32>
        %select_n3A_1773 = arith.select %le3A_1764, %get3A_1762, %broadcast_in_dim3A_1772 : vector<16xi1>, vector<16xi32>
        %add3A_1774 = arith.addi %scan3A_1752, %select_n3A_1773 : vector<16xi32>
        %add3A_1775 = arith.addi %scan3A_1750, %get3A_1762 : vector<16xi32>
        %mul3A_1776 = arith.constant 2 : i32
        %mul3A_1777 = arith.muli %scan3A_1749, %mul3A_1776 : i32
        %add3A_1778 = arith.constant 1 : i32
        %add3A_1779 = arith.addi %mul3A_1777, %add3A_1778 : i32
        %mul3A_1780 = arith.constant 16 : i32
        %mul3A_1781 = arith.muli %add3A_1779, %mul3A_1780 : i32
        %add3A_1782 = arith.constant 0 : i32
        %add3A_1783 = arith.addi %add3A_1782, %mul3A_1781 : i32
        %get3A_1784 = arith.index_cast %add3A_1783 : i32 to index
        %get3A_1785 = tpu.vector_load %arg9[%get3A_1784] {strides = array<i32>} : memref<4096xi32, #tpu.memory_space<vmem>>, vector<16xi32>,
        %add3A_1786 = arith.addi %select_n3A_1324, %add3A_1775 : vector<16xi32>
        %le3A_1787 = vector.broadcast %sub3A_1333 : i32 to vector<16xi32>
        %le3A_1788 = arith.cmpi sle, %add3A_1786, %le3A_1787 : vector<16xi32>
        %jit3A_1789 = arith.constant 1 : i32
        %jit3A_1790 = arith.constant 0 : i32
        %broadcast_in_dim3A_1791 = vector.broadcast %jit3A_1789 : i32 to vector<16xi32>
        %broadcast_in_dim3A_1792 = vector.broadcast %jit3A_1790 : i32 to vector<16xi32>
        %select_n3A_1793 = arith.select %le3A_1788, %broadcast_in_dim3A_1791, %broadcast_in_dim3A_1792 : vector<16xi1>, vector<16xi32>
        %add3A_1794 = arith.addi %add3A_1770, %select_n3A_1793 : vector<16xi32>
        %jit3A_1795 = arith.constant 0 : i32
        %broadcast_in_dim3A_1796 = vector.broadcast %jit3A_1795 : i32 to vector<16xi32>
        %select_n3A_1797 = arith.select %le3A_1788, %get3A_1785, %broadcast_in_dim3A_1796 : vector<16xi1>, vector<16xi32>
        %add3A_1798 = arith.addi %add3A_1774, %select_n3A_1797 : vector<16xi32>
        %add3A_1799 = arith.addi %add3A_1775, %get3A_1785 : vector<16xi32>
        scf.yield %add3A_1799, %add3A_1794, %add3A_1798 : vector<16xi32>, vector<16xi32>, vector<16xi32>
      }
      %scan3A_1339 = arith.constant 16 : i32
      %slice3A_1340 = vector.extract_strided_slice %scan3A_1338#1 {offsets = [0], sizes = [1], strides = [1]} : vector<16xi32> to vector<1xi32>
      %squeeze3A_1341 = vector.extract %slice3A_1340[0] : i32 from vector<1xi32>
      %slice3A_1342 = vector.extract_strided_slice %scan3A_1338#1 {offsets = [1], sizes = [1], strides = [1]} : vector<16xi32> to vector<1xi32>
      %squeeze3A_1343 = vector.extract %slice3A_1342[0] : i32 from vector<1xi32>
      %add3A_1344 = arith.addi %squeeze3A_1341, %squeeze3A_1343 : i32
      %slice3A_1345 = vector.extract_strided_slice %scan3A_1338#1 {offsets = [2], sizes = [1], strides = [1]} : vector<16xi32> to vector<1xi32>
      %squeeze3A_1346 = vector.extract %slice3A_1345[0] : i32 from vector<1xi32>
      %add3A_1347 = arith.addi %add3A_1344, %squeeze3A_1346 : i32
      %slice3A_1348 = vector.extract_strided_slice %scan3A_1338#1 {offsets = [3], sizes = [1], strides = [1]} : vector<16xi32> to vector<1xi32>
      %squeeze3A_1349 = vector.extract %slice3A_1348[0] : i32 from vector<1xi32>
      %add3A_1350 = arith.addi %add3A_1347, %squeeze3A_1349 : i32
      %slice3A_1351 = vector.extract_strided_slice %scan3A_1338#1 {offsets = [4], sizes = [1], strides = [1]} : vector<16xi32> to vector<1xi32>
      %squeeze3A_1352 = vector.extract %slice3A_1351[0] : i32 from vector<1xi32>
      %add3A_1353 = arith.addi %add3A_1350, %squeeze3A_1352 : i32
      %slice3A_1354 = vector.extract_strided_slice %scan3A_1338#1 {offsets = [5], sizes = [1], strides = [1]} : vector<16xi32> to vector<1xi32>
      %squeeze3A_1355 = vector.extract %slice3A_1354[0] : i32 from vector<1xi32>
      %add3A_1356 = arith.addi %add3A_1353, %squeeze3A_1355 : i32
      %slice3A_1357 = vector.extract_strided_slice %scan3A_1338#1 {offsets = [6], sizes = [1], strides = [1]} : vector<16xi32> to vector<1xi32>
      %squeeze3A_1358 = vector.extract %slice3A_1357[0] : i32 from vector<1xi32>
      %add3A_1359 = arith.addi %add3A_1356, %squeeze3A_1358 : i32
      %slice3A_1360 = vector.extract_strided_slice %scan3A_1338#1 {offsets = [7], sizes = [1], strides = [1]} : vector<16xi32> to vector<1xi32>
      %squeeze3A_1361 = vector.extract %slice3A_1360[0] : i32 from vector<1xi32>
      %add3A_1362 = arith.addi %add3A_1359, %squeeze3A_1361 : i32
      %slice3A_1363 = vector.extract_strided_slice %scan3A_1338#1 {offsets = [8], sizes = [1], strides = [1]} : vector<16xi32> to vector<1xi32>
      %squeeze3A_1364 = vector.extract %slice3A_1363[0] : i32 from vector<1xi32>
      %add3A_1365 = arith.addi %add3A_1362, %squeeze3A_1364 : i32
      %slice3A_1366 = vector.extract_strided_slice %scan3A_1338#1 {offsets = [9], sizes = [1], strides = [1]} : vector<16xi32> to vector<1xi32>
      %squeeze3A_1367 = vector.extract %slice3A_1366[0] : i32 from vector<1xi32>
      %add3A_1368 = arith.addi %add3A_1365, %squeeze3A_1367 : i32
      %slice3A_1369 = vector.extract_strided_slice %scan3A_1338#1 {offsets = [10], sizes = [1], strides = [1]} : vector<16xi32> to vector<1xi32>
      %squeeze3A_1370 = vector.extract %slice3A_1369[0] : i32 from vector<1xi32>
      %add3A_1371 = arith.addi %add3A_1368, %squeeze3A_1370 : i32
      %slice3A_1372 = vector.extract_strided_slice %scan3A_1338#1 {offsets = [11], sizes = [1], strides = [1]} : vector<16xi32> to vector<1xi32>
      %squeeze3A_1373 = vector.extract %slice3A_1372[0] : i32 from vector<1xi32>
      %add3A_1374 = arith.addi %add3A_1371, %squeeze3A_1373 : i32
      %slice3A_1375 = vector.extract_strided_slice %scan3A_1338#1 {offsets = [12], sizes = [1], strides = [1]} : vector<16xi32> to vector<1xi32>
      %squeeze3A_1376 = vector.extract %slice3A_1375[0] : i32 from vector<1xi32>
      %add3A_1377 = arith.addi %add3A_1374, %squeeze3A_1376 : i32
      %slice3A_1378 = vector.extract_strided_slice %scan3A_1338#1 {offsets = [13], sizes = [1], strides = [1]} : vector<16xi32> to vector<1xi32>
      %squeeze3A_1379 = vector.extract %slice3A_1378[0] : i32 from vector<1xi32>
      %add3A_1380 = arith.addi %add3A_1377, %squeeze3A_1379 : i32
      %slice3A_1381 = vector.extract_strided_slice %scan3A_1338#1 {offsets = [14], sizes = [1], strides = [1]} : vector<16xi32> to vector<1xi32>
      %squeeze3A_1382 = vector.extract %slice3A_1381[0] : i32 from vector<1xi32>
      %add3A_1383 = arith.addi %add3A_1380, %squeeze3A_1382 : i32
      %slice3A_1384 = vector.extract_strided_slice %scan3A_1338#1 {offsets = [15], sizes = [1], strides = [1]} : vector<16xi32> to vector<1xi32>
      %squeeze3A_1385 = vector.extract %slice3A_1384[0] : i32 from vector<1xi32>
      %add3A_1386 = arith.addi %add3A_1383, %squeeze3A_1385 : i32
      %sub3A_1387 = arith.constant 1 : i32
      %sub3A_1388 = arith.subi %add3A_1386, %sub3A_1387 : i32
      %slice3A_1389 = vector.extract_strided_slice %scan3A_1338#2 {offsets = [0], sizes = [1], strides = [1]} : vector<16xi32> to vector<1xi32>
      %squeeze3A_1390 = vector.extract %slice3A_1389[0] : i32 from vector<1xi32>
      %slice3A_1391 = vector.extract_strided_slice %scan3A_1338#2 {offsets = [1], sizes = [1], strides = [1]} : vector<16xi32> to vector<1xi32>
      %squeeze3A_1392 = vector.extract %slice3A_1391[0] : i32 from vector<1xi32>
      %add3A_1393 = arith.addi %squeeze3A_1390, %squeeze3A_1392 : i32
      %slice3A_1394 = vector.extract_strided_slice %scan3A_1338#2 {offsets = [2], sizes = [1], strides = [1]} : vector<16xi32> to vector<1xi32>
      %squeeze3A_1395 = vector.extract %slice3A_1394[0] : i32 from vector<1xi32>
      %add3A_1396 = arith.addi %add3A_1393, %squeeze3A_1395 : i32
      %slice3A_1397 = vector.extract_strided_slice %scan3A_1338#2 {offsets = [3], sizes = [1], strides = [1]} : vector<16xi32> to vector<1xi32>
      %squeeze3A_1398 = vector.extract %slice3A_1397[0] : i32 from vector<1xi32>
      %add3A_1399 = arith.addi %add3A_1396, %squeeze3A_1398 : i32
      %slice3A_1400 = vector.extract_strided_slice %scan3A_1338#2 {offsets = [4], sizes = [1], strides = [1]} : vector<16xi32> to vector<1xi32>
      %squeeze3A_1401 = vector.extract %slice3A_1400[0] : i32 from vector<1xi32>
      %add3A_1402 = arith.addi %add3A_1399, %squeeze3A_1401 : i32
      %slice3A_1403 = vector.extract_strided_slice %scan3A_1338#2 {offsets = [5], sizes = [1], strides = [1]} : vector<16xi32> to vector<1xi32>
      %squeeze3A_1404 = vector.extract %slice3A_1403[0] : i32 from vector<1xi32>
      %add3A_1405 = arith.addi %add3A_1402, %squeeze3A_1404 : i32
      %slice3A_1406 = vector.extract_strided_slice %scan3A_1338#2 {offsets = [6], sizes = [1], strides = [1]} : vector<16xi32> to vector<1xi32>
      %squeeze3A_1407 = vector.extract %slice3A_1406[0] : i32 from vector<1xi32>
      %add3A_1408 = arith.addi %add3A_1405, %squeeze3A_1407 : i32
      %slice3A_1409 = vector.extract_strided_slice %scan3A_1338#2 {offsets = [7], sizes = [1], strides = [1]} : vector<16xi32> to vector<1xi32>
      %squeeze3A_1410 = vector.extract %slice3A_1409[0] : i32 from vector<1xi32>
      %add3A_1411 = arith.addi %add3A_1408, %squeeze3A_1410 : i32
      %slice3A_1412 = vector.extract_strided_slice %scan3A_1338#2 {offsets = [8], sizes = [1], strides = [1]} : vector<16xi32> to vector<1xi32>
      %squeeze3A_1413 = vector.extract %slice3A_1412[0] : i32 from vector<1xi32>
      %add3A_1414 = arith.addi %add3A_1411, %squeeze3A_1413 : i32
      %slice3A_1415 = vector.extract_strided_slice %scan3A_1338#2 {offsets = [9], sizes = [1], strides = [1]} : vector<16xi32> to vector<1xi32>
      %squeeze3A_1416 = vector.extract %slice3A_1415[0] : i32 from vector<1xi32>
      %add3A_1417 = arith.addi %add3A_1414, %squeeze3A_1416 : i32
      %slice3A_1418 = vector.extract_strided_slice %scan3A_1338#2 {offsets = [10], sizes = [1], strides = [1]} : vector<16xi32> to vector<1xi32>
      %squeeze3A_1419 = vector.extract %slice3A_1418[0] : i32 from vector<1xi32>
      %add3A_1420 = arith.addi %add3A_1417, %squeeze3A_1419 : i32
      %slice3A_1421 = vector.extract_strided_slice %scan3A_1338#2 {offsets = [11], sizes = [1], strides = [1]} : vector<16xi32> to vector<1xi32>
      %squeeze3A_1422 = vector.extract %slice3A_1421[0] : i32 from vector<1xi32>
      %add3A_1423 = arith.addi %add3A_1420, %squeeze3A_1422 : i32
      %slice3A_1424 = vector.extract_strided_slice %scan3A_1338#2 {offsets = [12], sizes = [1], strides = [1]} : vector<16xi32> to vector<1xi32>
      %squeeze3A_1425 = vector.extract %slice3A_1424[0] : i32 from vector<1xi32>
      %add3A_1426 = arith.addi %add3A_1423, %squeeze3A_1425 : i32
      %slice3A_1427 = vector.extract_strided_slice %scan3A_1338#2 {offsets = [13], sizes = [1], strides = [1]} : vector<16xi32> to vector<1xi32>
      %squeeze3A_1428 = vector.extract %slice3A_1427[0] : i32 from vector<1xi32>
      %add3A_1429 = arith.addi %add3A_1426, %squeeze3A_1428 : i32
      %slice3A_1430 = vector.extract_strided_slice %scan3A_1338#2 {offsets = [14], sizes = [1], strides = [1]} : vector<16xi32> to vector<1xi32>
      %squeeze3A_1431 = vector.extract %slice3A_1430[0] : i32 from vector<1xi32>
      %add3A_1432 = arith.addi %add3A_1429, %squeeze3A_1431 : i32
      %slice3A_1433 = vector.extract_strided_slice %scan3A_1338#2 {offsets = [15], sizes = [1], strides = [1]} : vector<16xi32> to vector<1xi32>
      %squeeze3A_1434 = vector.extract %slice3A_1433[0] : i32 from vector<1xi32>
      %add3A_1435 = arith.addi %add3A_1432, %squeeze3A_1434 : i32
      %sub3A_1436 = arith.subi %add3A_1197, %add3A_1435 : i32
      %broadcast_in_dim3A_1437 = arith.constant 0 : i32
      %broadcast_in_dim3A_1438 = vector.broadcast %broadcast_in_dim3A_1437 : i32 to vector<16xi32>
      %iota3A_1439 = tpu.iota {dimensions = array<i32: 0>} : vector<16xi32>
      %scan3A_1440 = arith.constant 0 : i32
      %scan3A_1441 = arith.constant 8 : i32
      %scan3A_1442 = arith.addi %scan3A_1440, %scan3A_1441 : i32
      %scan3A_1443 = arith.constant 1 : i32
      %scan3A_1444 = scf.for %scan3A_1749 = %scan3A_1440 to %scan3A_1442 step %scan3A_1443 iter_args(%scan3A_1750 = %broadcast_in_dim3A_1438) -> (vector<16xi32>)  : i32 {
        %mul3A_1751 = arith.constant 4 : i32
        %mul3A_1752 = arith.muli %scan3A_1749, %mul3A_1751 : i32
        %add3A_1753 = arith.constant 0 : i32
        %add3A_1754 = arith.addi %mul3A_1752, %add3A_1753 : i32
        %mul3A_1755 = arith.constant 16 : i32
        %mul3A_1756 = arith.muli %add3A_1754, %mul3A_1755 : i32
        %add3A_1757 = arith.addi %select_n3A_1141, %mul3A_1756 : i32
        %get3A_1758 = arith.index_cast %add3A_1757 : i32 to index
        %get3A_1759 = tpu.vector_load %arg9[%get3A_1758] {strides = array<i32>} : memref<4096xi32, #tpu.memory_space<vmem>>, vector<16xi32>,
        %add3A_1760 = arith.addi %scan3A_1750, %get3A_1759 : vector<16xi32>
        %mul3A_1761 = arith.constant 4 : i32
        %mul3A_1762 = arith.muli %scan3A_1749, %mul3A_1761 : i32
        %add3A_1763 = arith.constant 1 : i32
        %add3A_1764 = arith.addi %mul3A_1762, %add3A_1763 : i32
        %mul3A_1765 = arith.constant 16 : i32
        %mul3A_1766 = arith.muli %add3A_1764, %mul3A_1765 : i32
        %add3A_1767 = arith.addi %select_n3A_1141, %mul3A_1766 : i32
        %get3A_1768 = arith.index_cast %add3A_1767 : i32 to index
        %get3A_1769 = tpu.vector_load %arg9[%get3A_1768] {strides = array<i32>} : memref<4096xi32, #tpu.memory_space<vmem>>, vector<16xi32>,
        %add3A_1770 = arith.addi %add3A_1760, %get3A_1769 : vector<16xi32>
        %mul3A_1771 = arith.constant 4 : i32
        %mul3A_1772 = arith.muli %scan3A_1749, %mul3A_1771 : i32
        %add3A_1773 = arith.constant 2 : i32
        %add3A_1774 = arith.addi %mul3A_1772, %add3A_1773 : i32
        %mul3A_1775 = arith.constant 16 : i32
        %mul3A_1776 = arith.muli %add3A_1774, %mul3A_1775 : i32
        %add3A_1777 = arith.addi %select_n3A_1141, %mul3A_1776 : i32
        %get3A_1778 = arith.index_cast %add3A_1777 : i32 to index
        %get3A_1779 = tpu.vector_load %arg9[%get3A_1778] {strides = array<i32>} : memref<4096xi32, #tpu.memory_space<vmem>>, vector<16xi32>,
        %add3A_1780 = arith.addi %add3A_1770, %get3A_1779 : vector<16xi32>
        %mul3A_1781 = arith.constant 4 : i32
        %mul3A_1782 = arith.muli %scan3A_1749, %mul3A_1781 : i32
        %add3A_1783 = arith.constant 3 : i32
        %add3A_1784 = arith.addi %mul3A_1782, %add3A_1783 : i32
        %mul3A_1785 = arith.constant 16 : i32
        %mul3A_1786 = arith.muli %add3A_1784, %mul3A_1785 : i32
        %add3A_1787 = arith.addi %select_n3A_1141, %mul3A_1786 : i32
        %get3A_1788 = arith.index_cast %add3A_1787 : i32 to index
        %get3A_1789 = tpu.vector_load %arg9[%get3A_1788] {strides = array<i32>} : memref<4096xi32, #tpu.memory_space<vmem>>, vector<16xi32>,
        %add3A_1790 = arith.addi %add3A_1780, %get3A_1789 : vector<16xi32>
        scf.yield %add3A_1790 : vector<16xi32>
      }
      %scan3A_1445 = arith.constant 8 : i32
      %slice3A_1446 = vector.extract_strided_slice %scan3A_1444 {offsets = [0], sizes = [1], strides = [1]} : vector<16xi32> to vector<1xi32>
      %squeeze3A_1447 = vector.extract %slice3A_1446[0] : i32 from vector<1xi32>
      %slice3A_1448 = vector.extract_strided_slice %scan3A_1444 {offsets = [1], sizes = [1], strides = [1]} : vector<16xi32> to vector<1xi32>
      %squeeze3A_1449 = vector.extract %slice3A_1448[0] : i32 from vector<1xi32>
      %add3A_1450 = arith.addi %squeeze3A_1447, %squeeze3A_1449 : i32
      %slice3A_1451 = vector.extract_strided_slice %scan3A_1444 {offsets = [2], sizes = [1], strides = [1]} : vector<16xi32> to vector<1xi32>
      %squeeze3A_1452 = vector.extract %slice3A_1451[0] : i32 from vector<1xi32>
      %add3A_1453 = arith.addi %add3A_1450, %squeeze3A_1452 : i32
      %slice3A_1454 = vector.extract_strided_slice %scan3A_1444 {offsets = [3], sizes = [1], strides = [1]} : vector<16xi32> to vector<1xi32>
      %squeeze3A_1455 = vector.extract %slice3A_1454[0] : i32 from vector<1xi32>
      %add3A_1456 = arith.addi %add3A_1453, %squeeze3A_1455 : i32
      %slice3A_1457 = vector.extract_strided_slice %scan3A_1444 {offsets = [4], sizes = [1], strides = [1]} : vector<16xi32> to vector<1xi32>
      %squeeze3A_1458 = vector.extract %slice3A_1457[0] : i32 from vector<1xi32>
      %add3A_1459 = arith.addi %add3A_1456, %squeeze3A_1458 : i32
      %slice3A_1460 = vector.extract_strided_slice %scan3A_1444 {offsets = [5], sizes = [1], strides = [1]} : vector<16xi32> to vector<1xi32>
      %squeeze3A_1461 = vector.extract %slice3A_1460[0] : i32 from vector<1xi32>
      %add3A_1462 = arith.addi %add3A_1459, %squeeze3A_1461 : i32
      %slice3A_1463 = vector.extract_strided_slice %scan3A_1444 {offsets = [6], sizes = [1], strides = [1]} : vector<16xi32> to vector<1xi32>
      %squeeze3A_1464 = vector.extract %slice3A_1463[0] : i32 from vector<1xi32>
      %add3A_1465 = arith.addi %add3A_1462, %squeeze3A_1464 : i32
      %slice3A_1466 = vector.extract_strided_slice %scan3A_1444 {offsets = [7], sizes = [1], strides = [1]} : vector<16xi32> to vector<1xi32>
      %squeeze3A_1467 = vector.extract %slice3A_1466[0] : i32 from vector<1xi32>
      %add3A_1468 = arith.addi %add3A_1465, %squeeze3A_1467 : i32
      %slice3A_1469 = vector.extract_strided_slice %scan3A_1444 {offsets = [8], sizes = [1], strides = [1]} : vector<16xi32> to vector<1xi32>
      %squeeze3A_1470 = vector.extract %slice3A_1469[0] : i32 from vector<1xi32>
      %add3A_1471 = arith.addi %add3A_1468, %squeeze3A_1470 : i32
      %slice3A_1472 = vector.extract_strided_slice %scan3A_1444 {offsets = [9], sizes = [1], strides = [1]} : vector<16xi32> to vector<1xi32>
      %squeeze3A_1473 = vector.extract %slice3A_1472[0] : i32 from vector<1xi32>
      %add3A_1474 = arith.addi %add3A_1471, %squeeze3A_1473 : i32
      %slice3A_1475 = vector.extract_strided_slice %scan3A_1444 {offsets = [10], sizes = [1], strides = [1]} : vector<16xi32> to vector<1xi32>
      %squeeze3A_1476 = vector.extract %slice3A_1475[0] : i32 from vector<1xi32>
      %add3A_1477 = arith.addi %add3A_1474, %squeeze3A_1476 : i32
      %slice3A_1478 = vector.extract_strided_slice %scan3A_1444 {offsets = [11], sizes = [1], strides = [1]} : vector<16xi32> to vector<1xi32>
      %squeeze3A_1479 = vector.extract %slice3A_1478[0] : i32 from vector<1xi32>
      %add3A_1480 = arith.addi %add3A_1477, %squeeze3A_1479 : i32
      %slice3A_1481 = vector.extract_strided_slice %scan3A_1444 {offsets = [12], sizes = [1], strides = [1]} : vector<16xi32> to vector<1xi32>
      %squeeze3A_1482 = vector.extract %slice3A_1481[0] : i32 from vector<1xi32>
      %add3A_1483 = arith.addi %add3A_1480, %squeeze3A_1482 : i32
      %slice3A_1484 = vector.extract_strided_slice %scan3A_1444 {offsets = [13], sizes = [1], strides = [1]} : vector<16xi32> to vector<1xi32>
      %squeeze3A_1485 = vector.extract %slice3A_1484[0] : i32 from vector<1xi32>
      %add3A_1486 = arith.addi %add3A_1483, %squeeze3A_1485 : i32
      %slice3A_1487 = vector.extract_strided_slice %scan3A_1444 {offsets = [14], sizes = [1], strides = [1]} : vector<16xi32> to vector<1xi32>
      %squeeze3A_1488 = vector.extract %slice3A_1487[0] : i32 from vector<1xi32>
      %add3A_1489 = arith.addi %add3A_1486, %squeeze3A_1488 : i32
      %slice3A_1490 = vector.extract_strided_slice %scan3A_1444 {offsets = [15], sizes = [1], strides = [1]} : vector<16xi32> to vector<1xi32>
      %squeeze3A_1491 = vector.extract %slice3A_1490[0] : i32 from vector<1xi32>
      %add3A_1492 = arith.addi %add3A_1489, %squeeze3A_1491 : i32
      %eq3A_1493 = arith.constant 0 : i32
      %eq3A_1494 = vector.broadcast %eq3A_1493 : i32 to vector<16xi32>
      %eq3A_1495 = arith.cmpi eq, %iota3A_1439, %eq3A_1494 : vector<16xi32>
      %jit3A_1496 = arith.constant 0 : i32
      %broadcast_in_dim3A_1497 = vector.broadcast %jit3A_1496 : i32 to vector<16xi32>
      %select_n3A_1498 = arith.select %eq3A_1495, %broadcast_in_dim3A_1497, %broadcast_in_dim3A_1438 : vector<16xi1>, vector<16xi32>
      %slice3A_1499 = vector.extract_strided_slice %scan3A_1444 {offsets = [0], sizes = [1], strides = [1]} : vector<16xi32> to vector<1xi32>
      %squeeze3A_1500 = vector.extract %slice3A_1499[0] : i32 from vector<1xi32>
      %add3A_1501 = arith.constant 0 : i32
      %add3A_1502 = arith.addi %add3A_1501, %squeeze3A_1500 : i32
      %eq3A_1503 = arith.constant 1 : i32
      %eq3A_1504 = vector.broadcast %eq3A_1503 : i32 to vector<16xi32>
      %eq3A_1505 = arith.cmpi eq, %iota3A_1439, %eq3A_1504 : vector<16xi32>
      %broadcast_in_dim3A_1506 = vector.broadcast %add3A_1502 : i32 to vector<16xi32>
      %select_n3A_1507 = arith.select %eq3A_1505, %broadcast_in_dim3A_1506, %select_n3A_1498 : vector<16xi1>, vector<16xi32>
      %slice3A_1508 = vector.extract_strided_slice %scan3A_1444 {offsets = [1], sizes = [1], strides = [1]} : vector<16xi32> to vector<1xi32>
      %squeeze3A_1509 = vector.extract %slice3A_1508[0] : i32 from vector<1xi32>
      %add3A_1510 = arith.addi %add3A_1502, %squeeze3A_1509 : i32
      %eq3A_1511 = arith.constant 2 : i32
      %eq3A_1512 = vector.broadcast %eq3A_1511 : i32 to vector<16xi32>
      %eq3A_1513 = arith.cmpi eq, %iota3A_1439, %eq3A_1512 : vector<16xi32>
      %broadcast_in_dim3A_1514 = vector.broadcast %add3A_1510 : i32 to vector<16xi32>
      %select_n3A_1515 = arith.select %eq3A_1513, %broadcast_in_dim3A_1514, %select_n3A_1507 : vector<16xi1>, vector<16xi32>
      %slice3A_1516 = vector.extract_strided_slice %scan3A_1444 {offsets = [2], sizes = [1], strides = [1]} : vector<16xi32> to vector<1xi32>
      %squeeze3A_1517 = vector.extract %slice3A_1516[0] : i32 from vector<1xi32>
      %add3A_1518 = arith.addi %add3A_1510, %squeeze3A_1517 : i32
      %eq3A_1519 = arith.constant 3 : i32
      %eq3A_1520 = vector.broadcast %eq3A_1519 : i32 to vector<16xi32>
      %eq3A_1521 = arith.cmpi eq, %iota3A_1439, %eq3A_1520 : vector<16xi32>
      %broadcast_in_dim3A_1522 = vector.broadcast %add3A_1518 : i32 to vector<16xi32>
      %select_n3A_1523 = arith.select %eq3A_1521, %broadcast_in_dim3A_1522, %select_n3A_1515 : vector<16xi1>, vector<16xi32>
      %slice3A_1524 = vector.extract_strided_slice %scan3A_1444 {offsets = [3], sizes = [1], strides = [1]} : vector<16xi32> to vector<1xi32>
      %squeeze3A_1525 = vector.extract %slice3A_1524[0] : i32 from vector<1xi32>
      %add3A_1526 = arith.addi %add3A_1518, %squeeze3A_1525 : i32
      %eq3A_1527 = arith.constant 4 : i32
      %eq3A_1528 = vector.broadcast %eq3A_1527 : i32 to vector<16xi32>
      %eq3A_1529 = arith.cmpi eq, %iota3A_1439, %eq3A_1528 : vector<16xi32>
      %broadcast_in_dim3A_1530 = vector.broadcast %add3A_1526 : i32 to vector<16xi32>
      %select_n3A_1531 = arith.select %eq3A_1529, %broadcast_in_dim3A_1530, %select_n3A_1523 : vector<16xi1>, vector<16xi32>
      %slice3A_1532 = vector.extract_strided_slice %scan3A_1444 {offsets = [4], sizes = [1], strides = [1]} : vector<16xi32> to vector<1xi32>
      %squeeze3A_1533 = vector.extract %slice3A_1532[0] : i32 from vector<1xi32>
      %add3A_1534 = arith.addi %add3A_1526, %squeeze3A_1533 : i32
      %eq3A_1535 = arith.constant 5 : i32
      %eq3A_1536 = vector.broadcast %eq3A_1535 : i32 to vector<16xi32>
      %eq3A_1537 = arith.cmpi eq, %iota3A_1439, %eq3A_1536 : vector<16xi32>
      %broadcast_in_dim3A_1538 = vector.broadcast %add3A_1534 : i32 to vector<16xi32>
      %select_n3A_1539 = arith.select %eq3A_1537, %broadcast_in_dim3A_1538, %select_n3A_1531 : vector<16xi1>, vector<16xi32>
      %slice3A_1540 = vector.extract_strided_slice %scan3A_1444 {offsets = [5], sizes = [1], strides = [1]} : vector<16xi32> to vector<1xi32>
      %squeeze3A_1541 = vector.extract %slice3A_1540[0] : i32 from vector<1xi32>
      %add3A_1542 = arith.addi %add3A_1534, %squeeze3A_1541 : i32
      %eq3A_1543 = arith.constant 6 : i32
      %eq3A_1544 = vector.broadcast %eq3A_1543 : i32 to vector<16xi32>
      %eq3A_1545 = arith.cmpi eq, %iota3A_1439, %eq3A_1544 : vector<16xi32>
      %broadcast_in_dim3A_1546 = vector.broadcast %add3A_1542 : i32 to vector<16xi32>
      %select_n3A_1547 = arith.select %eq3A_1545, %broadcast_in_dim3A_1546, %select_n3A_1539 : vector<16xi1>, vector<16xi32>
      %slice3A_1548 = vector.extract_strided_slice %scan3A_1444 {offsets = [6], sizes = [1], strides = [1]} : vector<16xi32> to vector<1xi32>
      %squeeze3A_1549 = vector.extract %slice3A_1548[0] : i32 from vector<1xi32>
      %add3A_1550 = arith.addi %add3A_1542, %squeeze3A_1549 : i32
      %eq3A_1551 = arith.constant 7 : i32
      %eq3A_1552 = vector.broadcast %eq3A_1551 : i32 to vector<16xi32>
      %eq3A_1553 = arith.cmpi eq, %iota3A_1439, %eq3A_1552 : vector<16xi32>
      %broadcast_in_dim3A_1554 = vector.broadcast %add3A_1550 : i32 to vector<16xi32>
      %select_n3A_1555 = arith.select %eq3A_1553, %broadcast_in_dim3A_1554, %select_n3A_1547 : vector<16xi1>, vector<16xi32>
      %slice3A_1556 = vector.extract_strided_slice %scan3A_1444 {offsets = [7], sizes = [1], strides = [1]} : vector<16xi32> to vector<1xi32>
      %squeeze3A_1557 = vector.extract %slice3A_1556[0] : i32 from vector<1xi32>
      %add3A_1558 = arith.addi %add3A_1550, %squeeze3A_1557 : i32
      %eq3A_1559 = arith.constant 8 : i32
      %eq3A_1560 = vector.broadcast %eq3A_1559 : i32 to vector<16xi32>
      %eq3A_1561 = arith.cmpi eq, %iota3A_1439, %eq3A_1560 : vector<16xi32>
      %broadcast_in_dim3A_1562 = vector.broadcast %add3A_1558 : i32 to vector<16xi32>
      %select_n3A_1563 = arith.select %eq3A_1561, %broadcast_in_dim3A_1562, %select_n3A_1555 : vector<16xi1>, vector<16xi32>
      %slice3A_1564 = vector.extract_strided_slice %scan3A_1444 {offsets = [8], sizes = [1], strides = [1]} : vector<16xi32> to vector<1xi32>
      %squeeze3A_1565 = vector.extract %slice3A_1564[0] : i32 from vector<1xi32>
      %add3A_1566 = arith.addi %add3A_1558, %squeeze3A_1565 : i32
      %eq3A_1567 = arith.constant 9 : i32
      %eq3A_1568 = vector.broadcast %eq3A_1567 : i32 to vector<16xi32>
      %eq3A_1569 = arith.cmpi eq, %iota3A_1439, %eq3A_1568 : vector<16xi32>
      %broadcast_in_dim3A_1570 = vector.broadcast %add3A_1566 : i32 to vector<16xi32>
      %select_n3A_1571 = arith.select %eq3A_1569, %broadcast_in_dim3A_1570, %select_n3A_1563 : vector<16xi1>, vector<16xi32>
      %slice3A_1572 = vector.extract_strided_slice %scan3A_1444 {offsets = [9], sizes = [1], strides = [1]} : vector<16xi32> to vector<1xi32>
      %squeeze3A_1573 = vector.extract %slice3A_1572[0] : i32 from vector<1xi32>
      %add3A_1574 = arith.addi %add3A_1566, %squeeze3A_1573 : i32
      %eq3A_1575 = arith.constant 10 : i32
      %eq3A_1576 = vector.broadcast %eq3A_1575 : i32 to vector<16xi32>
      %eq3A_1577 = arith.cmpi eq, %iota3A_1439, %eq3A_1576 : vector<16xi32>
      %broadcast_in_dim3A_1578 = vector.broadcast %add3A_1574 : i32 to vector<16xi32>
      %select_n3A_1579 = arith.select %eq3A_1577, %broadcast_in_dim3A_1578, %select_n3A_1571 : vector<16xi1>, vector<16xi32>
      %slice3A_1580 = vector.extract_strided_slice %scan3A_1444 {offsets = [10], sizes = [1], strides = [1]} : vector<16xi32> to vector<1xi32>
      %squeeze3A_1581 = vector.extract %slice3A_1580[0] : i32 from vector<1xi32>
      %add3A_1582 = arith.addi %add3A_1574, %squeeze3A_1581 : i32
      %eq3A_1583 = arith.constant 11 : i32
      %eq3A_1584 = vector.broadcast %eq3A_1583 : i32 to vector<16xi32>
      %eq3A_1585 = arith.cmpi eq, %iota3A_1439, %eq3A_1584 : vector<16xi32>
      %broadcast_in_dim3A_1586 = vector.broadcast %add3A_1582 : i32 to vector<16xi32>
      %select_n3A_1587 = arith.select %eq3A_1585, %broadcast_in_dim3A_1586, %select_n3A_1579 : vector<16xi1>, vector<16xi32>
      %slice3A_1588 = vector.extract_strided_slice %scan3A_1444 {offsets = [11], sizes = [1], strides = [1]} : vector<16xi32> to vector<1xi32>
      %squeeze3A_1589 = vector.extract %slice3A_1588[0] : i32 from vector<1xi32>
      %add3A_1590 = arith.addi %add3A_1582, %squeeze3A_1589 : i32
      %eq3A_1591 = arith.constant 12 : i32
      %eq3A_1592 = vector.broadcast %eq3A_1591 : i32 to vector<16xi32>
      %eq3A_1593 = arith.cmpi eq, %iota3A_1439, %eq3A_1592 : vector<16xi32>
      %broadcast_in_dim3A_1594 = vector.broadcast %add3A_1590 : i32 to vector<16xi32>
      %select_n3A_1595 = arith.select %eq3A_1593, %broadcast_in_dim3A_1594, %select_n3A_1587 : vector<16xi1>, vector<16xi32>
      %slice3A_1596 = vector.extract_strided_slice %scan3A_1444 {offsets = [12], sizes = [1], strides = [1]} : vector<16xi32> to vector<1xi32>
      %squeeze3A_1597 = vector.extract %slice3A_1596[0] : i32 from vector<1xi32>
      %add3A_1598 = arith.addi %add3A_1590, %squeeze3A_1597 : i32
      %eq3A_1599 = arith.constant 13 : i32
      %eq3A_1600 = vector.broadcast %eq3A_1599 : i32 to vector<16xi32>
      %eq3A_1601 = arith.cmpi eq, %iota3A_1439, %eq3A_1600 : vector<16xi32>
      %broadcast_in_dim3A_1602 = vector.broadcast %add3A_1598 : i32 to vector<16xi32>
      %select_n3A_1603 = arith.select %eq3A_1601, %broadcast_in_dim3A_1602, %select_n3A_1595 : vector<16xi1>, vector<16xi32>
      %slice3A_1604 = vector.extract_strided_slice %scan3A_1444 {offsets = [13], sizes = [1], strides = [1]} : vector<16xi32> to vector<1xi32>
      %squeeze3A_1605 = vector.extract %slice3A_1604[0] : i32 from vector<1xi32>
      %add3A_1606 = arith.addi %add3A_1598, %squeeze3A_1605 : i32
      %eq3A_1607 = arith.constant 14 : i32
      %eq3A_1608 = vector.broadcast %eq3A_1607 : i32 to vector<16xi32>
      %eq3A_1609 = arith.cmpi eq, %iota3A_1439, %eq3A_1608 : vector<16xi32>
      %broadcast_in_dim3A_1610 = vector.broadcast %add3A_1606 : i32 to vector<16xi32>
      %select_n3A_1611 = arith.select %eq3A_1609, %broadcast_in_dim3A_1610, %select_n3A_1603 : vector<16xi1>, vector<16xi32>
      %slice3A_1612 = vector.extract_strided_slice %scan3A_1444 {offsets = [14], sizes = [1], strides = [1]} : vector<16xi32> to vector<1xi32>
      %squeeze3A_1613 = vector.extract %slice3A_1612[0] : i32 from vector<1xi32>
      %add3A_1614 = arith.addi %add3A_1606, %squeeze3A_1613 : i32
      %eq3A_1615 = arith.constant 15 : i32
      %eq3A_1616 = vector.broadcast %eq3A_1615 : i32 to vector<16xi32>
      %eq3A_1617 = arith.cmpi eq, %iota3A_1439, %eq3A_1616 : vector<16xi32>
      %broadcast_in_dim3A_1618 = vector.broadcast %add3A_1614 : i32 to vector<16xi32>
      %select_n3A_1619 = arith.select %eq3A_1617, %broadcast_in_dim3A_1618, %select_n3A_1611 : vector<16xi1>, vector<16xi32>
      %slice3A_1620 = vector.extract_strided_slice %scan3A_1444 {offsets = [15], sizes = [1], strides = [1]} : vector<16xi32> to vector<1xi32>
      %squeeze3A_1621 = vector.extract %slice3A_1620[0] : i32 from vector<1xi32>
      %add3A_1622 = arith.addi %add3A_1614, %squeeze3A_1621 : i32
      %sub3A_1623 = arith.subi %squeeze3A, %sub3A_477 : i32
      %sub3A_1624 = arith.subi %sub3A_1623, %sub3A_1100 : i32
      %broadcast_in_dim3A_1625 = arith.constant 0 : i32
      %broadcast_in_dim3A_1626 = vector.broadcast %broadcast_in_dim3A_1625 : i32 to vector<16xi32>
      %sub3A_1627 = arith.subi %add3A_1492, %sub3A_1624 : i32
      %scan3A_1628 = arith.constant 0 : i32
      %scan3A_1629 = arith.constant 16 : i32
      %scan3A_1630 = arith.addi %scan3A_1628, %scan3A_1629 : i32
      %scan3A_1631 = arith.constant 1 : i32
      %scan3A_1632:3 = scf.for %scan3A_1749 = %scan3A_1628 to %scan3A_1630 step %scan3A_1631 iter_args(%scan3A_1750 = %broadcast_in_dim3A_1626, %scan3A_1751 = %broadcast_in_dim3A_1626, %scan3A_1752 = %broadcast_in_dim3A_1626) -> (vector<16xi32>, vector<16xi32>, vector<16xi32>)  : i32 {
        %mul3A_1753 = arith.constant 2 : i32
        %mul3A_1754 = arith.muli %scan3A_1749, %mul3A_1753 : i32
        %add3A_1755 = arith.constant 0 : i32
        %add3A_1756 = arith.addi %mul3A_1754, %add3A_1755 : i32
        %mul3A_1757 = arith.constant 16 : i32
        %mul3A_1758 = arith.muli %add3A_1756, %mul3A_1757 : i32
        %add3A_1759 = arith.addi %select_n3A_1141, %mul3A_1758 : i32
        %get3A_1760 = arith.index_cast %add3A_1759 : i32 to index
        %get3A_1761 = tpu.vector_load %arg9[%get3A_1760] {strides = array<i32>} : memref<4096xi32, #tpu.memory_space<vmem>>, vector<16xi32>,
        %add3A_1762 = arith.addi %select_n3A_1619, %scan3A_1750 : vector<16xi32>
        %le3A = vector.broadcast %sub3A_1627 : i32 to vector<16xi32>
        %le3A_1763 = arith.cmpi sle, %add3A_1762, %le3A : vector<16xi32>
        %jit3A_1764 = arith.constant 1 : i32
        %jit3A_1765 = arith.constant 0 : i32
        %broadcast_in_dim3A_1766 = vector.broadcast %jit3A_1764 : i32 to vector<16xi32>
        %broadcast_in_dim3A_1767 = vector.broadcast %jit3A_1765 : i32 to vector<16xi32>
        %select_n3A_1768 = arith.select %le3A_1763, %broadcast_in_dim3A_1766, %broadcast_in_dim3A_1767 : vector<16xi1>, vector<16xi32>
        %add3A_1769 = arith.addi %scan3A_1751, %select_n3A_1768 : vector<16xi32>
        %jit3A_1770 = arith.constant 0 : i32
        %broadcast_in_dim3A_1771 = vector.broadcast %jit3A_1770 : i32 to vector<16xi32>
        %select_n3A_1772 = arith.select %le3A_1763, %get3A_1761, %broadcast_in_dim3A_1771 : vector<16xi1>, vector<16xi32>
        %add3A_1773 = arith.addi %scan3A_1752, %select_n3A_1772 : vector<16xi32>
        %add3A_1774 = arith.addi %scan3A_1750, %get3A_1761 : vector<16xi32>
        %mul3A_1775 = arith.constant 2 : i32
        %mul3A_1776 = arith.muli %scan3A_1749, %mul3A_1775 : i32
        %add3A_1777 = arith.constant 1 : i32
        %add3A_1778 = arith.addi %mul3A_1776, %add3A_1777 : i32
        %mul3A_1779 = arith.constant 16 : i32
        %mul3A_1780 = arith.muli %add3A_1778, %mul3A_1779 : i32
        %add3A_1781 = arith.addi %select_n3A_1141, %mul3A_1780 : i32
        %get3A_1782 = arith.index_cast %add3A_1781 : i32 to index
        %get3A_1783 = tpu.vector_load %arg9[%get3A_1782] {strides = array<i32>} : memref<4096xi32, #tpu.memory_space<vmem>>, vector<16xi32>,
        %add3A_1784 = arith.addi %select_n3A_1619, %add3A_1774 : vector<16xi32>
        %le3A_1785 = vector.broadcast %sub3A_1627 : i32 to vector<16xi32>
        %le3A_1786 = arith.cmpi sle, %add3A_1784, %le3A_1785 : vector<16xi32>
        %jit3A_1787 = arith.constant 1 : i32
        %jit3A_1788 = arith.constant 0 : i32
        %broadcast_in_dim3A_1789 = vector.broadcast %jit3A_1787 : i32 to vector<16xi32>
        %broadcast_in_dim3A_1790 = vector.broadcast %jit3A_1788 : i32 to vector<16xi32>
        %select_n3A_1791 = arith.select %le3A_1786, %broadcast_in_dim3A_1789, %broadcast_in_dim3A_1790 : vector<16xi1>, vector<16xi32>
        %add3A_1792 = arith.addi %add3A_1769, %select_n3A_1791 : vector<16xi32>
        %jit3A_1793 = arith.constant 0 : i32
        %broadcast_in_dim3A_1794 = vector.broadcast %jit3A_1793 : i32 to vector<16xi32>
        %select_n3A_1795 = arith.select %le3A_1786, %get3A_1783, %broadcast_in_dim3A_1794 : vector<16xi1>, vector<16xi32>
        %add3A_1796 = arith.addi %add3A_1773, %select_n3A_1795 : vector<16xi32>
        %add3A_1797 = arith.addi %add3A_1774, %get3A_1783 : vector<16xi32>
        scf.yield %add3A_1797, %add3A_1792, %add3A_1796 : vector<16xi32>, vector<16xi32>, vector<16xi32>
      }
      %scan3A_1633 = arith.constant 16 : i32
      %slice3A_1634 = vector.extract_strided_slice %scan3A_1632#1 {offsets = [0], sizes = [1], strides = [1]} : vector<16xi32> to vector<1xi32>
      %squeeze3A_1635 = vector.extract %slice3A_1634[0] : i32 from vector<1xi32>
      %slice3A_1636 = vector.extract_strided_slice %scan3A_1632#1 {offsets = [1], sizes = [1], strides = [1]} : vector<16xi32> to vector<1xi32>
      %squeeze3A_1637 = vector.extract %slice3A_1636[0] : i32 from vector<1xi32>
      %add3A_1638 = arith.addi %squeeze3A_1635, %squeeze3A_1637 : i32
      %slice3A_1639 = vector.extract_strided_slice %scan3A_1632#1 {offsets = [2], sizes = [1], strides = [1]} : vector<16xi32> to vector<1xi32>
      %squeeze3A_1640 = vector.extract %slice3A_1639[0] : i32 from vector<1xi32>
      %add3A_1641 = arith.addi %add3A_1638, %squeeze3A_1640 : i32
      %slice3A_1642 = vector.extract_strided_slice %scan3A_1632#1 {offsets = [3], sizes = [1], strides = [1]} : vector<16xi32> to vector<1xi32>
      %squeeze3A_1643 = vector.extract %slice3A_1642[0] : i32 from vector<1xi32>
      %add3A_1644 = arith.addi %add3A_1641, %squeeze3A_1643 : i32
      %slice3A_1645 = vector.extract_strided_slice %scan3A_1632#1 {offsets = [4], sizes = [1], strides = [1]} : vector<16xi32> to vector<1xi32>
      %squeeze3A_1646 = vector.extract %slice3A_1645[0] : i32 from vector<1xi32>
      %add3A_1647 = arith.addi %add3A_1644, %squeeze3A_1646 : i32
      %slice3A_1648 = vector.extract_strided_slice %scan3A_1632#1 {offsets = [5], sizes = [1], strides = [1]} : vector<16xi32> to vector<1xi32>
      %squeeze3A_1649 = vector.extract %slice3A_1648[0] : i32 from vector<1xi32>
      %add3A_1650 = arith.addi %add3A_1647, %squeeze3A_1649 : i32
      %slice3A_1651 = vector.extract_strided_slice %scan3A_1632#1 {offsets = [6], sizes = [1], strides = [1]} : vector<16xi32> to vector<1xi32>
      %squeeze3A_1652 = vector.extract %slice3A_1651[0] : i32 from vector<1xi32>
      %add3A_1653 = arith.addi %add3A_1650, %squeeze3A_1652 : i32
      %slice3A_1654 = vector.extract_strided_slice %scan3A_1632#1 {offsets = [7], sizes = [1], strides = [1]} : vector<16xi32> to vector<1xi32>
      %squeeze3A_1655 = vector.extract %slice3A_1654[0] : i32 from vector<1xi32>
      %add3A_1656 = arith.addi %add3A_1653, %squeeze3A_1655 : i32
      %slice3A_1657 = vector.extract_strided_slice %scan3A_1632#1 {offsets = [8], sizes = [1], strides = [1]} : vector<16xi32> to vector<1xi32>
      %squeeze3A_1658 = vector.extract %slice3A_1657[0] : i32 from vector<1xi32>
      %add3A_1659 = arith.addi %add3A_1656, %squeeze3A_1658 : i32
      %slice3A_1660 = vector.extract_strided_slice %scan3A_1632#1 {offsets = [9], sizes = [1], strides = [1]} : vector<16xi32> to vector<1xi32>
      %squeeze3A_1661 = vector.extract %slice3A_1660[0] : i32 from vector<1xi32>
      %add3A_1662 = arith.addi %add3A_1659, %squeeze3A_1661 : i32
      %slice3A_1663 = vector.extract_strided_slice %scan3A_1632#1 {offsets = [10], sizes = [1], strides = [1]} : vector<16xi32> to vector<1xi32>
      %squeeze3A_1664 = vector.extract %slice3A_1663[0] : i32 from vector<1xi32>
      %add3A_1665 = arith.addi %add3A_1662, %squeeze3A_1664 : i32
      %slice3A_1666 = vector.extract_strided_slice %scan3A_1632#1 {offsets = [11], sizes = [1], strides = [1]} : vector<16xi32> to vector<1xi32>
      %squeeze3A_1667 = vector.extract %slice3A_1666[0] : i32 from vector<1xi32>
      %add3A_1668 = arith.addi %add3A_1665, %squeeze3A_1667 : i32
      %slice3A_1669 = vector.extract_strided_slice %scan3A_1632#1 {offsets = [12], sizes = [1], strides = [1]} : vector<16xi32> to vector<1xi32>
      %squeeze3A_1670 = vector.extract %slice3A_1669[0] : i32 from vector<1xi32>
      %add3A_1671 = arith.addi %add3A_1668, %squeeze3A_1670 : i32
      %slice3A_1672 = vector.extract_strided_slice %scan3A_1632#1 {offsets = [13], sizes = [1], strides = [1]} : vector<16xi32> to vector<1xi32>
      %squeeze3A_1673 = vector.extract %slice3A_1672[0] : i32 from vector<1xi32>
      %add3A_1674 = arith.addi %add3A_1671, %squeeze3A_1673 : i32
      %slice3A_1675 = vector.extract_strided_slice %scan3A_1632#1 {offsets = [14], sizes = [1], strides = [1]} : vector<16xi32> to vector<1xi32>
      %squeeze3A_1676 = vector.extract %slice3A_1675[0] : i32 from vector<1xi32>
      %add3A_1677 = arith.addi %add3A_1674, %squeeze3A_1676 : i32
      %slice3A_1678 = vector.extract_strided_slice %scan3A_1632#1 {offsets = [15], sizes = [1], strides = [1]} : vector<16xi32> to vector<1xi32>
      %squeeze3A_1679 = vector.extract %slice3A_1678[0] : i32 from vector<1xi32>
      %add3A_1680 = arith.addi %add3A_1677, %squeeze3A_1679 : i32
      %sub3A_1681 = arith.constant 1 : i32
      %sub3A_1682 = arith.subi %add3A_1680, %sub3A_1681 : i32
      %slice3A_1683 = vector.extract_strided_slice %scan3A_1632#2 {offsets = [0], sizes = [1], strides = [1]} : vector<16xi32> to vector<1xi32>
      %squeeze3A_1684 = vector.extract %slice3A_1683[0] : i32 from vector<1xi32>
      %slice3A_1685 = vector.extract_strided_slice %scan3A_1632#2 {offsets = [1], sizes = [1], strides = [1]} : vector<16xi32> to vector<1xi32>
      %squeeze3A_1686 = vector.extract %slice3A_1685[0] : i32 from vector<1xi32>
      %add3A_1687 = arith.addi %squeeze3A_1684, %squeeze3A_1686 : i32
      %slice3A_1688 = vector.extract_strided_slice %scan3A_1632#2 {offsets = [2], sizes = [1], strides = [1]} : vector<16xi32> to vector<1xi32>
      %squeeze3A_1689 = vector.extract %slice3A_1688[0] : i32 from vector<1xi32>
      %add3A_1690 = arith.addi %add3A_1687, %squeeze3A_1689 : i32
      %slice3A_1691 = vector.extract_strided_slice %scan3A_1632#2 {offsets = [3], sizes = [1], strides = [1]} : vector<16xi32> to vector<1xi32>
      %squeeze3A_1692 = vector.extract %slice3A_1691[0] : i32 from vector<1xi32>
      %add3A_1693 = arith.addi %add3A_1690, %squeeze3A_1692 : i32
      %slice3A_1694 = vector.extract_strided_slice %scan3A_1632#2 {offsets = [4], sizes = [1], strides = [1]} : vector<16xi32> to vector<1xi32>
      %squeeze3A_1695 = vector.extract %slice3A_1694[0] : i32 from vector<1xi32>
      %add3A_1696 = arith.addi %add3A_1693, %squeeze3A_1695 : i32
      %slice3A_1697 = vector.extract_strided_slice %scan3A_1632#2 {offsets = [5], sizes = [1], strides = [1]} : vector<16xi32> to vector<1xi32>
      %squeeze3A_1698 = vector.extract %slice3A_1697[0] : i32 from vector<1xi32>
      %add3A_1699 = arith.addi %add3A_1696, %squeeze3A_1698 : i32
      %slice3A_1700 = vector.extract_strided_slice %scan3A_1632#2 {offsets = [6], sizes = [1], strides = [1]} : vector<16xi32> to vector<1xi32>
      %squeeze3A_1701 = vector.extract %slice3A_1700[0] : i32 from vector<1xi32>
      %add3A_1702 = arith.addi %add3A_1699, %squeeze3A_1701 : i32
      %slice3A_1703 = vector.extract_strided_slice %scan3A_1632#2 {offsets = [7], sizes = [1], strides = [1]} : vector<16xi32> to vector<1xi32>
      %squeeze3A_1704 = vector.extract %slice3A_1703[0] : i32 from vector<1xi32>
      %add3A_1705 = arith.addi %add3A_1702, %squeeze3A_1704 : i32
      %slice3A_1706 = vector.extract_strided_slice %scan3A_1632#2 {offsets = [8], sizes = [1], strides = [1]} : vector<16xi32> to vector<1xi32>
      %squeeze3A_1707 = vector.extract %slice3A_1706[0] : i32 from vector<1xi32>
      %add3A_1708 = arith.addi %add3A_1705, %squeeze3A_1707 : i32
      %slice3A_1709 = vector.extract_strided_slice %scan3A_1632#2 {offsets = [9], sizes = [1], strides = [1]} : vector<16xi32> to vector<1xi32>
      %squeeze3A_1710 = vector.extract %slice3A_1709[0] : i32 from vector<1xi32>
      %add3A_1711 = arith.addi %add3A_1708, %squeeze3A_1710 : i32
      %slice3A_1712 = vector.extract_strided_slice %scan3A_1632#2 {offsets = [10], sizes = [1], strides = [1]} : vector<16xi32> to vector<1xi32>
      %squeeze3A_1713 = vector.extract %slice3A_1712[0] : i32 from vector<1xi32>
      %add3A_1714 = arith.addi %add3A_1711, %squeeze3A_1713 : i32
      %slice3A_1715 = vector.extract_strided_slice %scan3A_1632#2 {offsets = [11], sizes = [1], strides = [1]} : vector<16xi32> to vector<1xi32>
      %squeeze3A_1716 = vector.extract %slice3A_1715[0] : i32 from vector<1xi32>
      %add3A_1717 = arith.addi %add3A_1714, %squeeze3A_1716 : i32
      %slice3A_1718 = vector.extract_strided_slice %scan3A_1632#2 {offsets = [12], sizes = [1], strides = [1]} : vector<16xi32> to vector<1xi32>
      %squeeze3A_1719 = vector.extract %slice3A_1718[0] : i32 from vector<1xi32>
      %add3A_1720 = arith.addi %add3A_1717, %squeeze3A_1719 : i32
      %slice3A_1721 = vector.extract_strided_slice %scan3A_1632#2 {offsets = [13], sizes = [1], strides = [1]} : vector<16xi32> to vector<1xi32>
      %squeeze3A_1722 = vector.extract %slice3A_1721[0] : i32 from vector<1xi32>
      %add3A_1723 = arith.addi %add3A_1720, %squeeze3A_1722 : i32
      %slice3A_1724 = vector.extract_strided_slice %scan3A_1632#2 {offsets = [14], sizes = [1], strides = [1]} : vector<16xi32> to vector<1xi32>
      %squeeze3A_1725 = vector.extract %slice3A_1724[0] : i32 from vector<1xi32>
      %add3A_1726 = arith.addi %add3A_1723, %squeeze3A_1725 : i32
      %slice3A_1727 = vector.extract_strided_slice %scan3A_1632#2 {offsets = [15], sizes = [1], strides = [1]} : vector<16xi32> to vector<1xi32>
      %squeeze3A_1728 = vector.extract %slice3A_1727[0] : i32 from vector<1xi32>
      %add3A_1729 = arith.addi %add3A_1726, %squeeze3A_1728 : i32
      %sub3A_1730 = arith.subi %add3A_1492, %add3A_1729 : i32
      %shift_left3A_1731 = arith.constant 20 : i32
      %shift_left3A_1732 = arith.shli %sub3A_323, %shift_left3A_1731 : i32
      %shift_left3A_1733 = arith.constant 9 : i32
      %shift_left3A_1734 = arith.shli %sub3A_759, %shift_left3A_1733 : i32
      %or3A_1735 = arith.ori %shift_left3A_1732, %shift_left3A_1734 : i32
      %or3A_1736 = arith.ori %or3A_1735, %sub3A_1388 : i32
      %shift_left3A_1737 = arith.constant 20 : i32
      %shift_left3A_1738 = arith.shli %sub3A_429, %shift_left3A_1737 : i32
      %shift_left3A_1739 = arith.constant 9 : i32
      %shift_left3A_1740 = arith.shli %sub3A_1052, %shift_left3A_1739 : i32
      %or3A_1741 = arith.ori %shift_left3A_1738, %shift_left3A_1740 : i32
      %or3A_1742 = arith.ori %or3A_1741, %sub3A_1682 : i32
      %eq3A_1743 = arith.constant 0 : i32
      %eq3A_1744 = arith.cmpi eq, %select_n3A_28, %eq3A_1743 : i32
      %convert_element_type3A_1745 = arith.extui %eq3A_1744 : i1 to i32
      %cond3A_1746 = arith.constant 0 : i32
      %cond3A_1747 = arith.cmpi ne, %convert_element_type3A_1745, %cond3A_1746 : i32
      scf.if %cond3A_1747 {
        %iota3A_1749 = tpu.iota {dimensions = array<i32: 0>} : vector<16xi32>
        %eq3A_1750 = arith.constant 0 : i32
        %eq3A_1751 = vector.broadcast %eq3A_1750 : i32 to vector<16xi32>
        %eq3A_1752 = arith.cmpi eq, %iota3A_1749, %eq3A_1751 : vector<16xi32>
        %eq3A_1753 = arith.constant 1 : i32
        %eq3A_1754 = vector.broadcast %eq3A_1753 : i32 to vector<16xi32>
        %eq3A_1755 = arith.cmpi eq, %iota3A_1749, %eq3A_1754 : vector<16xi32>
        %jit3A_1756 = arith.constant 0 : i32
        %broadcast_in_dim3A_1757 = vector.broadcast %or3A_1742 : i32 to vector<16xi32>
        %broadcast_in_dim3A_1758 = vector.broadcast %jit3A_1756 : i32 to vector<16xi32>
        %select_n3A_1759 = arith.select %eq3A_1755, %broadcast_in_dim3A_1757, %broadcast_in_dim3A_1758 : vector<16xi1>, vector<16xi32>
        %broadcast_in_dim3A_1760 = vector.broadcast %or3A_1736 : i32 to vector<16xi32>
        %select_n3A_1761 = arith.select %eq3A_1752, %broadcast_in_dim3A_1760, %select_n3A_1759 : vector<16xi1>, vector<16xi32>
        %swap3A = arith.constant 0 : index
        %swap3A_1762 = tpu.vector_load %arg7[%swap3A] {strides = array<i32>} : memref<16xi32, #tpu.memory_space<vmem>>, vector<16xi32>,
        tpu.vector_store %arg7[%swap3A], %select_n3A_1761 {strides = array<i32>} : memref<16xi32, #tpu.memory_space<vmem>>, vector<16xi32>,
        "tpu.region"() ({
          %run_scoped3A = tpu.sem_alloc : memref<!tpu.dma_semaphore, #tpu.memory_space<semaphore_mem>>
          %dma_start3A = arith.constant 0 : i32
          %dma_start3A_1763 = tpu.memref_slice %arg5[%add3A_41, %dma_start3A] : memref<24x16xi32, #tpu.memory_space<hbm>> -> memref<1x16xi32, #tpu.memory_space<hbm>>
          %dma_start3A_1764 = tpu.memref_squeeze %dma_start3A_1763 : memref<1x16xi32, #tpu.memory_space<hbm>> -> memref<16xi32, #tpu.memory_space<hbm>>
          %dma_start3A_1765 = arith.constant 0 : i32
          %dma_start3A_1766 = tpu.memref_slice %arg5[%add3A_41, %dma_start3A_1765] : memref<24x16xi32, #tpu.memory_space<hbm>> -> memref<1x16xi32, #tpu.memory_space<hbm>>
          %dma_start3A_1767 = tpu.memref_squeeze %dma_start3A_1766 : memref<1x16xi32, #tpu.memory_space<hbm>> -> memref<16xi32, #tpu.memory_space<hbm>>
          tpu.enqueue_dma source(%arg7 : memref<16xi32, #tpu.memory_space<vmem>>) target(%dma_start3A_1767 : memref<16xi32, #tpu.memory_space<hbm>>) target_semaphore(%run_scoped3A : memref<!tpu.dma_semaphore, #tpu.memory_space<semaphore_mem>>)
          %dma_wait3A = arith.constant 0 : i32
          %dma_wait3A_1768 = tpu.memref_slice %arg5[%add3A_41, %dma_wait3A] : memref<24x16xi32, #tpu.memory_space<hbm>> -> memref<1x16xi32, #tpu.memory_space<hbm>>
          %dma_wait3A_1769 = tpu.memref_squeeze %dma_wait3A_1768 : memref<1x16xi32, #tpu.memory_space<hbm>> -> memref<16xi32, #tpu.memory_space<hbm>>
          %dma_wait3A_1770 = arith.constant 0 : i32
          %dma_wait3A_1771 = tpu.memref_slice %arg5[%add3A_41, %dma_wait3A_1770] : memref<24x16xi32, #tpu.memory_space<hbm>> -> memref<1x16xi32, #tpu.memory_space<hbm>>
          %dma_wait3A_1772 = tpu.memref_squeeze %dma_wait3A_1771 : memref<1x16xi32, #tpu.memory_space<hbm>> -> memref<16xi32, #tpu.memory_space<hbm>>
          tpu.wait_dma2 semaphore(%run_scoped3A : memref<!tpu.dma_semaphore, #tpu.memory_space<semaphore_mem>>) src(%arg7 : memref<16xi32, #tpu.memory_space<vmem>>) dst(%dma_wait3A_1772 : memref<16xi32, #tpu.memory_space<hbm>>)
          tpu.yield
        }) : () -> ()
      } else {
      }
      %scan3A_1748 = arith.constant 0 : i32
      scf.yield %scan3A_1748 : i32
    }
    %scan3A_34 = arith.constant 6 : i32
    return
  }
}

module attributes {stable_mosaic.version = 14 : i64} {
  func.func @_prep_body(%arg0: i32, %arg1: memref<1x1x512x512xf32, #tpu.memory_space<vmem>>, %arg2: memref<1x512x512xi32, #tpu.memory_space<vmem>>, %arg3: memref<1x512x512xi32, #tpu.memory_space<vmem>>, %arg4: memref<1x512x512xi32, #tpu.memory_space<vmem>>, %arg5: memref<3x12xf32, #tpu.memory_space<smem>>, %arg6: memref<2x12xi32, #tpu.memory_space<smem>>) attributes {dimension_semantics = [#tpu.dimension_semantics<arbitrary>], iteration_bounds = array<i64: 12>, scalar_prefetch = 0 : i64, scratch_operands = 0 : i64, tpu.core_type = #tpu.core_type<tc>, window_params = [{transform_indices = @transform_0, window_bounds = array<i64: 1, 1, 512, 512>}, {transform_indices = @transform_1, window_bounds = array<i64: 1, 512, 512>}, {transform_indices = @transform_2, window_bounds = array<i64: 1, 512, 512>}, {transform_indices = @transform_3, window_bounds = array<i64: 1, 512, 512>}, {transform_indices = @transform_4, window_bounds = array<i64: 3, 12>}, {transform_indices = @transform_5, window_bounds = array<i64: 2, 12>}]} {
    %jit3A = arith.constant 3 : i32
    %eq3A = arith.constant 0 : i32
    %eq3A_0 = arith.cmpi eq, %jit3A, %eq3A : i32
    %jit3A_1 = arith.constant 1 : i32
    %select_n3A = arith.select %eq3A_0, %jit3A_1, %jit3A : i32
    %rem3A = arith.remsi %arg0, %select_n3A : i32
    %ne3A = arith.constant 0 : i32
    %ne3A_2 = arith.cmpi ne, %rem3A, %ne3A : i32
    %lt3A = arith.constant 0 : i32
    %lt3A_3 = arith.cmpi slt, %rem3A, %lt3A : i32
    %lt3A_4 = arith.constant 0 : i32
    %lt3A_5 = arith.cmpi slt, %select_n3A, %lt3A_4 : i32
    %ne3A_6 = arith.xori %lt3A_3, %lt3A_5 : i1
    %and3A = arith.andi %ne3A_6, %ne3A_2 : i1
    %add3A = arith.addi %rem3A, %select_n3A : i32
    %select_n3A_7 = arith.select %and3A, %add3A, %rem3A : i32
    %add3A_8 = arith.constant 1 : i32
    %add3A_9 = arith.addi %select_n3A_7, %add3A_8 : i32
    %get3A = arith.constant 0 : index
    %get3A_10 = arith.constant 0 : index
    %get3A_11 = arith.constant 0 : index
    %get3A_12 = arith.constant 0 : index
    %get3A_13 = vector.load %arg1[%get3A, %get3A_10, %get3A_11, %get3A_12] : memref<1x1x512x512xf32, #tpu.memory_space<vmem>>, vector<1x1x512x512xf32>
    %get3A_14 = vector.shape_cast %get3A_13 : vector<1x1x512x512xf32> to vector<512x512xf32>
    %reduce_min3A = vector.shape_cast %get3A_14 : vector<512x512xf32> to vector<1x512x512xf32>
    %reduce_min3A_15 = arith.constant dense<0x7F800000> : vector<1xf32>
    %reduce_min3A_16 = vector.multi_reduction <minimumf>, %reduce_min3A, %reduce_min3A_15 [1, 2] : vector<1x512x512xf32> to vector<1xf32>
    %reduce_min3A_17 = vector.shape_cast %reduce_min3A_16 : vector<1xf32> to vector<1x1x1xf32>
    %reduce_min3A_18 = vector.extract %reduce_min3A_17[0, 0, 0] : f32 from vector<1x1x1xf32>
    %sub3A = vector.broadcast %reduce_min3A_18 : f32 to vector<512x512xf32>
    %sub3A_19 = arith.subf %get3A_14, %sub3A : vector<512x512xf32>
    %bitcast_convert_type3A = tpu.bitcast %sub3A_19 : vector<512x512xf32> -> vector<512x512xi32>
    %swap3A = arith.constant 0 : index
    %swap3A_20 = arith.constant 0 : index
    %swap3A_21 = arith.constant 0 : index
    %swap3A_22 = vector.load %arg3[%swap3A, %swap3A_20, %swap3A_21] : memref<1x512x512xi32, #tpu.memory_space<vmem>>, vector<1x512x512xi32>
    %swap3A_23 = vector.shape_cast %swap3A_22 : vector<1x512x512xi32> to vector<512x512xi32>
    %swap3A_24 = vector.shape_cast %bitcast_convert_type3A : vector<512x512xi32> to vector<1x512x512xi32>
    tpu.vector_store %arg3[%swap3A, %swap3A_20, %swap3A_21], %swap3A_24 {strides = array<i32>} : memref<1x512x512xi32, #tpu.memory_space<vmem>>, vector<1x512x512xi32>,
    %roll3A = arith.constant 1 : i32
    %roll3A_25 = tpu.dynamic_rotate %get3A_14 by %roll3A dim 0 : vector<512x512xf32>, i32 -> vector<512x512xf32>
    %roll3A_26 = arith.constant 511 : i32
    %roll3A_27 = tpu.dynamic_rotate %get3A_14 by %roll3A_26 dim 0 : vector<512x512xf32>, i32 -> vector<512x512xf32>
    %roll3A_28 = arith.constant 1 : i32
    %roll3A_29 = tpu.dynamic_rotate %get3A_14 by %roll3A_28 dim 1 : vector<512x512xf32>, i32 -> vector<512x512xf32>
    %roll3A_30 = arith.constant 511 : i32
    %roll3A_31 = tpu.dynamic_rotate %get3A_14 by %roll3A_30 dim 1 : vector<512x512xf32>, i32 -> vector<512x512xf32>
    %min3A = arith.minimumf %roll3A_25, %roll3A_27 : vector<512x512xf32>
    %min3A_32 = arith.minimumf %roll3A_29, %roll3A_31 : vector<512x512xf32>
    %min3A_33 = arith.minimumf %min3A, %min3A_32 : vector<512x512xf32>
    %sub3A_34 = arith.subf %get3A_14, %min3A_33 : vector<512x512xf32>
    %max3A = arith.constant 0.000000e+00 : f32
    %max3A_35 = vector.broadcast %max3A : f32 to vector<512x512xf32>
    %max3A_36 = arith.maximumf %sub3A_34, %max3A_35 : vector<512x512xf32>
    %bitcast_convert_type3A_37 = tpu.bitcast %max3A_36 : vector<512x512xf32> -> vector<512x512xi32>
    %swap3A_38 = arith.constant 0 : index
    %swap3A_39 = arith.constant 0 : index
    %swap3A_40 = arith.constant 0 : index
    %swap3A_41 = vector.load %arg4[%swap3A_38, %swap3A_39, %swap3A_40] : memref<1x512x512xi32, #tpu.memory_space<vmem>>, vector<1x512x512xi32>
    %swap3A_42 = vector.shape_cast %swap3A_41 : vector<1x512x512xi32> to vector<512x512xi32>
    %swap3A_43 = vector.shape_cast %bitcast_convert_type3A_37 : vector<512x512xi32> to vector<1x512x512xi32>
    tpu.vector_store %arg4[%swap3A_38, %swap3A_39, %swap3A_40], %swap3A_43 {strides = array<i32>} : memref<1x512x512xi32, #tpu.memory_space<vmem>>, vector<1x512x512xi32>,
    %reduce_max3A = vector.shape_cast %get3A_14 : vector<512x512xf32> to vector<1x512x512xf32>
    %reduce_max3A_44 = arith.constant dense<0xFF800000> : vector<1xf32>
    %reduce_max3A_45 = vector.multi_reduction <maximumf>, %reduce_max3A, %reduce_max3A_44 [1, 2] : vector<1x512x512xf32> to vector<1xf32>
    %reduce_max3A_46 = vector.shape_cast %reduce_max3A_45 : vector<1xf32> to vector<1x1x1xf32>
    %reduce_max3A_47 = vector.extract %reduce_max3A_46[0, 0, 0] : f32 from vector<1x1x1xf32>
    %sub3A_48 = arith.subf %reduce_max3A_47, %reduce_min3A_18 : f32
    %swap3A_49 = arith.constant 0 : index
    %swap3A_50 = arith.index_cast %arg0 : i32 to index
    %swap3A_51 = memref.load %arg5[%swap3A_49, %swap3A_50] : memref<3x12xf32, #tpu.memory_space<smem>>
    memref.store %sub3A_48, %arg5[%swap3A_49, %swap3A_50] : memref<3x12xf32, #tpu.memory_space<smem>>
    %reduce_max3A_52 = vector.shape_cast %max3A_36 : vector<512x512xf32> to vector<1x512x512xf32>
    %reduce_max3A_53 = arith.constant dense<0xFF800000> : vector<1xf32>
    %reduce_max3A_54 = vector.multi_reduction <maximumf>, %reduce_max3A_52, %reduce_max3A_53 [1, 2] : vector<1x512x512xf32> to vector<1xf32>
    %reduce_max3A_55 = vector.shape_cast %reduce_max3A_54 : vector<1xf32> to vector<1x1x1xf32>
    %reduce_max3A_56 = vector.extract %reduce_max3A_55[0, 0, 0] : f32 from vector<1x1x1xf32>
    %swap3A_57 = arith.constant 1 : index
    %swap3A_58 = arith.index_cast %arg0 : i32 to index
    %swap3A_59 = memref.load %arg5[%swap3A_57, %swap3A_58] : memref<3x12xf32, #tpu.memory_space<smem>>
    memref.store %reduce_max3A_56, %arg5[%swap3A_57, %swap3A_58] : memref<3x12xf32, #tpu.memory_space<smem>>
    %swap3A_60 = arith.constant 2 : index
    %swap3A_61 = arith.index_cast %arg0 : i32 to index
    %swap3A_62 = memref.load %arg5[%swap3A_60, %swap3A_61] : memref<3x12xf32, #tpu.memory_space<smem>>
    memref.store %reduce_min3A_18, %arg5[%swap3A_60, %swap3A_61] : memref<3x12xf32, #tpu.memory_space<smem>>
    %get3A_63 = arith.constant 0 : index
    %get3A_64 = arith.constant 0 : index
    %get3A_65 = arith.constant 0 : index
    %get3A_66 = vector.load %arg2[%get3A_63, %get3A_64, %get3A_65] : memref<1x512x512xi32, #tpu.memory_space<vmem>>, vector<1x512x512xi32>
    %get3A_67 = vector.shape_cast %get3A_66 : vector<1x512x512xi32> to vector<512x512xi32>
    %eq3A_68 = vector.broadcast %add3A_9 : i32 to vector<512x512xi32>
    %eq3A_69 = arith.cmpi eq, %get3A_67, %eq3A_68 : vector<512x512xi32>
    %convert_element_type3A = arith.extui %eq3A_69 : vector<512x512xi1> to vector<512x512xi32>
    %reduce_sum3A = vector.shape_cast %convert_element_type3A : vector<512x512xi32> to vector<1x512x512xi32>
    %reduce_sum3A_70 = arith.constant dense<0> : vector<1xi32>
    %reduce_sum3A_71 = vector.multi_reduction <add>, %reduce_sum3A, %reduce_sum3A_70 [1, 2] : vector<1x512x512xi32> to vector<1xi32>
    %reduce_sum3A_72 = vector.shape_cast %reduce_sum3A_71 : vector<1xi32> to vector<1x1x1xi32>
    %reduce_sum3A_73 = vector.extract %reduce_sum3A_72[0, 0, 0] : i32 from vector<1x1x1xi32>
    %ge3A = arith.constant 262144 : i32
    %ge3A_74 = arith.cmpi sge, %reduce_sum3A_73, %ge3A : i32
    %min3A_75 = arith.constant 2000 : i32
    %min3A_76 = arith.minsi %reduce_sum3A_73, %min3A_75 : i32
    %jit3A_77 = arith.constant 0 : i32
    %select_n3A_78 = arith.select %ge3A_74, %jit3A_77, %min3A_76 : i32
    %roll3A_79 = arith.constant 1 : i32
    %roll3A_80 = tpu.dynamic_rotate %convert_element_type3A by %roll3A_79 dim 0 : vector<512x512xi32>, i32 -> vector<512x512xi32>
    %roll3A_81 = arith.constant 511 : i32
    %roll3A_82 = tpu.dynamic_rotate %convert_element_type3A by %roll3A_81 dim 0 : vector<512x512xi32>, i32 -> vector<512x512xi32>
    %roll3A_83 = arith.constant 1 : i32
    %roll3A_84 = tpu.dynamic_rotate %convert_element_type3A by %roll3A_83 dim 1 : vector<512x512xi32>, i32 -> vector<512x512xi32>
    %roll3A_85 = arith.constant 511 : i32
    %roll3A_86 = tpu.dynamic_rotate %convert_element_type3A by %roll3A_85 dim 1 : vector<512x512xi32>, i32 -> vector<512x512xi32>
    %min3A_87 = arith.minsi %roll3A_80, %roll3A_82 : vector<512x512xi32>
    %min3A_88 = arith.minsi %roll3A_84, %roll3A_86 : vector<512x512xi32>
    %min3A_89 = arith.minsi %min3A_87, %min3A_88 : vector<512x512xi32>
    %sub3A_90 = arith.constant 1 : i32
    %sub3A_91 = vector.broadcast %sub3A_90 : i32 to vector<512x512xi32>
    %sub3A_92 = arith.subi %sub3A_91, %min3A_89 : vector<512x512xi32>
    %mul3A = arith.muli %convert_element_type3A, %sub3A_92 : vector<512x512xi32>
    %reduce_sum3A_93 = vector.shape_cast %mul3A : vector<512x512xi32> to vector<1x512x512xi32>
    %reduce_sum3A_94 = arith.constant dense<0> : vector<1xi32>
    %reduce_sum3A_95 = vector.multi_reduction <add>, %reduce_sum3A_93, %reduce_sum3A_94 [1, 2] : vector<1x512x512xi32> to vector<1xi32>
    %reduce_sum3A_96 = vector.shape_cast %reduce_sum3A_95 : vector<1xi32> to vector<1x1x1xi32>
    %reduce_sum3A_97 = vector.extract %reduce_sum3A_96[0, 0, 0] : i32 from vector<1x1x1xi32>
    %min3A_98 = arith.constant 2000 : i32
    %min3A_99 = arith.minsi %reduce_sum3A_97, %min3A_98 : i32
    %swap3A_100 = arith.constant 0 : index
    %swap3A_101 = arith.index_cast %arg0 : i32 to index
    %swap3A_102 = memref.load %arg6[%swap3A_100, %swap3A_101] : memref<2x12xi32, #tpu.memory_space<smem>>
    memref.store %select_n3A_78, %arg6[%swap3A_100, %swap3A_101] : memref<2x12xi32, #tpu.memory_space<smem>>
    %swap3A_103 = arith.constant 1 : index
    %swap3A_104 = arith.index_cast %arg0 : i32 to index
    %swap3A_105 = memref.load %arg6[%swap3A_103, %swap3A_104] : memref<2x12xi32, #tpu.memory_space<smem>>
    memref.store %min3A_99, %arg6[%swap3A_103, %swap3A_104] : memref<2x12xi32, #tpu.memory_space<smem>>
    return
  }
  func.func @transform_0(%arg0: i32) -> (i32, i32, i32, i32) {
    %jit3A = arith.constant 3 : i32
    %div3A = arith.divsi %arg0, %jit3A : i32
    %sign3A = arith.constant 0 : i32
    %sign3A_0 = arith.cmpi sgt, %arg0, %sign3A : i32
    %sign3A_1 = arith.extui %sign3A_0 : i1 to i32
    %sign3A_2 = arith.constant 0 : i32
    %sign3A_3 = arith.cmpi slt, %arg0, %sign3A_2 : i32
    %sign3A_4 = arith.extui %sign3A_3 : i1 to i32
    %sign3A_5 = arith.subi %sign3A_1, %sign3A_4 : i32
    %sign3A_6 = arith.constant 0 : i32
    %sign3A_7 = arith.cmpi sgt, %jit3A, %sign3A_6 : i32
    %sign3A_8 = arith.extui %sign3A_7 : i1 to i32
    %sign3A_9 = arith.constant 0 : i32
    %sign3A_10 = arith.cmpi slt, %jit3A, %sign3A_9 : i32
    %sign3A_11 = arith.extui %sign3A_10 : i1 to i32
    %sign3A_12 = arith.subi %sign3A_8, %sign3A_11 : i32
    %ne3A = arith.cmpi ne, %sign3A_5, %sign3A_12 : i32
    %rem3A = arith.remsi %arg0, %jit3A : i32
    %ne3A_13 = arith.constant 0 : i32
    %ne3A_14 = arith.cmpi ne, %rem3A, %ne3A_13 : i32
    %and3A = arith.andi %ne3A, %ne3A_14 : i1
    %sub3A = arith.constant 1 : i32
    %sub3A_15 = arith.subi %div3A, %sub3A : i32
    %select_n3A = arith.select %and3A, %sub3A_15, %div3A : i32
    %jit3A_16 = arith.constant 3 : i32
    %eq3A = arith.constant 0 : i32
    %eq3A_17 = arith.cmpi eq, %jit3A_16, %eq3A : i32
    %jit3A_18 = arith.constant 1 : i32
    %select_n3A_19 = arith.select %eq3A_17, %jit3A_18, %jit3A_16 : i32
    %rem3A_20 = arith.remsi %arg0, %select_n3A_19 : i32
    %ne3A_21 = arith.constant 0 : i32
    %ne3A_22 = arith.cmpi ne, %rem3A_20, %ne3A_21 : i32
    %lt3A = arith.constant 0 : i32
    %lt3A_23 = arith.cmpi slt, %rem3A_20, %lt3A : i32
    %lt3A_24 = arith.constant 0 : i32
    %lt3A_25 = arith.cmpi slt, %select_n3A_19, %lt3A_24 : i32
    %ne3A_26 = arith.xori %lt3A_23, %lt3A_25 : i1
    %and3A_27 = arith.andi %ne3A_26, %ne3A_22 : i1
    %add3A = arith.addi %rem3A_20, %select_n3A_19 : i32
    %select_n3A_28 = arith.select %and3A_27, %add3A, %rem3A_20 : i32
    %add3A_29 = arith.constant 1 : i32
    %add3A_30 = arith.addi %select_n3A_28, %add3A_29 : i32
    %c0_i32 = arith.constant 0 : i32
    %c0_i32_31 = arith.constant 0 : i32
    %c0_i32_32 = arith.constant 0 : i32
    return %select_n3A, %add3A_30, %c0_i32, %c0_i32_31 : i32, i32, i32, i32
  }
  func.func @transform_1(%arg0: i32) -> (i32, i32, i32) {
    %jit3A = arith.constant 3 : i32
    %div3A = arith.divsi %arg0, %jit3A : i32
    %sign3A = arith.constant 0 : i32
    %sign3A_0 = arith.cmpi sgt, %arg0, %sign3A : i32
    %sign3A_1 = arith.extui %sign3A_0 : i1 to i32
    %sign3A_2 = arith.constant 0 : i32
    %sign3A_3 = arith.cmpi slt, %arg0, %sign3A_2 : i32
    %sign3A_4 = arith.extui %sign3A_3 : i1 to i32
    %sign3A_5 = arith.subi %sign3A_1, %sign3A_4 : i32
    %sign3A_6 = arith.constant 0 : i32
    %sign3A_7 = arith.cmpi sgt, %jit3A, %sign3A_6 : i32
    %sign3A_8 = arith.extui %sign3A_7 : i1 to i32
    %sign3A_9 = arith.constant 0 : i32
    %sign3A_10 = arith.cmpi slt, %jit3A, %sign3A_9 : i32
    %sign3A_11 = arith.extui %sign3A_10 : i1 to i32
    %sign3A_12 = arith.subi %sign3A_8, %sign3A_11 : i32
    %ne3A = arith.cmpi ne, %sign3A_5, %sign3A_12 : i32
    %rem3A = arith.remsi %arg0, %jit3A : i32
    %ne3A_13 = arith.constant 0 : i32
    %ne3A_14 = arith.cmpi ne, %rem3A, %ne3A_13 : i32
    %and3A = arith.andi %ne3A, %ne3A_14 : i1
    %sub3A = arith.constant 1 : i32
    %sub3A_15 = arith.subi %div3A, %sub3A : i32
    %select_n3A = arith.select %and3A, %sub3A_15, %div3A : i32
    %c0_i32 = arith.constant 0 : i32
    %c0_i32_16 = arith.constant 0 : i32
    %c0_i32_17 = arith.constant 0 : i32
    return %select_n3A, %c0_i32, %c0_i32_16 : i32, i32, i32
  }
  func.func @transform_2(%arg0: i32) -> (i32, i32, i32) {
    %c0_i32 = arith.constant 0 : i32
    %c0_i32_0 = arith.constant 0 : i32
    %c0_i32_1 = arith.constant 0 : i32
    return %arg0, %c0_i32, %c0_i32_0 : i32, i32, i32
  }
  func.func @transform_3(%arg0: i32) -> (i32, i32, i32) {
    %c0_i32 = arith.constant 0 : i32
    %c0_i32_0 = arith.constant 0 : i32
    %c0_i32_1 = arith.constant 0 : i32
    return %arg0, %c0_i32, %c0_i32_0 : i32, i32, i32
  }
  func.func @transform_4(%arg0: i32) -> (i32, i32) {
    %c0_i32 = arith.constant 0 : i32
    %c0_i32_0 = arith.constant 0 : i32
    %c0_i32_1 = arith.constant 0 : i32
    return %c0_i32, %c0_i32_0 : i32, i32
  }
  func.func @transform_5(%arg0: i32) -> (i32, i32) {
    %c0_i32 = arith.constant 0 : i32
    %c0_i32_0 = arith.constant 0 : i32
    %c0_i32_1 = arith.constant 0 : i32
    return %c0_i32, %c0_i32_0 : i32, i32
  }
}

module attributes {stable_mosaic.version = 14 : i64} {
  func.func @_final_body(%arg0: i32, %arg1: memref<1x1x512x512xf32, #tpu.memory_space<vmem>>, %arg2: memref<3x12xf32, #tpu.memory_space<smem>>, %arg3: memref<2x12xi32, #tpu.memory_space<smem>>, %arg4: memref<24x16xi32, #tpu.memory_space<smem>>, %arg5: memref<1x1xf32, #tpu.memory_space<vmem>>, %arg6: memref<2xf32, #tpu.memory_space<smem>>) attributes {dimension_semantics = [#tpu.dimension_semantics<arbitrary>], iteration_bounds = array<i64: 12>, scalar_prefetch = 0 : i64, scratch_operands = 1 : i64, tpu.core_type = #tpu.core_type<tc>, window_params = [{transform_indices = @transform_0, window_bounds = array<i64: 1, 1, 512, 512>}, {transform_indices = @transform_1, window_bounds = array<i64: 3, 12>}, {transform_indices = @transform_2, window_bounds = array<i64: 2, 12>}, {transform_indices = @transform_3, window_bounds = array<i64: 24, 16>}, {pipeline_mode = #tpu.pipeline_mode<synchronous>, transform_indices = @transform_4, window_bounds = array<i64: 1, 1>}]} {
    %get3A = arith.constant 0 : index
    %get3A_0 = arith.constant 0 : index
    %get3A_1 = arith.constant 0 : index
    %get3A_2 = arith.constant 0 : index
    %get3A_3 = vector.load %arg1[%get3A, %get3A_0, %get3A_1, %get3A_2] : memref<1x1x512x512xf32, #tpu.memory_space<vmem>>, vector<1x1x512x512xf32>
    %get3A_4 = vector.shape_cast %get3A_3 : vector<1x1x512x512xf32> to vector<512x512xf32>
    %eq3A = arith.constant 0 : i32
    %eq3A_5 = arith.cmpi eq, %arg0, %eq3A : i32
    %convert_element_type3A = arith.extui %eq3A_5 : i1 to i32
    %cond3A = arith.constant 0 : i32
    %cond3A_6 = arith.cmpi ne, %convert_element_type3A, %cond3A : i32
    scf.if %cond3A_6 {
      %swap3A_309 = arith.constant 0.000000e+00 : f32
      %swap3A_310 = arith.constant 0 : index
      %swap3A_311 = memref.load %arg6[%swap3A_310] : memref<2xf32, #tpu.memory_space<smem>>
      memref.store %swap3A_309, %arg6[%swap3A_310] : memref<2xf32, #tpu.memory_space<smem>>
      %swap3A_312 = arith.constant 0.000000e+00 : f32
      %swap3A_313 = arith.constant 1 : index
      %swap3A_314 = memref.load %arg6[%swap3A_313] : memref<2xf32, #tpu.memory_space<smem>>
      memref.store %swap3A_312, %arg6[%swap3A_313] : memref<2xf32, #tpu.memory_space<smem>>
    } else {
    }
    %get3A_7 = arith.constant 2 : index
    %get3A_8 = arith.index_cast %arg0 : i32 to index
    %get3A_9 = memref.load %arg2[%get3A_7, %get3A_8] : memref<3x12xf32, #tpu.memory_space<smem>>
    %sub3A = vector.broadcast %get3A_9 : f32 to vector<512x512xf32>
    %sub3A_10 = arith.subf %get3A_4, %sub3A : vector<512x512xf32>
    %get3A_11 = arith.constant 0 : index
    %get3A_12 = arith.constant 0 : index
    %get3A_13 = memref.load %arg2[%get3A_11, %get3A_12] : memref<3x12xf32, #tpu.memory_space<smem>>
    %get3A_14 = arith.constant 0 : index
    %get3A_15 = arith.constant 1 : index
    %get3A_16 = memref.load %arg2[%get3A_14, %get3A_15] : memref<3x12xf32, #tpu.memory_space<smem>>
    %max3A = arith.maximumf %get3A_13, %get3A_16 : f32
    %get3A_17 = arith.constant 0 : index
    %get3A_18 = arith.constant 2 : index
    %get3A_19 = memref.load %arg2[%get3A_17, %get3A_18] : memref<3x12xf32, #tpu.memory_space<smem>>
    %max3A_20 = arith.maximumf %max3A, %get3A_19 : f32
    %get3A_21 = arith.constant 0 : index
    %get3A_22 = arith.constant 3 : index
    %get3A_23 = memref.load %arg2[%get3A_21, %get3A_22] : memref<3x12xf32, #tpu.memory_space<smem>>
    %max3A_24 = arith.maximumf %max3A_20, %get3A_23 : f32
    %get3A_25 = arith.constant 0 : index
    %get3A_26 = arith.constant 4 : index
    %get3A_27 = memref.load %arg2[%get3A_25, %get3A_26] : memref<3x12xf32, #tpu.memory_space<smem>>
    %max3A_28 = arith.maximumf %max3A_24, %get3A_27 : f32
    %get3A_29 = arith.constant 0 : index
    %get3A_30 = arith.constant 5 : index
    %get3A_31 = memref.load %arg2[%get3A_29, %get3A_30] : memref<3x12xf32, #tpu.memory_space<smem>>
    %max3A_32 = arith.maximumf %max3A_28, %get3A_31 : f32
    %get3A_33 = arith.constant 0 : index
    %get3A_34 = arith.constant 6 : index
    %get3A_35 = memref.load %arg2[%get3A_33, %get3A_34] : memref<3x12xf32, #tpu.memory_space<smem>>
    %max3A_36 = arith.maximumf %max3A_32, %get3A_35 : f32
    %get3A_37 = arith.constant 0 : index
    %get3A_38 = arith.constant 7 : index
    %get3A_39 = memref.load %arg2[%get3A_37, %get3A_38] : memref<3x12xf32, #tpu.memory_space<smem>>
    %max3A_40 = arith.maximumf %max3A_36, %get3A_39 : f32
    %get3A_41 = arith.constant 0 : index
    %get3A_42 = arith.constant 8 : index
    %get3A_43 = memref.load %arg2[%get3A_41, %get3A_42] : memref<3x12xf32, #tpu.memory_space<smem>>
    %max3A_44 = arith.maximumf %max3A_40, %get3A_43 : f32
    %get3A_45 = arith.constant 0 : index
    %get3A_46 = arith.constant 9 : index
    %get3A_47 = memref.load %arg2[%get3A_45, %get3A_46] : memref<3x12xf32, #tpu.memory_space<smem>>
    %max3A_48 = arith.maximumf %max3A_44, %get3A_47 : f32
    %get3A_49 = arith.constant 0 : index
    %get3A_50 = arith.constant 10 : index
    %get3A_51 = memref.load %arg2[%get3A_49, %get3A_50] : memref<3x12xf32, #tpu.memory_space<smem>>
    %max3A_52 = arith.maximumf %max3A_48, %get3A_51 : f32
    %get3A_53 = arith.constant 0 : index
    %get3A_54 = arith.constant 11 : index
    %get3A_55 = memref.load %arg2[%get3A_53, %get3A_54] : memref<3x12xf32, #tpu.memory_space<smem>>
    %max3A_56 = arith.maximumf %max3A_52, %get3A_55 : f32
    %max3A_57 = arith.constant 9.99999993E-9 : f32
    %max3A_58 = arith.maximumf %max3A_56, %max3A_57 : f32
    %mul3A = arith.constant 1.000000e-03 : f32
    %mul3A_59 = arith.mulf %mul3A, %max3A_58 : f32
    %get3A_60 = arith.constant 0 : index
    %get3A_61 = arith.index_cast %arg0 : i32 to index
    %get3A_62 = memref.load %arg3[%get3A_60, %get3A_61] : memref<2x12xi32, #tpu.memory_space<smem>>
    %add3A = arith.constant 0 : i32
    %add3A_63 = arith.addi %add3A, %arg0 : i32
    %get3A_64 = arith.index_cast %add3A_63 : i32 to index
    %get3A_65 = arith.constant 0 : index
    %get3A_66 = memref.load %arg4[%get3A_64, %get3A_65] : memref<24x16xi32, #tpu.memory_space<smem>>
    %broadcast_in_dim3A = vector.broadcast %get3A_66 : i32 to vector<8x128xi32>
    %bitcast_convert_type3A = tpu.bitcast %broadcast_in_dim3A : vector<8x128xi32> -> vector<8x128xf32>
    %reduce_max3A = vector.shape_cast %bitcast_convert_type3A : vector<8x128xf32> to vector<1x8x128xf32>
    %reduce_max3A_67 = arith.constant dense<0xFF800000> : vector<1xf32>
    %reduce_max3A_68 = vector.multi_reduction <maximumf>, %reduce_max3A, %reduce_max3A_67 [1, 2] : vector<1x8x128xf32> to vector<1xf32>
    %reduce_max3A_69 = vector.shape_cast %reduce_max3A_68 : vector<1xf32> to vector<1x1x1xf32>
    %reduce_max3A_70 = vector.extract %reduce_max3A_69[0, 0, 0] : f32 from vector<1x1x1xf32>
    %add3A_71 = arith.constant 0 : i32
    %add3A_72 = arith.addi %add3A_71, %arg0 : i32
    %get3A_73 = arith.index_cast %add3A_72 : i32 to index
    %get3A_74 = arith.constant 1 : index
    %get3A_75 = memref.load %arg4[%get3A_73, %get3A_74] : memref<24x16xi32, #tpu.memory_space<smem>>
    %broadcast_in_dim3A_76 = vector.broadcast %get3A_75 : i32 to vector<8x128xi32>
    %bitcast_convert_type3A_77 = tpu.bitcast %broadcast_in_dim3A_76 : vector<8x128xi32> -> vector<8x128xf32>
    %reduce_max3A_78 = vector.shape_cast %bitcast_convert_type3A_77 : vector<8x128xf32> to vector<1x8x128xf32>
    %reduce_max3A_79 = arith.constant dense<0xFF800000> : vector<1xf32>
    %reduce_max3A_80 = vector.multi_reduction <maximumf>, %reduce_max3A_78, %reduce_max3A_79 [1, 2] : vector<1x8x128xf32> to vector<1xf32>
    %reduce_max3A_81 = vector.shape_cast %reduce_max3A_80 : vector<1xf32> to vector<1x1x1xf32>
    %reduce_max3A_82 = vector.extract %reduce_max3A_81[0, 0, 0] : f32 from vector<1x1x1xf32>
    %max3A_83 = arith.maximumf %reduce_max3A_70, %mul3A_59 : f32
    %max3A_84 = arith.maximumf %reduce_max3A_82, %mul3A_59 : f32
    %gt3A = vector.broadcast %max3A_83 : f32 to vector<512x512xf32>
    %gt3A_85 = arith.cmpf ogt, %sub3A_10, %gt3A : vector<512x512xf32>
    %gt3A_86 = vector.broadcast %max3A_84 : f32 to vector<512x512xf32>
    %gt3A_87 = arith.cmpf ogt, %sub3A_10, %gt3A_86 : vector<512x512xf32>
    %mul3A_88 = arith.mulf %sub3A_10, %sub3A_10 : vector<512x512xf32>
    %jit3A = arith.constant 0.000000e+00 : f32
    %broadcast_in_dim3A_89 = vector.broadcast %jit3A : f32 to vector<512x512xf32>
    %select_n3A = arith.select %gt3A_85, %mul3A_88, %broadcast_in_dim3A_89 : vector<512x512xi1>, vector<512x512xf32>
    %reduce_sum3A = vector.shape_cast %select_n3A : vector<512x512xf32> to vector<1x512x512xf32>
    %reduce_sum3A_90 = arith.constant dense<0.000000e+00> : vector<1xf32>
    %reduce_sum3A_91 = vector.multi_reduction <add>, %reduce_sum3A, %reduce_sum3A_90 [1, 2] : vector<1x512x512xf32> to vector<1xf32>
    %reduce_sum3A_92 = vector.shape_cast %reduce_sum3A_91 : vector<1xf32> to vector<1x1x1xf32>
    %reduce_sum3A_93 = vector.extract %reduce_sum3A_92[0, 0, 0] : f32 from vector<1x1x1xf32>
    %convert_element_type3A_94 = arith.extui %gt3A_85 : vector<512x512xi1> to vector<512x512xi32>
    %reduce_sum3A_95 = vector.shape_cast %convert_element_type3A_94 : vector<512x512xi32> to vector<1x512x512xi32>
    %reduce_sum3A_96 = arith.constant dense<0> : vector<1xi32>
    %reduce_sum3A_97 = vector.multi_reduction <add>, %reduce_sum3A_95, %reduce_sum3A_96 [1, 2] : vector<1x512x512xi32> to vector<1xi32>
    %reduce_sum3A_98 = vector.shape_cast %reduce_sum3A_97 : vector<1xi32> to vector<1x1x1xi32>
    %reduce_sum3A_99 = vector.extract %reduce_sum3A_98[0, 0, 0] : i32 from vector<1x1x1xi32>
    %convert_element_type3A_100 = arith.sitofp %reduce_sum3A_99 : i32 to f32
    %jit3A_101 = arith.constant 0.000000e+00 : f32
    %broadcast_in_dim3A_102 = vector.broadcast %jit3A_101 : f32 to vector<512x512xf32>
    %select_n3A_103 = arith.select %gt3A_87, %sub3A_10, %broadcast_in_dim3A_102 : vector<512x512xi1>, vector<512x512xf32>
    %reduce_sum3A_104 = vector.shape_cast %select_n3A_103 : vector<512x512xf32> to vector<1x512x512xf32>
    %reduce_sum3A_105 = arith.constant dense<0.000000e+00> : vector<1xf32>
    %reduce_sum3A_106 = vector.multi_reduction <add>, %reduce_sum3A_104, %reduce_sum3A_105 [1, 2] : vector<1x512x512xf32> to vector<1xf32>
    %reduce_sum3A_107 = vector.shape_cast %reduce_sum3A_106 : vector<1xf32> to vector<1x1x1xf32>
    %reduce_sum3A_108 = vector.extract %reduce_sum3A_107[0, 0, 0] : f32 from vector<1x1x1xf32>
    %convert_element_type3A_109 = arith.extui %gt3A_87 : vector<512x512xi1> to vector<512x512xi32>
    %reduce_sum3A_110 = vector.shape_cast %convert_element_type3A_109 : vector<512x512xi32> to vector<1x512x512xi32>
    %reduce_sum3A_111 = arith.constant dense<0> : vector<1xi32>
    %reduce_sum3A_112 = vector.multi_reduction <add>, %reduce_sum3A_110, %reduce_sum3A_111 [1, 2] : vector<1x512x512xi32> to vector<1xi32>
    %reduce_sum3A_113 = vector.shape_cast %reduce_sum3A_112 : vector<1xi32> to vector<1x1x1xi32>
    %reduce_sum3A_114 = vector.extract %reduce_sum3A_113[0, 0, 0] : i32 from vector<1x1x1xi32>
    %convert_element_type3A_115 = arith.sitofp %reduce_sum3A_114 : i32 to f32
    %convert_element_type3A_116 = arith.sitofp %get3A_62 : i32 to f32
    %gt3A_117 = arith.cmpf ogt, %reduce_max3A_70, %mul3A_59 : f32
    %sub3A_118 = arith.constant 2.000000e+03 : f32
    %sub3A_119 = arith.subf %sub3A_118, %convert_element_type3A_100 : f32
    %mul3A_120 = arith.mulf %sub3A_119, %reduce_max3A_70 : f32
    %mul3A_121 = arith.mulf %mul3A_120, %reduce_max3A_70 : f32
    %jit3A_122 = arith.constant 0.000000e+00 : f32
    %select_n3A_123 = arith.select %gt3A_117, %mul3A_121, %jit3A_122 : f32
    %add3A_124 = arith.addf %reduce_sum3A_93, %select_n3A_123 : f32
    %mul3A_125 = arith.mulf %max3A_58, %max3A_58 : f32
    %div3A = arith.divf %add3A_124, %mul3A_125 : f32
    %gt3A_126 = arith.constant 0 : i32
    %gt3A_127 = arith.cmpi sgt, %get3A_62, %gt3A_126 : i32
    %gt3A_128 = arith.cmpf ogt, %reduce_max3A_82, %mul3A_59 : f32
    %sub3A_129 = arith.subf %convert_element_type3A_116, %convert_element_type3A_115 : f32
    %mul3A_130 = arith.mulf %sub3A_129, %reduce_max3A_82 : f32
    %jit3A_131 = arith.constant 0.000000e+00 : f32
    %select_n3A_132 = arith.select %gt3A_128, %mul3A_130, %jit3A_131 : f32
    %add3A_133 = arith.addf %reduce_sum3A_108, %select_n3A_132 : f32
    %div3A_134 = arith.divf %add3A_133, %max3A_58 : f32
    %jit3A_135 = arith.constant 0.000000e+00 : f32
    %select_n3A_136 = arith.select %gt3A_127, %div3A_134, %jit3A_135 : f32
    %get3A_137 = arith.constant 0 : index
    %get3A_138 = memref.load %arg6[%get3A_137] : memref<2xf32, #tpu.memory_space<smem>>
    %add3A_139 = arith.addf %get3A_138, %div3A : f32
    %mul3A_140 = arith.constant 2.000000e+00 : f32
    %mul3A_141 = arith.mulf %mul3A_140, %select_n3A_136 : f32
    %sub3A_142 = arith.subf %add3A_139, %mul3A_141 : f32
    %add3A_143 = arith.addf %sub3A_142, %convert_element_type3A_116 : f32
    %swap3A = arith.constant 0 : index
    %swap3A_144 = memref.load %arg6[%swap3A] : memref<2xf32, #tpu.memory_space<smem>>
    memref.store %add3A_143, %arg6[%swap3A] : memref<2xf32, #tpu.memory_space<smem>>
    %roll3A = arith.constant 1 : i32
    %roll3A_145 = tpu.dynamic_rotate %get3A_4 by %roll3A dim 0 : vector<512x512xf32>, i32 -> vector<512x512xf32>
    %roll3A_146 = arith.constant 511 : i32
    %roll3A_147 = tpu.dynamic_rotate %get3A_4 by %roll3A_146 dim 0 : vector<512x512xf32>, i32 -> vector<512x512xf32>
    %roll3A_148 = arith.constant 1 : i32
    %roll3A_149 = tpu.dynamic_rotate %get3A_4 by %roll3A_148 dim 1 : vector<512x512xf32>, i32 -> vector<512x512xf32>
    %roll3A_150 = arith.constant 511 : i32
    %roll3A_151 = tpu.dynamic_rotate %get3A_4 by %roll3A_150 dim 1 : vector<512x512xf32>, i32 -> vector<512x512xf32>
    %min3A = arith.minimumf %roll3A_145, %roll3A_147 : vector<512x512xf32>
    %min3A_152 = arith.minimumf %roll3A_149, %roll3A_151 : vector<512x512xf32>
    %min3A_153 = arith.minimumf %min3A, %min3A_152 : vector<512x512xf32>
    %sub3A_154 = arith.subf %get3A_4, %min3A_153 : vector<512x512xf32>
    %max3A_155 = arith.constant 0.000000e+00 : f32
    %max3A_156 = vector.broadcast %max3A_155 : f32 to vector<512x512xf32>
    %max3A_157 = arith.maximumf %sub3A_154, %max3A_156 : vector<512x512xf32>
    %get3A_158 = arith.constant 1 : index
    %get3A_159 = arith.constant 0 : index
    %get3A_160 = memref.load %arg2[%get3A_158, %get3A_159] : memref<3x12xf32, #tpu.memory_space<smem>>
    %get3A_161 = arith.constant 1 : index
    %get3A_162 = arith.constant 1 : index
    %get3A_163 = memref.load %arg2[%get3A_161, %get3A_162] : memref<3x12xf32, #tpu.memory_space<smem>>
    %max3A_164 = arith.maximumf %get3A_160, %get3A_163 : f32
    %get3A_165 = arith.constant 1 : index
    %get3A_166 = arith.constant 2 : index
    %get3A_167 = memref.load %arg2[%get3A_165, %get3A_166] : memref<3x12xf32, #tpu.memory_space<smem>>
    %max3A_168 = arith.maximumf %max3A_164, %get3A_167 : f32
    %get3A_169 = arith.constant 1 : index
    %get3A_170 = arith.constant 3 : index
    %get3A_171 = memref.load %arg2[%get3A_169, %get3A_170] : memref<3x12xf32, #tpu.memory_space<smem>>
    %max3A_172 = arith.maximumf %max3A_168, %get3A_171 : f32
    %get3A_173 = arith.constant 1 : index
    %get3A_174 = arith.constant 4 : index
    %get3A_175 = memref.load %arg2[%get3A_173, %get3A_174] : memref<3x12xf32, #tpu.memory_space<smem>>
    %max3A_176 = arith.maximumf %max3A_172, %get3A_175 : f32
    %get3A_177 = arith.constant 1 : index
    %get3A_178 = arith.constant 5 : index
    %get3A_179 = memref.load %arg2[%get3A_177, %get3A_178] : memref<3x12xf32, #tpu.memory_space<smem>>
    %max3A_180 = arith.maximumf %max3A_176, %get3A_179 : f32
    %get3A_181 = arith.constant 1 : index
    %get3A_182 = arith.constant 6 : index
    %get3A_183 = memref.load %arg2[%get3A_181, %get3A_182] : memref<3x12xf32, #tpu.memory_space<smem>>
    %max3A_184 = arith.maximumf %max3A_180, %get3A_183 : f32
    %get3A_185 = arith.constant 1 : index
    %get3A_186 = arith.constant 7 : index
    %get3A_187 = memref.load %arg2[%get3A_185, %get3A_186] : memref<3x12xf32, #tpu.memory_space<smem>>
    %max3A_188 = arith.maximumf %max3A_184, %get3A_187 : f32
    %get3A_189 = arith.constant 1 : index
    %get3A_190 = arith.constant 8 : index
    %get3A_191 = memref.load %arg2[%get3A_189, %get3A_190] : memref<3x12xf32, #tpu.memory_space<smem>>
    %max3A_192 = arith.maximumf %max3A_188, %get3A_191 : f32
    %get3A_193 = arith.constant 1 : index
    %get3A_194 = arith.constant 9 : index
    %get3A_195 = memref.load %arg2[%get3A_193, %get3A_194] : memref<3x12xf32, #tpu.memory_space<smem>>
    %max3A_196 = arith.maximumf %max3A_192, %get3A_195 : f32
    %get3A_197 = arith.constant 1 : index
    %get3A_198 = arith.constant 10 : index
    %get3A_199 = memref.load %arg2[%get3A_197, %get3A_198] : memref<3x12xf32, #tpu.memory_space<smem>>
    %max3A_200 = arith.maximumf %max3A_196, %get3A_199 : f32
    %get3A_201 = arith.constant 1 : index
    %get3A_202 = arith.constant 11 : index
    %get3A_203 = memref.load %arg2[%get3A_201, %get3A_202] : memref<3x12xf32, #tpu.memory_space<smem>>
    %max3A_204 = arith.maximumf %max3A_200, %get3A_203 : f32
    %max3A_205 = arith.constant 9.99999993E-9 : f32
    %max3A_206 = arith.maximumf %max3A_204, %max3A_205 : f32
    %mul3A_207 = arith.constant 1.000000e-03 : f32
    %mul3A_208 = arith.mulf %mul3A_207, %max3A_206 : f32
    %get3A_209 = arith.constant 1 : index
    %get3A_210 = arith.index_cast %arg0 : i32 to index
    %get3A_211 = memref.load %arg3[%get3A_209, %get3A_210] : memref<2x12xi32, #tpu.memory_space<smem>>
    %add3A_212 = arith.constant 12 : i32
    %add3A_213 = arith.addi %add3A_212, %arg0 : i32
    %get3A_214 = arith.index_cast %add3A_213 : i32 to index
    %get3A_215 = arith.constant 0 : index
    %get3A_216 = memref.load %arg4[%get3A_214, %get3A_215] : memref<24x16xi32, #tpu.memory_space<smem>>
    %broadcast_in_dim3A_217 = vector.broadcast %get3A_216 : i32 to vector<8x128xi32>
    %bitcast_convert_type3A_218 = tpu.bitcast %broadcast_in_dim3A_217 : vector<8x128xi32> -> vector<8x128xf32>
    %reduce_max3A_219 = vector.shape_cast %bitcast_convert_type3A_218 : vector<8x128xf32> to vector<1x8x128xf32>
    %reduce_max3A_220 = arith.constant dense<0xFF800000> : vector<1xf32>
    %reduce_max3A_221 = vector.multi_reduction <maximumf>, %reduce_max3A_219, %reduce_max3A_220 [1, 2] : vector<1x8x128xf32> to vector<1xf32>
    %reduce_max3A_222 = vector.shape_cast %reduce_max3A_221 : vector<1xf32> to vector<1x1x1xf32>
    %reduce_max3A_223 = vector.extract %reduce_max3A_222[0, 0, 0] : f32 from vector<1x1x1xf32>
    %add3A_224 = arith.constant 12 : i32
    %add3A_225 = arith.addi %add3A_224, %arg0 : i32
    %get3A_226 = arith.index_cast %add3A_225 : i32 to index
    %get3A_227 = arith.constant 1 : index
    %get3A_228 = memref.load %arg4[%get3A_226, %get3A_227] : memref<24x16xi32, #tpu.memory_space<smem>>
    %broadcast_in_dim3A_229 = vector.broadcast %get3A_228 : i32 to vector<8x128xi32>
    %bitcast_convert_type3A_230 = tpu.bitcast %broadcast_in_dim3A_229 : vector<8x128xi32> -> vector<8x128xf32>
    %reduce_max3A_231 = vector.shape_cast %bitcast_convert_type3A_230 : vector<8x128xf32> to vector<1x8x128xf32>
    %reduce_max3A_232 = arith.constant dense<0xFF800000> : vector<1xf32>
    %reduce_max3A_233 = vector.multi_reduction <maximumf>, %reduce_max3A_231, %reduce_max3A_232 [1, 2] : vector<1x8x128xf32> to vector<1xf32>
    %reduce_max3A_234 = vector.shape_cast %reduce_max3A_233 : vector<1xf32> to vector<1x1x1xf32>
    %reduce_max3A_235 = vector.extract %reduce_max3A_234[0, 0, 0] : f32 from vector<1x1x1xf32>
    %max3A_236 = arith.maximumf %reduce_max3A_223, %mul3A_208 : f32
    %max3A_237 = arith.maximumf %reduce_max3A_235, %mul3A_208 : f32
    %gt3A_238 = vector.broadcast %max3A_236 : f32 to vector<512x512xf32>
    %gt3A_239 = arith.cmpf ogt, %max3A_157, %gt3A_238 : vector<512x512xf32>
    %gt3A_240 = vector.broadcast %max3A_237 : f32 to vector<512x512xf32>
    %gt3A_241 = arith.cmpf ogt, %max3A_157, %gt3A_240 : vector<512x512xf32>
    %mul3A_242 = arith.mulf %max3A_157, %max3A_157 : vector<512x512xf32>
    %jit3A_243 = arith.constant 0.000000e+00 : f32
    %broadcast_in_dim3A_244 = vector.broadcast %jit3A_243 : f32 to vector<512x512xf32>
    %select_n3A_245 = arith.select %gt3A_239, %mul3A_242, %broadcast_in_dim3A_244 : vector<512x512xi1>, vector<512x512xf32>
    %reduce_sum3A_246 = vector.shape_cast %select_n3A_245 : vector<512x512xf32> to vector<1x512x512xf32>
    %reduce_sum3A_247 = arith.constant dense<0.000000e+00> : vector<1xf32>
    %reduce_sum3A_248 = vector.multi_reduction <add>, %reduce_sum3A_246, %reduce_sum3A_247 [1, 2] : vector<1x512x512xf32> to vector<1xf32>
    %reduce_sum3A_249 = vector.shape_cast %reduce_sum3A_248 : vector<1xf32> to vector<1x1x1xf32>
    %reduce_sum3A_250 = vector.extract %reduce_sum3A_249[0, 0, 0] : f32 from vector<1x1x1xf32>
    %convert_element_type3A_251 = arith.extui %gt3A_239 : vector<512x512xi1> to vector<512x512xi32>
    %reduce_sum3A_252 = vector.shape_cast %convert_element_type3A_251 : vector<512x512xi32> to vector<1x512x512xi32>
    %reduce_sum3A_253 = arith.constant dense<0> : vector<1xi32>
    %reduce_sum3A_254 = vector.multi_reduction <add>, %reduce_sum3A_252, %reduce_sum3A_253 [1, 2] : vector<1x512x512xi32> to vector<1xi32>
    %reduce_sum3A_255 = vector.shape_cast %reduce_sum3A_254 : vector<1xi32> to vector<1x1x1xi32>
    %reduce_sum3A_256 = vector.extract %reduce_sum3A_255[0, 0, 0] : i32 from vector<1x1x1xi32>
    %convert_element_type3A_257 = arith.sitofp %reduce_sum3A_256 : i32 to f32
    %jit3A_258 = arith.constant 0.000000e+00 : f32
    %broadcast_in_dim3A_259 = vector.broadcast %jit3A_258 : f32 to vector<512x512xf32>
    %select_n3A_260 = arith.select %gt3A_241, %max3A_157, %broadcast_in_dim3A_259 : vector<512x512xi1>, vector<512x512xf32>
    %reduce_sum3A_261 = vector.shape_cast %select_n3A_260 : vector<512x512xf32> to vector<1x512x512xf32>
    %reduce_sum3A_262 = arith.constant dense<0.000000e+00> : vector<1xf32>
    %reduce_sum3A_263 = vector.multi_reduction <add>, %reduce_sum3A_261, %reduce_sum3A_262 [1, 2] : vector<1x512x512xf32> to vector<1xf32>
    %reduce_sum3A_264 = vector.shape_cast %reduce_sum3A_263 : vector<1xf32> to vector<1x1x1xf32>
    %reduce_sum3A_265 = vector.extract %reduce_sum3A_264[0, 0, 0] : f32 from vector<1x1x1xf32>
    %convert_element_type3A_266 = arith.extui %gt3A_241 : vector<512x512xi1> to vector<512x512xi32>
    %reduce_sum3A_267 = vector.shape_cast %convert_element_type3A_266 : vector<512x512xi32> to vector<1x512x512xi32>
    %reduce_sum3A_268 = arith.constant dense<0> : vector<1xi32>
    %reduce_sum3A_269 = vector.multi_reduction <add>, %reduce_sum3A_267, %reduce_sum3A_268 [1, 2] : vector<1x512x512xi32> to vector<1xi32>
    %reduce_sum3A_270 = vector.shape_cast %reduce_sum3A_269 : vector<1xi32> to vector<1x1x1xi32>
    %reduce_sum3A_271 = vector.extract %reduce_sum3A_270[0, 0, 0] : i32 from vector<1x1x1xi32>
    %convert_element_type3A_272 = arith.sitofp %reduce_sum3A_271 : i32 to f32
    %convert_element_type3A_273 = arith.sitofp %get3A_211 : i32 to f32
    %gt3A_274 = arith.cmpf ogt, %reduce_max3A_223, %mul3A_208 : f32
    %sub3A_275 = arith.constant 2.000000e+03 : f32
    %sub3A_276 = arith.subf %sub3A_275, %convert_element_type3A_257 : f32
    %mul3A_277 = arith.mulf %sub3A_276, %reduce_max3A_223 : f32
    %mul3A_278 = arith.mulf %mul3A_277, %reduce_max3A_223 : f32
    %jit3A_279 = arith.constant 0.000000e+00 : f32
    %select_n3A_280 = arith.select %gt3A_274, %mul3A_278, %jit3A_279 : f32
    %add3A_281 = arith.addf %reduce_sum3A_250, %select_n3A_280 : f32
    %mul3A_282 = arith.mulf %max3A_206, %max3A_206 : f32
    %div3A_283 = arith.divf %add3A_281, %mul3A_282 : f32
    %gt3A_284 = arith.constant 0 : i32
    %gt3A_285 = arith.cmpi sgt, %get3A_211, %gt3A_284 : i32
    %gt3A_286 = arith.cmpf ogt, %reduce_max3A_235, %mul3A_208 : f32
    %sub3A_287 = arith.subf %convert_element_type3A_273, %convert_element_type3A_272 : f32
    %mul3A_288 = arith.mulf %sub3A_287, %reduce_max3A_235 : f32
    %jit3A_289 = arith.constant 0.000000e+00 : f32
    %select_n3A_290 = arith.select %gt3A_286, %mul3A_288, %jit3A_289 : f32
    %add3A_291 = arith.addf %reduce_sum3A_265, %select_n3A_290 : f32
    %div3A_292 = arith.divf %add3A_291, %max3A_206 : f32
    %jit3A_293 = arith.constant 0.000000e+00 : f32
    %select_n3A_294 = arith.select %gt3A_285, %div3A_292, %jit3A_293 : f32
    %get3A_295 = arith.constant 1 : index
    %get3A_296 = memref.load %arg6[%get3A_295] : memref<2xf32, #tpu.memory_space<smem>>
    %add3A_297 = arith.addf %get3A_296, %div3A_283 : f32
    %mul3A_298 = arith.constant 2.000000e+00 : f32
    %mul3A_299 = arith.mulf %mul3A_298, %select_n3A_294 : f32
    %sub3A_300 = arith.subf %add3A_297, %mul3A_299 : f32
    %add3A_301 = arith.addf %sub3A_300, %convert_element_type3A_273 : f32
    %swap3A_302 = arith.constant 1 : index
    %swap3A_303 = memref.load %arg6[%swap3A_302] : memref<2xf32, #tpu.memory_space<smem>>
    memref.store %add3A_301, %arg6[%swap3A_302] : memref<2xf32, #tpu.memory_space<smem>>
    %eq3A_304 = arith.constant 11 : i32
    %eq3A_305 = arith.cmpi eq, %arg0, %eq3A_304 : i32
    %convert_element_type3A_306 = arith.extui %eq3A_305 : i1 to i32
    %cond3A_307 = arith.constant 0 : i32
    %cond3A_308 = arith.cmpi ne, %convert_element_type3A_306, %cond3A_307 : i32
    scf.if %cond3A_308 {
      %get3A_309 = arith.constant 0 : index
      %get3A_310 = memref.load %arg6[%get3A_309] : memref<2xf32, #tpu.memory_space<smem>>
      %div3A_311 = arith.constant 2.400000e+04 : f32
      %div3A_312 = arith.divf %get3A_310, %div3A_311 : f32
      %get3A_313 = arith.constant 1 : index
      %get3A_314 = memref.load %arg6[%get3A_313] : memref<2xf32, #tpu.memory_space<smem>>
      %div3A_315 = arith.constant 2.400000e+04 : f32
      %div3A_316 = arith.divf %get3A_314, %div3A_315 : f32
      %add3A_317 = arith.addf %div3A_312, %div3A_316 : f32
      %max3A_318 = arith.constant 9.99999993E-9 : f32
      %max3A_319 = arith.maximumf %add3A_317, %max3A_318 : f32
      %mul3A_320 = arith.constant 2.000000e+00 : f32
      %mul3A_321 = arith.mulf %mul3A_320, %div3A_312 : f32
      %mul3A_322 = arith.mulf %mul3A_321, %div3A_316 : f32
      %div3A_323 = arith.divf %mul3A_322, %max3A_319 : f32
      %broadcast_in_dim3A_324 = vector.broadcast %div3A_323 : f32 to vector<1x1xf32>
      %swap3A_325 = arith.constant 0 : index
      %swap3A_326 = arith.constant 0 : index
      %swap3A_327 = vector.load %arg5[%swap3A_325, %swap3A_326] : memref<1x1xf32, #tpu.memory_space<vmem>>, vector<1x1xf32>
      tpu.vector_store %arg5[%swap3A_325, %swap3A_326], %broadcast_in_dim3A_324 {strides = array<i32>} : memref<1x1xf32, #tpu.memory_space<vmem>>, vector<1x1xf32>,
    } else {
    }
    return
  }
  func.func @transform_0(%arg0: i32) -> (i32, i32, i32, i32) {
    %jit3A = arith.constant 3 : i32
    %div3A = arith.divsi %arg0, %jit3A : i32
    %sign3A = arith.constant 0 : i32
    %sign3A_0 = arith.cmpi sgt, %arg0, %sign3A : i32
    %sign3A_1 = arith.extui %sign3A_0 : i1 to i32
    %sign3A_2 = arith.constant 0 : i32
    %sign3A_3 = arith.cmpi slt, %arg0, %sign3A_2 : i32
    %sign3A_4 = arith.extui %sign3A_3 : i1 to i32
    %sign3A_5 = arith.subi %sign3A_1, %sign3A_4 : i32
    %sign3A_6 = arith.constant 0 : i32
    %sign3A_7 = arith.cmpi sgt, %jit3A, %sign3A_6 : i32
    %sign3A_8 = arith.extui %sign3A_7 : i1 to i32
    %sign3A_9 = arith.constant 0 : i32
    %sign3A_10 = arith.cmpi slt, %jit3A, %sign3A_9 : i32
    %sign3A_11 = arith.extui %sign3A_10 : i1 to i32
    %sign3A_12 = arith.subi %sign3A_8, %sign3A_11 : i32
    %ne3A = arith.cmpi ne, %sign3A_5, %sign3A_12 : i32
    %rem3A = arith.remsi %arg0, %jit3A : i32
    %ne3A_13 = arith.constant 0 : i32
    %ne3A_14 = arith.cmpi ne, %rem3A, %ne3A_13 : i32
    %and3A = arith.andi %ne3A, %ne3A_14 : i1
    %sub3A = arith.constant 1 : i32
    %sub3A_15 = arith.subi %div3A, %sub3A : i32
    %select_n3A = arith.select %and3A, %sub3A_15, %div3A : i32
    %jit3A_16 = arith.constant 3 : i32
    %eq3A = arith.constant 0 : i32
    %eq3A_17 = arith.cmpi eq, %jit3A_16, %eq3A : i32
    %jit3A_18 = arith.constant 1 : i32
    %select_n3A_19 = arith.select %eq3A_17, %jit3A_18, %jit3A_16 : i32
    %rem3A_20 = arith.remsi %arg0, %select_n3A_19 : i32
    %ne3A_21 = arith.constant 0 : i32
    %ne3A_22 = arith.cmpi ne, %rem3A_20, %ne3A_21 : i32
    %lt3A = arith.constant 0 : i32
    %lt3A_23 = arith.cmpi slt, %rem3A_20, %lt3A : i32
    %lt3A_24 = arith.constant 0 : i32
    %lt3A_25 = arith.cmpi slt, %select_n3A_19, %lt3A_24 : i32
    %ne3A_26 = arith.xori %lt3A_23, %lt3A_25 : i1
    %and3A_27 = arith.andi %ne3A_26, %ne3A_22 : i1
    %add3A = arith.addi %rem3A_20, %select_n3A_19 : i32
    %select_n3A_28 = arith.select %and3A_27, %add3A, %rem3A_20 : i32
    %add3A_29 = arith.constant 1 : i32
    %add3A_30 = arith.addi %select_n3A_28, %add3A_29 : i32
    %c0_i32 = arith.constant 0 : i32
    %c0_i32_31 = arith.constant 0 : i32
    %c0_i32_32 = arith.constant 0 : i32
    return %select_n3A, %add3A_30, %c0_i32, %c0_i32_31 : i32, i32, i32, i32
  }
  func.func @transform_1(%arg0: i32) -> (i32, i32) {
    %c0_i32 = arith.constant 0 : i32
    %c0_i32_0 = arith.constant 0 : i32
    %c0_i32_1 = arith.constant 0 : i32
    return %c0_i32, %c0_i32_0 : i32, i32
  }
  func.func @transform_2(%arg0: i32) -> (i32, i32) {
    %c0_i32 = arith.constant 0 : i32
    %c0_i32_0 = arith.constant 0 : i32
    %c0_i32_1 = arith.constant 0 : i32
    return %c0_i32, %c0_i32_0 : i32, i32
  }
  func.func @transform_3(%arg0: i32) -> (i32, i32) {
    %c0_i32 = arith.constant 0 : i32
    %c0_i32_0 = arith.constant 0 : i32
    %c0_i32_1 = arith.constant 0 : i32
    return %c0_i32, %c0_i32_0 : i32, i32
  }
  func.func @transform_4(%arg0: i32) -> (i32, i32) {
    %c0_i32 = arith.constant 0 : i32
    %c0_i32_0 = arith.constant 0 : i32
    %c0_i32_1 = arith.constant 0 : i32
    return %c0_i32, %c0_i32_0 : i32, i32
  }
}

</mosaic_0001>

<sc_bundles>
// kernel: kernel.5.cloned.1.call-start
scs
__scs_entry_jumppad:
0x0: {  	(pc) =	sbr.rel $0x88, $3  }
0x1: {  	(tag) =	ssettag $0x0;
	lr =	simm.s32 $0x1  }
0x2: {  	[smem:$0x3F9F] =	sst lr;
	_ =	strace $0xD0000000  }
0x3: {  	_ = 	snop  }
0x4: {  	_ = 	snop  }
0x5: {  	_ = 	snop  }
0x6: {  	_ = 	snop  }
0x7: {  	_ = 	snop  }
__scs_overlays_trampoline_lowered:
0x8: {  	[smem:$0x3FAE] =	sst s0  }
0x9: {  	[smem:$0x3FAF] =	sst s1  }
0xa: {  	[smem:$0x3FB0] =	sst s2  }
0xb: {  	[smem:$0x3FB1] =	sst s3  }
0xc: {  	[smem:$0x3FB2] =	sst s4  }
0xd: {  	[smem:$0x3FB3] =	sst s5  }
0xe: {  	[smem:$0x3FB4] =	sst s6  }
0xf: {  	[smem:$0x3FB5] =	sst s7  }
0x10: {  	[smem:$0x3FB6] =	sst s8  }
0x11: {  	[smem:$0x3FB7] =	sst s9;
	s0 =	simm.s32 @!p0 $0x0  }
0x12: {  	s1 =	sld [smem:$0x3F9D];
	s0 =	simm.s32 @p0 $0x1  }
0x13: {  	[smem:$0x3FB8] =	sst s0;
	s0 =	simm.s32 @!p1 $0x0  }
0x14: {  	s2 =	sld [smem:$0x3F9C];
	s0 =	simm.s32 @p1 $0x1  }
0x15: {  	[smem:$0x3FB9] =	sst s0;
	s0 =	simm.s32 @!p2 $0x0  }
0x16: {  	s3 =	sld [smem:$0x3FDB];
	s0 =	simm.s32 @p2 $0x1  }
0x17: {  	s4 =	simm.s32 $0x1BF5;
	[smem:$0x3FBB] =	sst s0  }
0x18: {  	s0 =	sld [smem:$0x3F9E];
	_ =	swait.ge [sflag:s4], $0x0  }
0x19: {  	s7 =	sld [smem:$0x3F9F]  }
0x1a: {  	s8 =	sadd.s32 $0xFFFFE003, lr  }
0x1b: {  	s9 =	sadd.s32 $0xFFFFFEF7, lr;
	s5 =	simm.s32 $0xFFFFFFFF;
	p2 =	slt.u32 s8, $0xFFFFF086  }
0x1c: {  	p1 =	slt.u32 s9, $0xF7A;
	s5 =	simm.s32 @!p2 $0x0  }
0x1d: {  	s5 =	simm.s32 @p1 $0x1;
	p0 =	seq.s32 s7, s2  }
0x1e: {  	s7 =	smul.u32 @!p0 $0xF7A, s2;
	p2 =	seq.s32 @!p0 s5, $0x0  }
0x1f: {  	s9 =	smul.u32 $0xF7A, s1;
	s8 =	simm.s32 @!p0 $0x1BF5;
	p2 =	por !p2, p0  }
0x20: {  	[sflag:s8] =	ssyncset.s32 @!p0 $0xFFFFF086;
	s6 =	sadd.s32 @!p0 s3, s7;
	s7 =	simm.s32 @!p0 $0x108  }
0x21: {  	s3 =	sadd.s32 s3, s9;
	s6 =	sadd.s32 @!p0 $0x88, s6;
	s7 =	simm.s32 @p2 $0x1082  }
0x22: {  	[simem:s7], [sflag:s8] =	dma.local @!p0 [hbm:s6], $0xF7A  }
0x23: {  	s9 =	sor.u32 $0xD0000000, s2;
	s6 =	simm.s32 $0x108;
	_ =	swait.ge @!p0 [sflag:s8], $0x0  }
0x24: {  	s3 =	sadd.s32 $0x88, s3;
	s6 =	simm.s32 @!p1 $0x1082;
	[sflag:s4] =	ssyncset.s32 $0xFFFFF086  }
0x25: {  	[simem:s6], [sflag:s4] =	dma.local [hbm:s3], $0xF7A  }
0x26: {  	[smem:$0x3F9F] =	sst s1;
	(tag) =	ssettag s2;
	_ =	strace s9  }
0x27: {  	s1 =	sld [smem:$0x3FAF]  }
0x28: {  	s2 =	sld [smem:$0x3FB0]  }
0x29: {  	s4 =	sld [smem:$0x3FB2]  }
0x2a: {  	p0 =	seq.s32 s5, $0x0;
	s5 =	sld [smem:$0x3FB3]  }
0x2b: {  	s6 =	sld [smem:$0x3FB4]  }
0x2c: {  	s7 =	sld [smem:$0x3FB5]  }
0x2d: {  	s3 =	simm.s32 $0x108;
	s8 =	sld [smem:$0x3FB6]  }
0x2e: {  	s3 =	simm.s32 @!p0 $0x1082;
	s9 =	sld [smem:$0x3FB7]  }
0x2f: {  	lr =	sadd.s32 s0, s3;
	s0 =	sld [smem:$0x3FAE]  }
0x30: {  	s3 =	sld [smem:$0x3FB1]  }
0x31: {  	[smem:$0x3FBA] =	sst s10  }
0x32: {  	s10 =	sld [smem:$0x3FB8];
	_ =	sdelay $0x3  }
0x33: {  	p0 =	seq.s32 s10, $0x1;
	s10 =	sld [smem:$0x3FBA];
	_ =	sdelay $0x3  }
0x34: {  	[smem:$0x3FBA] =	sst s10  }
0x35: {  	s10 =	sld [smem:$0x3FB9];
	_ =	sdelay $0x3  }
0x36: {  	p1 =	seq.s32 s10, $0x1;
	s10 =	sld [smem:$0x3FBA];
	_ =	sdelay $0x3  }
0x37: {  	[smem:$0x3FBA] =	sst s10  }
0x38: {  	s10 =	sld [smem:$0x3FBB]  }
0x39: {  	_ = 	snop;
	(pc) =	sbr.ind lr, $3  }
0x3a: {  	_ = 	snop  }
0x3b: {  	_ = 	snop  }
0x3c: {  	p2 =	seq.s32 s10, $0x1;
	s10 =	sld [smem:$0x3FBA]  }
0x3d: {  	_ =	shalt  }
0x3e: {  	_ =	shalt  }
0x3f: {  	_ =	shalt  }
0x40: {  	_ =	shalt  }
0x41: {  	_ =	shalt  }
0x42: {  	_ =	shalt  }
0x43: {  	_ =	shalt  }
0x44: {  	_ =	shalt  }
0x45: {  	_ =	shalt  }
0x46: {  	_ =	shalt  }
0x47: {  	_ =	shalt  }
0x48: {  	_ =	shalt  }
0x49: {  	_ =	shalt  }
0x4a: {  	_ =	shalt  }
0x4b: {  	_ =	shalt  }
0x4c: {  	_ =	shalt  }
0x4d: {  	_ =	shalt  }
0x4e: {  	_ =	shalt  }
0x4f: {  	_ =	shalt  }
0x50: {  	_ =	shalt  }
0x51: {  	_ =	shalt  }
0x52: {  	_ =	shalt  }
0x53: {  	_ =	shalt  }
0x54: {  	_ =	shalt  }
0x55: {  	_ =	shalt  }
0x56: {  	_ =	shalt  }
0x57: {  	_ =	shalt  }
0x58: {  	_ =	shalt  }
0x59: {  	_ =	shalt  }
0x5a: {  	_ =	shalt  }
0x5b: {  	_ =	shalt  }
0x5c: {  	_ =	shalt  }
0x5d: {  	_ =	shalt  }
0x5e: {  	_ =	shalt  }
0x5f: {  	_ =	shalt  }
0x60: {  	_ =	shalt  }
0x61: {  	_ =	shalt  }
0x62: {  	_ =	shalt  }
0x63: {  	_ =	shalt  }
0x64: {  	_ =	shalt  }
0x65: {  	_ =	shalt  }
0x66: {  	_ =	shalt  }
0x67: {  	_ =	shalt  }
0x68: {  	_ =	shalt  }
0x69: {  	_ =	shalt  }
0x6a: {  	_ =	shalt  }
0x6b: {  	_ =	shalt  }
0x6c: {  	_ =	shalt  }
0x6d: {  	_ =	shalt  }
0x6e: {  	_ =	shalt  }
0x6f: {  	_ =	shalt  }
0x70: {  	_ =	shalt  }
0x71: {  	_ =	shalt  }
0x72: {  	_ =	shalt  }
0x73: {  	_ =	shalt  }
0x74: {  	_ =	shalt  }
0x75: {  	_ =	shalt  }
0x76: {  	_ =	shalt  }
0x77: {  	_ =	shalt  }
0x78: {  	_ =	shalt  }
0x79: {  	_ =	shalt  }
0x7a: {  	_ =	shalt  }
0x7b: {  	_ =	shalt  }
0x7c: {  	_ =	shalt  }
0x7d: {  	_ =	shalt  }
0x7e: {  	_ =	shalt  }
0x7f: {  	_ =	shalt  }
0x80: {  	_ =	shalt  }
0x81: {  	_ =	shalt  }
0x82: {  	_ =	shalt  }
0x83: {  	_ =	shalt  }
0x84: {  	_ =	shalt  }
0x85: {  	_ =	shalt  }
0x86: {  	_ =	shalt  }
0x87: {  	_ =	shalt  }
.Lfunc_end0:
.L_simem_size_0:
called_computation_lowered:
.L_overlay_start_0:
0x88: {  	s2 =	sld [smem:$0x3FD9]  }
0x89: {  	s3 =	sld [smem:$0x3FFE];
	_ =	sdelay $0x1  }
0x8a: {  	s1 =	srdreg.scid  }
0x8b: {  	s0 =	sand.u32 $0x1, s1  }
0x8c: {  	s16 =	sshll.u32 s0, $0xA;
	s2 =	sadd.s32 s3, s2  }
0x8d: {  	s2 =	sadd.s32 s2, s16  }
0x8e: {  	[smem:$0x3FC6] =	sst s2  }
0x8f: {  	_ = 	snop  }
0x90: {  	(tm) =	ssettm $0x1  }
0x91: {  	s17 =	sld [smem:$0x3FFB];
	_ =	sdelay $0x3  }
0x92: {  	_ =	strace s17  }
0x93: {  	s2 =	sld [smem:$0x3FFC];
	_ =	sdelay $0x3  }
0x94: {  	_ =	strace s2  }
0x95: {  	s2 =	sld [smem:$0x3FFD];
	_ =	sdelay $0x3  }
0x96: {  	_ =	strace s2  }
0x97: {  	_ =	strace $0x8FFFFFFF  }
0x98: {  	s18 =	sld [smem:$0x3FDB];
	_ =	sdelay $0x1  }
0x99: {  	s19 =	simm.s32 $_scs_section_size  }
0x9a: {  	s4 =	simm.s32 $_size__tile_overlayer_lowered;
	s5 =	simm.s32 $_tile_overlayer_lowered  }
0x9b: {  	s22 =	simm.s32 $0x1BFF;
	s21 =	sshll.u32 s5, $0x1;
	s2 =	sadd.s32 s19, s18  }
0x9c: {  	s6 =	simm.s32 $0x0;
	s20 =	sshll.u32 s4, $0x1;
	s4 =	sadd.s32 s21, s2  }
0x9d: {  	[timem:s6], [sflag:s22] =	dma.local [hbm:s4], s20  }
0x9e: {  	_ =	swait.ge [sflag:s22], s20  }
0x9f: {  	s3 =	ssub.s32 $0x0, s20;
	[sflag:s22] =	ssyncset.done $0x0  }
0xa0: {  	[sflag:s22] =	ssyncadd.s32 s3;
	_ =	sdelay $0x1  }
0xa1: {  	s23 =	simm.s32 $0x1B8B  }
0xa2: {  	_ =	swait.ge [sflag:s23], $0x1  }
0xa3: {  	[sflag:s23] =	ssyncset.done $0x0  }
0xa4: {  	s25 =	simm.s32 $0x1B8E;
	s24 =	sld [smem:$0x3FFE];
	[sflag:s23] =	ssyncadd.s32 $0xFFFFFFFF  }
0xa5: {  	s26 =	simm.s32 $execute0_lowered;
	[smem:$0x3FD2] =	sst s25  }
0xa6: {  	s4 =	sshll.u32 s26, $0x1;
	_ =	strace $0x80000046;
	[dreg:$0x1] =	wrdreg $0xFFFFFFFF  }
0xa7: {  	s28 =	simm.s32 $_size_execute0_lowered;
	s2 =	sadd.s32 s2, s4;
	[dreg:$0x0] =	wrdreg $0x0  }
0xa8: {  	s4 =	sshll.u32 s28, $0x1;
	[dreg:$0x2] =	wrdreg s2  }
0xa9: {  	[dreg:$0x3] =	wrdreg s4  }
0xaa: {  	[dreg:$0x4] =	wrdreg $0xC0  }
0xab: {  	_ =	task [dreg:s6], $0x5FFFF  }
0xac: {  	[dreg:$0x1] =	wrdreg $0xFFFFFFFF  }
0xad: {  	[dreg:$0x0] =	wrdreg $0x60  }
0xae: {  	[dreg:$0x2] =	wrdreg s24  }
0xaf: {  	[dreg:$0x3] =	wrdreg $0xB2800  }
0xb0: {  	[dreg:$0x4] =	wrdreg $0xC2800  }
0xb1: {  	[dreg:$0x5] =	wrdreg $0x9  }
0xb2: {  	_ =	task.clear_ibuf [dreg:s6], $0x6FFFF;
	_ =	strace $0x90000046  }
0xb3: {  	s29 =	simm.s32 $0x9;
	_ =	strace $0x80000048  }
0xb4: {  	_ =	swait.ge [sflag:s29], $0x1  }
0xb5: {  	[sflag:s29] =	ssyncadd.s32 $0xFFFFFFFF  }
0xb6: {  	_ =	strace $0x90000048  }
0xb7: {  	_ =	sfence  }
0xb8: {  	s30 =	sld [smem:$0x0];
	_ =	sdelay $0x2  }
0xb9: {  	s31 =	sshll.u32 s1, $0xD;
	s1 =	sshrl.u32 s1, $0x2  }
0xba: {  	s3 =	sand.u32 $0x4000, s31;
	s1 =	sadd.s32 s1, s30  }
0xbb: {  	s0 =	sor.u32 s3, s0;
	s1 =	sshll.u32 s1, $0x11  }
0xbc: {  	s0 =	sor.u32 s1, s0  }
0xbd: {  	s0 =	sadd.s32 $0x8F2B, s0  }
0xbe: {  	[sflag:s0] =	ssyncadd.remote.s32 $0x1  }
0xbf: {  	_ =	sfence.sel $0xFFFF  }
0xc0: {  	[dreg:$0x0] =	wrdreg $0xFFFFFFFF;
	(pc) =	sbr.abs _section_cstart, $3  }
0xc1: {  	[dreg:$0x1] =	wrdreg $0xFFFFFFFF  }
0xc2: {  	_ =	task.clear_ibuf [dreg:s6], $0x2FFFF;
	_ =	strace $0x9FFFFFFF  }
0xc3: {  	(tm) =	ssettm $0x7FFFFFFF  }
tec
execute0_lowered:
.L_overlay_start_1:
0x0: {  	(tag) =	ssettag $0x1  }
0x1: {  	s0 =	rddreg [dreg:$0x0]  }
0x2: {  	s1 =	rddreg [dreg:$0x1]  }
0x3: {  	s2 =	rddreg [dreg:$0x2];
	s4 =	simm.s32 $0x0  }
0x4: {  	s3 =	srdreg.scid;
	s6 =	stileid.u32;
	s16 =	simm.s32 $0x80  }
0x5: {  	[smem:$0x7FF] =	sst s4;
	s3 =	sand.u32 $0x1, s3;
	s5 =	sadd.s32 $0x1800, s0  }
0x6: {  	s7 =	sadd.s32 $0x1A00, s0;
	s19 =	sshrl.u32 s6, $0x3;
	s8 =	sand.u32 $0x7, s6  }
0x7: {  	_ =	strace $0x80000047;
	s17 =	ssub.s32 $0x2, s3;
	[dreg:$0x4] =	wrdreg s5  }
0x8: {  	[dreg:$0x5] =	wrdreg s7;
	s20 =	smul.u32 $0xC, s3;
	s21 =	sshll.u32 s19, $0xF  }
0x9: {  	p0 =	seq.s32 s3, $0x1;
	s22 =	sshll.u32 s8, $0x9;
	s6 =	sshll.u32 s8, $0xB  }
0xa: {  	[dreg:$0x6] =	wrdreg s19;
	s7 =	sshll.u32 s19, $0x7;
	s26 =	sshll.u32 s8, $0xC  }
0xb: {  	s28 =	sshll.u32 s8, $0xA;
	[dreg:$0x7] =	wrdreg s8;
	s1 =	sadd.s32 s21, s1  }
0xc: {  	s23 =	sshrl.u32 s22, $0x2;
	s25 =	sadd.s32 s7, s2;
	[dreg:$0x8] =	wrdreg s20  }
0xd: {  	s30 =	sshll.u32 s8, $0x8;
	s5 =	sadd.s32 s23, s1;
	[dreg:$0xb] =	wrdreg s25  }
0xe: {  	s18 =	sshrl.u32 s17, $0x1;
	s24 =	sadd.s32 s6, s1;
	[dreg:$0x9] =	wrdreg s5  }
0xf: {  	s4 =	ssub.s32 s17, s18;
	s2 =	sadd.s32 s22, s25;
	[dreg:$0xa] =	wrdreg s24  }
0x10: {  	s29 =	sadd.s32 s28, s25;
	s18 =	simm.s32 $0x400;
	[dreg:$0xc] =	wrdreg s2  }
0x11: {  	s20 =	simm.s32 $0x2;
	s2 =	sadd.s32 s26, s1;
	[dreg:$0xe] =	wrdreg s29  }
.Ltmp0:
0x12: {  	s1 =	sadd.s32 s28, s1;
	[dreg:$0xd] =	wrdreg s2;
	(pc) =	sbr.rel .LBB2_1-.Ltmp0, $4  }
0x13: {  	s31 =	smax.u32 s4, $0x1;
	s2 =	simm.s32 $0xE1800;
	[dreg:$0xf] =	wrdreg s1  }
0x14: {  	s1 =	sadd.s32 s30, s25;
	[dreg:$0x11] =	wrdreg s31;
	s2 =	simm.s32 @!p0 $0x61800  }
0x15: {  	v0 =	vimm.s32 $0x0;
	v1 =	vimm.s32 $0x1;
	s22 =	simm.s32 $0x8080;
	[dreg:$0x10] =	wrdreg s1;
	s0 =	sadd.s32 s2, s0  }
0x16: {  	v2 =	vlaneseq.u32;
	vm0 =	vcmask $0x300;
	vm1 =	vcmask $0x704;
	p0 =	sne.s32 s8, $0x0;
	s1 =	simm.s32 $0x0;
	[dreg:$0x12] =	wrdreg s0  }
.LBB2_39:
0x17: {  	s1 =	rddreg [dreg:$0x13]  }
0x18: {  	s0 =	rddreg [dreg:$0x11];
	s1 =	sadd.s32 $0x1, s1  }
0x19: {  	p1 =	sne.s32 s1, s0  }
.Ltmp1:
0x1a: {  	_ = 	snop;
	(pc) =	sbr.rel @!p1 .LBB2_40-.Ltmp1, $1  }
0x1b: {  	_ =	sdelay $0x3  }
.LBB2_1:
.Ltmp2:
0x1c: {  	(pc) =	sbr.rel .LBB2_2-.Ltmp2, $2  }
0x1d: {  	_ =	sdelay $0x2  }
0x1e: {  	[dreg:$0x13] =	wrdreg s1;
	s0 =	simm.s32 $0x0  }
.LBB2_38:
0x1f: {  	s0 =	rddreg [dreg:$0x14]  }
0x20: {  	s0 =	sadd.s32 $0x1, s0  }
0x21: {  	p1 =	sne.s32 s0, $0x6  }
.Ltmp3:
0x22: {  	_ = 	snop;
	(pc) =	sbr.rel @!p1 .LBB2_39-.Ltmp3, $1  }
0x23: {  	_ =	sdelay $0x3  }
.LBB2_2:
0x24: {  	s26 =	sshll.u32 s0, $0x1;
	s1 =	rddreg [dreg:$0x6]  }
0x25: {  	[dreg:$0x14] =	wrdreg s0;
	s1 =	sor.u32 s1, s26  }
0x26: {  	s3 =	rddreg [dreg:$0x7];
	s0 =	sand.u32 $0x8, s26;
	s2 =	sshll.u32 s1, $0x4  }
0x27: {  	s28 =	rddreg [dreg:$0x12];
	s0 =	sor.u32 s3, s0;
	s2 =	sand.u32 $0x70, s2  }
0x28: {  	s0 =	sshll.u32 s0, $0xF;
	s2 =	sadd.s32 s28, s2  }
0x29: {  	s29 =	rddreg [dreg:$0x8];
	s2 =	sadd.s32 s0, s2;
	s0 =	simm.s32 $0x0  }
0x2a: {  	[tilespmem:s0], [sflag:$0x2] =	stream.strided.gather [hbm4b:s2+s16], $0x8000, s18, s16, $0x38;
	[tilespmem:$0xC480] =	vst v63  }
0x2b: {  	s31 =	simm.s32 $0x8000;
	s1 =	sadd.s32 s29, s1;
	_ =	swait.ge [sflag:s20], $0x8000  }
0x2c: {  	s2 =	sshll.u32 s1, $0x4;
	[sflag:s20] =	ssyncset.done $0x0;
	s30 =	rddreg [dreg:$0x4]  }
0x2d: {  	[dreg:$0x15] =	wrdreg s2;
	[sflag:s20] =	ssyncadd.s32 $0xFFFF8000;
	s1 =	sadd.s32 s30, s2  }
0x2e: {  	[tilespmem:s31], [sflag:$0x2] =	stream.linear.gather [hbm4b:s1+s0], $0x80, $0x38;
	[tilespmem:$0xC480] =	vst v63  }
0x2f: {  	_ =	swait.ge [sflag:s20], $0x80  }
0x30: {  	[sflag:s20] =	ssyncset.done $0x0  }
0x31: {  	[sflag:s20] =	ssyncadd.s32 $0xFFFFFF80  }
0x32: {  	s2 =	simm.s32 $0x100;
	s1 =	simm.s32 $0x0;
	v3 =	vld [tilespmem:$0x8000]  }
.LBB2_3:
0x33: {  	p1 =	sne.s32 s2, $0x1F00;
	[tilespmem:s1+$0x80B0] =	vst v0;
	s3 =	smov.u32 s2;
	s2 =	sadd.s32 $0x100, s2  }
.Ltmp4:
0x34: {  	[tilespmem:s1+$0x80A0] =	vst v0;
	(pc) =	sbr.rel @p1 .LBB2_3-.Ltmp4, $3  }
0x35: {  	[tilespmem:s1+$0x8080] =	vst v0  }
0x36: {  	[tilespmem:s1+$0x8090] =	vst v0;
	_ =	sdelay $0x1  }
0x37: {  	s1 =	sshra.s32 s3, $0x2  }
0x38: {  	[tilespmem:s1+$0x80B0] =	vst v0  }
0x39: {  	[tilespmem:s1+$0x80A0] =	vst v0  }
0x3a: {  	[tilespmem:s1+$0x8080] =	vst v0  }
0x3b: {  	[tilespmem:s1+$0x8090] =	vst v0  }
.LBB2_5:
0x3c: {  	s1 =	sshra.s32 s0, $0x2  }
0x3d: {  	v4 =	vld [tilespmem:s1+$0x0];
	_ =	sdelay $0x4  }
0x3e: {  	v5 =	vshrl.u32 v4, $0x10  }
0x3f: {  	v4 =	vshra.s32 v4, $0x1B;
	v5 =	vand.u32 $0x7F0, v5  }
0x40: {  	v4 =	vor.u32 v4, v5;
	_ =	sdelay $0x4  }
0x41: {  	[tilespmem:v4+s22+$0x0] =	vst.idx.add.s32.msk $0xffff, v1  }
0x42: {  	v4 =	vld [tilespmem:s1+$0x10];
	_ =	sdelay $0x4  }
0x43: {  	v5 =	vshrl.u32 v4, $0x10  }
0x44: {  	v4 =	vshra.s32 v4, $0x1B;
	v5 =	vand.u32 $0x7F0, v5  }
0x45: {  	v4 =	vor.u32 v4, v5;
	_ =	sdelay $0x4  }
0x46: {  	[tilespmem:v4+s22+$0x0] =	vst.idx.add.s32.msk $0xffff, v1  }
0x47: {  	v4 =	vld [tilespmem:s1+$0x20];
	_ =	sdelay $0x4  }
0x48: {  	v5 =	vshrl.u32 v4, $0x10  }
0x49: {  	v4 =	vshra.s32 v4, $0x1B;
	v5 =	vand.u32 $0x7F0, v5  }
0x4a: {  	v4 =	vor.u32 v4, v5;
	_ =	sdelay $0x4  }
0x4b: {  	[tilespmem:v4+s22+$0x0] =	vst.idx.add.s32.msk $0xffff, v1  }
0x4c: {  	v4 =	vld [tilespmem:s1+$0x30];
	_ =	sdelay $0x4  }
0x4d: {  	v5 =	vshrl.u32 v4, $0x10  }
0x4e: {  	v4 =	vshra.s32 v4, $0x1B;
	v5 =	vand.u32 $0x7F0, v5  }
0x4f: {  	v4 =	vor.u32 v4, v5;
	_ =	sdelay $0x4  }
0x50: {  	[tilespmem:v4+s22+$0x0] =	vst.idx.add.s32.msk $0xffff, v1  }
0x51: {  	v4 =	vld [tilespmem:s1+$0x40];
	_ =	sdelay $0x4  }
0x52: {  	v5 =	vshrl.u32 v4, $0x10  }
0x53: {  	v4 =	vshra.s32 v4, $0x1B;
	v5 =	vand.u32 $0x7F0, v5  }
0x54: {  	v4 =	vor.u32 v4, v5;
	_ =	sdelay $0x4  }
0x55: {  	[tilespmem:v4+s22+$0x0] =	vst.idx.add.s32.msk $0xffff, v1  }
0x56: {  	v4 =	vld [tilespmem:s1+$0x50];
	_ =	sdelay $0x4  }
0x57: {  	v5 =	vshrl.u32 v4, $0x10  }
0x58: {  	v4 =	vshra.s32 v4, $0x1B;
	v5 =	vand.u32 $0x7F0, v5  }
0x59: {  	v4 =	vor.u32 v4, v5;
	_ =	sdelay $0x4  }
0x5a: {  	[tilespmem:v4+s22+$0x0] =	vst.idx.add.s32.msk $0xffff, v1  }
0x5b: {  	v4 =	vld [tilespmem:s1+$0x60];
	_ =	sdelay $0x4  }
0x5c: {  	v5 =	vshrl.u32 v4, $0x10  }
0x5d: {  	v4 =	vshra.s32 v4, $0x1B;
	v5 =	vand.u32 $0x7F0, v5  }
0x5e: {  	v4 =	vor.u32 v4, v5;
	_ =	sdelay $0x4  }
0x5f: {  	[tilespmem:v4+s22+$0x0] =	vst.idx.add.s32.msk $0xffff, v1  }
0x60: {  	v4 =	vld [tilespmem:s1+$0x70];
	_ =	sdelay $0x4  }
0x61: {  	v5 =	vshrl.u32 v4, $0x10  }
0x62: {  	v4 =	vshra.s32 v4, $0x1B;
	v5 =	vand.u32 $0x7F0, v5  }
0x63: {  	p1 =	sne.s32 s0, $0x1FE00;
	v4 =	vor.u32 v4, v5  }
.Ltmp5:
0x64: {  	_ = 	snop;
	(pc) =	sbr.rel @p1 .LBB2_5-.Ltmp5, $2  }
0x65: {  	_ =	sdelay $0x2  }
0x66: {  	s0 =	sadd.s32 $0x200, s0;
	[tilespmem:v4+s22+$0x0] =	vst.idx.add.s32.msk $0xffff, v1  }
0x67: {  	s0 =	rddreg [dreg:$0x9]  }
0x68: {  	[spmem:s0] =	stream.strided.scatter [tilespmem:s22], [sflag:$0x2], $0x800, s18, s16, $0x38;
	[tilespmem:$0xC480] =	vst v63  }
0x69: {  	_ =	swait.ge [sflag:s20], $0x800  }
0x6a: {  	[sflag:s20] =	ssyncset.done $0x0  }
0x6b: {  	[sflag:s20] =	ssyncadd.s32 $0xFFFFF800  }
0x6c: {  	[bflag:$0x0] =	sbarrier.arrive $0xFFFF  }
0x6d: {  	s1 =	simm.s32 $0xA080;
	s0 =	simm.s32 $0x0;
	s30 =	rddreg [dreg:$0xa]  }
0x6e: {  	[tilespmem:s1], [sflag:$0x2] =	stream.linear.gather [spmem:s30], $0x800, $0x38;
	[tilespmem:$0xC480] =	vst v63  }
0x6f: {  	s31 =	sand.u32 $0x400, s0;
	_ =	swait.ge [sflag:s20], $0x800  }
0x70: {  	s3 =	sand.u32 $0x60, s0;
	s4 =	sor.u32 $0xA080, s31;
	[sflag:s20] =	ssyncset.done $0x0  }
0x71: {  	s1 =	sor.u32 s3, s4;
	[sflag:s20] =	ssyncadd.s32 $0xFFFFF800  }
0x72: {  	v4 =	vld [tilespmem:s1+$0x0]  }
0x73: {  	v5 =	vld [tilespmem:s1+$0x80]  }
0x74: {  	v6 =	vld [tilespmem:s1+$0x100]  }
0x75: {  	v7 =	vld [tilespmem:s1+$0x180]  }
0x76: {  	v8 =	vld [tilespmem:s1+$0x200]  }
0x77: {  	v9 =	vld [tilespmem:s1+$0x280]  }
0x78: {  	v4 =	vadd.s32 v4, v5;
	v5 =	vld [tilespmem:s1+$0x300]  }
0x79: {  	v4 =	vadd.s32 v6, v4;
	v6 =	vld [tilespmem:s1+$0x380]  }
0x7a: {  	v4 =	vadd.s32 v7, v4  }
0x7b: {  	v4 =	vadd.s32 v8, v4  }
0x7c: {  	v4 =	vadd.s32 v9, v4  }
0x7d: {  	v4 =	vadd.s32 v5, v4  }
0x7e: {  	s2 =	simm.s32 $0xB080;
	s1 =	sor.u32 $0x10, s3;
	v4 =	vadd.s32 v6, v4  }
0x7f: {  	s4 =	sor.u32 s1, s4;
	[tilespmem:s2+$0x0] =	vst v4  }
0x80: {  	v4 =	vld [tilespmem:s4+$0x0]  }
0x81: {  	v5 =	vld [tilespmem:s4+$0x80]  }
0x82: {  	v8 =	vld [tilespmem:s4+$0x100]  }
0x83: {  	v9 =	vld [tilespmem:s4+$0x180];
	_ =	sdelay $0x1  }
0x84: {  	v7 =	vld [tilespmem:s4+$0x200]  }
0x85: {  	v6 =	vld [tilespmem:s4+$0x280];
	v5 =	vadd.s32 v4, v5  }
0x86: {  	v4 =	vld [tilespmem:s4+$0x300];
	v8 =	vadd.s32 v8, v5  }
0x87: {  	s3 =	simm.s32 $0x20;
	v5 =	vld [tilespmem:s4+$0x380];
	s4 =	simm.s32 $0x0;
	v8 =	vadd.s32 v9, v8  }
.LBB2_7:
0x88: {  	p1 =	sne.s32 s3, $0xE0;
	s0 =	sadd.s32 $0x100, s0;
	s2 =	sadd.s32 $0x20, s2  }
0x89: {  	v7 =	vadd.s32 v7, v8;
	s6 =	smov.u32 s3;
	s3 =	sadd.s32 $0x20, s3;
	s5 =	sand.u32 $0x400, s0  }
0x8a: {  	s4 =	sand.u32 $0x80, s4;
	s7 =	sand.u32 $0x60, s6;
	v6 =	vadd.s32 v6, v7;
	s5 =	sor.u32 $0xA080, s5  }
0x8b: {  	s9 =	sor.u32 s1, s4;
	v4 =	vadd.s32 v4, v6;
	s1 =	sor.u32 $0x10, s7;
	s8 =	sor.u32 s7, s5  }
0x8c: {  	s4 =	smov.u32 s6;
	v4 =	vadd.s32 v5, v4  }
0x8d: {  	[tilespmem:s9+$0xB080] =	vst v4  }
0x8e: {  	v4 =	vld [tilespmem:s8+$0x0]  }
0x8f: {  	v5 =	vld [tilespmem:s8+$0x80]  }
0x90: {  	v6 =	vld [tilespmem:s8+$0x100]  }
0x91: {  	v7 =	vld [tilespmem:s8+$0x180]  }
0x92: {  	v8 =	vld [tilespmem:s8+$0x200]  }
0x93: {  	v9 =	vld [tilespmem:s8+$0x280]  }
0x94: {  	v4 =	vadd.s32 v4, v5;
	v5 =	vld [tilespmem:s8+$0x300]  }
0x95: {  	v4 =	vadd.s32 v6, v4;
	v6 =	vld [tilespmem:s8+$0x380]  }
0x96: {  	v4 =	vadd.s32 v7, v4  }
0x97: {  	v4 =	vadd.s32 v8, v4  }
0x98: {  	v4 =	vadd.s32 v9, v4  }
0x99: {  	v4 =	vadd.s32 v5, v4  }
0x9a: {  	v4 =	vadd.s32 v6, v4  }
0x9b: {  	s5 =	sor.u32 s1, s5;
	[tilespmem:s2+$0x0] =	vst v4  }
0x9c: {  	v4 =	vld [tilespmem:s5+$0x0]  }
0x9d: {  	v5 =	vld [tilespmem:s5+$0x80]  }
0x9e: {  	v8 =	vld [tilespmem:s5+$0x100]  }
0x9f: {  	v9 =	vld [tilespmem:s5+$0x180]  }
.Ltmp6:
0xa0: {  	v7 =	vld [tilespmem:s5+$0x200];
	(pc) =	sbr.rel @p1 .LBB2_7-.Ltmp6, $4  }
0xa1: {  	v6 =	vld [tilespmem:s5+$0x280]  }
0xa2: {  	v5 =	vadd.s32 v4, v5;
	v4 =	vld [tilespmem:s5+$0x300]  }
0xa3: {  	v8 =	vadd.s32 v8, v5;
	v5 =	vld [tilespmem:s5+$0x380]  }
0xa4: {  	v8 =	vadd.s32 v9, v8  }
0xa5: {  	v7 =	vadd.s32 v7, v8  }
0xa6: {  	v6 =	vadd.s32 v6, v7  }
0xa7: {  	s0 =	sand.u32 $0x80, s4;
	v4 =	vadd.s32 v4, v6  }
0xa8: {  	s0 =	sor.u32 s1, s0;
	v4 =	vadd.s32 v5, v4  }
0xa9: {  	s26 =	rddreg [dreg:$0xc];
	s28 =	simm.s32 $0x100;
	s2 =	simm.s32 $0xB080;
	[tilespmem:s0+$0xB080] =	vst v4  }
0xaa: {  	[spmem:s26] =	stream.strided.scatter [tilespmem:s2], [sflag:$0x2], $0x100, s28, s16, $0x38;
	[tilespmem:$0xC480] =	vst v63  }
0xab: {  	_ =	swait.ge [sflag:s20], $0x100  }
0xac: {  	[sflag:s20] =	ssyncset.done $0x0  }
0xad: {  	[sflag:s20] =	ssyncadd.s32 $0xFFFFFF00  }
0xae: {  	[bflag:$0x0] =	sbarrier.arrive $0xFFFF  }
0xaf: {  	s30 =	simm.s32 $0x9080;
	s29 =	rddreg [dreg:$0xb]  }
0xb0: {  	[tilespmem:s30], [sflag:$0x2] =	stream.strided.gather [spmem:s29], $0x800, s28, s16, $0x38;
	[tilespmem:$0xC480] =	vst v63  }
0xb1: {  	_ =	swait.ge [sflag:s20], $0x800  }
0xb2: {  	[sflag:s20] =	ssyncset.done $0x0  }
0xb3: {  	s31 =	simm.s32 $0x0;
	[sflag:s20] =	ssyncadd.s32 $0xFFFFF800  }
0xb4: {  	v4 =	vld [tilespmem:s31+$0x9080]  }
0xb5: {  	v5 =	vld [tilespmem:s31+$0x9090]  }
0xb6: {  	v6 =	vld [tilespmem:s31+$0x90A0]  }
0xb7: {  	v8 =	vimm.s32 $0x0;
	s0 =	simm.s32 $0x100;
	v7 =	vld [tilespmem:s31+$0x90B0]  }
.LBB2_9:
0xb8: {  	p1 =	sne.s32 s0, $0x1F00  }
.Ltmp7:
0xb9: {  	s1 =	sshra.s32 s0, $0x2;
	s0 =	sadd.s32 $0x100, s0;
	v8 =	vadd.s32 v8, v4;
	(pc) =	sbr.rel @p1 .LBB2_9-.Ltmp7, $4  }
0xba: {  	v4 =	vld [tilespmem:s1+$0x9080];
	v8 =	vadd.s32 v5, v8  }
0xbb: {  	v5 =	vld [tilespmem:s1+$0x9090];
	v8 =	vadd.s32 v6, v8  }
0xbc: {  	v6 =	vld [tilespmem:s1+$0x90A0];
	v8 =	vadd.s32 v7, v8  }
0xbd: {  	v7 =	vld [tilespmem:s1+$0x90B0]  }
0xbe: {  	_ = 	snop  }
0xbf: {  	v4 =	vadd.s32 v8, v4  }
0xc0: {  	v4 =	vadd.s32 v5, v4  }
0xc1: {  	v4 =	vadd.s32 v6, v4  }
0xc2: {  	v4 =	vadd.s32 v7, v4  }
0xc3: {  	(v2sf) =	vpush v4, $0x0  }
0xc4: {  	(v2sf) =	vpush v4, $0x1  }
0xc5: {  	(v2sf) =	vpush v4, $0x2  }
0xc6: {  	(v2sf) =	vpush v4, $0x3  }
0xc7: {  	(v2sf) =	vpush v4, $0x4  }
0xc8: {  	(v2sf) =	vpush v4, $0x5  }
0xc9: {  	(v2sf) =	vpush v4, $0x6  }
0xca: {  	(v2sf) =	vpush v4, $0x7  }
0xcb: {  	(v2sf) =	vpush v4, $0x8  }
0xcc: {  	(v2sf) =	vpush v4, $0x9  }
0xcd: {  	(v2sf) =	vpush v4, $0xA  }
0xce: {  	(v2sf) =	vpush v4, $0xB  }
0xcf: {  	(v2sf) =	vpush v4, $0xC  }
0xd0: {  	(v2sf) =	vpush v4, $0xD  }
0xd1: {  	(v2sf) =	vpush v4, $0xE  }
0xd2: {  	s0 =	spop (v2sf);
	(v2sf) =	vpush v4, $0xF  }
0xd3: {  	v4 =	vbroadcast v4, $0x0;
	s1 =	spop (v2sf)  }
0xd4: {  	vm2 =	veq.s32 v2, $0x0;
	s2 =	spop (v2sf);
	s0 =	sadd.s32 s1, s0  }
0xd5: {  	v4 =	vsel vm2, $0x0, v4;
	vm2 =	veq.s32 v2, $0x2;
	s16 =	spop (v2sf);
	s2 =	sadd.s32 s2, s0  }
0xd6: {  	v4 =	vsel vm2, s0, v4;
	vm2 =	veq.s32 v2, $0x3;
	s3 =	spop (v2sf);
	s1 =	sadd.s32 s16, s2  }
0xd7: {  	v4 =	vsel vm2, s2, v4;
	vm2 =	veq.s32 v2, $0x4;
	s17 =	spop (v2sf);
	s3 =	sadd.s32 s3, s1  }
0xd8: {  	v4 =	vsel vm2, s1, v4;
	vm2 =	veq.s32 v2, $0x5;
	s18 =	spop (v2sf);
	s0 =	sadd.s32 s17, s3  }
0xd9: {  	v4 =	vsel vm2, s3, v4;
	vm2 =	veq.s32 v2, $0x6;
	s19 =	spop (v2sf);
	s2 =	sadd.s32 s18, s0  }
0xda: {  	v4 =	vsel vm2, s0, v4;
	vm2 =	veq.s32 v2, $0x7;
	s20 =	spop (v2sf);
	s1 =	sadd.s32 s19, s2  }
0xdb: {  	v4 =	vsel vm2, s2, v4;
	vm2 =	veq.s32 v2, $0x8;
	s21 =	spop (v2sf);
	s3 =	sadd.s32 s20, s1  }
0xdc: {  	v4 =	vsel vm2, s1, v4;
	vm2 =	veq.s32 v2, $0x9;
	s23 =	spop (v2sf);
	s0 =	sadd.s32 s21, s3  }
0xdd: {  	v4 =	vsel vm2, s3, v4;
	vm2 =	veq.s32 v2, $0xA;
	s24 =	spop (v2sf);
	s2 =	sadd.s32 s23, s0  }
0xde: {  	v4 =	vsel vm2, s0, v4;
	vm2 =	veq.s32 v2, $0xB;
	s25 =	spop (v2sf);
	s1 =	sadd.s32 s24, s2  }
0xdf: {  	v4 =	vsel vm2, s2, v4;
	vm2 =	veq.s32 v2, $0xC;
	s26 =	spop (v2sf);
	s3 =	sadd.s32 s25, s1  }
0xe0: {  	s29 =	simm.s32 $0x0;
	v4 =	vsel vm2, s1, v4;
	vm2 =	veq.s32 v2, $0xD;
	s28 =	spop (v2sf);
	s0 =	sadd.s32 s26, s3  }
0xe1: {  	v6 =	vld [tilespmem:s29+$0x9080];
	v4 =	vsel vm2, s3, v4;
	vm2 =	veq.s32 v2, $0xE;
	s2 =	sadd.s32 s28, s0;
	s4 =	spop (v2sf)  }
0xe2: {  	v12 =	vld [tilespmem:s29+$0x9090];
	v4 =	vsel vm2, s0, v4;
	vm2 =	veq.s32 v2, $0xF;
	s3 =	sadd.s32 s4, s2  }
0xe3: {  	v11 =	vimm.s32 $0x0;
	v5 =	vsel vm2, s2, v4;
	s30 =	sadd.s32 $0xFFFFF830, s3  }
0xe4: {  	v7 =	vadd.s32 v5, v11;
	v4 =	vmov s30  }
0xe5: {  	vm2 =	vle.s32 v7, v4  }
0xe6: {  	s31 =	simm.s32 $0x20;
	v7 =	vadd.s32 v11, v6;
	v13 =	vsel vm2, $0x1, v0  }
0xe7: {  	v6 =	vnsel vm2, $0x0, v6;
	v14 =	vadd.s32 v5, v7;
	v8 =	vadd.s32 v12, v7;
	v7 =	vld [tilespmem:s31+$0x9080]  }
0xe8: {  	v9 =	vadd.s32 v5, v8;
	v10 =	vadd.s32 v11, v6;
	vm2 =	vle.s32 v14, v4;
	v6 =	vld [tilespmem:s31+$0x9090]  }
0xe9: {  	s0 =	simm.s32 $0x100;
	v11 =	vadd.s32 v13, v11;
	v13 =	vsel vm2, $0x1, v0;
	v12 =	vnsel vm2, $0x0, v12  }
.LBB2_11:
0xea: {  	p1 =	sne.s32 s0, $0x1F80;
	v11 =	vadd.s32 v13, v11;
	v10 =	vadd.s32 v12, v10;
	s1 =	smov.u32 s0;
	s0 =	sadd.s32 $0x80, s0  }
.Ltmp8:
0xeb: {  	vm2 =	vle.s32 v9, v4;
	(pc) =	sbr.rel @p1 .LBB2_11-.Ltmp8, $4  }
0xec: {  	s1 =	sshra.s32 s1, $0x2;
	v12 =	vsel vm2, $0x1, v0;
	v13 =	vnsel vm2, $0x0, v7;
	v8 =	vadd.s32 v8, v7  }
0xed: {  	v7 =	vld [tilespmem:s1+$0x9080];
	v14 =	vadd.s32 v5, v8;
	v8 =	vadd.s32 v6, v8;
	v15 =	vmov v6  }
0xee: {  	v10 =	vadd.s32 v10, v13;
	v9 =	vadd.s32 v5, v8;
	v6 =	vld [tilespmem:s1+$0x9090];
	vm2 =	vle.s32 v14, v4  }
0xef: {  	v11 =	vadd.s32 v12, v11;
	v13 =	vsel vm2, $0x1, v0;
	v12 =	vnsel vm2, $0x0, v15  }
0xf0: {  	(v2sf) =	vpush v3, $0x0;
	_ =	sdelay $0xa  }
0xf1: {  	vm2 =	vle.s32 v9, v4;
	s12 =	simm.s32 $0x0  }
0xf2: {  	v9 =	vadd.s32 v12, v10;
	v10 =	vnsel vm2, $0x0, v7;
	v7 =	vadd.s32 v8, v7;
	v8 =	vld [tilespmem:s12+$0x9080]  }
0xf3: {  	v3 =	vadd.s32 v13, v11;
	v13 =	vld [tilespmem:s12+$0x9090]  }
0xf4: {  	v12 =	vimm.s32 $0x0;
	v11 =	vsel vm2, $0x1, v0;
	v7 =	vadd.s32 v5, v7  }
0xf5: {  	v9 =	vadd.s32 v9, v10;
	v10 =	vadd.s32 v5, v12;
	vm2 =	vle.s32 v7, v4;
	s0 =	spop (v2sf)  }
0xf6: {  	v4 =	vadd.s32 v11, v3;
	v7 =	vsel vm2, $0x1, v0;
	v11 =	vnsel vm2, $0x0, v6;
	[dreg:$0x1b] =	wrdreg s0;
	s0 =	ssub.s32 s3, s0  }
0xf7: {  	v6 =	vadd.s32 v7, v4;
	v7 =	vadd.s32 v12, v8;
	v3 =	vmov s0  }
0xf8: {  	s1 =	simm.s32 $0x20;
	v4 =	vadd.s32 v11, v9;
	v9 =	vadd.s32 v13, v7;
	vm2 =	vle.s32 v10, v3  }
0xf9: {  	v15 =	vadd.s32 v5, v7;
	v10 =	vadd.s32 v5, v9;
	v11 =	vnsel vm2, $0x0, v8;
	v8 =	vld [tilespmem:s1+$0x9080]  }
0xfa: {  	v7 =	vld [tilespmem:s1+$0x9090];
	v14 =	vsel vm2, $0x1, v0;
	vm2 =	vle.s32 v15, v3;
	v11 =	vadd.s32 v12, v11  }
0xfb: {  	s0 =	simm.s32 $0x100;
	v12 =	vadd.s32 v14, v12;
	v14 =	vsel vm2, $0x1, v0;
	v13 =	vnsel vm2, $0x0, v13  }
.LBB2_13:
0xfc: {  	p1 =	sne.s32 s0, $0x1F80;
	v12 =	vadd.s32 v14, v12;
	v11 =	vadd.s32 v13, v11;
	s1 =	smov.u32 s0;
	s0 =	sadd.s32 $0x80, s0  }
.Ltmp9:
0xfd: {  	vm2 =	vle.s32 v10, v3;
	(pc) =	sbr.rel @p1 .LBB2_13-.Ltmp9, $4  }
0xfe: {  	s1 =	sshra.s32 s1, $0x2;
	v13 =	vsel vm2, $0x1, v0;
	v14 =	vnsel vm2, $0x0, v8;
	v9 =	vadd.s32 v9, v8  }
0xff: {  	v8 =	vld [tilespmem:s1+$0x9080];
	v15 =	vadd.s32 v5, v9;
	v9 =	vadd.s32 v7, v9;
	v16 =	vmov v7  }
0x100: {  	v11 =	vadd.s32 v11, v14;
	v10 =	vadd.s32 v5, v9;
	v7 =	vld [tilespmem:s1+$0x9090];
	vm2 =	vle.s32 v15, v3  }
0x101: {  	v12 =	vadd.s32 v13, v12;
	v14 =	vsel vm2, $0x1, v0;
	v13 =	vnsel vm2, $0x0, v16  }
0x102: {  	_ =	sdelay $0x1  }
0x103: {  	v12 =	vadd.s32 v14, v12;
	vm2 =	vle.s32 v10, v3;
	v9 =	vadd.s32 v9, v8  }
0x104: {  	v62 =	vadd.s32 v13, v11;
	v8 =	vnsel vm2, $0x0, v8;
	v5 =	vadd.s32 v5, v9  }
0x105: {  	v63 =	vsel vm2, $0x1, v0;
	v8 =	vadd.s32 v62, v8;
	vm2 =	vle.s32 v5, v3  }
0x106: {  	v3 =	vadd.s32 v63, v12;
	v5 =	vsel vm2, $0x1, v0;
	v7 =	vnsel vm2, $0x0, v7  }
0x107: {  	[dreg:$0x1a] =	wrdreg s3;
	s0 =	simm.s32 $0x100;
	v5 =	vadd.s32 v5, v3;
	v3 =	vadd.s32 v7, v8  }
.LBB2_15:
0x108: {  	p1 =	sne.s32 s0, $0x3F00;
	[tilespmem:s12+$0x80B0] =	vst v0;
	s1 =	smov.u32 s0;
	s0 =	sadd.s32 $0x100, s0  }
.Ltmp10:
0x109: {  	[tilespmem:s12+$0x80A0] =	vst v0;
	(pc) =	sbr.rel @p1 .LBB2_15-.Ltmp10, $3  }
0x10a: {  	[tilespmem:s12+$0x8080] =	vst v0  }
0x10b: {  	[tilespmem:s12+$0x8090] =	vst v0;
	_ =	sdelay $0x1  }
0x10c: {  	s12 =	sshra.s32 s1, $0x2  }
0x10d: {  	(v2sf) =	vpush v6, $0x0  }
0x10e: {  	(v2sf) =	vpush v6, $0x1  }
0x10f: {  	(v2sf) =	vpush v6, $0x2  }
0x110: {  	(v2sf) =	vpush v6, $0x3  }
0x111: {  	(v2sf) =	vpush v6, $0x4  }
0x112: {  	(v2sf) =	vpush v6, $0x5  }
0x113: {  	(v2sf) =	vpush v6, $0x6  }
0x114: {  	(v2sf) =	vpush v6, $0x7  }
0x115: {  	(v2sf) =	vpush v6, $0x8  }
0x116: {  	(v2sf) =	vpush v6, $0x9  }
0x117: {  	(v2sf) =	vpush v6, $0xA  }
0x118: {  	(v2sf) =	vpush v6, $0xB  }
0x119: {  	(v2sf) =	vpush v6, $0xC  }
0x11a: {  	(v2sf) =	vpush v6, $0xD  }
0x11b: {  	(v2sf) =	vpush v6, $0xE  }
0x11c: {  	s2 =	spop (v2sf);
	(v2sf) =	vpush v6, $0xF  }
0x11d: {  	s10 =	spop (v2sf);
	(v2sf) =	vpush v4, $0x0  }
0x11e: {  	s8 =	spop (v2sf);
	(v2sf) =	vpush v4, $0x1  }
0x11f: {  	s13 =	spop (v2sf);
	(v2sf) =	vpush v4, $0x2  }
0x120: {  	s14 =	spop (v2sf);
	(v2sf) =	vpush v4, $0x3  }
0x121: {  	s16 =	spop (v2sf);
	(v2sf) =	vpush v4, $0x4  }
0x122: {  	s26 =	spop (v2sf);
	(v2sf) =	vpush v4, $0x5  }
0x123: {  	s25 =	spop (v2sf);
	(v2sf) =	vpush v4, $0x6  }
0x124: {  	s23 =	spop (v2sf);
	(v2sf) =	vpush v4, $0x7  }
0x125: {  	s21 =	spop (v2sf);
	(v2sf) =	vpush v4, $0x8  }
0x126: {  	s19 =	spop (v2sf);
	(v2sf) =	vpush v4, $0x9  }
0x127: {  	s17 =	spop (v2sf);
	(v2sf) =	vpush v4, $0xA  }
0x128: {  	s15 =	spop (v2sf);
	(v2sf) =	vpush v4, $0xB  }
0x129: {  	s30 =	spop (v2sf);
	(v2sf) =	vpush v4, $0xC  }
0x12a: {  	s0 =	spop (v2sf);
	(v2sf) =	vpush v4, $0xD  }
0x12b: {  	s6 =	spop (v2sf);
	(v2sf) =	vpush v4, $0xE  }
0x12c: {  	s7 =	spop (v2sf);
	(v2sf) =	vpush v4, $0xF  }
0x12d: {  	s9 =	spop (v2sf);
	(v2sf) =	vpush v5, $0x0  }
0x12e: {  	s11 =	spop (v2sf);
	(v2sf) =	vpush v5, $0x1  }
0x12f: {  	s18 =	spop (v2sf);
	(v2sf) =	vpush v5, $0x2  }
0x130: {  	s20 =	spop (v2sf);
	(v2sf) =	vpush v5, $0x3  }
0x131: {  	s24 =	spop (v2sf);
	(v2sf) =	vpush v5, $0x4  }
0x132: {  	s1 =	spop (v2sf);
	(v2sf) =	vpush v5, $0x5  }
0x133: {  	s3 =	spop (v2sf);
	(v2sf) =	vpush v5, $0x6  }
0x134: {  	s4 =	spop (v2sf);
	(v2sf) =	vpush v5, $0x7  }
0x135: {  	(v2sf) =	vpush v5, $0x8;
	s5 =	spop (v2sf)  }
0x136: {  	[smem:$0x7FD] =	sst s6;
	(v2sf) =	vpush v5, $0x9;
	s6 =	spop (v2sf)  }
0x137: {  	[smem:$0x7EC] =	sst s7;
	(v2sf) =	vpush v5, $0xA;
	s7 =	spop (v2sf)  }
0x138: {  	[smem:$0x7ED] =	sst s9;
	(v2sf) =	vpush v5, $0xB;
	s9 =	spop (v2sf)  }
0x139: {  	[smem:$0x7EE] =	sst s11;
	(v2sf) =	vpush v5, $0xC;
	s11 =	spop (v2sf)  }
0x13a: {  	[smem:$0x7EF] =	sst s18;
	(v2sf) =	vpush v5, $0xD;
	s18 =	spop (v2sf)  }
0x13b: {  	[smem:$0x7F0] =	sst s20;
	(v2sf) =	vpush v5, $0xE;
	s20 =	spop (v2sf)  }
0x13c: {  	[smem:$0x7FA] =	sst s18;
	(v2sf) =	vpush v5, $0xF;
	s18 =	spop (v2sf)  }
0x13d: {  	[smem:$0x7F1] =	sst s24;
	(v2sf) =	vpush v3, $0x0;
	s24 =	spop (v2sf)  }
0x13e: {  	(v2sf) =	vpush v3, $0x1;
	s28 =	spop (v2sf)  }
0x13f: {  	(v2sf) =	vpush v3, $0x2;
	s29 =	spop (v2sf)  }
0x140: {  	s2 =	sadd.s32 s10, s2;
	(v2sf) =	vpush v3, $0x3;
	s31 =	spop (v2sf)  }
0x141: {  	s2 =	sadd.s32 s8, s2;
	[smem:$0x7F3] =	sst s3;
	(v2sf) =	vpush v3, $0x4;
	s3 =	spop (v2sf)  }
0x142: {  	s2 =	sadd.s32 s13, s2;
	[smem:$0x7F5] =	sst s5;
	(v2sf) =	vpush v3, $0x5;
	s5 =	spop (v2sf)  }
0x143: {  	s2 =	sadd.s32 s14, s2;
	[smem:$0x7F6] =	sst s6;
	(v2sf) =	vpush v3, $0x6;
	s6 =	spop (v2sf)  }
0x144: {  	s2 =	sadd.s32 s16, s2;
	[smem:$0x7F7] =	sst s7;
	(v2sf) =	vpush v3, $0x7;
	s7 =	spop (v2sf)  }
0x145: {  	s2 =	sadd.s32 s26, s2;
	[smem:$0x7F8] =	sst s9;
	(v2sf) =	vpush v3, $0x8;
	s9 =	spop (v2sf)  }
0x146: {  	s2 =	sadd.s32 s25, s2;
	[smem:$0x7F9] =	sst s11;
	(v2sf) =	vpush v3, $0x9;
	s11 =	spop (v2sf)  }
0x147: {  	[smem:$0x7F4] =	sst s4;
	s24 =	sadd.s32 s24, s18;
	(v2sf) =	vpush v3, $0xA;
	s4 =	spop (v2sf)  }
0x148: {  	[smem:$0x7FB] =	sst s20;
	s10 =	sadd.s32 s28, s24;
	(v2sf) =	vpush v3, $0xB;
	s20 =	spop (v2sf)  }
0x149: {  	[smem:$0x7FC] =	sst s0;
	s8 =	sadd.s32 s29, s10;
	(v2sf) =	vpush v3, $0xC;
	s0 =	spop (v2sf)  }
0x14a: {  	[smem:$0x7F2] =	sst s1;
	s8 =	sadd.s32 s31, s8;
	(v2sf) =	vpush v3, $0xD;
	s1 =	spop (v2sf)  }
0x14b: {  	s2 =	sadd.s32 s23, s2;
	s3 =	sadd.s32 s3, s8;
	(v2sf) =	vpush v3, $0xE;
	s18 =	spop (v2sf)  }
0x14c: {  	s2 =	sadd.s32 s21, s2;
	s3 =	sadd.s32 s5, s3;
	(v2sf) =	vpush v3, $0xF;
	s28 =	spop (v2sf)  }
0x14d: {  	s2 =	sadd.s32 s19, s2;
	s3 =	sadd.s32 s6, s3;
	s13 =	spop (v2sf)  }
0x14e: {  	s2 =	sadd.s32 s17, s2;
	s3 =	sadd.s32 s7, s3;
	s14 =	spop (v2sf)  }
0x14f: {  	s2 =	sadd.s32 s15, s2;
	s3 =	sadd.s32 s9, s3;
	s29 =	spop (v2sf)  }
0x150: {  	s2 =	sadd.s32 s30, s2;
	s3 =	sadd.s32 s11, s3;
	s31 =	spop (v2sf)  }
0x151: {  	s17 =	sld [smem:$0x7FC];
	s3 =	sadd.s32 s4, s3;
	s26 =	spop (v2sf)  }
0x152: {  	s30 =	sld [smem:$0x7FD];
	s3 =	sadd.s32 s20, s3;
	s25 =	spop (v2sf)  }
0x153: {  	s0 =	sadd.s32 s0, s3;
	s24 =	spop (v2sf)  }
0x154: {  	s2 =	sadd.s32 s17, s2;
	s0 =	sadd.s32 s1, s0;
	s23 =	spop (v2sf)  }
0x155: {  	s1 =	sadd.s32 s30, s2;
	s0 =	sadd.s32 s18, s0;
	s21 =	spop (v2sf)  }
0x156: {  	p1 =	seq.s32 s1, s0;
	s20 =	spop (v2sf)  }
.Ltmp11:
0x157: {  	s19 =	spop (v2sf);
	(pc) =	sbr.rel @!p1 .LBB2_17-.Ltmp11, $4  }
0x158: {  	[tilespmem:s12+$0x80B0] =	vst v0;
	s17 =	spop (v2sf)  }
0x159: {  	[tilespmem:s12+$0x80A0] =	vst v0;
	s10 =	sadd.s32 $0xFFFFFFFF, s1;
	s16 =	spop (v2sf)  }
0x15a: {  	[tilespmem:s12+$0x8080] =	vst v0;
	s11 =	sadd.s32 $0xFFFFFFFF, s0;
	[dreg:$0x1f] =	wrdreg s13;
	s15 =	spop (v2sf)  }
0x15b: {  	[tilespmem:s12+$0x8090] =	vst v0;
	v3 =	vmov s10;
	s0 =	simm.s32 $0x0;
	[dreg:$0x1e] =	wrdreg s14;
	s14 =	spop (v2sf)  }
.LBB2_41:
0x15c: {  	s1 =	sshra.s32 s0, $0x2  }
0x15d: {  	v4 =	vld [tilespmem:s1+$0x0];
	_ =	sdelay $0x4  }
0x15e: {  	v5 =	vshrl.u32 v4, $0x5;
	v6 =	vshrl.u32 v4, $0x10;
	v4 =	vshra.s32 v4, $0x14  }
0x15f: {  	v6 =	vand.u32 $0xF, v6;
	vm2 =	veq.s32 v4, v3;
	v4 =	vand.u32 $0x7F0, v5  }
0x160: {  	v4 =	vor.u32 v6, v4;
	_ =	sdelay $0x4  }
0x161: {  	[tilespmem:v4+s22+$0x0] =	vst.idx.add.s32.msk vm2, v1  }
0x162: {  	v4 =	vld [tilespmem:s1+$0x10];
	_ =	sdelay $0x4  }
0x163: {  	v5 =	vshrl.u32 v4, $0x5;
	v57 =	vshrl.u32 v4, $0x10;
	v4 =	vshra.s32 v4, $0x14  }
0x164: {  	v6 =	vand.u32 $0xF, v57;
	vm2 =	veq.s32 v4, v3;
	v4 =	vand.u32 $0x7F0, v5  }
0x165: {  	v4 =	vor.u32 v6, v4;
	_ =	sdelay $0x4  }
0x166: {  	[tilespmem:v4+s22+$0x0] =	vst.idx.add.s32.msk vm2, v1  }
0x167: {  	v4 =	vld [tilespmem:s1+$0x20];
	_ =	sdelay $0x4  }
0x168: {  	v5 =	vshrl.u32 v4, $0x5;
	v58 =	vshrl.u32 v4, $0x10;
	v4 =	vshra.s32 v4, $0x14  }
0x169: {  	v6 =	vand.u32 $0xF, v58;
	vm2 =	veq.s32 v4, v3;
	v4 =	vand.u32 $0x7F0, v5  }
0x16a: {  	v4 =	vor.u32 v6, v4;
	_ =	sdelay $0x4  }
0x16b: {  	[tilespmem:v4+s22+$0x0] =	vst.idx.add.s32.msk vm2, v1  }
0x16c: {  	v4 =	vld [tilespmem:s1+$0x30];
	_ =	sdelay $0x4  }
0x16d: {  	v5 =	vshrl.u32 v4, $0x5;
	v59 =	vshrl.u32 v4, $0x10;
	v4 =	vshra.s32 v4, $0x14  }
0x16e: {  	v6 =	vand.u32 $0xF, v59;
	vm2 =	veq.s32 v4, v3;
	v4 =	vand.u32 $0x7F0, v5  }
0x16f: {  	v4 =	vor.u32 v6, v4;
	_ =	sdelay $0x4  }
0x170: {  	[tilespmem:v4+s22+$0x0] =	vst.idx.add.s32.msk vm2, v1  }
0x171: {  	v4 =	vld [tilespmem:s1+$0x40];
	_ =	sdelay $0x4  }
0x172: {  	v5 =	vshrl.u32 v4, $0x5;
	v60 =	vshrl.u32 v4, $0x10;
	v4 =	vshra.s32 v4, $0x14  }
0x173: {  	v6 =	vand.u32 $0xF, v60;
	vm2 =	veq.s32 v4, v3;
	v4 =	vand.u32 $0x7F0, v5  }
0x174: {  	v4 =	vor.u32 v6, v4;
	_ =	sdelay $0x4  }
0x175: {  	[tilespmem:v4+s22+$0x0] =	vst.idx.add.s32.msk vm2, v1  }
0x176: {  	v4 =	vld [tilespmem:s1+$0x50];
	_ =	sdelay $0x4  }
0x177: {  	v5 =	vshrl.u32 v4, $0x5;
	v61 =	vshrl.u32 v4, $0x10;
	v4 =	vshra.s32 v4, $0x14  }
0x178: {  	v6 =	vand.u32 $0xF, v61;
	vm2 =	veq.s32 v4, v3;
	v4 =	vand.u32 $0x7F0, v5  }
0x179: {  	v4 =	vor.u32 v6, v4;
	_ =	sdelay $0x4  }
0x17a: {  	[tilespmem:v4+s22+$0x0] =	vst.idx.add.s32.msk vm2, v1  }
0x17b: {  	v4 =	vld [tilespmem:s1+$0x60];
	_ =	sdelay $0x4  }
0x17c: {  	v5 =	vshrl.u32 v4, $0x5;
	v62 =	vshrl.u32 v4, $0x10;
	v4 =	vshra.s32 v4, $0x14  }
0x17d: {  	v6 =	vand.u32 $0xF, v62;
	vm2 =	veq.s32 v4, v3;
	v4 =	vand.u32 $0x7F0, v5  }
0x17e: {  	v4 =	vor.u32 v6, v4;
	_ =	sdelay $0x4  }
0x17f: {  	[tilespmem:v4+s22+$0x0] =	vst.idx.add.s32.msk vm2, v1  }
0x180: {  	v4 =	vld [tilespmem:s1+$0x70];
	_ =	sdelay $0x4  }
0x181: {  	v5 =	vshrl.u32 v4, $0x5;
	v63 =	vshrl.u32 v4, $0x10;
	v4 =	vshra.s32 v4, $0x14  }
0x182: {  	v6 =	vand.u32 $0xF, v63;
	vm2 =	veq.s32 v4, v3;
	v4 =	vand.u32 $0x7F0, v5  }
0x183: {  	p2 =	seq.s32 s0, $0x1FE00;
	v4 =	vor.u32 v6, v4  }
.Ltmp12:
0x184: {  	_ = 	snop;
	(pc) =	sbr.rel @!p2 .LBB2_41-.Ltmp12, $2  }
0x185: {  	_ =	sdelay $0x2  }
0x186: {  	s0 =	sadd.s32 $0x200, s0;
	[tilespmem:v4+s22+$0x0] =	vst.idx.add.s32.msk vm2, v1  }
.Ltmp13:
0x187: {  	_ = 	snop;
	(pc) =	sbr.rel .LBB2_19-.Ltmp13, $1  }
0x188: {  	_ =	sdelay $0x3  }
.LBB2_17:
0x189: {  	v4 =	vmov s11;
	s12 =	simm.s32 $0x0  }
.LBB2_18:
0x18a: {  	s0 =	sshra.s32 s12, $0x2  }
0x18b: {  	v5 =	vld [tilespmem:s0+$0x0];
	_ =	sdelay $0x4  }
0x18c: {  	v6 =	vshra.s32 v5, $0x14;
	v7 =	vshrl.u32 v5, $0x5;
	v5 =	vshrl.u32 v5, $0x10  }
0x18d: {  	v5 =	vand.u32 $0xF, v5;
	vm2 =	veq.s32 v6, v3;
	v7 =	vand.u32 $0x7F0, v7  }
0x18e: {  	vm3 =	veq.s32 v6, v4;
	v5 =	vor.u32 v5, v7  }
0x18f: {  	v6 =	vor.u32 $0x800, v5;
	_ =	sdelay $0x3  }
0x190: {  	[tilespmem:v5+s22+$0x0] =	vst.idx.add.s32.msk vm2, v1  }
0x191: {  	[tilespmem:v6+s22+$0x0] =	vst.idx.add.s32.msk vm3, v1  }
0x192: {  	v5 =	vld [tilespmem:s0+$0x10];
	_ =	sdelay $0x4  }
0x193: {  	v6 =	vshra.s32 v5, $0x14;
	v7 =	vshrl.u32 v5, $0x5;
	v5 =	vshrl.u32 v5, $0x10  }
0x194: {  	v5 =	vand.u32 $0xF, v5;
	vm2 =	veq.s32 v6, v3;
	v7 =	vand.u32 $0x7F0, v7  }
0x195: {  	vm3 =	veq.s32 v6, v4;
	v5 =	vor.u32 v5, v7  }
0x196: {  	v6 =	vor.u32 $0x800, v5;
	_ =	sdelay $0x3  }
0x197: {  	[tilespmem:v5+s22+$0x0] =	vst.idx.add.s32.msk vm2, v1  }
0x198: {  	[tilespmem:v6+s22+$0x0] =	vst.idx.add.s32.msk vm3, v1  }
0x199: {  	v5 =	vld [tilespmem:s0+$0x20];
	_ =	sdelay $0x4  }
0x19a: {  	v6 =	vshra.s32 v5, $0x14;
	v7 =	vshrl.u32 v5, $0x5;
	v5 =	vshrl.u32 v5, $0x10  }
0x19b: {  	v5 =	vand.u32 $0xF, v5;
	vm2 =	veq.s32 v6, v3;
	v7 =	vand.u32 $0x7F0, v7  }
0x19c: {  	vm3 =	veq.s32 v6, v4;
	v5 =	vor.u32 v5, v7  }
0x19d: {  	v6 =	vor.u32 $0x800, v5;
	_ =	sdelay $0x3  }
0x19e: {  	[tilespmem:v5+s22+$0x0] =	vst.idx.add.s32.msk vm2, v1  }
0x19f: {  	[tilespmem:v6+s22+$0x0] =	vst.idx.add.s32.msk vm3, v1  }
0x1a0: {  	v5 =	vld [tilespmem:s0+$0x30];
	_ =	sdelay $0x4  }
0x1a1: {  	v6 =	vshra.s32 v5, $0x14;
	v7 =	vshrl.u32 v5, $0x5;
	v5 =	vshrl.u32 v5, $0x10  }
0x1a2: {  	v5 =	vand.u32 $0xF, v5;
	vm2 =	veq.s32 v6, v3;
	v7 =	vand.u32 $0x7F0, v7  }
0x1a3: {  	vm3 =	veq.s32 v6, v4;
	v5 =	vor.u32 v5, v7  }
0x1a4: {  	v6 =	vor.u32 $0x800, v5;
	_ =	sdelay $0x3  }
0x1a5: {  	[tilespmem:v5+s22+$0x0] =	vst.idx.add.s32.msk vm2, v1  }
0x1a6: {  	[tilespmem:v6+s22+$0x0] =	vst.idx.add.s32.msk vm3, v1  }
0x1a7: {  	v5 =	vld [tilespmem:s0+$0x40];
	_ =	sdelay $0x4  }
0x1a8: {  	v6 =	vshra.s32 v5, $0x14;
	v7 =	vshrl.u32 v5, $0x5;
	v5 =	vshrl.u32 v5, $0x10  }
0x1a9: {  	v5 =	vand.u32 $0xF, v5;
	vm2 =	veq.s32 v6, v3;
	v7 =	vand.u32 $0x7F0, v7  }
0x1aa: {  	vm3 =	veq.s32 v6, v4;
	v5 =	vor.u32 v5, v7  }
0x1ab: {  	v6 =	vor.u32 $0x800, v5;
	_ =	sdelay $0x3  }
0x1ac: {  	[tilespmem:v5+s22+$0x0] =	vst.idx.add.s32.msk vm2, v1  }
0x1ad: {  	[tilespmem:v6+s22+$0x0] =	vst.idx.add.s32.msk vm3, v1  }
0x1ae: {  	v5 =	vld [tilespmem:s0+$0x50];
	_ =	sdelay $0x4  }
0x1af: {  	v6 =	vshra.s32 v5, $0x14;
	v7 =	vshrl.u32 v5, $0x5;
	v5 =	vshrl.u32 v5, $0x10  }
0x1b0: {  	v5 =	vand.u32 $0xF, v5;
	vm2 =	veq.s32 v6, v3;
	v7 =	vand.u32 $0x7F0, v7  }
0x1b1: {  	vm3 =	veq.s32 v6, v4;
	v5 =	vor.u32 v5, v7  }
0x1b2: {  	v6 =	vor.u32 $0x800, v5;
	_ =	sdelay $0x3  }
0x1b3: {  	[tilespmem:v5+s22+$0x0] =	vst.idx.add.s32.msk vm2, v1  }
0x1b4: {  	[tilespmem:v6+s22+$0x0] =	vst.idx.add.s32.msk vm3, v1  }
0x1b5: {  	v5 =	vld [tilespmem:s0+$0x60];
	_ =	sdelay $0x4  }
0x1b6: {  	v6 =	vshra.s32 v5, $0x14;
	v7 =	vshrl.u32 v5, $0x5;
	v5 =	vshrl.u32 v5, $0x10  }
0x1b7: {  	v5 =	vand.u32 $0xF, v5;
	vm2 =	veq.s32 v6, v3;
	v7 =	vand.u32 $0x7F0, v7  }
0x1b8: {  	vm3 =	veq.s32 v6, v4;
	v5 =	vor.u32 v5, v7  }
0x1b9: {  	v6 =	vor.u32 $0x800, v5;
	_ =	sdelay $0x3  }
0x1ba: {  	[tilespmem:v5+s22+$0x0] =	vst.idx.add.s32.msk vm2, v1  }
0x1bb: {  	[tilespmem:v6+s22+$0x0] =	vst.idx.add.s32.msk vm3, v1  }
0x1bc: {  	v5 =	vld [tilespmem:s0+$0x70];
	_ =	sdelay $0x4  }
0x1bd: {  	v6 =	vshra.s32 v5, $0x14;
	v7 =	vshrl.u32 v5, $0x5;
	v5 =	vshrl.u32 v5, $0x10  }
0x1be: {  	v5 =	vand.u32 $0xF, v5;
	vm2 =	veq.s32 v6, v3;
	v7 =	vand.u32 $0x7F0, v7  }
0x1bf: {  	vm3 =	veq.s32 v6, v4;
	v5 =	vor.u32 v5, v7  }
0x1c0: {  	p2 =	sne.s32 s12, $0x1FE00;
	v6 =	vor.u32 $0x800, v5  }
.Ltmp14:
0x1c1: {  	_ = 	snop;
	(pc) =	sbr.rel @p2 .LBB2_18-.Ltmp14, $3  }
0x1c2: {  	_ =	sdelay $0x1  }
0x1c3: {  	[tilespmem:v5+s22+$0x0] =	vst.idx.add.s32.msk vm2, v1  }
0x1c4: {  	s12 =	sadd.s32 $0x200, s12;
	[tilespmem:v6+s22+$0x0] =	vst.idx.add.s32.msk vm3, v1  }
.LBB2_19:
0x1c5: {  	s0 =	rddreg [dreg:$0x9]  }
0x1c6: {  	s8 =	simm.s32 $0x80;
	s1 =	simm.s32 $0x400;
	s9 =	simm.s32 $0x2  }
0x1c7: {  	[spmem:s0] =	stream.strided.scatter [tilespmem:s22], [sflag:$0x2], $0x1000, s1, s8, $0x38;
	[tilespmem:$0xC480] =	vst v63  }
0x1c8: {  	_ =	swait.ge [sflag:s9], $0x1000  }
0x1c9: {  	[sflag:s9] =	ssyncset.done $0x0  }
0x1ca: {  	[sflag:s9] =	ssyncadd.s32 $0xFFFFF000  }
0x1cb: {  	[bflag:$0x0] =	sbarrier.arrive $0xFFFF  }
0x1cc: {  	s13 =	simm.s32 $0xA080;
	s12 =	rddreg [dreg:$0xd]  }
0x1cd: {  	[tilespmem:s13], [sflag:$0x2] =	stream.linear.gather [spmem:s12], $0x1000, $0x38;
	[tilespmem:$0xC480] =	vst v63  }
0x1ce: {  	s12 =	simm.s32 $0x0  }
0x1cf: {  	_ =	swait.ge [sflag:s9], $0x1000;
	s18 =	sand.u32 $0xC00, s12  }
0x1d0: {  	s30 =	sand.u32 $0x60, s12;
	[sflag:s9] =	ssyncset.done $0x0;
	s2 =	sor.u32 $0xA080, s18  }
0x1d1: {  	[sflag:s9] =	ssyncadd.s32 $0xFFFFF000;
	s0 =	sor.u32 s30, s2  }
0x1d2: {  	v3 =	vld [tilespmem:s0+$0x0]  }
0x1d3: {  	v4 =	vld [tilespmem:s0+$0x80]  }
0x1d4: {  	v5 =	vld [tilespmem:s0+$0x100]  }
0x1d5: {  	v6 =	vld [tilespmem:s0+$0x180]  }
0x1d6: {  	v7 =	vld [tilespmem:s0+$0x200]  }
0x1d7: {  	v8 =	vld [tilespmem:s0+$0x280]  }
0x1d8: {  	v3 =	vadd.s32 v3, v4;
	v4 =	vld [tilespmem:s0+$0x300]  }
0x1d9: {  	v3 =	vadd.s32 v5, v3;
	v5 =	vld [tilespmem:s0+$0x380]  }
0x1da: {  	v3 =	vadd.s32 v6, v3  }
0x1db: {  	v3 =	vadd.s32 v7, v3  }
0x1dc: {  	v3 =	vadd.s32 v8, v3  }
0x1dd: {  	v3 =	vadd.s32 v4, v3  }
0x1de: {  	s13 =	sor.u32 $0x10, s30;
	s0 =	simm.s32 $0xB080;
	v3 =	vadd.s32 v5, v3  }
0x1df: {  	s2 =	sor.u32 s13, s2;
	[tilespmem:s0+$0x0] =	vst v3  }
0x1e0: {  	v3 =	vld [tilespmem:s2+$0x0]  }
0x1e1: {  	v4 =	vld [tilespmem:s2+$0x80]  }
0x1e2: {  	v7 =	vld [tilespmem:s2+$0x100]  }
0x1e3: {  	v8 =	vld [tilespmem:s2+$0x180];
	_ =	sdelay $0x1  }
0x1e4: {  	v6 =	vld [tilespmem:s2+$0x200]  }
0x1e5: {  	v5 =	vld [tilespmem:s2+$0x280];
	v4 =	vadd.s32 v3, v4  }
0x1e6: {  	v3 =	vld [tilespmem:s2+$0x300];
	v7 =	vadd.s32 v7, v4  }
0x1e7: {  	s1 =	simm.s32 $0x20;
	v4 =	vld [tilespmem:s2+$0x380];
	s2 =	simm.s32 $0x0;
	v7 =	vadd.s32 v8, v7  }
.LBB2_20:
0x1e8: {  	p2 =	sne.s32 s1, $0x1E0;
	s12 =	sadd.s32 $0x100, s12;
	s0 =	sadd.s32 $0x20, s0  }
0x1e9: {  	v6 =	vadd.s32 v6, v7;
	s4 =	smov.u32 s1;
	s1 =	sadd.s32 $0x20, s1;
	s3 =	sand.u32 $0xC00, s12  }
0x1ea: {  	s2 =	sand.u32 $0x180, s2;
	s5 =	sand.u32 $0x60, s4;
	v5 =	vadd.s32 v5, v6;
	s3 =	sor.u32 $0xA080, s3  }
0x1eb: {  	s7 =	sor.u32 s13, s2;
	v3 =	vadd.s32 v3, v5;
	s13 =	sor.u32 $0x10, s5;
	s6 =	sor.u32 s5, s3  }
0x1ec: {  	s2 =	smov.u32 s4;
	v3 =	vadd.s32 v4, v3  }
0x1ed: {  	[tilespmem:s7+$0xB080] =	vst v3  }
0x1ee: {  	v3 =	vld [tilespmem:s6+$0x0]  }
0x1ef: {  	v4 =	vld [tilespmem:s6+$0x80]  }
0x1f0: {  	v5 =	vld [tilespmem:s6+$0x100]  }
0x1f1: {  	v6 =	vld [tilespmem:s6+$0x180]  }
0x1f2: {  	v7 =	vld [tilespmem:s6+$0x200]  }
0x1f3: {  	v8 =	vld [tilespmem:s6+$0x280]  }
0x1f4: {  	v3 =	vadd.s32 v3, v4;
	v4 =	vld [tilespmem:s6+$0x300]  }
0x1f5: {  	v3 =	vadd.s32 v5, v3;
	v5 =	vld [tilespmem:s6+$0x380]  }
0x1f6: {  	v3 =	vadd.s32 v6, v3  }
0x1f7: {  	v3 =	vadd.s32 v7, v3  }
0x1f8: {  	v3 =	vadd.s32 v8, v3  }
0x1f9: {  	v3 =	vadd.s32 v4, v3  }
0x1fa: {  	v3 =	vadd.s32 v5, v3  }
0x1fb: {  	s3 =	sor.u32 s13, s3;
	[tilespmem:s0+$0x0] =	vst v3  }
0x1fc: {  	v3 =	vld [tilespmem:s3+$0x0]  }
0x1fd: {  	v4 =	vld [tilespmem:s3+$0x80]  }
0x1fe: {  	v7 =	vld [tilespmem:s3+$0x100]  }
0x1ff: {  	v8 =	vld [tilespmem:s3+$0x180]  }
.Ltmp15:
0x200: {  	v6 =	vld [tilespmem:s3+$0x200];
	(pc) =	sbr.rel @p2 .LBB2_20-.Ltmp15, $4  }
0x201: {  	v5 =	vld [tilespmem:s3+$0x280]  }
0x202: {  	v4 =	vadd.s32 v3, v4;
	v3 =	vld [tilespmem:s3+$0x300]  }
0x203: {  	v7 =	vadd.s32 v7, v4;
	v4 =	vld [tilespmem:s3+$0x380]  }
0x204: {  	v7 =	vadd.s32 v8, v7  }
0x205: {  	v6 =	vadd.s32 v6, v7  }
0x206: {  	v5 =	vadd.s32 v5, v6  }
0x207: {  	s0 =	sand.u32 $0x180, s2;
	v3 =	vadd.s32 v3, v5  }
0x208: {  	s0 =	sor.u32 s13, s0;
	v3 =	vadd.s32 v4, v3  }
0x209: {  	s7 =	rddreg [dreg:$0xe];
	s1 =	simm.s32 $0x100;
	s12 =	simm.s32 $0xB080;
	[tilespmem:s0+$0xB080] =	vst v3  }
0x20a: {  	[spmem:s7] =	stream.strided.scatter [tilespmem:s12], [sflag:$0x2], $0x200, s1, s8, $0x38;
	[tilespmem:$0xC480] =	vst v63  }
0x20b: {  	_ =	swait.ge [sflag:s9], $0x200  }
0x20c: {  	[sflag:s9] =	ssyncset.done $0x0  }
0x20d: {  	[sflag:s9] =	ssyncadd.s32 $0xFFFFFE00  }
0x20e: {  	[bflag:$0x0] =	sbarrier.arrive $0xFFFF  }
0x20f: {  	s18 =	simm.s32 $0x9080;
	s13 =	rddreg [dreg:$0xb]  }
0x210: {  	[tilespmem:s18], [sflag:$0x2] =	stream.strided.gather [spmem:s13], $0x1000, s1, s8, $0x38;
	[tilespmem:$0xC480] =	vst v63  }
0x211: {  	_ =	swait.ge [sflag:s9], $0x1000  }
0x212: {  	[sflag:s9] =	ssyncset.done $0x0  }
0x213: {  	s30 =	simm.s32 $0x0;
	[sflag:s9] =	ssyncadd.s32 $0xFFFFF000  }
0x214: {  	v3 =	vld [tilespmem:s30+$0x9080]  }
0x215: {  	v4 =	vld [tilespmem:s30+$0x9090]  }
0x216: {  	v5 =	vld [tilespmem:s30+$0x90A0]  }
0x217: {  	v7 =	vimm.s32 $0x0;
	s0 =	simm.s32 $0x100;
	v6 =	vld [tilespmem:s30+$0x90B0]  }
.LBB2_22:
0x218: {  	p2 =	sne.s32 s0, $0x1F00  }
.Ltmp16:
0x219: {  	s1 =	sshra.s32 s0, $0x2;
	s0 =	sadd.s32 $0x100, s0;
	v7 =	vadd.s32 v7, v3;
	(pc) =	sbr.rel @p2 .LBB2_22-.Ltmp16, $4  }
0x21a: {  	v3 =	vld [tilespmem:s1+$0x9080];
	v7 =	vadd.s32 v4, v7  }
0x21b: {  	v4 =	vld [tilespmem:s1+$0x9090];
	v7 =	vadd.s32 v5, v7  }
0x21c: {  	v5 =	vld [tilespmem:s1+$0x90A0];
	v7 =	vadd.s32 v6, v7  }
0x21d: {  	v6 =	vld [tilespmem:s1+$0x90B0]  }
0x21e: {  	_ = 	snop  }
0x21f: {  	v3 =	vadd.s32 v7, v3  }
0x220: {  	v3 =	vadd.s32 v4, v3  }
0x221: {  	v3 =	vadd.s32 v5, v3  }
0x222: {  	v3 =	vadd.s32 v6, v3  }
0x223: {  	(v2sf) =	vpush v3, $0x0  }
0x224: {  	(v2sf) =	vpush v3, $0x1  }
0x225: {  	(v2sf) =	vpush v3, $0x2  }
0x226: {  	(v2sf) =	vpush v3, $0x3  }
0x227: {  	(v2sf) =	vpush v3, $0x4;
	_ =	sdelay $0x1  }
0x228: {  	(v2sf) =	vpush v3, $0x5  }
0x229: {  	(v2sf) =	vpush v3, $0x6;
	_ =	sdelay $0x1  }
0x22a: {  	(v2sf) =	vpush v3, $0x7  }
0x22b: {  	(v2sf) =	vpush v3, $0x8  }
0x22c: {  	s5 =	rddreg [dreg:$0x1a];
	(v2sf) =	vpush v3, $0x9  }
0x22d: {  	s2 =	sld [smem:$0x7ED];
	(v2sf) =	vpush v3, $0xA  }
0x22e: {  	s3 =	sld [smem:$0x7EC];
	(v2sf) =	vpush v3, $0xB  }
0x22f: {  	s9 =	sld [smem:$0x7EE];
	(v2sf) =	vpush v3, $0xC  }
0x230: {  	s4 =	sld [smem:$0x7EF];
	s2 =	ssub.s32 s2, s5;
	(v2sf) =	vpush v3, $0xD;
	s0 =	spop (v2sf)  }
0x231: {  	s18 =	sld [smem:$0x7F0];
	s2 =	sadd.s32 s3, s2;
	(v2sf) =	vpush v3, $0xE;
	s1 =	spop (v2sf)  }
0x232: {  	(v2sf) =	vpush v3, $0xF;
	v3 =	vbroadcast v3, $0x0;
	s8 =	spop (v2sf);
	s0 =	sadd.s32 s1, s0;
	s1 =	sadd.s32 s9, s2  }
0x233: {  	vm2 =	veq.s32 v2, $0x0;
	s6 =	sld [smem:$0x7F1];
	s12 =	spop (v2sf);
	s1 =	sadd.s32 s4, s1  }
0x234: {  	v3 =	vsel vm2, $0x0, v3;
	vm2 =	veq.s32 v2, $0x2;
	s3 =	sadd.s32 s8, s0;
	s8 =	sld [smem:$0x7F2];
	s13 =	spop (v2sf)  }
0x235: {  	v3 =	vsel vm2, s0, v3;
	s0 =	sadd.s32 s18, s1;
	s2 =	sadd.s32 s12, s3;
	s12 =	sld [smem:$0x7F3]  }
0x236: {  	s18 =	sld [smem:$0x7F4];
	s30 =	spop (v2sf);
	s0 =	sadd.s32 s6, s0  }
0x237: {  	s4 =	sadd.s32 s13, s2;
	s6 =	sld [smem:$0x7F5];
	s7 =	spop (v2sf)  }
0x238: {  	vm2 =	veq.s32 v2, $0x3;
	s0 =	sadd.s32 s8, s0;
	s1 =	sadd.s32 s30, s4;
	s8 =	sld [smem:$0x7F6]  }
0x239: {  	v3 =	vsel vm2, s3, v3;
	vm2 =	veq.s32 v2, $0x4;
	s9 =	spop (v2sf);
	s0 =	sadd.s32 s12, s0;
	s3 =	sadd.s32 s7, s1  }
0x23a: {  	v3 =	vsel vm2, s2, v3;
	vm2 =	veq.s32 v2, $0x5;
	s12 =	sld [smem:$0x7F7];
	s13 =	spop (v2sf);
	s0 =	sadd.s32 s18, s0  }
0x23b: {  	v3 =	vsel vm2, s4, v3;
	vm2 =	veq.s32 v2, $0x6;
	s2 =	sadd.s32 s9, s3;
	s18 =	sld [smem:$0x7F8];
	s30 =	spop (v2sf)  }
0x23c: {  	v3 =	vsel vm2, s1, v3;
	vm2 =	veq.s32 v2, $0x7;
	s0 =	sadd.s32 s6, s0;
	s4 =	sadd.s32 s13, s2;
	s6 =	sld [smem:$0x7F9]  }
0x23d: {  	v3 =	vsel vm2, s3, v3;
	vm2 =	veq.s32 v2, $0x8;
	s7 =	spop (v2sf);
	s0 =	sadd.s32 s8, s0;
	s1 =	sadd.s32 s30, s4  }
0x23e: {  	v3 =	vsel vm2, s2, v3;
	vm2 =	veq.s32 v2, $0x9;
	s8 =	sld [smem:$0x7FA];
	s9 =	spop (v2sf);
	s0 =	sadd.s32 s12, s0  }
0x23f: {  	v3 =	vsel vm2, s4, v3;
	vm2 =	veq.s32 v2, $0xA;
	s3 =	sadd.s32 s7, s1;
	s12 =	sld [smem:$0x7FB];
	s13 =	spop (v2sf)  }
0x240: {  	v3 =	vsel vm2, s1, v3;
	vm2 =	veq.s32 v2, $0xB;
	s0 =	sadd.s32 s18, s0;
	s2 =	sadd.s32 s9, s3;
	s9 =	simm.s32 $0x0  }
0x241: {  	v3 =	vsel vm2, s3, v3;
	vm2 =	veq.s32 v2, $0xC;
	s30 =	spop (v2sf);
	s0 =	sadd.s32 s6, s0;
	s4 =	sadd.s32 s13, s2  }
0x242: {  	v3 =	vsel vm2, s2, v3;
	vm2 =	veq.s32 v2, $0xD;
	s7 =	spop (v2sf);
	s1 =	sadd.s32 s30, s4;
	s0 =	sadd.s32 s8, s0  }
0x243: {  	v5 =	vld [tilespmem:s9+$0x9080];
	v3 =	vsel vm2, s4, v3;
	vm2 =	veq.s32 v2, $0xE;
	s3 =	sadd.s32 s7, s1;
	s0 =	sadd.s32 s12, s0;
	s13 =	spop (v2sf)  }
0x244: {  	v10 =	vld [tilespmem:s9+$0x9090];
	v3 =	vsel vm2, s1, v3;
	vm2 =	veq.s32 v2, $0xF;
	s18 =	sadd.s32 s13, s3;
	s0 =	sadd.s32 $0x7D0, s0  }
0x245: {  	v11 =	vimm.s32 $0x0;
	v4 =	vsel vm2, s3, v3;
	[dreg:$0x18] =	wrdreg s0;
	s0 =	ssub.s32 s18, s0  }
0x246: {  	v6 =	vadd.s32 v4, v11;
	v3 =	vmov s0  }
0x247: {  	vm2 =	vle.s32 v6, v3  }
0x248: {  	s30 =	simm.s32 $0x20;
	v6 =	vadd.s32 v11, v5;
	v12 =	vsel vm2, $0x1, v0  }
0x249: {  	v5 =	vnsel vm2, $0x0, v5;
	v13 =	vadd.s32 v4, v6;
	v7 =	vadd.s32 v10, v6;
	v6 =	vld [tilespmem:s30+$0x9080]  }
0x24a: {  	v8 =	vadd.s32 v4, v7;
	v9 =	vadd.s32 v11, v5;
	vm2 =	vle.s32 v13, v3;
	v5 =	vld [tilespmem:s30+$0x9090]  }
0x24b: {  	[dreg:$0x17] =	wrdreg s18;
	s0 =	simm.s32 $0x100;
	v11 =	vadd.s32 v12, v11;
	v12 =	vsel vm2, $0x1, v0;
	v10 =	vnsel vm2, $0x0, v10  }
.LBB2_24:
0x24c: {  	p2 =	sne.s32 s0, $0x1F80;
	v11 =	vadd.s32 v12, v11;
	v9 =	vadd.s32 v10, v9;
	s1 =	smov.u32 s0;
	s0 =	sadd.s32 $0x80, s0  }
.Ltmp17:
0x24d: {  	vm2 =	vle.s32 v8, v3;
	(pc) =	sbr.rel @p2 .LBB2_24-.Ltmp17, $4  }
0x24e: {  	s1 =	sshra.s32 s1, $0x2;
	v10 =	vsel vm2, $0x1, v0;
	v12 =	vnsel vm2, $0x0, v6;
	v7 =	vadd.s32 v7, v6  }
0x24f: {  	v6 =	vld [tilespmem:s1+$0x9080];
	v13 =	vadd.s32 v4, v7;
	v7 =	vadd.s32 v5, v7;
	v14 =	vmov v5  }
0x250: {  	v9 =	vadd.s32 v9, v12;
	v8 =	vadd.s32 v4, v7;
	v5 =	vld [tilespmem:s1+$0x9090];
	vm2 =	vle.s32 v13, v3  }
0x251: {  	v11 =	vadd.s32 v10, v11;
	v12 =	vsel vm2, $0x1, v0;
	v10 =	vnsel vm2, $0x0, v14  }
0x252: {  	s0 =	simm.s32 $0x9080;
	s1 =	simm.s32 $0x0  }
0x253: {  	s0 =	simm.s32 @!p1 $0x9880;
	s2 =	sand.u32 $0x780, s1  }
0x254: {  	v11 =	vadd.s32 v12, v11;
	vm2 =	vle.s32 v8, v3;
	s1 =	sand.u32 $0x40, s1;
	v7 =	vadd.s32 v7, v6;
	s2 =	sadd.s32 s2, s0  }
0x255: {  	v8 =	vadd.s32 v10, v9;
	v6 =	vnsel vm2, $0x0, v6;
	v4 =	vadd.s32 v4, v7;
	s1 =	sadd.s32 s1, s2  }
0x256: {  	v7 =	vsel vm2, $0x1, v0;
	v8 =	vadd.s32 v8, v6;
	vm2 =	vle.s32 v4, v3;
	v6 =	vld [tilespmem:s1+$0x0]  }
0x257: {  	v3 =	vadd.s32 v7, v11;
	v4 =	vsel vm2, $0x1, v0;
	v7 =	vnsel vm2, $0x0, v5;
	v5 =	vld [tilespmem:s1+$0x10]  }
0x258: {  	s2 =	simm.s32 $0x40;
	v4 =	vadd.s32 v4, v3;
	v3 =	vadd.s32 v7, v8;
	v8 =	vimm.s32 $0x0;
	v7 =	vld [tilespmem:s1+$0x20]  }
.LBB2_26:
0x259: {  	s3 =	sand.u32 $0x780, s2  }
0x25a: {  	p1 =	sne.s32 s2, $0x7C0;
	v9 =	vld [tilespmem:s1+$0x30];
	s1 =	smov.u32 s2;
	s2 =	sadd.s32 $0x40, s2  }
.Ltmp18:
0x25b: {  	s1 =	sand.u32 $0x40, s1;
	s3 =	sadd.s32 s3, s0;
	(pc) =	sbr.rel @p1 .LBB2_26-.Ltmp18, $4  }
0x25c: {  	s1 =	sadd.s32 s1, s3;
	v8 =	vadd.s32 v8, v6  }
0x25d: {  	v6 =	vld [tilespmem:s1+$0x0];
	v8 =	vadd.s32 v5, v8  }
0x25e: {  	v5 =	vld [tilespmem:s1+$0x10];
	v8 =	vadd.s32 v7, v8  }
0x25f: {  	v7 =	vld [tilespmem:s1+$0x20];
	v8 =	vadd.s32 v9, v8  }
0x260: {  	v9 =	vld [tilespmem:s1+$0x30];
	_ =	sdelay $0x1  }
0x261: {  	v6 =	vadd.s32 v8, v6  }
0x262: {  	v5 =	vadd.s32 v5, v6  }
0x263: {  	v5 =	vadd.s32 v7, v5  }
0x264: {  	v5 =	vadd.s32 v9, v5  }
0x265: {  	(v2sf) =	vpush v5, $0x0  }
0x266: {  	(v2sf) =	vpush v5, $0x1  }
0x267: {  	(v2sf) =	vpush v5, $0x2  }
0x268: {  	(v2sf) =	vpush v5, $0x3  }
0x269: {  	(v2sf) =	vpush v5, $0x4  }
0x26a: {  	(v2sf) =	vpush v5, $0x5  }
0x26b: {  	(v2sf) =	vpush v5, $0x6  }
0x26c: {  	(v2sf) =	vpush v5, $0x7  }
0x26d: {  	(v2sf) =	vpush v5, $0x8  }
0x26e: {  	(v2sf) =	vpush v5, $0x9  }
0x26f: {  	(v2sf) =	vpush v5, $0xA;
	_ =	sdelay $0x1  }
0x270: {  	s2 =	rddreg [dreg:$0x1b];
	(v2sf) =	vpush v5, $0xB  }
0x271: {  	s4 =	rddreg [dreg:$0x1f];
	s2 =	ssub.s32 s2, s5;
	(v2sf) =	vpush v5, $0xC  }
0x272: {  	s13 =	smov.u32 s11;
	s2 =	sadd.s32 s4, s2;
	(v2sf) =	vpush v5, $0xD  }
0x273: {  	s6 =	rddreg [dreg:$0x1e];
	s2 =	sadd.s32 s28, s2;
	s8 =	spop (v2sf);
	(v2sf) =	vpush v5, $0xE  }
0x274: {  	s12 =	smov.u32 s10;
	s2 =	sadd.s32 s6, s2;
	s3 =	spop (v2sf);
	(v2sf) =	vpush v5, $0xF  }
0x275: {  	s2 =	sadd.s32 s29, s2;
	v5 =	vbroadcast v5, $0x0;
	s9 =	spop (v2sf);
	s1 =	sadd.s32 s3, s8  }
0x276: {  	vm2 =	veq.s32 v2, $0x0;
	s2 =	sadd.s32 s31, s2;
	s10 =	spop (v2sf);
	s4 =	sadd.s32 s9, s1  }
0x277: {  	s28 =	sadd.s32 s26, s2;
	v5 =	vsel vm2, $0x0, v5;
	vm2 =	veq.s32 v2, $0x2;
	s11 =	spop (v2sf);
	s5 =	sadd.s32 s10, s4  }
0x278: {  	v5 =	vsel vm2, s1, v5;
	vm2 =	veq.s32 v2, $0x3;
	s1 =	sadd.s32 s25, s28;
	s18 =	spop (v2sf);
	s6 =	sadd.s32 s11, s5  }
0x279: {  	v5 =	vsel vm2, s4, v5;
	vm2 =	veq.s32 v2, $0x4;
	s1 =	sadd.s32 s24, s1;
	s7 =	spop (v2sf);
	s3 =	sadd.s32 s18, s6  }
0x27a: {  	v5 =	vsel vm2, s5, v5;
	vm2 =	veq.s32 v2, $0x5;
	s1 =	sadd.s32 s23, s1;
	s29 =	spop (v2sf);
	s7 =	sadd.s32 s7, s3  }
0x27b: {  	v5 =	vsel vm2, s6, v5;
	vm2 =	veq.s32 v2, $0x6;
	s1 =	sadd.s32 s21, s1;
	s30 =	spop (v2sf);
	s2 =	sadd.s32 s29, s7  }
0x27c: {  	v5 =	vsel vm2, s3, v5;
	vm2 =	veq.s32 v2, $0x7;
	s1 =	sadd.s32 s20, s1;
	s31 =	spop (v2sf);
	s4 =	sadd.s32 s30, s2  }
0x27d: {  	v5 =	vsel vm2, s7, v5;
	vm2 =	veq.s32 v2, $0x8;
	s1 =	sadd.s32 s19, s1;
	s19 =	simm.s32 $0x0;
	s8 =	spop (v2sf)  }
0x27e: {  	v5 =	vsel vm2, s2, v5;
	s5 =	sadd.s32 s31, s4;
	vm2 =	veq.s32 v2, $0x9;
	s1 =	sadd.s32 s17, s1;
	s20 =	sand.u32 $0x780, s19  }
0x27f: {  	s6 =	sand.u32 $0x60, s19;
	s9 =	spop (v2sf);
	v5 =	vsel vm2, s4, v5;
	s18 =	sadd.s32 s8, s5;
	vm2 =	veq.s32 v2, $0xA  }
0x280: {  	s1 =	sadd.s32 s16, s1;
	s10 =	spop (v2sf);
	v5 =	vsel vm2, s5, v5;
	s3 =	sadd.s32 s9, s18;
	vm2 =	veq.s32 v2, $0xB  }
0x281: {  	s5 =	sadd.s32 s20, s0;
	s11 =	spop (v2sf);
	v5 =	vsel vm2, s18, v5;
	s21 =	sadd.s32 s10, s3;
	vm2 =	veq.s32 v2, $0xC  }
0x282: {  	s23 =	sadd.s32 s6, s5;
	v5 =	vsel vm2, s3, v5;
	s2 =	sadd.s32 s11, s21;
	vm2 =	veq.s32 v2, $0xD;
	s24 =	spop (v2sf)  }
0x283: {  	s1 =	sadd.s32 s15, s1;
	v6 =	vld [tilespmem:s23+$0x0];
	v5 =	vsel vm2, s21, v5;
	vm2 =	veq.s32 v2, $0xE;
	s25 =	sadd.s32 s24, s2;
	s26 =	spop (v2sf)  }
0x284: {  	s28 =	sadd.s32 s14, s1;
	v9 =	vld [tilespmem:s23+$0x10];
	v5 =	vsel vm2, s2, v5;
	vm2 =	veq.s32 v2, $0xF;
	s29 =	sadd.s32 s26, s25  }
0x285: {  	v7 =	vimm.s32 $0x0;
	v10 =	vsel vm2, s25, v5;
	s1 =	ssub.s32 s29, s28  }
0x286: {  	s30 =	simm.s32 $0x20;
	v5 =	vadd.s32 v10, v7;
	v8 =	vmov s1  }
0x287: {  	s31 =	sand.u32 $0x780, s30;
	vm2 =	vle.s32 v5, v8  }
0x288: {  	s2 =	sadd.s32 s31, s0;
	s1 =	sand.u32 $0x60, s30;
	v5 =	vadd.s32 v7, v6;
	v13 =	vsel vm2, $0x1, v0  }
0x289: {  	s2 =	sadd.s32 s1, s2;
	v14 =	vnsel vm2, $0x0, v6;
	v6 =	vadd.s32 v10, v5;
	v11 =	vadd.s32 v9, v5  }
0x28a: {  	[dreg:$0x19] =	wrdreg s28;
	v5 =	vld [tilespmem:s2+$0x0];
	v12 =	vadd.s32 v10, v11;
	v13 =	vadd.s32 v13, v7;
	vm2 =	vle.s32 v6, v8  }
0x28b: {  	[dreg:$0x16] =	wrdreg s29;
	s1 =	simm.s32 $0x40;
	v6 =	vld [tilespmem:s2+$0x10];
	s2 =	simm.s32 $0x60;
	v7 =	vadd.s32 v7, v14;
	v14 =	vsel vm2, $0x1, v0;
	v9 =	vnsel vm2, $0x0, v9  }
.LBB2_28:
0x28c: {  	p1 =	sne.s32 s2, $0x7E0  }
0x28d: {  	s3 =	sand.u32 $0x780, s1;
	v13 =	vadd.s32 v14, v13;
	v7 =	vadd.s32 v9, v7;
	s4 =	smov.u32 s2;
	s2 =	sadd.s32 $0x20, s2  }
.Ltmp19:
0x28e: {  	s1 =	sand.u32 $0x60, s1;
	vm2 =	vle.s32 v12, v8;
	s3 =	sadd.s32 s3, s0;
	(pc) =	sbr.rel @p1 .LBB2_28-.Ltmp19, $4  }
0x28f: {  	v9 =	vsel vm2, $0x1, v0;
	s3 =	sadd.s32 s1, s3;
	v14 =	vnsel vm2, $0x0, v5;
	v11 =	vadd.s32 v11, v5;
	s1 =	smov.u32 s4  }
0x290: {  	v5 =	vld [tilespmem:s3+$0x0];
	v15 =	vadd.s32 v10, v11;
	v11 =	vadd.s32 v6, v11;
	v16 =	vmov v6  }
0x291: {  	v13 =	vadd.s32 v9, v13;
	v12 =	vadd.s32 v10, v11;
	v6 =	vld [tilespmem:s3+$0x10];
	vm2 =	vle.s32 v15, v8  }
0x292: {  	v7 =	vadd.s32 v7, v14;
	v14 =	vsel vm2, $0x1, v0;
	v9 =	vnsel vm2, $0x0, v16  }
0x293: {  	(v2sf) =	vpush v4, $0x0  }
0x294: {  	(v2sf) =	vpush v4, $0x1  }
0x295: {  	(v2sf) =	vpush v4, $0x2  }
0x296: {  	(v2sf) =	vpush v4, $0x3  }
0x297: {  	(v2sf) =	vpush v4, $0x4  }
0x298: {  	(v2sf) =	vpush v4, $0x5  }
0x299: {  	(v2sf) =	vpush v4, $0x6  }
0x29a: {  	(v2sf) =	vpush v4, $0x7  }
0x29b: {  	(v2sf) =	vpush v4, $0x8  }
0x29c: {  	(v2sf) =	vpush v4, $0x9  }
0x29d: {  	(v2sf) =	vpush v4, $0xA  }
0x29e: {  	s2 =	sand.u32 $0x780, s1;
	(v2sf) =	vpush v4, $0xB  }
0x29f: {  	s26 =	sand.u32 $0x60, s1;
	s0 =	sadd.s32 s2, s0;
	(v2sf) =	vpush v4, $0xC  }
0x2a0: {  	s0 =	sadd.s32 s26, s0;
	(v2sf) =	vpush v4, $0xD  }
0x2a1: {  	v15 =	vld [tilespmem:s0+$0x0];
	(v2sf) =	vpush v4, $0xE  }
0x2a2: {  	v16 =	vld [tilespmem:s0+$0x10];
	[tilespmem:$0x8080] =	vst v0;
	s30 =	spop (v2sf);
	(v2sf) =	vpush v4, $0xF  }
0x2a3: {  	[tilespmem:$0x8090] =	vst v0;
	s10 =	spop (v2sf);
	(v2sf) =	vpush v3, $0x0  }
0x2a4: {  	[tilespmem:$0x80A0] =	vst v0;
	s29 =	spop (v2sf);
	(v2sf) =	vpush v3, $0x1  }
0x2a5: {  	[tilespmem:$0x80B0] =	vst v0;
	s26 =	spop (v2sf);
	(v2sf) =	vpush v3, $0x2  }
0x2a6: {  	[tilespmem:$0x80C0] =	vst v0;
	s23 =	spop (v2sf);
	(v2sf) =	vpush v3, $0x3  }
0x2a7: {  	[tilespmem:$0x80D0] =	vst v0;
	s17 =	spop (v2sf);
	(v2sf) =	vpush v3, $0x4  }
0x2a8: {  	[tilespmem:$0x80E0] =	vst v0;
	s14 =	spop (v2sf);
	(v2sf) =	vpush v3, $0x5  }
0x2a9: {  	vm2 =	vle.s32 v12, v8;
	v11 =	vadd.s32 v11, v5;
	[tilespmem:$0x80F0] =	vst v0;
	s15 =	spop (v2sf);
	(v2sf) =	vpush v3, $0x6  }
0x2aa: {  	v58 =	vadd.s32 v10, v11;
	[tilespmem:$0x8100] =	vst v0;
	v11 =	vadd.s32 v6, v11;
	s19 =	spop (v2sf);
	(v2sf) =	vpush v3, $0x7  }
0x2ab: {  	v59 =	vsel vm2, $0x1, v0;
	[tilespmem:$0x8110] =	vst v0;
	v60 =	vadd.s32 v10, v11;
	s25 =	spop (v2sf);
	(v2sf) =	vpush v3, $0x8  }
0x2ac: {  	[tilespmem:$0x8120] =	vst v0;
	vm3 =	vle.s32 v58, v8;
	vm4 =	vle.s32 v60, v8;
	s31 =	spop (v2sf);
	(v2sf) =	vpush v3, $0x9  }
0x2ad: {  	[tilespmem:$0x8130] =	vst v0;
	v12 =	vsel vm3, $0x1, v0;
	v62 =	vsel vm4, $0x1, v0;
	s16 =	spop (v2sf);
	(v2sf) =	vpush v3, $0xA  }
0x2ae: {  	[tilespmem:$0x8140] =	vst v0;
	v11 =	vadd.s32 v11, v15;
	v4 =	vadd.s32 v14, v13;
	s1 =	spop (v2sf);
	(v2sf) =	vpush v3, $0xB  }
0x2af: {  	[tilespmem:$0x8150] =	vst v0;
	v61 =	vadd.s32 v10, v11;
	v4 =	vadd.s32 v59, v4;
	s4 =	spop (v2sf);
	(v2sf) =	vpush v3, $0xC  }
0x2b0: {  	[tilespmem:$0x8160] =	vst v0;
	vm5 =	vle.s32 v61, v8;
	v4 =	vadd.s32 v12, v4;
	s8 =	spop (v2sf);
	(v2sf) =	vpush v3, $0xD  }
0x2b1: {  	[tilespmem:$0x8170] =	vst v0;
	v8 =	vsel vm5, $0x1, v0;
	v4 =	vadd.s32 v62, v4;
	s24 =	spop (v2sf);
	(v2sf) =	vpush v3, $0xE  }
0x2b2: {  	[tilespmem:$0x8180] =	vst v0;
	v4 =	vadd.s32 v8, v4;
	s2 =	spop (v2sf);
	(v2sf) =	vpush v3, $0xF  }
0x2b3: {  	[tilespmem:$0x8190] =	vst v0;
	s3 =	spop (v2sf);
	(v2sf) =	vpush v4, $0x0  }
0x2b4: {  	[tilespmem:$0x81A0] =	vst v0;
	s5 =	spop (v2sf);
	(v2sf) =	vpush v4, $0x1  }
0x2b5: {  	[tilespmem:$0x81B0] =	vst v0;
	s6 =	spop (v2sf);
	(v2sf) =	vpush v4, $0x2  }
0x2b6: {  	[tilespmem:$0x81C0] =	vst v0;
	s7 =	spop (v2sf);
	(v2sf) =	vpush v4, $0x3  }
0x2b7: {  	[tilespmem:$0x81D0] =	vst v0;
	s9 =	spop (v2sf);
	(v2sf) =	vpush v4, $0x4  }
0x2b8: {  	[tilespmem:$0x81E0] =	vst v0;
	s11 =	spop (v2sf);
	(v2sf) =	vpush v4, $0x5  }
0x2b9: {  	[tilespmem:$0x81F0] =	vst v0;
	s18 =	spop (v2sf);
	(v2sf) =	vpush v4, $0x6  }
0x2ba: {  	[tilespmem:$0x8200] =	vst v0;
	s20 =	spop (v2sf);
	(v2sf) =	vpush v4, $0x7  }
0x2bb: {  	[tilespmem:$0x8210] =	vst v0;
	s21 =	spop (v2sf);
	(v2sf) =	vpush v4, $0x8  }
0x2bc: {  	[tilespmem:$0x8220] =	vst v0;
	[smem:$0x7DC] =	sst s2;
	(v2sf) =	vpush v4, $0x9;
	s2 =	spop (v2sf)  }
0x2bd: {  	[tilespmem:$0x8230] =	vst v0;
	[smem:$0x7DD] =	sst s3;
	(v2sf) =	vpush v4, $0xA;
	s3 =	spop (v2sf)  }
0x2be: {  	[tilespmem:$0x8240] =	vst v0;
	v3 =	vnsel vm2, $0x0, v5;
	v5 =	vadd.s32 v9, v7;
	[smem:$0x7DE] =	sst s5;
	(v2sf) =	vpush v4, $0xB;
	s5 =	spop (v2sf)  }
0x2bf: {  	[tilespmem:$0x8250] =	vst v0;
	v63 =	vnsel vm3, $0x0, v6;
	v3 =	vadd.s32 v5, v3;
	[smem:$0x7DF] =	sst s6;
	(v2sf) =	vpush v4, $0xC;
	s6 =	spop (v2sf)  }
0x2c0: {  	[tilespmem:$0x8260] =	vst v0;
	v5 =	vnsel vm4, $0x0, v15;
	v3 =	vadd.s32 v63, v3;
	[smem:$0x7E0] =	sst s7;
	(v2sf) =	vpush v4, $0xD;
	s7 =	spop (v2sf)  }
0x2c1: {  	[tilespmem:$0x8270] =	vst v0;
	v3 =	vadd.s32 v3, v5;
	v5 =	vnsel vm5, $0x0, v16;
	[smem:$0x7E1] =	sst s9;
	(v2sf) =	vpush v4, $0xE;
	s9 =	spop (v2sf)  }
0x2c2: {  	[tilespmem:$0x8280] =	vst v0;
	v3 =	vadd.s32 v5, v3;
	[smem:$0x7E4] =	sst s20;
	(v2sf) =	vpush v4, $0xF;
	s20 =	spop (v2sf)  }
0x2c3: {  	[tilespmem:$0x8290] =	vst v0;
	[smem:$0x7E6] =	sst s2;
	(v2sf) =	vpush v3, $0x0;
	s2 =	spop (v2sf)  }
0x2c4: {  	[tilespmem:$0x82A0] =	vst v0;
	[smem:$0x7E3] =	sst s18;
	(v2sf) =	vpush v3, $0x1;
	s18 =	spop (v2sf)  }
0x2c5: {  	[tilespmem:$0x82B0] =	vst v0;
	(v2sf) =	vpush v3, $0x2;
	s0 =	spop (v2sf)  }
0x2c6: {  	[tilespmem:$0x82C0] =	vst v0;
	s10 =	sadd.s32 s30, s10;
	(v2sf) =	vpush v3, $0x3;
	s28 =	spop (v2sf)  }
0x2c7: {  	[tilespmem:$0x82D0] =	vst v0;
	s10 =	sadd.s32 s29, s10;
	[smem:$0x7E5] =	sst s21;
	(v2sf) =	vpush v3, $0x4;
	s21 =	spop (v2sf)  }
0x2c8: {  	[tilespmem:$0x82E0] =	vst v0;
	s10 =	sadd.s32 s26, s10;
	[smem:$0x7E7] =	sst s3;
	(v2sf) =	vpush v3, $0x5;
	s3 =	spop (v2sf)  }
0x2c9: {  	[tilespmem:$0x82F0] =	vst v0;
	s10 =	sadd.s32 s23, s10;
	[smem:$0x7EA] =	sst s7;
	(v2sf) =	vpush v3, $0x6;
	s7 =	spop (v2sf)  }
0x2ca: {  	[tilespmem:$0x8300] =	vst v0;
	s10 =	sadd.s32 s17, s10;
	[smem:$0x7E8] =	sst s5;
	(v2sf) =	vpush v3, $0x7;
	s5 =	spop (v2sf)  }
0x2cb: {  	[tilespmem:$0x8310] =	vst v0;
	[smem:$0x7EB] =	sst s9;
	s2 =	sadd.s32 s20, s2;
	(v2sf) =	vpush v3, $0x8;
	s9 =	spop (v2sf)  }
0x2cc: {  	[tilespmem:$0x8320] =	vst v0;
	[smem:$0x7E9] =	sst s6;
	s2 =	sadd.s32 s18, s2;
	(v2sf) =	vpush v3, $0x9;
	s6 =	spop (v2sf)  }
0x2cd: {  	[tilespmem:$0x8330] =	vst v0;
	[smem:$0x7E2] =	sst s11;
	s0 =	sadd.s32 s0, s2;
	(v2sf) =	vpush v3, $0xA;
	s11 =	spop (v2sf)  }
0x2ce: {  	[tilespmem:$0x8340] =	vst v0;
	s10 =	sadd.s32 s14, s10;
	s0 =	sadd.s32 s28, s0;
	(v2sf) =	vpush v3, $0xB;
	s20 =	spop (v2sf)  }
0x2cf: {  	[tilespmem:$0x8350] =	vst v0;
	s10 =	sadd.s32 s15, s10;
	s0 =	sadd.s32 s21, s0;
	(v2sf) =	vpush v3, $0xC;
	s18 =	spop (v2sf)  }
0x2d0: {  	[tilespmem:$0x8360] =	vst v0;
	s0 =	sadd.s32 s3, s0;
	s3 =	sadd.s32 s19, s10;
	(v2sf) =	vpush v3, $0xD;
	s2 =	spop (v2sf)  }
0x2d1: {  	[tilespmem:$0x8370] =	vst v0;
	s0 =	sadd.s32 s7, s0;
	s3 =	sadd.s32 s25, s3;
	(v2sf) =	vpush v3, $0xE;
	s28 =	spop (v2sf)  }
0x2d2: {  	[tilespmem:$0x8380] =	vst v0;
	s0 =	sadd.s32 s5, s0;
	s3 =	sadd.s32 s31, s3;
	(v2sf) =	vpush v3, $0xF;
	s30 =	spop (v2sf)  }
0x2d3: {  	[tilespmem:$0x8390] =	vst v0;
	s0 =	sadd.s32 s9, s0;
	s3 =	sadd.s32 s16, s3;
	s26 =	spop (v2sf)  }
0x2d4: {  	[tilespmem:$0x83A0] =	vst v0;
	s0 =	sadd.s32 s6, s0;
	s1 =	sadd.s32 s1, s3;
	s23 =	spop (v2sf)  }
0x2d5: {  	[tilespmem:$0x83B0] =	vst v0;
	s0 =	sadd.s32 s11, s0;
	s1 =	sadd.s32 s4, s1;
	s19 =	spop (v2sf)  }
0x2d6: {  	[tilespmem:$0x83C0] =	vst v0;
	s0 =	sadd.s32 s20, s0;
	s1 =	sadd.s32 s8, s1;
	s25 =	spop (v2sf)  }
0x2d7: {  	[tilespmem:$0x83D0] =	vst v0;
	s20 =	sshll.u32 s13, $0xB;
	s0 =	sadd.s32 s18, s0;
	s31 =	spop (v2sf)  }
0x2d8: {  	[tilespmem:$0x83E0] =	vst v0;
	s1 =	sadd.s32 s24, s1;
	s0 =	sadd.s32 s2, s0;
	s17 =	spop (v2sf)  }
0x2d9: {  	[tilespmem:$0x83F0] =	vst v0;
	s18 =	sshll.u32 s12, $0xB;
	s0 =	sadd.s32 s28, s0;
	s15 =	spop (v2sf)  }
0x2da: {  	[tilespmem:$0x8400] =	vst v0;
	s29 =	sadd.s32 $0xFFFFFFFF, s1;
	s28 =	sadd.s32 $0xFFFFFFFF, s0;
	s14 =	spop (v2sf)  }
0x2db: {  	[tilespmem:$0x8410] =	vst v0;
	s0 =	sor.u32 s18, s29;
	s4 =	sor.u32 s20, s28;
	s11 =	spop (v2sf)  }
0x2dc: {  	[tilespmem:$0x8420] =	vst v0;
	p1 =	seq.s32 s0, s4;
	[dreg:$0x1d] =	wrdreg s11;
	s16 =	spop (v2sf)  }
.Ltmp20:
0x2dd: {  	[tilespmem:$0x8430] =	vst v0;
	s11 =	spop (v2sf);
	(pc) =	sbr.rel @!p1 .LBB2_30-.Ltmp20, $4  }
0x2de: {  	[tilespmem:$0x8440] =	vst v0;
	s10 =	spop (v2sf)  }
0x2df: {  	[tilespmem:$0x8450] =	vst v0;
	s9 =	spop (v2sf)  }
0x2e0: {  	[tilespmem:$0x8460] =	vst v0;
	s21 =	smov.u32 s12;
	s24 =	smov.u32 s13;
	s8 =	spop (v2sf)  }
0x2e1: {  	[tilespmem:$0x8470] =	vst v0;
	s1 =	simm.s32 $0x0;
	v3 =	vmov s0;
	[dreg:$0x1c] =	wrdreg s16;
	s7 =	spop (v2sf)  }
.LBB2_42:
0x2e2: {  	s4 =	sshra.s32 s1, $0x2  }
0x2e3: {  	v4 =	vld [tilespmem:s4+$0x0];
	_ =	sdelay $0x4  }
0x2e4: {  	v5 =	vshll.u32 v4, $0x4;
	v6 =	vshrl.u32 v4, $0x5;
	v4 =	vshra.s32 v4, $0x9  }
0x2e5: {  	v6 =	vand.u32 $0xF, v6;
	vm2 =	veq.s32 v4, v3;
	v4 =	vand.u32 $0x1F0, v5  }
0x2e6: {  	v4 =	vor.u32 v6, v4;
	_ =	sdelay $0x4  }
0x2e7: {  	[tilespmem:v4+s22+$0x0] =	vst.idx.add.s32.msk vm2, v1  }
0x2e8: {  	v4 =	vld [tilespmem:s4+$0x10];
	_ =	sdelay $0x4  }
0x2e9: {  	v5 =	vshll.u32 v4, $0x4;
	v57 =	vshrl.u32 v4, $0x5;
	v4 =	vshra.s32 v4, $0x9  }
0x2ea: {  	v6 =	vand.u32 $0xF, v57;
	vm2 =	veq.s32 v4, v3;
	v4 =	vand.u32 $0x1F0, v5  }
0x2eb: {  	v4 =	vor.u32 v6, v4;
	_ =	sdelay $0x4  }
0x2ec: {  	[tilespmem:v4+s22+$0x0] =	vst.idx.add.s32.msk vm2, v1  }
0x2ed: {  	v4 =	vld [tilespmem:s4+$0x20];
	_ =	sdelay $0x4  }
0x2ee: {  	v5 =	vshll.u32 v4, $0x4;
	v58 =	vshrl.u32 v4, $0x5;
	v4 =	vshra.s32 v4, $0x9  }
0x2ef: {  	v6 =	vand.u32 $0xF, v58;
	vm2 =	veq.s32 v4, v3;
	v4 =	vand.u32 $0x1F0, v5  }
0x2f0: {  	v4 =	vor.u32 v6, v4;
	_ =	sdelay $0x4  }
0x2f1: {  	[tilespmem:v4+s22+$0x0] =	vst.idx.add.s32.msk vm2, v1  }
0x2f2: {  	v4 =	vld [tilespmem:s4+$0x30];
	_ =	sdelay $0x4  }
0x2f3: {  	v5 =	vshll.u32 v4, $0x4;
	v59 =	vshrl.u32 v4, $0x5;
	v4 =	vshra.s32 v4, $0x9  }
0x2f4: {  	v6 =	vand.u32 $0xF, v59;
	vm2 =	veq.s32 v4, v3;
	v4 =	vand.u32 $0x1F0, v5  }
0x2f5: {  	v4 =	vor.u32 v6, v4;
	_ =	sdelay $0x4  }
0x2f6: {  	[tilespmem:v4+s22+$0x0] =	vst.idx.add.s32.msk vm2, v1  }
0x2f7: {  	v4 =	vld [tilespmem:s4+$0x40];
	_ =	sdelay $0x4  }
0x2f8: {  	v5 =	vshll.u32 v4, $0x4;
	v60 =	vshrl.u32 v4, $0x5;
	v4 =	vshra.s32 v4, $0x9  }
0x2f9: {  	v6 =	vand.u32 $0xF, v60;
	vm2 =	veq.s32 v4, v3;
	v4 =	vand.u32 $0x1F0, v5  }
0x2fa: {  	v4 =	vor.u32 v6, v4;
	_ =	sdelay $0x4  }
0x2fb: {  	[tilespmem:v4+s22+$0x0] =	vst.idx.add.s32.msk vm2, v1  }
0x2fc: {  	v4 =	vld [tilespmem:s4+$0x50];
	_ =	sdelay $0x4  }
0x2fd: {  	v5 =	vshll.u32 v4, $0x4;
	v61 =	vshrl.u32 v4, $0x5;
	v4 =	vshra.s32 v4, $0x9  }
0x2fe: {  	v6 =	vand.u32 $0xF, v61;
	vm2 =	veq.s32 v4, v3;
	v4 =	vand.u32 $0x1F0, v5  }
0x2ff: {  	v4 =	vor.u32 v6, v4;
	_ =	sdelay $0x4  }
0x300: {  	[tilespmem:v4+s22+$0x0] =	vst.idx.add.s32.msk vm2, v1  }
0x301: {  	v4 =	vld [tilespmem:s4+$0x60];
	_ =	sdelay $0x4  }
0x302: {  	v5 =	vshll.u32 v4, $0x4;
	v62 =	vshrl.u32 v4, $0x5;
	v4 =	vshra.s32 v4, $0x9  }
0x303: {  	v6 =	vand.u32 $0xF, v62;
	vm2 =	veq.s32 v4, v3;
	v4 =	vand.u32 $0x1F0, v5  }
0x304: {  	v4 =	vor.u32 v6, v4;
	_ =	sdelay $0x4  }
0x305: {  	[tilespmem:v4+s22+$0x0] =	vst.idx.add.s32.msk vm2, v1  }
0x306: {  	v4 =	vld [tilespmem:s4+$0x70];
	_ =	sdelay $0x4  }
0x307: {  	v5 =	vshll.u32 v4, $0x4;
	v63 =	vshrl.u32 v4, $0x5;
	v4 =	vshra.s32 v4, $0x9  }
0x308: {  	v6 =	vand.u32 $0xF, v63;
	vm2 =	veq.s32 v4, v3;
	v4 =	vand.u32 $0x1F0, v5  }
0x309: {  	p2 =	seq.s32 s1, $0x1FE00;
	v4 =	vor.u32 v6, v4  }
.Ltmp21:
0x30a: {  	_ = 	snop;
	(pc) =	sbr.rel @!p2 .LBB2_42-.Ltmp21, $2  }
0x30b: {  	_ =	sdelay $0x2  }
0x30c: {  	s1 =	sadd.s32 $0x200, s1;
	[tilespmem:v4+s22+$0x0] =	vst.idx.add.s32.msk vm2, v1  }
.Ltmp22:
0x30d: {  	_ = 	snop;
	(pc) =	sbr.rel .LBB2_32-.Ltmp22, $1  }
0x30e: {  	_ =	sdelay $0x3  }
.LBB2_30:
0x30f: {  	v4 =	vmov s4;
	s1 =	simm.s32 $0x0  }
.LBB2_31:
0x310: {  	s4 =	sshra.s32 s1, $0x2  }
0x311: {  	v5 =	vld [tilespmem:s4+$0x0];
	_ =	sdelay $0x4  }
0x312: {  	v6 =	vshra.s32 v5, $0x9;
	v7 =	vshll.u32 v5, $0x4;
	v5 =	vshrl.u32 v5, $0x5  }
0x313: {  	v5 =	vand.u32 $0xF, v5;
	vm2 =	veq.s32 v6, v3;
	v7 =	vand.u32 $0x1F0, v7  }
0x314: {  	vm3 =	veq.s32 v6, v4;
	v5 =	vor.u32 v5, v7  }
0x315: {  	v6 =	vor.u32 $0x200, v5;
	_ =	sdelay $0x3  }
0x316: {  	[tilespmem:v5+s22+$0x0] =	vst.idx.add.s32.msk vm2, v1  }
0x317: {  	[tilespmem:v6+s22+$0x0] =	vst.idx.add.s32.msk vm3, v1  }
0x318: {  	v5 =	vld [tilespmem:s4+$0x10];
	_ =	sdelay $0x4  }
0x319: {  	v6 =	vshra.s32 v5, $0x9;
	v7 =	vshll.u32 v5, $0x4;
	v5 =	vshrl.u32 v5, $0x5  }
0x31a: {  	v5 =	vand.u32 $0xF, v5;
	vm2 =	veq.s32 v6, v3;
	v7 =	vand.u32 $0x1F0, v7  }
0x31b: {  	vm3 =	veq.s32 v6, v4;
	v5 =	vor.u32 v5, v7  }
0x31c: {  	v6 =	vor.u32 $0x200, v5;
	_ =	sdelay $0x3  }
0x31d: {  	[tilespmem:v5+s22+$0x0] =	vst.idx.add.s32.msk vm2, v1  }
0x31e: {  	[tilespmem:v6+s22+$0x0] =	vst.idx.add.s32.msk vm3, v1  }
0x31f: {  	v5 =	vld [tilespmem:s4+$0x20];
	_ =	sdelay $0x4  }
0x320: {  	v6 =	vshra.s32 v5, $0x9;
	v7 =	vshll.u32 v5, $0x4;
	v5 =	vshrl.u32 v5, $0x5  }
0x321: {  	v5 =	vand.u32 $0xF, v5;
	vm2 =	veq.s32 v6, v3;
	v7 =	vand.u32 $0x1F0, v7  }
0x322: {  	vm3 =	veq.s32 v6, v4;
	v5 =	vor.u32 v5, v7  }
0x323: {  	v6 =	vor.u32 $0x200, v5;
	_ =	sdelay $0x3  }
0x324: {  	[tilespmem:v5+s22+$0x0] =	vst.idx.add.s32.msk vm2, v1  }
0x325: {  	[tilespmem:v6+s22+$0x0] =	vst.idx.add.s32.msk vm3, v1  }
0x326: {  	v5 =	vld [tilespmem:s4+$0x30];
	_ =	sdelay $0x4  }
0x327: {  	v6 =	vshra.s32 v5, $0x9;
	v7 =	vshll.u32 v5, $0x4;
	v5 =	vshrl.u32 v5, $0x5  }
0x328: {  	v5 =	vand.u32 $0xF, v5;
	vm2 =	veq.s32 v6, v3;
	v7 =	vand.u32 $0x1F0, v7  }
0x329: {  	vm3 =	veq.s32 v6, v4;
	v5 =	vor.u32 v5, v7  }
0x32a: {  	v6 =	vor.u32 $0x200, v5;
	_ =	sdelay $0x3  }
0x32b: {  	[tilespmem:v5+s22+$0x0] =	vst.idx.add.s32.msk vm2, v1  }
0x32c: {  	[tilespmem:v6+s22+$0x0] =	vst.idx.add.s32.msk vm3, v1  }
0x32d: {  	v5 =	vld [tilespmem:s4+$0x40];
	_ =	sdelay $0x4  }
0x32e: {  	v6 =	vshra.s32 v5, $0x9;
	v7 =	vshll.u32 v5, $0x4;
	v5 =	vshrl.u32 v5, $0x5  }
0x32f: {  	v5 =	vand.u32 $0xF, v5;
	vm2 =	veq.s32 v6, v3;
	v7 =	vand.u32 $0x1F0, v7  }
0x330: {  	vm3 =	veq.s32 v6, v4;
	v5 =	vor.u32 v5, v7  }
0x331: {  	v6 =	vor.u32 $0x200, v5;
	_ =	sdelay $0x3  }
0x332: {  	[tilespmem:v5+s22+$0x0] =	vst.idx.add.s32.msk vm2, v1  }
0x333: {  	[tilespmem:v6+s22+$0x0] =	vst.idx.add.s32.msk vm3, v1  }
0x334: {  	v5 =	vld [tilespmem:s4+$0x50];
	_ =	sdelay $0x4  }
0x335: {  	v6 =	vshra.s32 v5, $0x9;
	v7 =	vshll.u32 v5, $0x4;
	v5 =	vshrl.u32 v5, $0x5  }
0x336: {  	v5 =	vand.u32 $0xF, v5;
	vm2 =	veq.s32 v6, v3;
	v7 =	vand.u32 $0x1F0, v7  }
0x337: {  	vm3 =	veq.s32 v6, v4;
	v5 =	vor.u32 v5, v7  }
0x338: {  	v6 =	vor.u32 $0x200, v5;
	_ =	sdelay $0x3  }
0x339: {  	[tilespmem:v5+s22+$0x0] =	vst.idx.add.s32.msk vm2, v1  }
0x33a: {  	[tilespmem:v6+s22+$0x0] =	vst.idx.add.s32.msk vm3, v1  }
0x33b: {  	v5 =	vld [tilespmem:s4+$0x60];
	_ =	sdelay $0x4  }
0x33c: {  	v6 =	vshra.s32 v5, $0x9;
	v7 =	vshll.u32 v5, $0x4;
	v5 =	vshrl.u32 v5, $0x5  }
0x33d: {  	v5 =	vand.u32 $0xF, v5;
	vm2 =	veq.s32 v6, v3;
	v7 =	vand.u32 $0x1F0, v7  }
0x33e: {  	vm3 =	veq.s32 v6, v4;
	v5 =	vor.u32 v5, v7  }
0x33f: {  	v6 =	vor.u32 $0x200, v5;
	_ =	sdelay $0x3  }
0x340: {  	[tilespmem:v5+s22+$0x0] =	vst.idx.add.s32.msk vm2, v1  }
0x341: {  	[tilespmem:v6+s22+$0x0] =	vst.idx.add.s32.msk vm3, v1  }
0x342: {  	v5 =	vld [tilespmem:s4+$0x70];
	_ =	sdelay $0x4  }
0x343: {  	v6 =	vshra.s32 v5, $0x9;
	v7 =	vshll.u32 v5, $0x4;
	v5 =	vshrl.u32 v5, $0x5  }
0x344: {  	v5 =	vand.u32 $0xF, v5;
	vm2 =	veq.s32 v6, v3;
	v7 =	vand.u32 $0x1F0, v7  }
0x345: {  	vm3 =	veq.s32 v6, v4;
	v5 =	vor.u32 v5, v7  }
0x346: {  	p2 =	sne.s32 s1, $0x1FE00;
	v6 =	vor.u32 $0x200, v5  }
.Ltmp23:
0x347: {  	_ = 	snop;
	(pc) =	sbr.rel @p2 .LBB2_31-.Ltmp23, $3  }
0x348: {  	_ =	sdelay $0x1  }
0x349: {  	[tilespmem:v5+s22+$0x0] =	vst.idx.add.s32.msk vm2, v1  }
0x34a: {  	s1 =	sadd.s32 $0x200, s1;
	[tilespmem:v6+s22+$0x0] =	vst.idx.add.s32.msk vm3, v1  }
.LBB2_32:
0x34b: {  	s0 =	rddreg [dreg:$0x9]  }
0x34c: {  	s16 =	simm.s32 $0x80;
	s18 =	simm.s32 $0x400;
	s20 =	simm.s32 $0x2  }
0x34d: {  	[spmem:s0] =	stream.strided.scatter [tilespmem:s22], [sflag:$0x2], $0x400, s18, s16, $0x38;
	[tilespmem:$0xC480] =	vst v63  }
0x34e: {  	_ =	swait.ge [sflag:s20], $0x400  }
0x34f: {  	[sflag:s20] =	ssyncset.done $0x0  }
0x350: {  	[sflag:s20] =	ssyncadd.s32 $0xFFFFFC00  }
0x351: {  	[bflag:$0x0] =	sbarrier.arrive $0xFFFF  }
0x352: {  	s1 =	simm.s32 $0xA080;
	s6 =	rddreg [dreg:$0xf]  }
0x353: {  	[tilespmem:s1], [sflag:$0x2] =	stream.linear.gather [spmem:s6], $0x400, $0x38;
	[tilespmem:$0xC480] =	vst v63  }
0x354: {  	_ =	swait.ge [sflag:s20], $0x400  }
0x355: {  	[sflag:s20] =	ssyncset.done $0x0  }
0x356: {  	[sflag:s20] =	ssyncadd.s32 $0xFFFFFC00  }
0x357: {  	v3 =	vld [tilespmem:$0xA080]  }
0x358: {  	v4 =	vld [tilespmem:$0xA100]  }
0x359: {  	v5 =	vld [tilespmem:$0xA180]  }
0x35a: {  	v6 =	vld [tilespmem:$0xA200]  }
0x35b: {  	v7 =	vld [tilespmem:$0xA280]  }
0x35c: {  	v8 =	vld [tilespmem:$0xA300]  }
0x35d: {  	v9 =	vld [tilespmem:$0xA380]  }
0x35e: {  	v10 =	vld [tilespmem:$0xA400]  }
0x35f: {  	v11 =	vld [tilespmem:$0xA090]  }
0x360: {  	v12 =	vld [tilespmem:$0xA110]  }
0x361: {  	v13 =	vld [tilespmem:$0xA190]  }
0x362: {  	v14 =	vld [tilespmem:$0xA210]  }
0x363: {  	v15 =	vld [tilespmem:$0xA290]  }
0x364: {  	v16 =	vld [tilespmem:$0xA310]  }
0x365: {  	v17 =	vld [tilespmem:$0xA390]  }
0x366: {  	v18 =	vld [tilespmem:$0xA410]  }
0x367: {  	v19 =	vld [tilespmem:$0xA0A0]  }
0x368: {  	v20 =	vld [tilespmem:$0xA120]  }
0x369: {  	v21 =	vld [tilespmem:$0xA1A0]  }
0x36a: {  	v22 =	vld [tilespmem:$0xA220]  }
0x36b: {  	v23 =	vld [tilespmem:$0xA2A0]  }
0x36c: {  	v24 =	vld [tilespmem:$0xA320]  }
0x36d: {  	v25 =	vld [tilespmem:$0xA3A0]  }
0x36e: {  	v26 =	vld [tilespmem:$0xA420]  }
0x36f: {  	v27 =	vld [tilespmem:$0xA0B0]  }
0x370: {  	v28 =	vld [tilespmem:$0xA130]  }
0x371: {  	v29 =	vld [tilespmem:$0xA1B0]  }
0x372: {  	v30 =	vld [tilespmem:$0xA230]  }
0x373: {  	v31 =	vld [tilespmem:$0xA2B0]  }
0x374: {  	v32 =	vld [tilespmem:$0xA330]  }
0x375: {  	v33 =	vld [tilespmem:$0xA3B0]  }
0x376: {  	v34 =	vld [tilespmem:$0xA430]  }
0x377: {  	v35 =	vld [tilespmem:$0xA0C0]  }
0x378: {  	v36 =	vld [tilespmem:$0xA140]  }
0x379: {  	v37 =	vld [tilespmem:$0xA1C0]  }
0x37a: {  	v38 =	vld [tilespmem:$0xA240]  }
0x37b: {  	v39 =	vld [tilespmem:$0xA2C0]  }
0x37c: {  	v40 =	vld [tilespmem:$0xA340]  }
0x37d: {  	v41 =	vld [tilespmem:$0xA3C0]  }
0x37e: {  	v42 =	vld [tilespmem:$0xA440]  }
0x37f: {  	v43 =	vld [tilespmem:$0xA0D0]  }
0x380: {  	v44 =	vld [tilespmem:$0xA150]  }
0x381: {  	v45 =	vld [tilespmem:$0xA1D0]  }
0x382: {  	v46 =	vld [tilespmem:$0xA250]  }
0x383: {  	v47 =	vld [tilespmem:$0xA2D0]  }
0x384: {  	v48 =	vld [tilespmem:$0xA350]  }
0x385: {  	v49 =	vld [tilespmem:$0xA3D0]  }
0x386: {  	v52 =	vld [tilespmem:$0xA360]  }
0x387: {  	v54 =	vld [tilespmem:$0xA3E0]  }
0x388: {  	v56 =	vld [tilespmem:$0xA460];
	v3 =	vadd.s32 v3, v4;
	v53 =	vadd.s32 v27, v28  }
0x389: {  	v57 =	vld [tilespmem:$0xA0F0];
	v55 =	vadd.s32 v35, v36;
	v3 =	vadd.s32 v5, v3;
	v5 =	vadd.s32 v11, v12  }
0x38a: {  	v58 =	vld [tilespmem:$0xA170];
	v61 =	vadd.s32 v43, v44;
	v3 =	vadd.s32 v6, v3;
	v5 =	vadd.s32 v13, v5  }
0x38b: {  	v59 =	vld [tilespmem:$0xA1F0];
	v13 =	vadd.s32 v29, v53;
	v3 =	vadd.s32 v7, v3;
	v5 =	vadd.s32 v14, v5  }
0x38c: {  	v11 =	vld [tilespmem:$0xA0E0];
	v13 =	vadd.s32 v30, v13;
	v3 =	vadd.s32 v8, v3;
	v5 =	vadd.s32 v15, v5  }
0x38d: {  	v6 =	vld [tilespmem:$0xA160];
	v15 =	vadd.s32 v37, v55;
	v13 =	vadd.s32 v31, v13;
	v3 =	vadd.s32 v9, v3  }
0x38e: {  	v7 =	vld [tilespmem:$0xA1E0];
	v5 =	vadd.s32 v16, v5;
	v15 =	vadd.s32 v38, v15;
	v13 =	vadd.s32 v32, v13  }
0x38f: {  	v60 =	vld [tilespmem:$0xA270];
	v3 =	vadd.s32 v10, v3;
	v5 =	vadd.s32 v17, v5;
	v10 =	vadd.s32 v19, v20  }
0x390: {  	v8 =	vld [tilespmem:$0xA260];
	v15 =	vadd.s32 v39, v15;
	v13 =	vadd.s32 v33, v13;
	v5 =	vadd.s32 v18, v5  }
0x391: {  	v9 =	vld [tilespmem:$0xA2E0];
	v10 =	vadd.s32 v21, v10;
	v15 =	vadd.s32 v40, v15;
	v13 =	vadd.s32 v34, v13  }
0x392: {  	v62 =	vld [tilespmem:$0xA2F0];
	v21 =	vadd.s32 v45, v61;
	v6 =	vadd.s32 v11, v6;
	v10 =	vadd.s32 v22, v10  }
0x393: {  	v4 =	vld [tilespmem:$0xA450];
	[tilespmem:$0xB080] =	vst v3;
	v15 =	vadd.s32 v41, v15;
	v3 =	vadd.s32 v46, v21;
	v6 =	vadd.s32 v7, v6  }
0x394: {  	v11 =	vld [tilespmem:$0xA370];
	v7 =	vadd.s32 v57, v58;
	v10 =	vadd.s32 v23, v10;
	v15 =	vadd.s32 v42, v15  }
0x395: {  	v63 =	vld [tilespmem:$0xA3F0];
	[tilespmem:$0xB090] =	vst v5;
	v3 =	vadd.s32 v47, v3;
	v5 =	vadd.s32 v8, v6;
	v6 =	vadd.s32 v59, v7  }
0x396: {  	v7 =	vld [tilespmem:$0xA470];
	v10 =	vadd.s32 v24, v10;
	v3 =	vadd.s32 v48, v3;
	v5 =	vadd.s32 v9, v5  }
0x397: {  	[tilespmem:$0xB0B0] =	vst v13;
	v6 =	vadd.s32 v60, v6;
	v10 =	vadd.s32 v25, v10;
	v3 =	vadd.s32 v49, v3  }
0x398: {  	[tilespmem:$0xB0C0] =	vst v15;
	v5 =	vadd.s32 v52, v5;
	v6 =	vadd.s32 v62, v6;
	v10 =	vadd.s32 v26, v10  }
0x399: {  	v3 =	vadd.s32 v4, v3;
	v4 =	vadd.s32 v54, v5;
	v5 =	vadd.s32 v11, v6;
	[tilespmem:$0xB0A0] =	vst v10  }
0x39a: {  	[tilespmem:$0xB0D0] =	vst v3;
	v3 =	vadd.s32 v56, v4;
	v4 =	vadd.s32 v63, v5  }
0x39b: {  	[tilespmem:$0xB0E0] =	vst v3;
	v3 =	vadd.s32 v7, v4  }
0x39c: {  	s13 =	simm.s32 $0xB080;
	s12 =	rddreg [dreg:$0x10];
	[tilespmem:$0xB0F0] =	vst v3  }
0x39d: {  	[spmem:s12] =	stream.linear.scatter [tilespmem:s13], [sflag:$0x2], $0x80, $0x38;
	[tilespmem:$0xC480] =	vst v63  }
0x39e: {  	_ =	swait.ge [sflag:s20], $0x80  }
0x39f: {  	[sflag:s20] =	ssyncset.done $0x0  }
0x3a0: {  	[sflag:s20] =	ssyncadd.s32 $0xFFFFFF80  }
0x3a1: {  	[bflag:$0x0] =	sbarrier.arrive $0xFFFF  }
0x3a2: {  	s3 =	simm.s32 $0x100;
	s2 =	simm.s32 $0x9080;
	s1 =	rddreg [dreg:$0xb]  }
0x3a3: {  	[tilespmem:s2], [sflag:$0x2] =	stream.strided.gather [spmem:s1], $0x400, s3, s16, $0x38;
	[tilespmem:$0xC480] =	vst v63  }
0x3a4: {  	_ =	swait.ge [sflag:s20], $0x400  }
0x3a5: {  	[sflag:s20] =	ssyncset.done $0x0  }
0x3a6: {  	[sflag:s20] =	ssyncadd.s32 $0xFFFFFC00  }
0x3a7: {  	v3 =	vld [tilespmem:$0x9080]  }
0x3a8: {  	v4 =	vld [tilespmem:$0x9090]  }
0x3a9: {  	v5 =	vld [tilespmem:$0x90A0]  }
0x3aa: {  	v6 =	vld [tilespmem:$0x90B0]  }
0x3ab: {  	v7 =	vld [tilespmem:$0x90C0]  }
0x3ac: {  	v8 =	vld [tilespmem:$0x90D0]  }
0x3ad: {  	v3 =	vadd.s32 v4, v3;
	v4 =	vld [tilespmem:$0x90E0]  }
0x3ae: {  	v3 =	vadd.s32 v5, v3;
	v5 =	vld [tilespmem:$0x90F0]  }
0x3af: {  	v3 =	vadd.s32 v6, v3;
	v6 =	vld [tilespmem:$0x9100]  }
0x3b0: {  	v3 =	vadd.s32 v3, v7;
	v7 =	vld [tilespmem:$0x9110]  }
0x3b1: {  	v3 =	vadd.s32 v8, v3;
	v8 =	vld [tilespmem:$0x9120]  }
0x3b2: {  	v3 =	vadd.s32 v4, v3;
	v4 =	vld [tilespmem:$0x9130]  }
0x3b3: {  	v3 =	vadd.s32 v5, v3;
	v5 =	vld [tilespmem:$0x9140]  }
0x3b4: {  	v3 =	vadd.s32 v3, v6;
	v6 =	vld [tilespmem:$0x9150]  }
0x3b5: {  	v3 =	vadd.s32 v7, v3;
	v7 =	vld [tilespmem:$0x9160]  }
0x3b6: {  	v3 =	vadd.s32 v8, v3;
	v8 =	vld [tilespmem:$0x9170]  }
0x3b7: {  	v3 =	vadd.s32 v4, v3;
	v4 =	vld [tilespmem:$0x9180]  }
0x3b8: {  	v3 =	vadd.s32 v3, v5;
	v5 =	vld [tilespmem:$0x9190]  }
0x3b9: {  	v3 =	vadd.s32 v6, v3;
	v6 =	vld [tilespmem:$0x91A0]  }
0x3ba: {  	v3 =	vadd.s32 v7, v3;
	v7 =	vld [tilespmem:$0x91B0]  }
0x3bb: {  	v3 =	vadd.s32 v8, v3;
	v8 =	vld [tilespmem:$0x91C0]  }
0x3bc: {  	v3 =	vadd.s32 v3, v4;
	v4 =	vld [tilespmem:$0x91D0]  }
0x3bd: {  	v3 =	vadd.s32 v5, v3;
	v5 =	vld [tilespmem:$0x91E0]  }
0x3be: {  	v3 =	vadd.s32 v6, v3;
	v6 =	vld [tilespmem:$0x91F0]  }
0x3bf: {  	v3 =	vadd.s32 v7, v3;
	v7 =	vld [tilespmem:$0x9200]  }
0x3c0: {  	v3 =	vadd.s32 v3, v8;
	v8 =	vld [tilespmem:$0x9210]  }
0x3c1: {  	v3 =	vadd.s32 v4, v3;
	v4 =	vld [tilespmem:$0x9220]  }
0x3c2: {  	v3 =	vadd.s32 v5, v3;
	v5 =	vld [tilespmem:$0x9230]  }
0x3c3: {  	v3 =	vadd.s32 v6, v3;
	v6 =	vld [tilespmem:$0x9240]  }
0x3c4: {  	v3 =	vadd.s32 v3, v7;
	v7 =	vld [tilespmem:$0x9250]  }
0x3c5: {  	v3 =	vadd.s32 v8, v3;
	v8 =	vld [tilespmem:$0x9260]  }
0x3c6: {  	v3 =	vadd.s32 v4, v3;
	v4 =	vld [tilespmem:$0x9270]  }
0x3c7: {  	v3 =	vadd.s32 v5, v3  }
0x3c8: {  	v3 =	vadd.s32 v3, v6  }
0x3c9: {  	v3 =	vadd.s32 v7, v3  }
0x3ca: {  	v3 =	vadd.s32 v8, v3  }
0x3cb: {  	v3 =	vadd.s32 v4, v3  }
0x3cc: {  	(v2sf) =	vpush v3, $0x0  }
0x3cd: {  	(v2sf) =	vpush v3, $0x1;
	_ =	sdelay $0x1  }
0x3ce: {  	(v2sf) =	vpush v3, $0x2  }
0x3cf: {  	(v2sf) =	vpush v3, $0x3  }
0x3d0: {  	(v2sf) =	vpush v3, $0x4  }
0x3d1: {  	(v2sf) =	vpush v3, $0x5  }
0x3d2: {  	(v2sf) =	vpush v3, $0x6;
	_ =	sdelay $0x1  }
0x3d3: {  	(v2sf) =	vpush v3, $0x7  }
0x3d4: {  	(v2sf) =	vpush v3, $0x8  }
0x3d5: {  	s4 =	rddreg [dreg:$0x18]  }
0x3d6: {  	s5 =	sld [smem:$0x7DD];
	(v2sf) =	vpush v3, $0x9  }
0x3d7: {  	s6 =	sld [smem:$0x7DC];
	(v2sf) =	vpush v3, $0xA  }
0x3d8: {  	s13 =	sld [smem:$0x7DE];
	(v2sf) =	vpush v3, $0xB  }
0x3d9: {  	s0 =	sadd.s32 s5, s4;
	s4 =	sld [smem:$0x7DF];
	(v2sf) =	vpush v3, $0xC;
	s12 =	spop (v2sf)  }
0x3da: {  	s0 =	sadd.s32 s6, s0;
	s3 =	spop (v2sf)  }
0x3db: {  	s0 =	sadd.s32 s13, s0;
	(v2sf) =	vpush v3, $0xD;
	s1 =	sadd.s32 s3, s12;
	s3 =	sld [smem:$0x7E0]  }
0x3dc: {  	s0 =	sadd.s32 s4, s0;
	s4 =	sld [smem:$0x7E2];
	(v2sf) =	vpush v3, $0xE;
	s5 =	spop (v2sf)  }
0x3dd: {  	(v2sf) =	vpush v3, $0xF;
	v3 =	vbroadcast v3, $0x0;
	s12 =	sld [smem:$0x7E1];
	s6 =	spop (v2sf)  }
0x3de: {  	vm2 =	veq.s32 v2, $0x0;
	s2 =	sadd.s32 s5, s1;
	s13 =	spop (v2sf);
	s0 =	sadd.s32 s3, s0  }
0x3df: {  	v3 =	vsel vm2, $0x0, v3;
	vm2 =	veq.s32 v2, $0x2;
	s3 =	sadd.s32 s6, s2;
	s5 =	spop (v2sf);
	s6 =	sld [smem:$0x7E3]  }
0x3e0: {  	v3 =	vsel vm2, s1, v3;
	vm2 =	veq.s32 v2, $0x3;
	s0 =	sadd.s32 s12, s0;
	s1 =	sadd.s32 s13, s3;
	s12 =	spop (v2sf)  }
0x3e1: {  	v3 =	vsel vm2, s2, v3;
	s13 =	sld [smem:$0x7E4];
	s0 =	sadd.s32 s4, s0;
	s2 =	sadd.s32 s5, s1  }
0x3e2: {  	vm2 =	veq.s32 v2, $0x4;
	s4 =	spop (v2sf);
	s5 =	sld [smem:$0x7E5];
	s0 =	sadd.s32 s6, s0  }
0x3e3: {  	v3 =	vsel vm2, s3, v3;
	vm2 =	veq.s32 v2, $0x5;
	s3 =	sadd.s32 s12, s2;
	s6 =	spop (v2sf);
	s12 =	sld [smem:$0x7E6]  }
0x3e4: {  	v3 =	vsel vm2, s1, v3;
	vm2 =	veq.s32 v2, $0x6;
	s0 =	sadd.s32 s13, s0;
	s1 =	sadd.s32 s4, s3;
	s4 =	sld [smem:$0x7E7]  }
0x3e5: {  	v3 =	vsel vm2, s2, v3;
	s13 =	spop (v2sf);
	s0 =	sadd.s32 s5, s0;
	s2 =	sadd.s32 s6, s1  }
0x3e6: {  	vm2 =	veq.s32 v2, $0x7;
	s5 =	spop (v2sf);
	s6 =	sld [smem:$0x7E8];
	s0 =	sadd.s32 s12, s0  }
0x3e7: {  	v3 =	vsel vm2, s3, v3;
	vm2 =	veq.s32 v2, $0x8;
	s3 =	sadd.s32 s13, s2;
	s12 =	spop (v2sf);
	s0 =	sadd.s32 s4, s0  }
0x3e8: {  	v3 =	vsel vm2, s1, v3;
	vm2 =	veq.s32 v2, $0x9;
	s1 =	sadd.s32 s5, s3;
	s13 =	spop (v2sf);
	s4 =	sld [smem:$0x7E9]  }
0x3e9: {  	v3 =	vsel vm2, s2, v3;
	vm2 =	veq.s32 v2, $0xA;
	s0 =	sadd.s32 s6, s0;
	s2 =	sadd.s32 s12, s1;
	s6 =	sld [smem:$0x7EA]  }
0x3ea: {  	v3 =	vsel vm2, s3, v3;
	s3 =	sadd.s32 s13, s2;
	s13 =	sld [smem:$0x7EB]  }
0x3eb: {  	vm2 =	veq.s32 v2, $0xB;
	s5 =	simm.s32 $0x0;
	s0 =	sadd.s32 s4, s0  }
0x3ec: {  	v3 =	vsel vm2, s1, v3;
	s12 =	spop (v2sf);
	vm2 =	veq.s32 v2, $0xC;
	v5 =	vld [tilespmem:s5+$0x9080];
	s0 =	sadd.s32 s6, s0  }
0x3ed: {  	v6 =	vld [tilespmem:s5+$0x9090];
	v3 =	vsel vm2, s2, v3;
	s5 =	spop (v2sf);
	vm2 =	veq.s32 v2, $0xD;
	s6 =	rddreg [dreg:$0x17];
	s0 =	sadd.s32 s13, s0  }
0x3ee: {  	s1 =	sadd.s32 s12, s3;
	v3 =	vsel vm2, s3, v3;
	s12 =	spop (v2sf);
	vm2 =	veq.s32 v2, $0xE;
	s0 =	ssub.s32 s6, s0  }
0x3ef: {  	s2 =	sadd.s32 s5, s1;
	v3 =	vsel vm2, s1, v3;
	vm2 =	veq.s32 v2, $0xF;
	s0 =	sadd.s32 s12, s0  }
0x3f0: {  	v7 =	vimm.s32 $0x0;
	v3 =	vsel vm2, s2, v3;
	s0 =	sadd.s32 s2, s0  }
0x3f1: {  	s13 =	simm.s32 $0x20;
	v8 =	vadd.s32 v3, v7;
	v5 =	vadd.s32 v7, v5;
	v4 =	vmov s0  }
0x3f2: {  	v6 =	vadd.s32 v6, v5;
	vm2 =	vle.s32 v8, v4;
	v8 =	vadd.s32 v3, v5;
	v5 =	vld [tilespmem:s13+$0x9080]  }
0x3f3: {  	v9 =	vld [tilespmem:s13+$0x9090];
	v10 =	vadd.s32 v3, v6;
	v11 =	vsel vm2, $0x1, v0;
	vm3 =	vle.s32 v8, v4  }
0x3f4: {  	s0 =	simm.s32 $0x100;
	vm2 =	vle.s32 v10, v4;
	v7 =	vadd.s32 v11, v7;
	v8 =	vsel vm3, $0x1, v0  }
.LBB2_33:
0x3f5: {  	p2 =	sne.s32 s0, $0x780;
	v7 =	vadd.s32 v8, v7;
	s1 =	smov.u32 s0;
	s0 =	sadd.s32 $0x80, s0  }
.Ltmp24:
0x3f6: {  	(pc) =	sbr.rel @p2 .LBB2_33-.Ltmp24, $4  }
0x3f7: {  	s1 =	sshra.s32 s1, $0x2;
	v6 =	vadd.s32 v6, v5  }
0x3f8: {  	v5 =	vld [tilespmem:s1+$0x9080];
	v8 =	vadd.s32 v3, v6;
	v6 =	vadd.s32 v9, v6  }
0x3f9: {  	v11 =	vsel vm2, $0x1, v0;
	v10 =	vadd.s32 v3, v6;
	v9 =	vld [tilespmem:s1+$0x9090];
	vm3 =	vle.s32 v8, v4  }
0x3fa: {  	v7 =	vadd.s32 v11, v7;
	vm2 =	vle.s32 v10, v4;
	v8 =	vsel vm3, $0x1, v0  }
0x3fb: {  	s0 =	simm.s32 $0x0  }
0x3fc: {  	s0 =	simm.s32 @!p1 $0x200  }
0x3fd: {  	v9 =	vld [tilespmem:s0+$0x9080]  }
0x3fe: {  	v10 =	vld [tilespmem:s0+$0x9090]  }
0x3ff: {  	v11 =	vld [tilespmem:s0+$0x90A0]  }
0x400: {  	v12 =	vld [tilespmem:s0+$0x90B0]  }
0x401: {  	v13 =	vld [tilespmem:s0+$0x90C0]  }
0x402: {  	v14 =	vld [tilespmem:s0+$0x90D0]  }
0x403: {  	v9 =	vadd.s32 v10, v9;
	v10 =	vld [tilespmem:s0+$0x90E0]  }
0x404: {  	v9 =	vadd.s32 v11, v9;
	v11 =	vld [tilespmem:s0+$0x90F0]  }
0x405: {  	v48 =	vld [tilespmem:s0+$0x9100];
	v9 =	vadd.s32 v12, v9  }
0x406: {  	v49 =	vld [tilespmem:s0+$0x9110];
	v9 =	vadd.s32 v9, v13  }
0x407: {  	v50 =	vld [tilespmem:s0+$0x9120];
	v9 =	vadd.s32 v14, v9  }
0x408: {  	v9 =	vadd.s32 v10, v9;
	v10 =	vld [tilespmem:s0+$0x9130]  }
0x409: {  	v9 =	vadd.s32 v11, v9;
	v11 =	vld [tilespmem:s0+$0x9140]  }
0x40a: {  	v51 =	vld [tilespmem:s0+$0x9150];
	v9 =	vadd.s32 v9, v48  }
0x40b: {  	v52 =	vld [tilespmem:s0+$0x9160];
	v9 =	vadd.s32 v49, v9  }
0x40c: {  	v53 =	vld [tilespmem:s0+$0x9170];
	v9 =	vadd.s32 v50, v9  }
0x40d: {  	v9 =	vadd.s32 v10, v9;
	v10 =	vld [tilespmem:s0+$0x9180]  }
0x40e: {  	v9 =	vadd.s32 v9, v11;
	v11 =	vld [tilespmem:s0+$0x9190]  }
0x40f: {  	v54 =	vld [tilespmem:s0+$0x91A0];
	v9 =	vadd.s32 v51, v9  }
0x410: {  	v55 =	vld [tilespmem:s0+$0x91B0];
	v9 =	vadd.s32 v52, v9  }
0x411: {  	v56 =	vld [tilespmem:s0+$0x91C0];
	v9 =	vadd.s32 v53, v9  }
0x412: {  	v9 =	vadd.s32 v9, v10;
	v10 =	vld [tilespmem:s0+$0x91D0]  }
0x413: {  	v9 =	vadd.s32 v11, v9;
	v11 =	vld [tilespmem:s0+$0x91E0]  }
0x414: {  	v57 =	vld [tilespmem:s0+$0x91F0];
	v9 =	vadd.s32 v54, v9  }
0x415: {  	v58 =	vld [tilespmem:s0+$0x9200];
	v9 =	vadd.s32 v55, v9  }
0x416: {  	v59 =	vld [tilespmem:s0+$0x9210];
	v9 =	vadd.s32 v9, v56  }
0x417: {  	v9 =	vadd.s32 v10, v9;
	v10 =	vld [tilespmem:s0+$0x9220]  }
0x418: {  	v9 =	vadd.s32 v11, v9;
	v11 =	vld [tilespmem:s0+$0x9230]  }
0x419: {  	v60 =	vld [tilespmem:s0+$0x9240];
	v9 =	vadd.s32 v57, v9  }
0x41a: {  	v61 =	vld [tilespmem:s0+$0x9250];
	v9 =	vadd.s32 v9, v58  }
0x41b: {  	v62 =	vld [tilespmem:s0+$0x9260];
	v9 =	vadd.s32 v59, v9  }
0x41c: {  	v9 =	vadd.s32 v10, v9;
	v10 =	vld [tilespmem:s0+$0x9270]  }
0x41d: {  	v9 =	vadd.s32 v11, v9  }
0x41e: {  	v9 =	vadd.s32 v9, v60  }
0x41f: {  	v9 =	vadd.s32 v61, v9  }
0x420: {  	v9 =	vadd.s32 v62, v9  }
0x421: {  	v9 =	vadd.s32 v10, v9  }
0x422: {  	(v2sf) =	vpush v9, $0x0  }
0x423: {  	(v2sf) =	vpush v9, $0x1  }
0x424: {  	(v2sf) =	vpush v9, $0x2;
	_ =	sdelay $0x1  }
0x425: {  	(v2sf) =	vpush v9, $0x3  }
0x426: {  	(v2sf) =	vpush v9, $0x4  }
0x427: {  	(v2sf) =	vpush v9, $0x5  }
0x428: {  	(v2sf) =	vpush v9, $0x6  }
0x429: {  	(v2sf) =	vpush v9, $0x7  }
0x42a: {  	s1 =	rddreg [dreg:$0x19];
	(v2sf) =	vpush v9, $0x8  }
0x42b: {  	s1 =	sadd.s32 s26, s1;
	(v2sf) =	vpush v9, $0x9  }
0x42c: {  	s1 =	sadd.s32 s30, s1;
	(v2sf) =	vpush v9, $0xA  }
0x42d: {  	s1 =	sadd.s32 s23, s1;
	(v2sf) =	vpush v9, $0xB  }
0x42e: {  	s1 =	sadd.s32 s19, s1  }
0x42f: {  	s1 =	sadd.s32 s25, s1;
	(v2sf) =	vpush v9, $0xC  }
0x430: {  	s1 =	sadd.s32 s31, s1;
	s2 =	spop (v2sf);
	(v2sf) =	vpush v9, $0xD  }
0x431: {  	s1 =	sadd.s32 s17, s1;
	s3 =	spop (v2sf);
	(v2sf) =	vpush v9, $0xE  }
0x432: {  	s30 =	rddreg [dreg:$0x1c];
	s1 =	sadd.s32 s15, s1;
	s4 =	spop (v2sf);
	(v2sf) =	vpush v9, $0xF;
	v9 =	vbroadcast v9, $0x0  }
0x433: {  	vm3 =	veq.s32 v2, $0x0;
	s25 =	rddreg [dreg:$0x1d];
	s1 =	sadd.s32 s14, s1  }
0x434: {  	s14 =	simm.s32 $0x0;
	s2 =	sadd.s32 s3, s2;
	s5 =	spop (v2sf);
	v9 =	vsel vm3, $0x0, v9;
	vm3 =	veq.s32 v2, $0x2  }
0x435: {  	s1 =	sadd.s32 s25, s1;
	s4 =	sadd.s32 s4, s2;
	s13 =	spop (v2sf);
	v9 =	vsel vm3, s2, v9;
	vm3 =	veq.s32 v2, $0x3  }
0x436: {  	s15 =	sand.u32 $0x180, s14;
	s5 =	sadd.s32 s5, s4;
	s6 =	spop (v2sf);
	v9 =	vsel vm3, s4, v9;
	vm3 =	veq.s32 v2, $0x4  }
0x437: {  	s25 =	rddreg [dreg:$0x16];
	s3 =	sadd.s32 s13, s5;
	s17 =	spop (v2sf);
	v9 =	vsel vm3, s5, v9;
	vm3 =	veq.s32 v2, $0x5  }
0x438: {  	s1 =	sadd.s32 s30, s1;
	s6 =	sadd.s32 s6, s3;
	s19 =	spop (v2sf);
	v9 =	vsel vm3, s3, v9;
	vm3 =	veq.s32 v2, $0x6  }
0x439: {  	s1 =	sadd.s32 s11, s1;
	s2 =	sadd.s32 s17, s6;
	s23 =	spop (v2sf);
	v9 =	vsel vm3, s6, v9;
	vm3 =	veq.s32 v2, $0x7  }
0x43a: {  	s1 =	sadd.s32 s10, s1;
	s4 =	sadd.s32 s19, s2;
	s26 =	spop (v2sf);
	v9 =	vsel vm3, s2, v9;
	vm3 =	veq.s32 v2, $0x8  }
0x43b: {  	s1 =	sadd.s32 s9, s1;
	s5 =	sadd.s32 s23, s4;
	s31 =	spop (v2sf);
	v9 =	vsel vm3, s4, v9;
	vm3 =	veq.s32 v2, $0x9  }
0x43c: {  	s0 =	sor.u32 $0x9080, s0;
	s3 =	sadd.s32 s26, s5;
	s12 =	spop (v2sf);
	v9 =	vsel vm3, s5, v9;
	vm3 =	veq.s32 v2, $0xA  }
0x43d: {  	s6 =	sadd.s32 s31, s3;
	s5 =	sand.u32 $0x60, s14;
	v9 =	vsel vm3, s3, v9;
	vm3 =	veq.s32 v2, $0xB;
	s3 =	sadd.s32 s15, s0  }
0x43e: {  	v7 =	vadd.s32 v8, v7;
	s13 =	spop (v2sf);
	s2 =	sadd.s32 s12, s6;
	v9 =	vsel vm3, s6, v9;
	vm3 =	veq.s32 v2, $0xC;
	s17 =	sadd.s32 s5, s3  }
0x43f: {  	v5 =	vadd.s32 v6, v5;
	s1 =	sadd.s32 s8, s1;
	s4 =	sadd.s32 s13, s2;
	v9 =	vsel vm3, s2, v9;
	s19 =	spop (v2sf);
	vm3 =	veq.s32 v2, $0xD;
	v10 =	vld [tilespmem:s17+$0x0]  }
0x440: {  	v3 =	vadd.s32 v3, v5;
	s1 =	sadd.s32 s7, s1;
	v6 =	vld [tilespmem:s17+$0x10];
	s3 =	sadd.s32 s19, s4;
	v9 =	vsel vm3, s4, v9;
	s23 =	spop (v2sf);
	vm3 =	veq.s32 v2, $0xE  }
0x441: {  	v5 =	vsel vm2, $0x1, v0;
	s1 =	ssub.s32 s25, s1;
	s26 =	spop (v2sf);
	v9 =	vsel vm3, s3, v9;
	vm3 =	vle.s32 v3, v4  }
0x442: {  	vm2 =	veq.s32 v2, $0xF;
	s30 =	simm.s32 $0x20;
	s3 =	sadd.s32 s23, s3;
	v3 =	vadd.s32 v5, v7;
	s1 =	sadd.s32 s26, s1;
	v7 =	vsel vm3, $0x1, v0  }
0x443: {  	s31 =	sand.u32 $0x180, s30;
	v4 =	vsel vm2, s3, v9;
	v9 =	vimm.s32 $0x0;
	s1 =	sadd.s32 s3, s1;
	v3 =	vadd.s32 v7, v3  }
0x444: {  	s2 =	sand.u32 $0x60, s30;
	v7 =	vadd.s32 v4, v9;
	v5 =	vmov s1;
	s1 =	sadd.s32 s31, s0;
	v8 =	vadd.s32 v9, v10  }
0x445: {  	vm2 =	vle.s32 v7, v5;
	s1 =	sadd.s32 s2, s1;
	v10 =	vadd.s32 v4, v8;
	v7 =	vadd.s32 v6, v8  }
0x446: {  	v6 =	vld [tilespmem:s1+$0x0];
	v11 =	vadd.s32 v4, v7;
	v63 =	vsel vm2, $0x1, v0;
	vm3 =	vle.s32 v10, v5  }
0x447: {  	s2 =	simm.s32 $0x40;
	v8 =	vld [tilespmem:s1+$0x10];
	s1 =	simm.s32 $0x60;
	vm2 =	vle.s32 v11, v5;
	v9 =	vadd.s32 v63, v9;
	v10 =	vsel vm3, $0x1, v0  }
.LBB2_35:
0x448: {  	p1 =	sne.s32 s1, $0x1E0  }
0x449: {  	s3 =	sand.u32 $0x180, s2;
	v9 =	vadd.s32 v10, v9;
	s4 =	smov.u32 s1;
	s1 =	sadd.s32 $0x20, s1  }
.Ltmp25:
0x44a: {  	s2 =	sand.u32 $0x60, s2;
	s3 =	sadd.s32 s3, s0;
	(pc) =	sbr.rel @p1 .LBB2_35-.Ltmp25, $4  }
0x44b: {  	s3 =	sadd.s32 s2, s3;
	v7 =	vadd.s32 v7, v6;
	s2 =	smov.u32 s4  }
0x44c: {  	v6 =	vld [tilespmem:s3+$0x0];
	v10 =	vadd.s32 v4, v7;
	v7 =	vadd.s32 v8, v7  }
0x44d: {  	v12 =	vsel vm2, $0x1, v0;
	v11 =	vadd.s32 v4, v7;
	v8 =	vld [tilespmem:s3+$0x10];
	vm3 =	vle.s32 v10, v5  }
0x44e: {  	v9 =	vadd.s32 v12, v9;
	vm2 =	vle.s32 v11, v5;
	v10 =	vsel vm3, $0x1, v0  }
0x44f: {  	s1 =	sand.u32 $0x180, s2  }
0x450: {  	s31 =	sand.u32 $0x60, s2;
	s0 =	sadd.s32 s1, s0  }
0x451: {  	s0 =	sadd.s32 s31, s0  }
0x452: {  	v11 =	vld [tilespmem:s0+$0x0];
	_ =	sdelay $0x2  }
0x453: {  	v62 =	vsel vm2, $0x1, v0;
	v6 =	vadd.s32 v7, v6;
	v7 =	vadd.s32 v10, v9  }
0x454: {  	v8 =	vadd.s32 v8, v6;
	v6 =	vadd.s32 v4, v6;
	v7 =	vadd.s32 v62, v7  }
.Ltmp26:
0x455: {  	v61 =	vadd.s32 v4, v8;
	vm2 =	vle.s32 v6, v5;
	v6 =	vadd.s32 v8, v11;
	(pc) =	sbr.rel @p0 .LBB2_38-.Ltmp26, $4  }
0x456: {  	vm3 =	vle.s32 v61, v5;
	v63 =	vsel vm2, $0x1, v0;
	v4 =	vadd.s32 v4, v6  }
0x457: {  	v6 =	vadd.s32 v63, v7;
	v7 =	vsel vm3, $0x1, v0;
	vm2 =	vle.s32 v4, v5  }
0x458: {  	v4 =	vadd.s32 v7, v6;
	v5 =	vsel vm2, $0x1, v0  }
0x459: {  	v4 =	vadd.s32 v5, v4  }
0x45a: {  	(v2sf) =	vpush v3, $0x1  }
0x45b: {  	(v2sf) =	vpush v3, $0x0  }
0x45c: {  	(v2sf) =	vpush v3, $0x2  }
0x45d: {  	(v2sf) =	vpush v3, $0x3  }
0x45e: {  	(v2sf) =	vpush v3, $0x4  }
0x45f: {  	(v2sf) =	vpush v3, $0x5  }
0x460: {  	(v2sf) =	vpush v3, $0x6  }
0x461: {  	(v2sf) =	vpush v3, $0x7  }
0x462: {  	(v2sf) =	vpush v3, $0x8  }
0x463: {  	(v2sf) =	vpush v3, $0x9  }
0x464: {  	(v2sf) =	vpush v3, $0xA  }
0x465: {  	(v2sf) =	vpush v3, $0xB  }
0x466: {  	(v2sf) =	vpush v3, $0xC  }
0x467: {  	(v2sf) =	vpush v3, $0xD  }
0x468: {  	(v2sf) =	vpush v3, $0xE  }
0x469: {  	s0 =	spop (v2sf);
	(v2sf) =	vpush v3, $0xF  }
0x46a: {  	s1 =	spop (v2sf);
	(v2sf) =	vpush v4, $0x0  }
0x46b: {  	s2 =	spop (v2sf);
	(v2sf) =	vpush v4, $0x1  }
0x46c: {  	s3 =	spop (v2sf);
	(v2sf) =	vpush v4, $0x2  }
0x46d: {  	s4 =	spop (v2sf);
	(v2sf) =	vpush v4, $0x3  }
0x46e: {  	s5 =	spop (v2sf);
	(v2sf) =	vpush v4, $0x4  }
0x46f: {  	s6 =	spop (v2sf);
	(v2sf) =	vpush v4, $0x5  }
0x470: {  	s7 =	spop (v2sf);
	(v2sf) =	vpush v4, $0x6  }
0x471: {  	s8 =	spop (v2sf);
	(v2sf) =	vpush v4, $0x7  }
0x472: {  	s9 =	spop (v2sf);
	(v2sf) =	vpush v4, $0x8  }
0x473: {  	s10 =	spop (v2sf);
	(v2sf) =	vpush v4, $0x9  }
0x474: {  	s11 =	spop (v2sf);
	(v2sf) =	vpush v4, $0xA  }
0x475: {  	s12 =	spop (v2sf);
	(v2sf) =	vpush v4, $0xB  }
0x476: {  	s0 =	sadd.s32 s1, s0;
	s13 =	spop (v2sf);
	(v2sf) =	vpush v4, $0xC  }
0x477: {  	s0 =	sadd.s32 s2, s0;
	s14 =	spop (v2sf);
	(v2sf) =	vpush v4, $0xD  }
0x478: {  	s0 =	sadd.s32 s3, s0;
	s15 =	spop (v2sf);
	(v2sf) =	vpush v4, $0xE  }
0x479: {  	s0 =	sadd.s32 s4, s0;
	s19 =	spop (v2sf);
	(v2sf) =	vpush v4, $0xF  }
0x47a: {  	s17 =	sshll.u32 s21, $0x14;
	s0 =	sadd.s32 s5, s0;
	s23 =	spop (v2sf)  }
0x47b: {  	s0 =	sadd.s32 s6, s0;
	s25 =	spop (v2sf);
	s1 =	sadd.s32 s19, s23  }
0x47c: {  	s0 =	sadd.s32 s7, s0;
	s26 =	spop (v2sf);
	s1 =	sadd.s32 s25, s1  }
0x47d: {  	s0 =	sadd.s32 s8, s0;
	s30 =	spop (v2sf);
	s1 =	sadd.s32 s26, s1  }
0x47e: {  	s0 =	sadd.s32 s9, s0;
	s31 =	spop (v2sf);
	s1 =	sadd.s32 s30, s1  }
0x47f: {  	s0 =	sadd.s32 s10, s0;
	s6 =	spop (v2sf);
	s1 =	sadd.s32 s31, s1  }
0x480: {  	s0 =	sadd.s32 s11, s0;
	s7 =	spop (v2sf);
	s1 =	sadd.s32 s6, s1  }
0x481: {  	s0 =	sadd.s32 s12, s0;
	s8 =	spop (v2sf);
	s1 =	sadd.s32 s7, s1  }
0x482: {  	s0 =	sadd.s32 s13, s0;
	s9 =	spop (v2sf);
	s1 =	sadd.s32 s8, s1  }
0x483: {  	s0 =	sadd.s32 s14, s0;
	s10 =	spop (v2sf);
	s1 =	sadd.s32 s9, s1  }
0x484: {  	s0 =	sadd.s32 s15, s0;
	s11 =	spop (v2sf);
	s1 =	sadd.s32 s10, s1  }
0x485: {  	s15 =	sshll.u32 s24, $0x14;
	s12 =	spop (v2sf);
	s1 =	sadd.s32 s11, s1  }
0x486: {  	s0 =	sadd.s32 $0xFFFFFFFF, s0;
	s13 =	spop (v2sf);
	s1 =	sadd.s32 s12, s1  }
0x487: {  	s19 =	sshll.u32 s29, $0x9;
	s14 =	spop (v2sf);
	s1 =	sadd.s32 s13, s1  }
0x488: {  	s2 =	sor.u32 s17, s19;
	s21 =	spop (v2sf);
	s1 =	sadd.s32 s14, s1  }
0x489: {  	s23 =	sshll.u32 s28, $0x9;
	s0 =	sor.u32 s0, s2;
	s1 =	sadd.s32 s21, s1  }
0x48a: {  	s28 =	rddreg [dreg:$0x15];
	s24 =	sor.u32 s15, s23;
	v3 =	vmov s0;
	s1 =	sadd.s32 $0xFFFFFFFF, s1  }
0x48b: {  	s26 =	rddreg [dreg:$0x5];
	v3 =	vnsel vm0, $0x0, v3;
	s25 =	sor.u32 s1, s24  }
0x48c: {  	s29 =	simm.s32 $0x0;
	s0 =	sadd.s32 s26, s28;
	v3 =	vsel vm1, s25, v3  }
.Ltmp27:
0x48d: {  	s30 =	simm.s32 $0x8000;
	s31 =	simm.s32 $0x1;
	[tilespmem:$0x8000] =	vst v3;
	(pc) =	sbr.rel .LBB2_38-.Ltmp27, $4  }
0x48e: {  	[hbm4b:s0+s29] =	stream.linear.scatter [tilespmem:s30], [sflag:$0x1], $0x80, $0x38;
	[tilespmem:$0xC480] =	vst v63  }
0x48f: {  	_ =	swait.ge [sflag:s31], $0x80  }
0x490: {  	[sflag:s31] =	ssyncset.done $0x0  }
0x491: {  	[sflag:s31] =	ssyncadd.s32 $0xFFFFFF80  }
.LBB2_40:
0x492: {  	_ =	sfence.sel $0x180000  }
0x493: {  	[bflag:$0x0] =	sbarrier.arrive $0xFFFF  }
0x494: {  	_ =	strace $0x90000047  }
0x495: {  	s0 =	stileid.u32;
	[bflag:$0x2] =	sbarrier.arrive $0xFFFF  }
0x496: {  	p0 =	sne.s32 s0, $0x0;
	s0 =	rddreg [dreg:$0x3]  }
0x497: {  	s0 =	sadd.s32 @!p0 $0x100000, s0  }
0x498: {  	[sflag:s0] =	ssyncadd.tile.s32 @!p0 $0x1;
	_ =	shalt  }
.Lfunc_end2:
_tile_overlayer_lowered:
.L_overlay_start_2:
0x499: {  	(tag) =	ssettag $0x2  }
0x49a: {  	s0 =	rddreg [dreg:$0x0];
	s2 =	stileid.u32  }
0x49b: {  	s1 =	rddreg [dreg:$0x1];
	p0 =	sne.s32 s2, $0x0  }
0x49c: {  	s3 =	rddreg [dreg:$0x2];
	[bflag:$0x3] =	sbarrier.arrive $0xFFFF;
	s2 =	simm.s32 @!p0 $0x1C01  }
0x49d: {  	[timem:s3], [sflag:s2] =	dma.local @!p0 [hbm:s0], s1  }
0x49e: {  	s0 =	simm.s32 @!p0 $0x1  }
0x49f: {  	_ =	swait.ge @!p0 [sflag:s0], s1  }
0x4a0: {  	s1 =	ssub.s32 @!p0 $0x0, s1;
	[sflag:s0] =	ssyncset.done @!p0 $0x0  }
0x4a1: {  	[sflag:s0] =	ssyncadd.s32 @!p0 s1  }
0x4a2: {  	[bflag:$0x3] =	sbarrier.arrive $0xFFFF  }
0x4a3: {  	_ =	shalt  }

</sc_bundles>
